<compile_context>
chip_gen: v7x
topology: tpu7x:2x2x1
jax: 0.10.2.dev20260603
libtpu: 0.0.44.dev20260713+nightly
codegen_flags: <defaults>
</compile_context>

<pallas_src>
import functools

import jax
import jax.numpy as jnp
from jax import lax
from jax.experimental import pallas as pl
from jax.experimental.pallas import tpu as pltpu
from jax.experimental.pallas import tpu_sc as plsc

N = 10000
E = 320000
D = 128
ROW = 136
NC = 2
NS = 16
NW = NC * NS
EPT = E // NW
B = 40
NBLK = EPT // B
IC = 10
NCHUNK = NBLK // IC
NROWCHUNK = (N + B - 1) // B


def _node_mm_body(x_ref, wl_ref, wr_ref, xl_ref, xr_ref):
    xb = x_ref[...]
    xl_ref[...] = jnp.dot(xb, wl_ref[...], preferred_element_type=jnp.float32)
    xr_ref[...] = jnp.dot(xb, wr_ref[...], preferred_element_type=jnp.float32)


_node_mm = pl.pallas_call(
    _node_mm_body,
    grid=(10,),
    in_specs=[
        pl.BlockSpec((1000, D), lambda i: (i, 0)),
        pl.BlockSpec((D, D), lambda i: (0, 0)),
        pl.BlockSpec((D, D), lambda i: (0, 0)),
    ],
    out_specs=[pl.BlockSpec((1000, D), lambda i: (i, 0))] * 2,
    out_shape=[jax.ShapeDtypeStruct((N, D), jnp.float32)] * 2,
)


def _edge_mm_body(ea_ref, we_ref, xe_ref):
    a = jnp.dot(ea_ref[...], we_ref[...], preferred_element_type=jnp.float32)
    xe_ref[...] = pltpu.bitcast(a.astype(jnp.bfloat16), jnp.int32)


_edge_mm = pl.pallas_call(
    _edge_mm_body,
    grid=(80,),
    in_specs=[
        pl.BlockSpec((4000, 16), lambda i: (i, 0)),
        pl.BlockSpec((16, D), lambda i: (0, 0)),
    ],
    out_specs=pl.BlockSpec((2000, D), lambda i: (i, 0)),
    out_shape=jax.ShapeDtypeStruct((E // 2, D), jnp.int32),
)


def _combine_mm_body(acc_ref, b_ref, wl_ref, wr_ref, xl_ref, xr_ref):
    s = acc_ref[0] + acc_ref[1]
    num = s[:, :D]
    den = s[:, D:D + 1]
    h = num / (den + 1e-16) + b_ref[...]
    h = jnp.where(h > 0, h, jnp.exp(h) - 1.0)
    xl_ref[...] = jnp.dot(h, wl_ref[...], preferred_element_type=jnp.float32)
    xr_ref[...] = jnp.dot(h, wr_ref[...], preferred_element_type=jnp.float32)


_combine_mm = pl.pallas_call(
    _combine_mm_body,
    grid=(10,),
    in_specs=[
        pl.BlockSpec((2, 1000, ROW), lambda i: (0, i, 0)),
        pl.BlockSpec((1, D), lambda i: (0, 0)),
        pl.BlockSpec((D, D), lambda i: (0, 0)),
        pl.BlockSpec((D, D), lambda i: (0, 0)),
    ],
    out_specs=[pl.BlockSpec((1000, D), lambda i: (i, 0))] * 2,
    out_shape=[jax.ShapeDtypeStruct((N, D), jnp.float32)] * 2,
)


def _combine_final_body(acc_ref, b_ref, out_ref):
    s = acc_ref[0] + acc_ref[1]
    num = s[:, :D]
    den = s[:, D:D + 1]
    out_ref[...] = num / (den + 1e-16) + b_ref[...]


_combine_final = pl.pallas_call(
    _combine_final_body,
    grid=(10,),
    in_specs=[
        pl.BlockSpec((2, 1000, ROW), lambda i: (0, i, 0)),
        pl.BlockSpec((1, D), lambda i: (0, 0)),
    ],
    out_specs=pl.BlockSpec((1000, D), lambda i: (i, 0)),
    out_shape=jax.ShapeDtypeStruct((N, D), jnp.float32),
)


def _edge_pass_body(src_h, dst_h, xl_h, xr_h, xe_h, att_h, acc_h,
                    idxs_v, idxd_v, xl_v0, xl_v1, xr_v0, xr_v1, xe_v0, xe_v1,
                    out_v0, out_v1, att_v, acc_sh,
                    gsem0, gsem1, ssem0, ssem1, isem):
    cid = lax.axis_index("c")
    sid = lax.axis_index("s")
    wid = cid * NS + sid
    xl_vs = (xl_v0, xl_v1)
    xr_vs = (xr_v0, xr_v1)
    xe_vs = (xe_v0, xe_v1)
    out_vs = (out_v0, out_v1)
    gsems = (gsem0, gsem1)
    ssems = (ssem0, ssem1)

    z = jnp.zeros((16,), jnp.float32)

    def zv_body(i, carry):
        out_v0[i, pl.ds(ROW - 16, 16)] = z
        for c in range(8):
            out_v0[i, pl.ds(c * 16, 16)] = z
        return carry

    lax.fori_loop(0, B, zv_body, 0)

    def zacc_body(k, carry):
        j = sid + k * NS

        @pl.when(j < NROWCHUNK)
        def _():
            pltpu.sync_copy(out_v0, acc_sh.at[pl.ds(j * B, B)])

        return carry

    lax.fori_loop(0, (NROWCHUNK + NS - 1) // NS, zacc_body, 0)

    pltpu.sync_copy(src_h.at[wid, pl.ds(0, IC)], idxs_v.at[0])
    pltpu.sync_copy(dst_h.at[wid, pl.ds(0, IC)], idxd_v.at[0])
    pltpu.sync_copy(att_h, att_v)
    plsc.subcore_barrier()

    attc = [att_v[pl.ds(c * 16, 16)] for c in range(8)]

    def _lanesum(v):
        return lax.broadcast(jnp.sum(v), (16,))

    def _idx(ref, blk):
        return ref.at[(blk // IC) % 2, blk % IC]

    def issue_idx_chunk(c):
        pltpu.async_copy(src_h.at[wid, pl.ds(c * IC, IC)], idxs_v.at[c % 2], isem)
        pltpu.async_copy(dst_h.at[wid, pl.ds(c * IC, IC)], idxd_v.at[c % 2], isem)

    def wait_idx_chunk(c):
        pltpu.make_async_copy(
            src_h.at[wid, pl.ds(c * IC, IC)], idxs_v.at[c % 2], isem).wait()
        pltpu.make_async_copy(
            dst_h.at[wid, pl.ds(c * IC, IC)], idxd_v.at[c % 2], isem).wait()

    def issue_gathers(b, blk):
        base = pl.multiple_of(wid * (EPT // 2), 4) + blk * (B // 2)
        pltpu.async_copy(xl_h.at[_idx(idxs_v, blk)], xl_vs[b], gsems[b])
        pltpu.async_copy(xr_h.at[_idx(idxd_v, blk)], xr_vs[b], gsems[b])
        pltpu.async_copy(xe_h.at[pl.ds(base, B // 2)], xe_vs[b], gsems[b])

    def wait_gathers(b, blk):
        base = pl.multiple_of(wid * (EPT // 2), 4) + blk * (B // 2)
        pltpu.make_async_copy(xl_h.at[_idx(idxs_v, blk)], xl_vs[b], gsems[b]).wait()
        pltpu.make_async_copy(xr_h.at[_idx(idxd_v, blk)], xr_vs[b], gsems[b]).wait()
        pltpu.make_async_copy(xe_h.at[pl.ds(base, B // 2)], xe_vs[b], gsems[b]).wait()

    def compute_block(b):
        xl_v, xr_v, xe_v, out_v = xl_vs[b], xr_vs[b], xe_vs[b], out_vs[b]

        def ebody(i, ecarry):
            xew = [xe_v[i, pl.ds(c * 16, 16)] for c in range(8)]
            xe_lo = [lax.bitcast_convert_type(w << 16, jnp.float32) for w in xew]
            xe_hi = [lax.bitcast_convert_type(w & jnp.int32(-65536), jnp.float32)
                     for w in xew]
            for e, xec in ((2 * i, xe_lo), (2 * i + 1, xe_hi)):
                xlc = [xl_v[e, pl.ds(c * 16, 16)] for c in range(8)]
                acc = z
                for c in range(8):
                    m = xlc[c] + xr_v[e, pl.ds(c * 16, 16)] + xec[c]
                    m = jnp.maximum(m, 0.2 * m)
                    acc = acc + m * attc[c]
                ex = jnp.exp(_lanesum(acc))
                out_v[e, pl.ds(ROW - 16, 16)] = ex
                for c in range(8):
                    out_v[e, pl.ds(c * 16, 16)] = xlc[c] * ex
            return ecarry

        lax.fori_loop(0, B // 2, ebody, 0)

    issue_gathers(0, 0)
    issue_gathers(1, 1)

    def grp_body(g, carry):
        for b in range(2):
            blk = 2 * g + b
            wait_gathers(b, blk)

            @pl.when(blk >= 2)
            def _():
                pltpu.make_async_copy(
                    out_vs[b], acc_sh.at[_idx(idxd_v, blk - 2)], ssems[b]
                ).wait()

            compute_block(b)
            pltpu.async_copy(out_vs[b], acc_sh.at[_idx(idxd_v, blk)], ssems[b],
                             add=True)

            @pl.when(blk + 2 < NBLK)
            def _():
                @pl.when((blk + 2) % IC == 0)
                def _():
                    wait_idx_chunk((blk + 2) // IC)

                issue_gathers(b, blk + 2)

            if b == 0:
                @pl.when(jnp.logical_and(blk % IC == 0, blk + IC < NBLK))
                def _():
                    issue_idx_chunk(blk // IC + 1)

        return carry

    lax.fori_loop(0, NBLK // 2, grp_body, 0)

    pltpu.make_async_copy(
        out_v0, acc_sh.at[_idx(idxd_v, NBLK - 2)], ssem0).wait()
    pltpu.make_async_copy(
        out_v1, acc_sh.at[_idx(idxd_v, NBLK - 1)], ssem1).wait()
    plsc.subcore_barrier()

    def exp_body(k, carry):
        j = sid + k * NS

        @pl.when(j < NROWCHUNK)
        def _():
            pltpu.sync_copy(acc_sh.at[pl.ds(j * B, B)], out_v0)
            pltpu.sync_copy(out_v0, acc_h.at[cid, pl.ds(j * B, B)])

        return carry

    lax.fori_loop(0, (NROWCHUNK + NS - 1) // NS, exp_body, 0)


_edge_pass = pl.kernel(
    _edge_pass_body,
    out_type=jax.ShapeDtypeStruct((NC, N, ROW), jnp.float32),
    mesh=plsc.VectorSubcoreMesh(core_axis_name="c", subcore_axis_name="s"),
    compiler_params=pltpu.CompilerParams(
        needs_layout_passes=False, use_tc_tiling_on_sc=False
    ),
    scratch_types=[
        pltpu.VMEM((2, IC, B), jnp.int32),
        pltpu.VMEM((2, IC, B), jnp.int32),
        pltpu.VMEM((B, D), jnp.float32),
        pltpu.VMEM((B, D), jnp.float32),
        pltpu.VMEM((B, D), jnp.float32),
        pltpu.VMEM((B, D), jnp.float32),
        pltpu.VMEM((B // 2, D), jnp.int32),
        pltpu.VMEM((B // 2, D), jnp.int32),
        pltpu.VMEM((B, ROW), jnp.float32),
        pltpu.VMEM((B, ROW), jnp.float32),
        pltpu.VMEM((D,), jnp.float32),
        pltpu.VMEM_SHARED((N, ROW), jnp.float32),
        pltpu.SemaphoreType.DMA,
        pltpu.SemaphoreType.DMA,
        pltpu.SemaphoreType.DMA,
        pltpu.SemaphoreType.DMA,
        pltpu.SemaphoreType.DMA,
    ],
)


def kernel(x, edge_index, edge_attr, Wl1, Wr1, We1, att1, b1, Wl2, Wr2, We2, att2, b2):
    src = edge_index[0].reshape(NW, NBLK, B)
    dst = edge_index[1].reshape(NW, NBLK, B)
    xl1, xr1 = _node_mm(x, Wl1, Wr1)
    xe1 = _edge_mm(edge_attr, We1)
    acc1 = _edge_pass(src, dst, xl1, xr1, xe1, att1.reshape(D))
    xe2 = _edge_mm(edge_attr, We2)
    xl2, xr2 = _combine_mm(acc1, b1.reshape(1, D), Wl2, Wr2)
    acc2 = _edge_pass(src, dst, xl2, xr2, xe2, att2.reshape(D))
    return _combine_final(acc2, b2.reshape(1, D))

# --- scband reference (transcript-rebuilt; emitter-appended) ---
"""Pipeline reference for scband-gatv2-88356067213530 (READ-ONLY COPY).

The authoritative reference and input builder live on the scoring server;
editing this copy changes nothing except your own understanding.
"""

import jax, jax.numpy as jnp
import numpy as np

N = 10000
E = 320000
DIN = 128
DH = 128
DOUT = 128
DE = 16
H1 = 1


def setup_inputs(seed: int = 0) -> dict:
    key = jax.random.key(seed)
    ks = jax.random.split(key, 16)
    x = jax.random.normal(ks[0], (N, DIN), dtype=jnp.float32)
    edge_index = jax.random.randint(ks[1], (2, E), 0, N, dtype=jnp.int32)
    edge_attr = jax.random.normal(ks[2], (E, DE), dtype=jnp.float32)
    s = 0.05
    Wl1 = jax.random.normal(ks[3], (DIN, H1 * DH), dtype=jnp.float32) * s
    Wr1 = jax.random.normal(ks[4], (DIN, H1 * DH), dtype=jnp.float32) * s
    We1 = jax.random.normal(ks[5], (DE, H1 * DH), dtype=jnp.float32) * s
    att1 = jax.random.normal(ks[6], (H1, DH), dtype=jnp.float32) * s
    b1 = jnp.zeros((H1 * DH,), dtype=jnp.float32)
    Wl2 = jax.random.normal(ks[7], (H1 * DH, DOUT), dtype=jnp.float32) * s
    Wr2 = jax.random.normal(ks[8], (H1 * DH, DOUT), dtype=jnp.float32) * s
    We2 = jax.random.normal(ks[9], (DE, DOUT), dtype=jnp.float32) * s
    att2 = jax.random.normal(ks[10], (1, DOUT), dtype=jnp.float32) * s
    b2 = jnp.zeros((DOUT,), dtype=jnp.float32)
    return {"x": x, "edge_index": edge_index, "edge_attr": edge_attr,
            "Wl1": Wl1, "Wr1": Wr1, "We1": We1, "att1": att1, "b1": b1,
            "Wl2": Wl2, "Wr2": Wr2, "We2": We2, "att2": att2, "b2": b2}


def _gatv2_conv(x, src, dst, edge_attr, Wl, Wr, We, att, b, H, C):
    n = x.shape[0]
    xl = (x @ Wl).reshape(n, H, C)
    xr = (x @ Wr).reshape(n, H, C)
    xe = (edge_attr @ We).reshape(-1, H, C)
    # GATv2: nonlinearity before attention projection
    m = xl[src] + xr[dst] + xe
    m = jax.nn.leaky_relu(m, negative_slope=0.2)
    logits = jnp.einsum('ehc,hc->eh', m, att)
    # segment softmax over incoming edges of each dst node
    amax = jax.ops.segment_max(logits, dst, num_segments=n)
    amax = jnp.where(jnp.isfinite(amax), amax, 0.0)
    ex = jnp.exp(logits - amax[dst])
    den = jax.ops.segment_sum(ex, dst, num_segments=n)
    alpha = ex / (den[dst] + 1e-16)
    out = jax.ops.segment_sum(xl[src] * alpha[:, :, None], dst, num_segments=n)
    return out.reshape(n, H * C) + b


def reference(x, edge_index, edge_attr, Wl1, Wr1, We1, att1, b1, Wl2, Wr2, We2, att2, b2):
    src = edge_index[0]
    dst = edge_index[1]
    h = _gatv2_conv(x, src, dst, edge_attr, Wl1, Wr1, We1, att1, b1, H1, DH)
    h = jax.nn.elu(h)
    out = _gatv2_conv(h, src, dst, edge_attr, Wl2, Wr2, We2, att2, b2, 1, DOUT)
    return out

if __name__ == "__main__":
    import jax
    _d = setup_inputs()
    print(jax.jit(kernel)(*tuple(_d.values())))

</pallas_src>

<mosaic_0001>
#map = affine_map<(d0, d1) -> (0, 0, 0)>
#map1 = affine_map<(d0, d1) -> (0, 0)>
#map2 = affine_map<(d0, d1) -> (0)>
module attributes {stable_mosaic.version = 14 : i64} {
  func.func @_edge_pass_body(%arg0: i32, %arg1: i32, %arg2: memref<32x250x40xi32, #tpu.memory_space<hbm>>, %arg3: memref<32x250x40xi32, #tpu.memory_space<hbm>>, %arg4: memref<10000x128xf32, #tpu.memory_space<hbm>>, %arg5: memref<10000x128xf32, #tpu.memory_space<hbm>>, %arg6: memref<160000x128xi32, #tpu.memory_space<hbm>>, %arg7: memref<128xf32, #tpu.memory_space<hbm>>, %arg8: memref<2x10000x136xf32, #tpu.memory_space<hbm>>, %arg9: memref<2x10x40xi32, #tpu.memory_space<vmem>>, %arg10: memref<2x10x40xi32, #tpu.memory_space<vmem>>, %arg11: memref<40x128xf32, #tpu.memory_space<vmem>>, %arg12: memref<40x128xf32, #tpu.memory_space<vmem>>, %arg13: memref<40x128xf32, #tpu.memory_space<vmem>>, %arg14: memref<40x128xf32, #tpu.memory_space<vmem>>, %arg15: memref<20x128xi32, #tpu.memory_space<vmem>>, %arg16: memref<20x128xi32, #tpu.memory_space<vmem>>, %arg17: memref<40x136xf32, #tpu.memory_space<vmem>>, %arg18: memref<40x136xf32, #tpu.memory_space<vmem>>, %arg19: memref<128xf32, #tpu.memory_space<vmem>>, %arg20: memref<10000x136xf32, #tpu.memory_space<vmem_shared>>, %arg21: memref<!tpu.dma_semaphore, #tpu.memory_space<semaphore_mem>>, %arg22: memref<!tpu.dma_semaphore, #tpu.memory_space<semaphore_mem>>, %arg23: memref<!tpu.dma_semaphore, #tpu.memory_space<semaphore_mem>>, %arg24: memref<!tpu.dma_semaphore, #tpu.memory_space<semaphore_mem>>, %arg25: memref<!tpu.dma_semaphore, #tpu.memory_space<semaphore_mem>>) attributes {dimension_semantics = [#tpu.dimension_semantics<core_parallel>, #tpu.dimension_semantics<subcore_parallel>], iteration_bounds = array<i64: 2, 16>, scalar_prefetch = 0 : i64, scratch_operands = 17 : i64, tpu.core_type = #tpu.core_type<sc_vector_subcore>, window_params = [{transform_indices = #map}, {transform_indices = #map}, {transform_indices = #map1}, {transform_indices = #map1}, {transform_indices = #map1}, {transform_indices = #map2}, {transform_indices = #map}]} {
    %mul3A = arith.constant 16 : i32
    %mul3A_0 = arith.muli %arg0, %mul3A : i32
    %add3A = arith.addi %mul3A_0, %arg1 : i32
    %broadcast_in_dim3A = arith.constant 0.000000e+00 : f32
    %broadcast_in_dim3A_1 = vector.broadcast %broadcast_in_dim3A : f32 to vector<16xf32>
    %scan3A = arith.constant 0 : i32
    %scan3A_2 = arith.constant 0 : i32
    %scan3A_3 = arith.constant 40 : i32
    %scan3A_4 = arith.addi %scan3A_2, %scan3A_3 : i32
    %scan3A_5 = arith.constant 1 : i32
    scf.for %scan3A_105 = %scan3A_2 to %scan3A_4 step %scan3A_5  : i32 {
      %swap3A = arith.index_cast %scan3A_105 : i32 to index
      %swap3A_106 = arith.constant 120 : index
      %swap3A_107 = tpu.vector_load %arg17[%swap3A, %swap3A_106] {strides = array<i32>} : memref<40x136xf32, #tpu.memory_space<vmem>>, vector<16xf32>,
      tpu.vector_store %arg17[%swap3A, %swap3A_106], %broadcast_in_dim3A_1 {strides = array<i32>} : memref<40x136xf32, #tpu.memory_space<vmem>>, vector<16xf32>,
      %swap3A_108 = arith.index_cast %scan3A_105 : i32 to index
      %swap3A_109 = arith.constant 0 : index
      %swap3A_110 = tpu.vector_load %arg17[%swap3A_108, %swap3A_109] {strides = array<i32>} : memref<40x136xf32, #tpu.memory_space<vmem>>, vector<16xf32>,
      tpu.vector_store %arg17[%swap3A_108, %swap3A_109], %broadcast_in_dim3A_1 {strides = array<i32>} : memref<40x136xf32, #tpu.memory_space<vmem>>, vector<16xf32>,
      %swap3A_111 = arith.index_cast %scan3A_105 : i32 to index
      %swap3A_112 = arith.constant 16 : index
      %swap3A_113 = tpu.vector_load %arg17[%swap3A_111, %swap3A_112] {strides = array<i32>} : memref<40x136xf32, #tpu.memory_space<vmem>>, vector<16xf32>,
      tpu.vector_store %arg17[%swap3A_111, %swap3A_112], %broadcast_in_dim3A_1 {strides = array<i32>} : memref<40x136xf32, #tpu.memory_space<vmem>>, vector<16xf32>,
      %swap3A_114 = arith.index_cast %scan3A_105 : i32 to index
      %swap3A_115 = arith.constant 32 : index
      %swap3A_116 = tpu.vector_load %arg17[%swap3A_114, %swap3A_115] {strides = array<i32>} : memref<40x136xf32, #tpu.memory_space<vmem>>, vector<16xf32>,
      tpu.vector_store %arg17[%swap3A_114, %swap3A_115], %broadcast_in_dim3A_1 {strides = array<i32>} : memref<40x136xf32, #tpu.memory_space<vmem>>, vector<16xf32>,
      %swap3A_117 = arith.index_cast %scan3A_105 : i32 to index
      %swap3A_118 = arith.constant 48 : index
      %swap3A_119 = tpu.vector_load %arg17[%swap3A_117, %swap3A_118] {strides = array<i32>} : memref<40x136xf32, #tpu.memory_space<vmem>>, vector<16xf32>,
      tpu.vector_store %arg17[%swap3A_117, %swap3A_118], %broadcast_in_dim3A_1 {strides = array<i32>} : memref<40x136xf32, #tpu.memory_space<vmem>>, vector<16xf32>,
      %swap3A_120 = arith.index_cast %scan3A_105 : i32 to index
      %swap3A_121 = arith.constant 64 : index
      %swap3A_122 = tpu.vector_load %arg17[%swap3A_120, %swap3A_121] {strides = array<i32>} : memref<40x136xf32, #tpu.memory_space<vmem>>, vector<16xf32>,
      tpu.vector_store %arg17[%swap3A_120, %swap3A_121], %broadcast_in_dim3A_1 {strides = array<i32>} : memref<40x136xf32, #tpu.memory_space<vmem>>, vector<16xf32>,
      %swap3A_123 = arith.index_cast %scan3A_105 : i32 to index
      %swap3A_124 = arith.constant 80 : index
      %swap3A_125 = tpu.vector_load %arg17[%swap3A_123, %swap3A_124] {strides = array<i32>} : memref<40x136xf32, #tpu.memory_space<vmem>>, vector<16xf32>,
      tpu.vector_store %arg17[%swap3A_123, %swap3A_124], %broadcast_in_dim3A_1 {strides = array<i32>} : memref<40x136xf32, #tpu.memory_space<vmem>>, vector<16xf32>,
      %swap3A_126 = arith.index_cast %scan3A_105 : i32 to index
      %swap3A_127 = arith.constant 96 : index
      %swap3A_128 = tpu.vector_load %arg17[%swap3A_126, %swap3A_127] {strides = array<i32>} : memref<40x136xf32, #tpu.memory_space<vmem>>, vector<16xf32>,
      tpu.vector_store %arg17[%swap3A_126, %swap3A_127], %broadcast_in_dim3A_1 {strides = array<i32>} : memref<40x136xf32, #tpu.memory_space<vmem>>, vector<16xf32>,
      %swap3A_129 = arith.index_cast %scan3A_105 : i32 to index
      %swap3A_130 = arith.constant 112 : index
      %swap3A_131 = tpu.vector_load %arg17[%swap3A_129, %swap3A_130] {strides = array<i32>} : memref<40x136xf32, #tpu.memory_space<vmem>>, vector<16xf32>,
      tpu.vector_store %arg17[%swap3A_129, %swap3A_130], %broadcast_in_dim3A_1 {strides = array<i32>} : memref<40x136xf32, #tpu.memory_space<vmem>>, vector<16xf32>,
    }
    %scan3A_6 = arith.constant 40 : i32
    %scan3A_7 = arith.constant 0 : i32
    %scan3A_8 = arith.constant 0 : i32
    %scan3A_9 = arith.constant 16 : i32
    %scan3A_10 = arith.addi %scan3A_8, %scan3A_9 : i32
    %scan3A_11 = arith.constant 1 : i32
    scf.for %scan3A_105 = %scan3A_8 to %scan3A_10 step %scan3A_11  : i32 {
      %mul3A_106 = arith.constant 16 : i32
      %mul3A_107 = arith.muli %scan3A_105, %mul3A_106 : i32
      %add3A_108 = arith.addi %arg1, %mul3A_107 : i32
      %lt3A = arith.constant 250 : i32
      %lt3A_109 = arith.cmpi slt, %add3A_108, %lt3A : i32
      %convert_element_type3A = arith.extui %lt3A_109 : i1 to i32
      %cond3A = arith.constant 0 : i32
      %cond3A_110 = arith.cmpi ne, %convert_element_type3A, %cond3A : i32
      scf.if %cond3A_110 {
        %mul3A_111 = arith.constant 40 : i32
        %mul3A_112 = arith.muli %add3A_108, %mul3A_111 : i32
        "tpu.region"() ({
          %run_scoped3A_113 = tpu.sem_alloc : memref<!tpu.dma_semaphore, #tpu.memory_space<semaphore_mem>>
          %dma_start3A_114 = arith.constant 0 : i32
          %dma_start3A_115 = tpu.memref_slice %arg20[%mul3A_112, %dma_start3A_114] : memref<10000x136xf32, #tpu.memory_space<vmem_shared>> -> memref<40x136xf32, #tpu.memory_space<vmem_shared>>
          %dma_start3A_116 = arith.constant 0 : i32
          %dma_start3A_117 = tpu.memref_slice %arg20[%mul3A_112, %dma_start3A_116] : memref<10000x136xf32, #tpu.memory_space<vmem_shared>> -> memref<40x136xf32, #tpu.memory_space<vmem_shared>>
          tpu.enqueue_dma source(%arg17 : memref<40x136xf32, #tpu.memory_space<vmem>>) target(%dma_start3A_117 : memref<40x136xf32, #tpu.memory_space<vmem_shared>>) target_semaphore(%run_scoped3A_113 : memref<!tpu.dma_semaphore, #tpu.memory_space<semaphore_mem>>)
          %dma_wait3A_118 = arith.constant 0 : i32
          %dma_wait3A_119 = tpu.memref_slice %arg20[%mul3A_112, %dma_wait3A_118] : memref<10000x136xf32, #tpu.memory_space<vmem_shared>> -> memref<40x136xf32, #tpu.memory_space<vmem_shared>>
          %dma_wait3A_120 = arith.constant 0 : i32
          %dma_wait3A_121 = tpu.memref_slice %arg20[%mul3A_112, %dma_wait3A_120] : memref<10000x136xf32, #tpu.memory_space<vmem_shared>> -> memref<40x136xf32, #tpu.memory_space<vmem_shared>>
          tpu.wait_dma2 semaphore(%run_scoped3A_113 : memref<!tpu.dma_semaphore, #tpu.memory_space<semaphore_mem>>) src(%arg17 : memref<40x136xf32, #tpu.memory_space<vmem>>) dst(%dma_wait3A_121 : memref<40x136xf32, #tpu.memory_space<vmem_shared>>)
          tpu.yield
        }) : () -> ()
      } else {
      }
    }
    %scan3A_12 = arith.constant 16 : i32
    %run_scoped3A = arith.constant 0 : i32
    "tpu.region"() ({
      %run_scoped3A_105 = tpu.sem_alloc : memref<!tpu.dma_semaphore, #tpu.memory_space<semaphore_mem>>
      %dma_start3A_106 = arith.constant 0 : i32
      %dma_start3A_107 = arith.constant 0 : i32
      %dma_start3A_108 = tpu.memref_slice %arg9[%run_scoped3A, %dma_start3A_106, %dma_start3A_107] : memref<2x10x40xi32, #tpu.memory_space<vmem>> -> memref<1x10x40xi32, #tpu.memory_space<vmem>>
      %dma_start3A_109 = tpu.memref_squeeze %dma_start3A_108 : memref<1x10x40xi32, #tpu.memory_space<vmem>> -> memref<10x40xi32, #tpu.memory_space<vmem>>
      %dma_start3A_110 = arith.constant 0 : i32
      %dma_start3A_111 = arith.constant 0 : i32
      %dma_start3A_112 = tpu.memref_slice %arg2[%add3A, %dma_start3A_110, %dma_start3A_111] : memref<32x250x40xi32, #tpu.memory_space<hbm>> -> memref<1x10x40xi32, #tpu.memory_space<hbm>>
      %dma_start3A_113 = tpu.memref_squeeze %dma_start3A_112 : memref<1x10x40xi32, #tpu.memory_space<hbm>> -> memref<10x40xi32, #tpu.memory_space<hbm>>
      %dma_start3A_114 = arith.constant 0 : i32
      %dma_start3A_115 = arith.constant 0 : i32
      %dma_start3A_116 = tpu.memref_slice %arg9[%run_scoped3A, %dma_start3A_114, %dma_start3A_115] : memref<2x10x40xi32, #tpu.memory_space<vmem>> -> memref<1x10x40xi32, #tpu.memory_space<vmem>>
      %dma_start3A_117 = tpu.memref_squeeze %dma_start3A_116 : memref<1x10x40xi32, #tpu.memory_space<vmem>> -> memref<10x40xi32, #tpu.memory_space<vmem>>
      %dma_start3A_118 = arith.constant 0 : i32
      %dma_start3A_119 = arith.constant 0 : i32
      %dma_start3A_120 = tpu.memref_slice %arg2[%add3A, %dma_start3A_118, %dma_start3A_119] : memref<32x250x40xi32, #tpu.memory_space<hbm>> -> memref<1x10x40xi32, #tpu.memory_space<hbm>>
      %dma_start3A_121 = tpu.memref_squeeze %dma_start3A_120 : memref<1x10x40xi32, #tpu.memory_space<hbm>> -> memref<10x40xi32, #tpu.memory_space<hbm>>
      tpu.enqueue_dma source(%dma_start3A_121 : memref<10x40xi32, #tpu.memory_space<hbm>>) target(%dma_start3A_117 : memref<10x40xi32, #tpu.memory_space<vmem>>) target_semaphore(%run_scoped3A_105 : memref<!tpu.dma_semaphore, #tpu.memory_space<semaphore_mem>>)
      %dma_wait3A_122 = arith.constant 0 : i32
      %dma_wait3A_123 = arith.constant 0 : i32
      %dma_wait3A_124 = tpu.memref_slice %arg9[%run_scoped3A, %dma_wait3A_122, %dma_wait3A_123] : memref<2x10x40xi32, #tpu.memory_space<vmem>> -> memref<1x10x40xi32, #tpu.memory_space<vmem>>
      %dma_wait3A_125 = tpu.memref_squeeze %dma_wait3A_124 : memref<1x10x40xi32, #tpu.memory_space<vmem>> -> memref<10x40xi32, #tpu.memory_space<vmem>>
      %dma_wait3A_126 = arith.constant 0 : i32
      %dma_wait3A_127 = arith.constant 0 : i32
      %dma_wait3A_128 = tpu.memref_slice %arg2[%add3A, %dma_wait3A_126, %dma_wait3A_127] : memref<32x250x40xi32, #tpu.memory_space<hbm>> -> memref<1x10x40xi32, #tpu.memory_space<hbm>>
      %dma_wait3A_129 = tpu.memref_squeeze %dma_wait3A_128 : memref<1x10x40xi32, #tpu.memory_space<hbm>> -> memref<10x40xi32, #tpu.memory_space<hbm>>
      %dma_wait3A_130 = arith.constant 0 : i32
      %dma_wait3A_131 = arith.constant 0 : i32
      %dma_wait3A_132 = tpu.memref_slice %arg9[%run_scoped3A, %dma_wait3A_130, %dma_wait3A_131] : memref<2x10x40xi32, #tpu.memory_space<vmem>> -> memref<1x10x40xi32, #tpu.memory_space<vmem>>
      %dma_wait3A_133 = tpu.memref_squeeze %dma_wait3A_132 : memref<1x10x40xi32, #tpu.memory_space<vmem>> -> memref<10x40xi32, #tpu.memory_space<vmem>>
      %dma_wait3A_134 = arith.constant 0 : i32
      %dma_wait3A_135 = arith.constant 0 : i32
      %dma_wait3A_136 = tpu.memref_slice %arg2[%add3A, %dma_wait3A_134, %dma_wait3A_135] : memref<32x250x40xi32, #tpu.memory_space<hbm>> -> memref<1x10x40xi32, #tpu.memory_space<hbm>>
      %dma_wait3A_137 = tpu.memref_squeeze %dma_wait3A_136 : memref<1x10x40xi32, #tpu.memory_space<hbm>> -> memref<10x40xi32, #tpu.memory_space<hbm>>
      tpu.wait_dma2 semaphore(%run_scoped3A_105 : memref<!tpu.dma_semaphore, #tpu.memory_space<semaphore_mem>>) src(%dma_wait3A_137 : memref<10x40xi32, #tpu.memory_space<hbm>>) dst(%dma_wait3A_133 : memref<10x40xi32, #tpu.memory_space<vmem>>)
      tpu.yield
    }) : () -> ()
    %run_scoped3A_13 = arith.constant 0 : i32
    "tpu.region"() ({
      %run_scoped3A_105 = tpu.sem_alloc : memref<!tpu.dma_semaphore, #tpu.memory_space<semaphore_mem>>
      %dma_start3A_106 = arith.constant 0 : i32
      %dma_start3A_107 = arith.constant 0 : i32
      %dma_start3A_108 = tpu.memref_slice %arg10[%run_scoped3A_13, %dma_start3A_106, %dma_start3A_107] : memref<2x10x40xi32, #tpu.memory_space<vmem>> -> memref<1x10x40xi32, #tpu.memory_space<vmem>>
      %dma_start3A_109 = tpu.memref_squeeze %dma_start3A_108 : memref<1x10x40xi32, #tpu.memory_space<vmem>> -> memref<10x40xi32, #tpu.memory_space<vmem>>
      %dma_start3A_110 = arith.constant 0 : i32
      %dma_start3A_111 = arith.constant 0 : i32
      %dma_start3A_112 = tpu.memref_slice %arg3[%add3A, %dma_start3A_110, %dma_start3A_111] : memref<32x250x40xi32, #tpu.memory_space<hbm>> -> memref<1x10x40xi32, #tpu.memory_space<hbm>>
      %dma_start3A_113 = tpu.memref_squeeze %dma_start3A_112 : memref<1x10x40xi32, #tpu.memory_space<hbm>> -> memref<10x40xi32, #tpu.memory_space<hbm>>
      %dma_start3A_114 = arith.constant 0 : i32
      %dma_start3A_115 = arith.constant 0 : i32
      %dma_start3A_116 = tpu.memref_slice %arg10[%run_scoped3A_13, %dma_start3A_114, %dma_start3A_115] : memref<2x10x40xi32, #tpu.memory_space<vmem>> -> memref<1x10x40xi32, #tpu.memory_space<vmem>>
      %dma_start3A_117 = tpu.memref_squeeze %dma_start3A_116 : memref<1x10x40xi32, #tpu.memory_space<vmem>> -> memref<10x40xi32, #tpu.memory_space<vmem>>
      %dma_start3A_118 = arith.constant 0 : i32
      %dma_start3A_119 = arith.constant 0 : i32
      %dma_start3A_120 = tpu.memref_slice %arg3[%add3A, %dma_start3A_118, %dma_start3A_119] : memref<32x250x40xi32, #tpu.memory_space<hbm>> -> memref<1x10x40xi32, #tpu.memory_space<hbm>>
      %dma_start3A_121 = tpu.memref_squeeze %dma_start3A_120 : memref<1x10x40xi32, #tpu.memory_space<hbm>> -> memref<10x40xi32, #tpu.memory_space<hbm>>
      tpu.enqueue_dma source(%dma_start3A_121 : memref<10x40xi32, #tpu.memory_space<hbm>>) target(%dma_start3A_117 : memref<10x40xi32, #tpu.memory_space<vmem>>) target_semaphore(%run_scoped3A_105 : memref<!tpu.dma_semaphore, #tpu.memory_space<semaphore_mem>>)
      %dma_wait3A_122 = arith.constant 0 : i32
      %dma_wait3A_123 = arith.constant 0 : i32
      %dma_wait3A_124 = tpu.memref_slice %arg10[%run_scoped3A_13, %dma_wait3A_122, %dma_wait3A_123] : memref<2x10x40xi32, #tpu.memory_space<vmem>> -> memref<1x10x40xi32, #tpu.memory_space<vmem>>
      %dma_wait3A_125 = tpu.memref_squeeze %dma_wait3A_124 : memref<1x10x40xi32, #tpu.memory_space<vmem>> -> memref<10x40xi32, #tpu.memory_space<vmem>>
      %dma_wait3A_126 = arith.constant 0 : i32
      %dma_wait3A_127 = arith.constant 0 : i32
      %dma_wait3A_128 = tpu.memref_slice %arg3[%add3A, %dma_wait3A_126, %dma_wait3A_127] : memref<32x250x40xi32, #tpu.memory_space<hbm>> -> memref<1x10x40xi32, #tpu.memory_space<hbm>>
      %dma_wait3A_129 = tpu.memref_squeeze %dma_wait3A_128 : memref<1x10x40xi32, #tpu.memory_space<hbm>> -> memref<10x40xi32, #tpu.memory_space<hbm>>
      %dma_wait3A_130 = arith.constant 0 : i32
      %dma_wait3A_131 = arith.constant 0 : i32
      %dma_wait3A_132 = tpu.memref_slice %arg10[%run_scoped3A_13, %dma_wait3A_130, %dma_wait3A_131] : memref<2x10x40xi32, #tpu.memory_space<vmem>> -> memref<1x10x40xi32, #tpu.memory_space<vmem>>
      %dma_wait3A_133 = tpu.memref_squeeze %dma_wait3A_132 : memref<1x10x40xi32, #tpu.memory_space<vmem>> -> memref<10x40xi32, #tpu.memory_space<vmem>>
      %dma_wait3A_134 = arith.constant 0 : i32
      %dma_wait3A_135 = arith.constant 0 : i32
      %dma_wait3A_136 = tpu.memref_slice %arg3[%add3A, %dma_wait3A_134, %dma_wait3A_135] : memref<32x250x40xi32, #tpu.memory_space<hbm>> -> memref<1x10x40xi32, #tpu.memory_space<hbm>>
      %dma_wait3A_137 = tpu.memref_squeeze %dma_wait3A_136 : memref<1x10x40xi32, #tpu.memory_space<hbm>> -> memref<10x40xi32, #tpu.memory_space<hbm>>
      tpu.wait_dma2 semaphore(%run_scoped3A_105 : memref<!tpu.dma_semaphore, #tpu.memory_space<semaphore_mem>>) src(%dma_wait3A_137 : memref<10x40xi32, #tpu.memory_space<hbm>>) dst(%dma_wait3A_133 : memref<10x40xi32, #tpu.memory_space<vmem>>)
      tpu.yield
    }) : () -> ()
    "tpu.region"() ({
      %run_scoped3A_105 = tpu.sem_alloc : memref<!tpu.dma_semaphore, #tpu.memory_space<semaphore_mem>>
      tpu.enqueue_dma source(%arg7 : memref<128xf32, #tpu.memory_space<hbm>>) target(%arg19 : memref<128xf32, #tpu.memory_space<vmem>>) target_semaphore(%run_scoped3A_105 : memref<!tpu.dma_semaphore, #tpu.memory_space<semaphore_mem>>)
      tpu.wait_dma2 semaphore(%run_scoped3A_105 : memref<!tpu.dma_semaphore, #tpu.memory_space<semaphore_mem>>) src(%arg7 : memref<128xf32, #tpu.memory_space<hbm>>) dst(%arg19 : memref<128xf32, #tpu.memory_space<vmem>>)
      tpu.yield
    }) : () -> ()
    %barrier3A = arith.constant 0 : index
    tpu.barrier barrier_id(%barrier3A)
    %get3A = arith.constant 0 : index
    %get3A_14 = tpu.vector_load %arg19[%get3A] {strides = array<i32>} : memref<128xf32, #tpu.memory_space<vmem>>, vector<16xf32>,
    %get3A_15 = arith.constant 16 : index
    %get3A_16 = tpu.vector_load %arg19[%get3A_15] {strides = array<i32>} : memref<128xf32, #tpu.memory_space<vmem>>, vector<16xf32>,
    %get3A_17 = arith.constant 32 : index
    %get3A_18 = tpu.vector_load %arg19[%get3A_17] {strides = array<i32>} : memref<128xf32, #tpu.memory_space<vmem>>, vector<16xf32>,
    %get3A_19 = arith.constant 48 : index
    %get3A_20 = tpu.vector_load %arg19[%get3A_19] {strides = array<i32>} : memref<128xf32, #tpu.memory_space<vmem>>, vector<16xf32>,
    %get3A_21 = arith.constant 64 : index
    %get3A_22 = tpu.vector_load %arg19[%get3A_21] {strides = array<i32>} : memref<128xf32, #tpu.memory_space<vmem>>, vector<16xf32>,
    %get3A_23 = arith.constant 80 : index
    %get3A_24 = tpu.vector_load %arg19[%get3A_23] {strides = array<i32>} : memref<128xf32, #tpu.memory_space<vmem>>, vector<16xf32>,
    %get3A_25 = arith.constant 96 : index
    %get3A_26 = tpu.vector_load %arg19[%get3A_25] {strides = array<i32>} : memref<128xf32, #tpu.memory_space<vmem>>, vector<16xf32>,
    %get3A_27 = arith.constant 112 : index
    %get3A_28 = tpu.vector_load %arg19[%get3A_27] {strides = array<i32>} : memref<128xf32, #tpu.memory_space<vmem>>, vector<16xf32>,
    %mul3A_29 = arith.constant 5000 : i32
    %mul3A_30 = arith.muli %add3A, %mul3A_29 : i32
    %multiple_of3A = tpu.assume_multiple %mul3A_30, 4 : i32
    %add3A_31 = arith.constant 0 : i32
    %add3A_32 = arith.addi %multiple_of3A, %add3A_31 : i32
    %dma_start3A = arith.constant 0 : i32
    %dma_start3A_33 = arith.constant 0 : i32
    %dma_start3A_34 = arith.constant 0 : i32
    %dma_start3A_35 = tpu.memref_slice %arg9[%dma_start3A, %dma_start3A_33, %dma_start3A_34] : memref<2x10x40xi32, #tpu.memory_space<vmem>> -> memref<1x1x40xi32, #tpu.memory_space<vmem>>
    %dma_start3A_36 = tpu.memref_squeeze %dma_start3A_35 : memref<1x1x40xi32, #tpu.memory_space<vmem>> -> memref<40xi32, #tpu.memory_space<vmem>>
    %dma_start3A_37 = arith.constant 0 : i32
    %dma_start3A_38 = arith.constant 0 : i32
    %dma_start3A_39 = tpu.memref_slice %arg4[%dma_start3A_37, %dma_start3A_38] : memref<10000x128xf32, #tpu.memory_space<hbm>> -> memref<10000x128xf32, #tpu.memory_space<hbm>>
    tpu.enqueue_indirect_dma source(%dma_start3A_39 : memref<10000x128xf32, #tpu.memory_space<hbm>>) target(%arg11 : memref<40x128xf32, #tpu.memory_space<vmem>>) offsets(%dma_start3A_36 : memref<40xi32, #tpu.memory_space<vmem>>) semaphore(%arg21 : memref<!tpu.dma_semaphore, #tpu.memory_space<semaphore_mem>>)
    %dma_start3A_40 = arith.constant 0 : i32
    %dma_start3A_41 = arith.constant 0 : i32
    %dma_start3A_42 = arith.constant 0 : i32
    %dma_start3A_43 = tpu.memref_slice %arg10[%dma_start3A_40, %dma_start3A_41, %dma_start3A_42] : memref<2x10x40xi32, #tpu.memory_space<vmem>> -> memref<1x1x40xi32, #tpu.memory_space<vmem>>
    %dma_start3A_44 = tpu.memref_squeeze %dma_start3A_43 : memref<1x1x40xi32, #tpu.memory_space<vmem>> -> memref<40xi32, #tpu.memory_space<vmem>>
    %dma_start3A_45 = arith.constant 0 : i32
    %dma_start3A_46 = arith.constant 0 : i32
    %dma_start3A_47 = tpu.memref_slice %arg5[%dma_start3A_45, %dma_start3A_46] : memref<10000x128xf32, #tpu.memory_space<hbm>> -> memref<10000x128xf32, #tpu.memory_space<hbm>>
    tpu.enqueue_indirect_dma source(%dma_start3A_47 : memref<10000x128xf32, #tpu.memory_space<hbm>>) target(%arg13 : memref<40x128xf32, #tpu.memory_space<vmem>>) offsets(%dma_start3A_44 : memref<40xi32, #tpu.memory_space<vmem>>) semaphore(%arg21 : memref<!tpu.dma_semaphore, #tpu.memory_space<semaphore_mem>>)
    %dma_start3A_48 = arith.constant 0 : i32
    %dma_start3A_49 = tpu.memref_slice %arg6[%add3A_32, %dma_start3A_48] : memref<160000x128xi32, #tpu.memory_space<hbm>> -> memref<20x128xi32, #tpu.memory_space<hbm>>
    %dma_start3A_50 = arith.constant 0 : i32
    %dma_start3A_51 = tpu.memref_slice %arg6[%add3A_32, %dma_start3A_50] : memref<160000x128xi32, #tpu.memory_space<hbm>> -> memref<20x128xi32, #tpu.memory_space<hbm>>
    tpu.enqueue_dma source(%dma_start3A_51 : memref<20x128xi32, #tpu.memory_space<hbm>>) target(%arg15 : memref<20x128xi32, #tpu.memory_space<vmem>>) target_semaphore(%arg21 : memref<!tpu.dma_semaphore, #tpu.memory_space<semaphore_mem>>)
    %mul3A_52 = arith.constant 5000 : i32
    %mul3A_53 = arith.muli %add3A, %mul3A_52 : i32
    %multiple_of3A_54 = tpu.assume_multiple %mul3A_53, 4 : i32
    %add3A_55 = arith.constant 20 : i32
    %add3A_56 = arith.addi %multiple_of3A_54, %add3A_55 : i32
    %dma_start3A_57 = arith.constant 0 : i32
    %dma_start3A_58 = arith.constant 1 : i32
    %dma_start3A_59 = arith.constant 0 : i32
    %dma_start3A_60 = tpu.memref_slice %arg9[%dma_start3A_57, %dma_start3A_58, %dma_start3A_59] : memref<2x10x40xi32, #tpu.memory_space<vmem>> -> memref<1x1x40xi32, #tpu.memory_space<vmem>>
    %dma_start3A_61 = tpu.memref_squeeze %dma_start3A_60 : memref<1x1x40xi32, #tpu.memory_space<vmem>> -> memref<40xi32, #tpu.memory_space<vmem>>
    %dma_start3A_62 = arith.constant 0 : i32
    %dma_start3A_63 = arith.constant 0 : i32
    %dma_start3A_64 = tpu.memref_slice %arg4[%dma_start3A_62, %dma_start3A_63] : memref<10000x128xf32, #tpu.memory_space<hbm>> -> memref<10000x128xf32, #tpu.memory_space<hbm>>
    tpu.enqueue_indirect_dma source(%dma_start3A_64 : memref<10000x128xf32, #tpu.memory_space<hbm>>) target(%arg12 : memref<40x128xf32, #tpu.memory_space<vmem>>) offsets(%dma_start3A_61 : memref<40xi32, #tpu.memory_space<vmem>>) semaphore(%arg22 : memref<!tpu.dma_semaphore, #tpu.memory_space<semaphore_mem>>)
    %dma_start3A_65 = arith.constant 0 : i32
    %dma_start3A_66 = arith.constant 1 : i32
    %dma_start3A_67 = arith.constant 0 : i32
    %dma_start3A_68 = tpu.memref_slice %arg10[%dma_start3A_65, %dma_start3A_66, %dma_start3A_67] : memref<2x10x40xi32, #tpu.memory_space<vmem>> -> memref<1x1x40xi32, #tpu.memory_space<vmem>>
    %dma_start3A_69 = tpu.memref_squeeze %dma_start3A_68 : memref<1x1x40xi32, #tpu.memory_space<vmem>> -> memref<40xi32, #tpu.memory_space<vmem>>
    %dma_start3A_70 = arith.constant 0 : i32
    %dma_start3A_71 = arith.constant 0 : i32
    %dma_start3A_72 = tpu.memref_slice %arg5[%dma_start3A_70, %dma_start3A_71] : memref<10000x128xf32, #tpu.memory_space<hbm>> -> memref<10000x128xf32, #tpu.memory_space<hbm>>
    tpu.enqueue_indirect_dma source(%dma_start3A_72 : memref<10000x128xf32, #tpu.memory_space<hbm>>) target(%arg14 : memref<40x128xf32, #tpu.memory_space<vmem>>) offsets(%dma_start3A_69 : memref<40xi32, #tpu.memory_space<vmem>>) semaphore(%arg22 : memref<!tpu.dma_semaphore, #tpu.memory_space<semaphore_mem>>)
    %dma_start3A_73 = arith.constant 0 : i32
    %dma_start3A_74 = tpu.memref_slice %arg6[%add3A_56, %dma_start3A_73] : memref<160000x128xi32, #tpu.memory_space<hbm>> -> memref<20x128xi32, #tpu.memory_space<hbm>>
    %dma_start3A_75 = arith.constant 0 : i32
    %dma_start3A_76 = tpu.memref_slice %arg6[%add3A_56, %dma_start3A_75] : memref<160000x128xi32, #tpu.memory_space<hbm>> -> memref<20x128xi32, #tpu.memory_space<hbm>>
    tpu.enqueue_dma source(%dma_start3A_76 : memref<20x128xi32, #tpu.memory_space<hbm>>) target(%arg16 : memref<20x128xi32, #tpu.memory_space<vmem>>) target_semaphore(%arg22 : memref<!tpu.dma_semaphore, #tpu.memory_space<semaphore_mem>>)
    %scan3A_77 = arith.constant 0 : i32
    %scan3A_78 = arith.constant 0 : i32
    %scan3A_79 = arith.constant 125 : i32
    %scan3A_80 = arith.addi %scan3A_78, %scan3A_79 : i32
    %scan3A_81 = arith.constant 1 : i32
    scf.for %scan3A_105 = %scan3A_78 to %scan3A_80 step %scan3A_81  : i32 {
      %mul3A_106 = arith.constant 2 : i32
      %mul3A_107 = arith.muli %mul3A_106, %scan3A_105 : i32
      %add3A_108 = arith.constant 0 : i32
      %add3A_109 = arith.addi %mul3A_107, %add3A_108 : i32
      %mul3A_110 = arith.constant 5000 : i32
      %mul3A_111 = arith.muli %add3A, %mul3A_110 : i32
      %multiple_of3A_112 = tpu.assume_multiple %mul3A_111, 4 : i32
      %mul3A_113 = arith.constant 20 : i32
      %mul3A_114 = arith.muli %add3A_109, %mul3A_113 : i32
      %add3A_115 = arith.addi %multiple_of3A_112, %mul3A_114 : i32
      %jit3A = arith.constant 10 : i32
      %div3A = arith.divsi %add3A_109, %jit3A : i32
      %sign3A = arith.constant 0 : i32
      %sign3A_116 = arith.cmpi sgt, %add3A_109, %sign3A : i32
      %sign3A_117 = arith.extui %sign3A_116 : i1 to i32
      %sign3A_118 = arith.constant 0 : i32
      %sign3A_119 = arith.cmpi slt, %add3A_109, %sign3A_118 : i32
      %sign3A_120 = arith.extui %sign3A_119 : i1 to i32
      %sign3A_121 = arith.subi %sign3A_117, %sign3A_120 : i32
      %sign3A_122 = arith.constant 0 : i32
      %sign3A_123 = arith.cmpi sgt, %jit3A, %sign3A_122 : i32
      %sign3A_124 = arith.extui %sign3A_123 : i1 to i32
      %sign3A_125 = arith.constant 0 : i32
      %sign3A_126 = arith.cmpi slt, %jit3A, %sign3A_125 : i32
      %sign3A_127 = arith.extui %sign3A_126 : i1 to i32
      %sign3A_128 = arith.subi %sign3A_124, %sign3A_127 : i32
      %ne3A = arith.cmpi ne, %sign3A_121, %sign3A_128 : i32
      %rem3A = arith.remsi %add3A_109, %jit3A : i32
      %ne3A_129 = arith.constant 0 : i32
      %ne3A_130 = arith.cmpi ne, %rem3A, %ne3A_129 : i32
      %and3A = arith.andi %ne3A, %ne3A_130 : i1
      %sub3A = arith.constant 1 : i32
      %sub3A_131 = arith.subi %div3A, %sub3A : i32
      %select_n3A = arith.select %and3A, %sub3A_131, %div3A : i32
      %jit3A_132 = arith.constant 2 : i32
      %eq3A = arith.constant 0 : i32
      %eq3A_133 = arith.cmpi eq, %jit3A_132, %eq3A : i32
      %jit3A_134 = arith.constant 1 : i32
      %select_n3A_135 = arith.select %eq3A_133, %jit3A_134, %jit3A_132 : i32
      %rem3A_136 = arith.remsi %select_n3A, %select_n3A_135 : i32
      %ne3A_137 = arith.constant 0 : i32
      %ne3A_138 = arith.cmpi ne, %rem3A_136, %ne3A_137 : i32
      %lt3A = arith.constant 0 : i32
      %lt3A_139 = arith.cmpi slt, %rem3A_136, %lt3A : i32
      %lt3A_140 = arith.constant 0 : i32
      %lt3A_141 = arith.cmpi slt, %select_n3A_135, %lt3A_140 : i32
      %ne3A_142 = arith.xori %lt3A_139, %lt3A_141 : i1
      %and3A_143 = arith.andi %ne3A_142, %ne3A_138 : i1
      %add3A_144 = arith.addi %rem3A_136, %select_n3A_135 : i32
      %select_n3A_145 = arith.select %and3A_143, %add3A_144, %rem3A_136 : i32
      %jit3A_146 = arith.constant 10 : i32
      %eq3A_147 = arith.constant 0 : i32
      %eq3A_148 = arith.cmpi eq, %jit3A_146, %eq3A_147 : i32
      %jit3A_149 = arith.constant 1 : i32
      %select_n3A_150 = arith.select %eq3A_148, %jit3A_149, %jit3A_146 : i32
      %rem3A_151 = arith.remsi %add3A_109, %select_n3A_150 : i32
      %ne3A_152 = arith.constant 0 : i32
      %ne3A_153 = arith.cmpi ne, %rem3A_151, %ne3A_152 : i32
      %lt3A_154 = arith.constant 0 : i32
      %lt3A_155 = arith.cmpi slt, %rem3A_151, %lt3A_154 : i32
      %lt3A_156 = arith.constant 0 : i32
      %lt3A_157 = arith.cmpi slt, %select_n3A_150, %lt3A_156 : i32
      %ne3A_158 = arith.xori %lt3A_155, %lt3A_157 : i1
      %and3A_159 = arith.andi %ne3A_158, %ne3A_153 : i1
      %add3A_160 = arith.addi %rem3A_151, %select_n3A_150 : i32
      %select_n3A_161 = arith.select %and3A_159, %add3A_160, %rem3A_151 : i32
      %dma_wait3A_162 = arith.constant 0 : i32
      %dma_wait3A_163 = tpu.memref_slice %arg9[%select_n3A_145, %select_n3A_161, %dma_wait3A_162] : memref<2x10x40xi32, #tpu.memory_space<vmem>> -> memref<1x1x40xi32, #tpu.memory_space<vmem>>
      %dma_wait3A_164 = tpu.memref_squeeze %dma_wait3A_163 : memref<1x1x40xi32, #tpu.memory_space<vmem>> -> memref<40xi32, #tpu.memory_space<vmem>>
      %dma_wait3A_165 = arith.constant 0 : i32
      %dma_wait3A_166 = arith.constant 0 : i32
      %dma_wait3A_167 = tpu.memref_slice %arg4[%dma_wait3A_165, %dma_wait3A_166] : memref<10000x128xf32, #tpu.memory_space<hbm>> -> memref<10000x128xf32, #tpu.memory_space<hbm>>
      tpu.wait_indirect_dma semaphore(%arg21 : memref<!tpu.dma_semaphore, #tpu.memory_space<semaphore_mem>>) src(%dma_wait3A_167 : memref<10000x128xf32, #tpu.memory_space<hbm>>) dst(%arg11 : memref<40x128xf32, #tpu.memory_space<vmem>>)
      %jit3A_168 = arith.constant 10 : i32
      %div3A_169 = arith.divsi %add3A_109, %jit3A_168 : i32
      %sign3A_170 = arith.constant 0 : i32
      %sign3A_171 = arith.cmpi sgt, %add3A_109, %sign3A_170 : i32
      %sign3A_172 = arith.extui %sign3A_171 : i1 to i32
      %sign3A_173 = arith.constant 0 : i32
      %sign3A_174 = arith.cmpi slt, %add3A_109, %sign3A_173 : i32
      %sign3A_175 = arith.extui %sign3A_174 : i1 to i32
      %sign3A_176 = arith.subi %sign3A_172, %sign3A_175 : i32
      %sign3A_177 = arith.constant 0 : i32
      %sign3A_178 = arith.cmpi sgt, %jit3A_168, %sign3A_177 : i32
      %sign3A_179 = arith.extui %sign3A_178 : i1 to i32
      %sign3A_180 = arith.constant 0 : i32
      %sign3A_181 = arith.cmpi slt, %jit3A_168, %sign3A_180 : i32
      %sign3A_182 = arith.extui %sign3A_181 : i1 to i32
      %sign3A_183 = arith.subi %sign3A_179, %sign3A_182 : i32
      %ne3A_184 = arith.cmpi ne, %sign3A_176, %sign3A_183 : i32
      %rem3A_185 = arith.remsi %add3A_109, %jit3A_168 : i32
      %ne3A_186 = arith.constant 0 : i32
      %ne3A_187 = arith.cmpi ne, %rem3A_185, %ne3A_186 : i32
      %and3A_188 = arith.andi %ne3A_184, %ne3A_187 : i1
      %sub3A_189 = arith.constant 1 : i32
      %sub3A_190 = arith.subi %div3A_169, %sub3A_189 : i32
      %select_n3A_191 = arith.select %and3A_188, %sub3A_190, %div3A_169 : i32
      %jit3A_192 = arith.constant 2 : i32
      %eq3A_193 = arith.constant 0 : i32
      %eq3A_194 = arith.cmpi eq, %jit3A_192, %eq3A_193 : i32
      %jit3A_195 = arith.constant 1 : i32
      %select_n3A_196 = arith.select %eq3A_194, %jit3A_195, %jit3A_192 : i32
      %rem3A_197 = arith.remsi %select_n3A_191, %select_n3A_196 : i32
      %ne3A_198 = arith.constant 0 : i32
      %ne3A_199 = arith.cmpi ne, %rem3A_197, %ne3A_198 : i32
      %lt3A_200 = arith.constant 0 : i32
      %lt3A_201 = arith.cmpi slt, %rem3A_197, %lt3A_200 : i32
      %lt3A_202 = arith.constant 0 : i32
      %lt3A_203 = arith.cmpi slt, %select_n3A_196, %lt3A_202 : i32
      %ne3A_204 = arith.xori %lt3A_201, %lt3A_203 : i1
      %and3A_205 = arith.andi %ne3A_204, %ne3A_199 : i1
      %add3A_206 = arith.addi %rem3A_197, %select_n3A_196 : i32
      %select_n3A_207 = arith.select %and3A_205, %add3A_206, %rem3A_197 : i32
      %jit3A_208 = arith.constant 10 : i32
      %eq3A_209 = arith.constant 0 : i32
      %eq3A_210 = arith.cmpi eq, %jit3A_208, %eq3A_209 : i32
      %jit3A_211 = arith.constant 1 : i32
      %select_n3A_212 = arith.select %eq3A_210, %jit3A_211, %jit3A_208 : i32
      %rem3A_213 = arith.remsi %add3A_109, %select_n3A_212 : i32
      %ne3A_214 = arith.constant 0 : i32
      %ne3A_215 = arith.cmpi ne, %rem3A_213, %ne3A_214 : i32
      %lt3A_216 = arith.constant 0 : i32
      %lt3A_217 = arith.cmpi slt, %rem3A_213, %lt3A_216 : i32
      %lt3A_218 = arith.constant 0 : i32
      %lt3A_219 = arith.cmpi slt, %select_n3A_212, %lt3A_218 : i32
      %ne3A_220 = arith.xori %lt3A_217, %lt3A_219 : i1
      %and3A_221 = arith.andi %ne3A_220, %ne3A_215 : i1
      %add3A_222 = arith.addi %rem3A_213, %select_n3A_212 : i32
      %select_n3A_223 = arith.select %and3A_221, %add3A_222, %rem3A_213 : i32
      %dma_wait3A_224 = arith.constant 0 : i32
      %dma_wait3A_225 = tpu.memref_slice %arg10[%select_n3A_207, %select_n3A_223, %dma_wait3A_224] : memref<2x10x40xi32, #tpu.memory_space<vmem>> -> memref<1x1x40xi32, #tpu.memory_space<vmem>>
      %dma_wait3A_226 = tpu.memref_squeeze %dma_wait3A_225 : memref<1x1x40xi32, #tpu.memory_space<vmem>> -> memref<40xi32, #tpu.memory_space<vmem>>
      %dma_wait3A_227 = arith.constant 0 : i32
      %dma_wait3A_228 = arith.constant 0 : i32
      %dma_wait3A_229 = tpu.memref_slice %arg5[%dma_wait3A_227, %dma_wait3A_228] : memref<10000x128xf32, #tpu.memory_space<hbm>> -> memref<10000x128xf32, #tpu.memory_space<hbm>>
      tpu.wait_indirect_dma semaphore(%arg21 : memref<!tpu.dma_semaphore, #tpu.memory_space<semaphore_mem>>) src(%dma_wait3A_229 : memref<10000x128xf32, #tpu.memory_space<hbm>>) dst(%arg13 : memref<40x128xf32, #tpu.memory_space<vmem>>)
      %dma_wait3A_230 = arith.constant 0 : i32
      %dma_wait3A_231 = tpu.memref_slice %arg6[%add3A_115, %dma_wait3A_230] : memref<160000x128xi32, #tpu.memory_space<hbm>> -> memref<20x128xi32, #tpu.memory_space<hbm>>
      %dma_wait3A_232 = arith.constant 0 : i32
      %dma_wait3A_233 = tpu.memref_slice %arg6[%add3A_115, %dma_wait3A_232] : memref<160000x128xi32, #tpu.memory_space<hbm>> -> memref<20x128xi32, #tpu.memory_space<hbm>>
      tpu.wait_dma2 semaphore(%arg21 : memref<!tpu.dma_semaphore, #tpu.memory_space<semaphore_mem>>) src(%dma_wait3A_233 : memref<20x128xi32, #tpu.memory_space<hbm>>) dst(%arg15 : memref<20x128xi32, #tpu.memory_space<vmem>>)
      %ge3A = arith.constant 2 : i32
      %ge3A_234 = arith.cmpi sge, %add3A_109, %ge3A : i32
      %convert_element_type3A = arith.extui %ge3A_234 : i1 to i32
      %cond3A = arith.constant 0 : i32
      %cond3A_235 = arith.cmpi ne, %convert_element_type3A, %cond3A : i32
      scf.if %cond3A_235 {
        %sub3A_555 = arith.constant 2 : i32
        %sub3A_556 = arith.subi %add3A_109, %sub3A_555 : i32
        %jit3A_557 = arith.constant 10 : i32
        %div3A_558 = arith.divsi %sub3A_556, %jit3A_557 : i32
        %sign3A_559 = arith.constant 0 : i32
        %sign3A_560 = arith.cmpi sgt, %sub3A_556, %sign3A_559 : i32
        %sign3A_561 = arith.extui %sign3A_560 : i1 to i32
        %sign3A_562 = arith.constant 0 : i32
        %sign3A_563 = arith.cmpi slt, %sub3A_556, %sign3A_562 : i32
        %sign3A_564 = arith.extui %sign3A_563 : i1 to i32
        %sign3A_565 = arith.subi %sign3A_561, %sign3A_564 : i32
        %sign3A_566 = arith.constant 0 : i32
        %sign3A_567 = arith.cmpi sgt, %jit3A_557, %sign3A_566 : i32
        %sign3A_568 = arith.extui %sign3A_567 : i1 to i32
        %sign3A_569 = arith.constant 0 : i32
        %sign3A_570 = arith.cmpi slt, %jit3A_557, %sign3A_569 : i32
        %sign3A_571 = arith.extui %sign3A_570 : i1 to i32
        %sign3A_572 = arith.subi %sign3A_568, %sign3A_571 : i32
        %ne3A_573 = arith.cmpi ne, %sign3A_565, %sign3A_572 : i32
        %rem3A_574 = arith.remsi %sub3A_556, %jit3A_557 : i32
        %ne3A_575 = arith.constant 0 : i32
        %ne3A_576 = arith.cmpi ne, %rem3A_574, %ne3A_575 : i32
        %and3A_577 = arith.andi %ne3A_573, %ne3A_576 : i1
        %sub3A_578 = arith.constant 1 : i32
        %sub3A_579 = arith.subi %div3A_558, %sub3A_578 : i32
        %select_n3A_580 = arith.select %and3A_577, %sub3A_579, %div3A_558 : i32
        %jit3A_581 = arith.constant 2 : i32
        %eq3A_582 = arith.constant 0 : i32
        %eq3A_583 = arith.cmpi eq, %jit3A_581, %eq3A_582 : i32
        %jit3A_584 = arith.constant 1 : i32
        %select_n3A_585 = arith.select %eq3A_583, %jit3A_584, %jit3A_581 : i32
        %rem3A_586 = arith.remsi %select_n3A_580, %select_n3A_585 : i32
        %ne3A_587 = arith.constant 0 : i32
        %ne3A_588 = arith.cmpi ne, %rem3A_586, %ne3A_587 : i32
        %lt3A_589 = arith.constant 0 : i32
        %lt3A_590 = arith.cmpi slt, %rem3A_586, %lt3A_589 : i32
        %lt3A_591 = arith.constant 0 : i32
        %lt3A_592 = arith.cmpi slt, %select_n3A_585, %lt3A_591 : i32
        %ne3A_593 = arith.xori %lt3A_590, %lt3A_592 : i1
        %and3A_594 = arith.andi %ne3A_593, %ne3A_588 : i1
        %add3A_595 = arith.addi %rem3A_586, %select_n3A_585 : i32
        %select_n3A_596 = arith.select %and3A_594, %add3A_595, %rem3A_586 : i32
        %jit3A_597 = arith.constant 10 : i32
        %eq3A_598 = arith.constant 0 : i32
        %eq3A_599 = arith.cmpi eq, %jit3A_597, %eq3A_598 : i32
        %jit3A_600 = arith.constant 1 : i32
        %select_n3A_601 = arith.select %eq3A_599, %jit3A_600, %jit3A_597 : i32
        %rem3A_602 = arith.remsi %sub3A_556, %select_n3A_601 : i32
        %ne3A_603 = arith.constant 0 : i32
        %ne3A_604 = arith.cmpi ne, %rem3A_602, %ne3A_603 : i32
        %lt3A_605 = arith.constant 0 : i32
        %lt3A_606 = arith.cmpi slt, %rem3A_602, %lt3A_605 : i32
        %lt3A_607 = arith.constant 0 : i32
        %lt3A_608 = arith.cmpi slt, %select_n3A_601, %lt3A_607 : i32
        %ne3A_609 = arith.xori %lt3A_606, %lt3A_608 : i1
        %and3A_610 = arith.andi %ne3A_609, %ne3A_604 : i1
        %add3A_611 = arith.addi %rem3A_602, %select_n3A_601 : i32
        %select_n3A_612 = arith.select %and3A_610, %add3A_611, %rem3A_602 : i32
        %dma_wait3A_613 = arith.constant 0 : i32
        %dma_wait3A_614 = tpu.memref_slice %arg10[%select_n3A_596, %select_n3A_612, %dma_wait3A_613] : memref<2x10x40xi32, #tpu.memory_space<vmem>> -> memref<1x1x40xi32, #tpu.memory_space<vmem>>
        %dma_wait3A_615 = tpu.memref_squeeze %dma_wait3A_614 : memref<1x1x40xi32, #tpu.memory_space<vmem>> -> memref<40xi32, #tpu.memory_space<vmem>>
        %dma_wait3A_616 = arith.constant 0 : i32
        %dma_wait3A_617 = arith.constant 0 : i32
        %dma_wait3A_618 = tpu.memref_slice %arg20[%dma_wait3A_616, %dma_wait3A_617] : memref<10000x136xf32, #tpu.memory_space<vmem_shared>> -> memref<10000x136xf32, #tpu.memory_space<vmem_shared>>
        tpu.wait_indirect_dma semaphore(%arg23 : memref<!tpu.dma_semaphore, #tpu.memory_space<semaphore_mem>>) src(%arg17 : memref<40x136xf32, #tpu.memory_space<vmem>>) dst(%dma_wait3A_618 : memref<10000x136xf32, #tpu.memory_space<vmem_shared>>)
      } else {
      }
      %scan3A_236 = arith.constant 0 : i32
      %scan3A_237 = arith.constant 0 : i32
      %scan3A_238 = arith.constant 20 : i32
      %scan3A_239 = arith.addi %scan3A_237, %scan3A_238 : i32
      %scan3A_240 = arith.constant 1 : i32
      scf.for %scan3A_555 = %scan3A_237 to %scan3A_239 step %scan3A_240  : i32 {
        %get3A_556 = arith.index_cast %scan3A_555 : i32 to index
        %get3A_557 = arith.constant 0 : index
        %get3A_558 = tpu.vector_load %arg15[%get3A_556, %get3A_557] {strides = array<i32>} : memref<20x128xi32, #tpu.memory_space<vmem>>, vector<16xi32>,
        %get3A_559 = arith.index_cast %scan3A_555 : i32 to index
        %get3A_560 = arith.constant 16 : index
        %get3A_561 = tpu.vector_load %arg15[%get3A_559, %get3A_560] {strides = array<i32>} : memref<20x128xi32, #tpu.memory_space<vmem>>, vector<16xi32>,
        %get3A_562 = arith.index_cast %scan3A_555 : i32 to index
        %get3A_563 = arith.constant 32 : index
        %get3A_564 = tpu.vector_load %arg15[%get3A_562, %get3A_563] {strides = array<i32>} : memref<20x128xi32, #tpu.memory_space<vmem>>, vector<16xi32>,
        %get3A_565 = arith.index_cast %scan3A_555 : i32 to index
        %get3A_566 = arith.constant 48 : index
        %get3A_567 = tpu.vector_load %arg15[%get3A_565, %get3A_566] {strides = array<i32>} : memref<20x128xi32, #tpu.memory_space<vmem>>, vector<16xi32>,
        %get3A_568 = arith.index_cast %scan3A_555 : i32 to index
        %get3A_569 = arith.constant 64 : index
        %get3A_570 = tpu.vector_load %arg15[%get3A_568, %get3A_569] {strides = array<i32>} : memref<20x128xi32, #tpu.memory_space<vmem>>, vector<16xi32>,
        %get3A_571 = arith.index_cast %scan3A_555 : i32 to index
        %get3A_572 = arith.constant 80 : index
        %get3A_573 = tpu.vector_load %arg15[%get3A_571, %get3A_572] {strides = array<i32>} : memref<20x128xi32, #tpu.memory_space<vmem>>, vector<16xi32>,
        %get3A_574 = arith.index_cast %scan3A_555 : i32 to index
        %get3A_575 = arith.constant 96 : index
        %get3A_576 = tpu.vector_load %arg15[%get3A_574, %get3A_575] {strides = array<i32>} : memref<20x128xi32, #tpu.memory_space<vmem>>, vector<16xi32>,
        %get3A_577 = arith.index_cast %scan3A_555 : i32 to index
        %get3A_578 = arith.constant 112 : index
        %get3A_579 = tpu.vector_load %arg15[%get3A_577, %get3A_578] {strides = array<i32>} : memref<20x128xi32, #tpu.memory_space<vmem>>, vector<16xi32>,
        %shift_left3A = arith.constant 16 : i32
        %shift_left3A_580 = vector.broadcast %shift_left3A : i32 to vector<16xi32>
        %shift_left3A_581 = arith.shli %get3A_558, %shift_left3A_580 : vector<16xi32>
        %bitcast_convert_type3A = tpu.bitcast %shift_left3A_581 : vector<16xi32> -> vector<16xf32>
        %shift_left3A_582 = arith.constant 16 : i32
        %shift_left3A_583 = vector.broadcast %shift_left3A_582 : i32 to vector<16xi32>
        %shift_left3A_584 = arith.shli %get3A_561, %shift_left3A_583 : vector<16xi32>
        %bitcast_convert_type3A_585 = tpu.bitcast %shift_left3A_584 : vector<16xi32> -> vector<16xf32>
        %shift_left3A_586 = arith.constant 16 : i32
        %shift_left3A_587 = vector.broadcast %shift_left3A_586 : i32 to vector<16xi32>
        %shift_left3A_588 = arith.shli %get3A_564, %shift_left3A_587 : vector<16xi32>
        %bitcast_convert_type3A_589 = tpu.bitcast %shift_left3A_588 : vector<16xi32> -> vector<16xf32>
        %shift_left3A_590 = arith.constant 16 : i32
        %shift_left3A_591 = vector.broadcast %shift_left3A_590 : i32 to vector<16xi32>
        %shift_left3A_592 = arith.shli %get3A_567, %shift_left3A_591 : vector<16xi32>
        %bitcast_convert_type3A_593 = tpu.bitcast %shift_left3A_592 : vector<16xi32> -> vector<16xf32>
        %shift_left3A_594 = arith.constant 16 : i32
        %shift_left3A_595 = vector.broadcast %shift_left3A_594 : i32 to vector<16xi32>
        %shift_left3A_596 = arith.shli %get3A_570, %shift_left3A_595 : vector<16xi32>
        %bitcast_convert_type3A_597 = tpu.bitcast %shift_left3A_596 : vector<16xi32> -> vector<16xf32>
        %shift_left3A_598 = arith.constant 16 : i32
        %shift_left3A_599 = vector.broadcast %shift_left3A_598 : i32 to vector<16xi32>
        %shift_left3A_600 = arith.shli %get3A_573, %shift_left3A_599 : vector<16xi32>
        %bitcast_convert_type3A_601 = tpu.bitcast %shift_left3A_600 : vector<16xi32> -> vector<16xf32>
        %shift_left3A_602 = arith.constant 16 : i32
        %shift_left3A_603 = vector.broadcast %shift_left3A_602 : i32 to vector<16xi32>
        %shift_left3A_604 = arith.shli %get3A_576, %shift_left3A_603 : vector<16xi32>
        %bitcast_convert_type3A_605 = tpu.bitcast %shift_left3A_604 : vector<16xi32> -> vector<16xf32>
        %shift_left3A_606 = arith.constant 16 : i32
        %shift_left3A_607 = vector.broadcast %shift_left3A_606 : i32 to vector<16xi32>
        %shift_left3A_608 = arith.shli %get3A_579, %shift_left3A_607 : vector<16xi32>
        %bitcast_convert_type3A_609 = tpu.bitcast %shift_left3A_608 : vector<16xi32> -> vector<16xf32>
        %and3A_610 = arith.constant -65536 : i32
        %and3A_611 = vector.broadcast %and3A_610 : i32 to vector<16xi32>
        %and3A_612 = arith.andi %get3A_558, %and3A_611 : vector<16xi32>
        %bitcast_convert_type3A_613 = tpu.bitcast %and3A_612 : vector<16xi32> -> vector<16xf32>
        %and3A_614 = arith.constant -65536 : i32
        %and3A_615 = vector.broadcast %and3A_614 : i32 to vector<16xi32>
        %and3A_616 = arith.andi %get3A_561, %and3A_615 : vector<16xi32>
        %bitcast_convert_type3A_617 = tpu.bitcast %and3A_616 : vector<16xi32> -> vector<16xf32>
        %and3A_618 = arith.constant -65536 : i32
        %and3A_619 = vector.broadcast %and3A_618 : i32 to vector<16xi32>
        %and3A_620 = arith.andi %get3A_564, %and3A_619 : vector<16xi32>
        %bitcast_convert_type3A_621 = tpu.bitcast %and3A_620 : vector<16xi32> -> vector<16xf32>
        %and3A_622 = arith.constant -65536 : i32
        %and3A_623 = vector.broadcast %and3A_622 : i32 to vector<16xi32>
        %and3A_624 = arith.andi %get3A_567, %and3A_623 : vector<16xi32>
        %bitcast_convert_type3A_625 = tpu.bitcast %and3A_624 : vector<16xi32> -> vector<16xf32>
        %and3A_626 = arith.constant -65536 : i32
        %and3A_627 = vector.broadcast %and3A_626 : i32 to vector<16xi32>
        %and3A_628 = arith.andi %get3A_570, %and3A_627 : vector<16xi32>
        %bitcast_convert_type3A_629 = tpu.bitcast %and3A_628 : vector<16xi32> -> vector<16xf32>
        %and3A_630 = arith.constant -65536 : i32
        %and3A_631 = vector.broadcast %and3A_630 : i32 to vector<16xi32>
        %and3A_632 = arith.andi %get3A_573, %and3A_631 : vector<16xi32>
        %bitcast_convert_type3A_633 = tpu.bitcast %and3A_632 : vector<16xi32> -> vector<16xf32>
        %and3A_634 = arith.constant -65536 : i32
        %and3A_635 = vector.broadcast %and3A_634 : i32 to vector<16xi32>
        %and3A_636 = arith.andi %get3A_576, %and3A_635 : vector<16xi32>
        %bitcast_convert_type3A_637 = tpu.bitcast %and3A_636 : vector<16xi32> -> vector<16xf32>
        %and3A_638 = arith.constant -65536 : i32
        %and3A_639 = vector.broadcast %and3A_638 : i32 to vector<16xi32>
        %and3A_640 = arith.andi %get3A_579, %and3A_639 : vector<16xi32>
        %bitcast_convert_type3A_641 = tpu.bitcast %and3A_640 : vector<16xi32> -> vector<16xf32>
        %mul3A_642 = arith.constant 2 : i32
        %mul3A_643 = arith.muli %mul3A_642, %scan3A_555 : i32
        %mul3A_644 = arith.constant 2 : i32
        %mul3A_645 = arith.muli %mul3A_644, %scan3A_555 : i32
        %add3A_646 = arith.constant 1 : i32
        %add3A_647 = arith.addi %mul3A_645, %add3A_646 : i32
        %get3A_648 = arith.index_cast %mul3A_643 : i32 to index
        %get3A_649 = arith.constant 0 : index
        %get3A_650 = tpu.vector_load %arg11[%get3A_648, %get3A_649] {strides = array<i32>} : memref<40x128xf32, #tpu.memory_space<vmem>>, vector<16xf32>,
        %get3A_651 = arith.index_cast %mul3A_643 : i32 to index
        %get3A_652 = arith.constant 16 : index
        %get3A_653 = tpu.vector_load %arg11[%get3A_651, %get3A_652] {strides = array<i32>} : memref<40x128xf32, #tpu.memory_space<vmem>>, vector<16xf32>,
        %get3A_654 = arith.index_cast %mul3A_643 : i32 to index
        %get3A_655 = arith.constant 32 : index
        %get3A_656 = tpu.vector_load %arg11[%get3A_654, %get3A_655] {strides = array<i32>} : memref<40x128xf32, #tpu.memory_space<vmem>>, vector<16xf32>,
        %get3A_657 = arith.index_cast %mul3A_643 : i32 to index
        %get3A_658 = arith.constant 48 : index
        %get3A_659 = tpu.vector_load %arg11[%get3A_657, %get3A_658] {strides = array<i32>} : memref<40x128xf32, #tpu.memory_space<vmem>>, vector<16xf32>,
        %get3A_660 = arith.index_cast %mul3A_643 : i32 to index
        %get3A_661 = arith.constant 64 : index
        %get3A_662 = tpu.vector_load %arg11[%get3A_660, %get3A_661] {strides = array<i32>} : memref<40x128xf32, #tpu.memory_space<vmem>>, vector<16xf32>,
        %get3A_663 = arith.index_cast %mul3A_643 : i32 to index
        %get3A_664 = arith.constant 80 : index
        %get3A_665 = tpu.vector_load %arg11[%get3A_663, %get3A_664] {strides = array<i32>} : memref<40x128xf32, #tpu.memory_space<vmem>>, vector<16xf32>,
        %get3A_666 = arith.index_cast %mul3A_643 : i32 to index
        %get3A_667 = arith.constant 96 : index
        %get3A_668 = tpu.vector_load %arg11[%get3A_666, %get3A_667] {strides = array<i32>} : memref<40x128xf32, #tpu.memory_space<vmem>>, vector<16xf32>,
        %get3A_669 = arith.index_cast %mul3A_643 : i32 to index
        %get3A_670 = arith.constant 112 : index
        %get3A_671 = tpu.vector_load %arg11[%get3A_669, %get3A_670] {strides = array<i32>} : memref<40x128xf32, #tpu.memory_space<vmem>>, vector<16xf32>,
        %get3A_672 = arith.index_cast %mul3A_643 : i32 to index
        %get3A_673 = arith.constant 0 : index
        %get3A_674 = tpu.vector_load %arg13[%get3A_672, %get3A_673] {strides = array<i32>} : memref<40x128xf32, #tpu.memory_space<vmem>>, vector<16xf32>,
        %add3A_675 = arith.addf %get3A_650, %get3A_674 : vector<16xf32>
        %add3A_676 = arith.addf %add3A_675, %bitcast_convert_type3A : vector<16xf32>
        %mul3A_677 = arith.constant 2.000000e-01 : f32
        %mul3A_678 = vector.broadcast %mul3A_677 : f32 to vector<16xf32>
        %mul3A_679 = arith.mulf %mul3A_678, %add3A_676 : vector<16xf32>
        %max3A = arith.maximumf %add3A_676, %mul3A_679 : vector<16xf32>
        %mul3A_680 = arith.mulf %max3A, %get3A_14 : vector<16xf32>
        %add3A_681 = arith.addf %broadcast_in_dim3A_1, %mul3A_680 : vector<16xf32>
        %get3A_682 = arith.index_cast %mul3A_643 : i32 to index
        %get3A_683 = arith.constant 16 : index
        %get3A_684 = tpu.vector_load %arg13[%get3A_682, %get3A_683] {strides = array<i32>} : memref<40x128xf32, #tpu.memory_space<vmem>>, vector<16xf32>,
        %add3A_685 = arith.addf %get3A_653, %get3A_684 : vector<16xf32>
        %add3A_686 = arith.addf %add3A_685, %bitcast_convert_type3A_585 : vector<16xf32>
        %mul3A_687 = arith.constant 2.000000e-01 : f32
        %mul3A_688 = vector.broadcast %mul3A_687 : f32 to vector<16xf32>
        %mul3A_689 = arith.mulf %mul3A_688, %add3A_686 : vector<16xf32>
        %max3A_690 = arith.maximumf %add3A_686, %mul3A_689 : vector<16xf32>
        %mul3A_691 = arith.mulf %max3A_690, %get3A_16 : vector<16xf32>
        %add3A_692 = arith.addf %add3A_681, %mul3A_691 : vector<16xf32>
        %get3A_693 = arith.index_cast %mul3A_643 : i32 to index
        %get3A_694 = arith.constant 32 : index
        %get3A_695 = tpu.vector_load %arg13[%get3A_693, %get3A_694] {strides = array<i32>} : memref<40x128xf32, #tpu.memory_space<vmem>>, vector<16xf32>,
        %add3A_696 = arith.addf %get3A_656, %get3A_695 : vector<16xf32>
        %add3A_697 = arith.addf %add3A_696, %bitcast_convert_type3A_589 : vector<16xf32>
        %mul3A_698 = arith.constant 2.000000e-01 : f32
        %mul3A_699 = vector.broadcast %mul3A_698 : f32 to vector<16xf32>
        %mul3A_700 = arith.mulf %mul3A_699, %add3A_697 : vector<16xf32>
        %max3A_701 = arith.maximumf %add3A_697, %mul3A_700 : vector<16xf32>
        %mul3A_702 = arith.mulf %max3A_701, %get3A_18 : vector<16xf32>
        %add3A_703 = arith.addf %add3A_692, %mul3A_702 : vector<16xf32>
        %get3A_704 = arith.index_cast %mul3A_643 : i32 to index
        %get3A_705 = arith.constant 48 : index
        %get3A_706 = tpu.vector_load %arg13[%get3A_704, %get3A_705] {strides = array<i32>} : memref<40x128xf32, #tpu.memory_space<vmem>>, vector<16xf32>,
        %add3A_707 = arith.addf %get3A_659, %get3A_706 : vector<16xf32>
        %add3A_708 = arith.addf %add3A_707, %bitcast_convert_type3A_593 : vector<16xf32>
        %mul3A_709 = arith.constant 2.000000e-01 : f32
        %mul3A_710 = vector.broadcast %mul3A_709 : f32 to vector<16xf32>
        %mul3A_711 = arith.mulf %mul3A_710, %add3A_708 : vector<16xf32>
        %max3A_712 = arith.maximumf %add3A_708, %mul3A_711 : vector<16xf32>
        %mul3A_713 = arith.mulf %max3A_712, %get3A_20 : vector<16xf32>
        %add3A_714 = arith.addf %add3A_703, %mul3A_713 : vector<16xf32>
        %get3A_715 = arith.index_cast %mul3A_643 : i32 to index
        %get3A_716 = arith.constant 64 : index
        %get3A_717 = tpu.vector_load %arg13[%get3A_715, %get3A_716] {strides = array<i32>} : memref<40x128xf32, #tpu.memory_space<vmem>>, vector<16xf32>,
        %add3A_718 = arith.addf %get3A_662, %get3A_717 : vector<16xf32>
        %add3A_719 = arith.addf %add3A_718, %bitcast_convert_type3A_597 : vector<16xf32>
        %mul3A_720 = arith.constant 2.000000e-01 : f32
        %mul3A_721 = vector.broadcast %mul3A_720 : f32 to vector<16xf32>
        %mul3A_722 = arith.mulf %mul3A_721, %add3A_719 : vector<16xf32>
        %max3A_723 = arith.maximumf %add3A_719, %mul3A_722 : vector<16xf32>
        %mul3A_724 = arith.mulf %max3A_723, %get3A_22 : vector<16xf32>
        %add3A_725 = arith.addf %add3A_714, %mul3A_724 : vector<16xf32>
        %get3A_726 = arith.index_cast %mul3A_643 : i32 to index
        %get3A_727 = arith.constant 80 : index
        %get3A_728 = tpu.vector_load %arg13[%get3A_726, %get3A_727] {strides = array<i32>} : memref<40x128xf32, #tpu.memory_space<vmem>>, vector<16xf32>,
        %add3A_729 = arith.addf %get3A_665, %get3A_728 : vector<16xf32>
        %add3A_730 = arith.addf %add3A_729, %bitcast_convert_type3A_601 : vector<16xf32>
        %mul3A_731 = arith.constant 2.000000e-01 : f32
        %mul3A_732 = vector.broadcast %mul3A_731 : f32 to vector<16xf32>
        %mul3A_733 = arith.mulf %mul3A_732, %add3A_730 : vector<16xf32>
        %max3A_734 = arith.maximumf %add3A_730, %mul3A_733 : vector<16xf32>
        %mul3A_735 = arith.mulf %max3A_734, %get3A_24 : vector<16xf32>
        %add3A_736 = arith.addf %add3A_725, %mul3A_735 : vector<16xf32>
        %get3A_737 = arith.index_cast %mul3A_643 : i32 to index
        %get3A_738 = arith.constant 96 : index
        %get3A_739 = tpu.vector_load %arg13[%get3A_737, %get3A_738] {strides = array<i32>} : memref<40x128xf32, #tpu.memory_space<vmem>>, vector<16xf32>,
        %add3A_740 = arith.addf %get3A_668, %get3A_739 : vector<16xf32>
        %add3A_741 = arith.addf %add3A_740, %bitcast_convert_type3A_605 : vector<16xf32>
        %mul3A_742 = arith.constant 2.000000e-01 : f32
        %mul3A_743 = vector.broadcast %mul3A_742 : f32 to vector<16xf32>
        %mul3A_744 = arith.mulf %mul3A_743, %add3A_741 : vector<16xf32>
        %max3A_745 = arith.maximumf %add3A_741, %mul3A_744 : vector<16xf32>
        %mul3A_746 = arith.mulf %max3A_745, %get3A_26 : vector<16xf32>
        %add3A_747 = arith.addf %add3A_736, %mul3A_746 : vector<16xf32>
        %get3A_748 = arith.index_cast %mul3A_643 : i32 to index
        %get3A_749 = arith.constant 112 : index
        %get3A_750 = tpu.vector_load %arg13[%get3A_748, %get3A_749] {strides = array<i32>} : memref<40x128xf32, #tpu.memory_space<vmem>>, vector<16xf32>,
        %add3A_751 = arith.addf %get3A_671, %get3A_750 : vector<16xf32>
        %add3A_752 = arith.addf %add3A_751, %bitcast_convert_type3A_609 : vector<16xf32>
        %mul3A_753 = arith.constant 2.000000e-01 : f32
        %mul3A_754 = vector.broadcast %mul3A_753 : f32 to vector<16xf32>
        %mul3A_755 = arith.mulf %mul3A_754, %add3A_752 : vector<16xf32>
        %max3A_756 = arith.maximumf %add3A_752, %mul3A_755 : vector<16xf32>
        %mul3A_757 = arith.mulf %max3A_756, %get3A_28 : vector<16xf32>
        %add3A_758 = arith.addf %add3A_747, %mul3A_757 : vector<16xf32>
        %reduce_sum3A = arith.constant true
        %reduce_sum3A_759 = vector.broadcast %reduce_sum3A : i1 to vector<16xi1>
        %reduce_sum3A_760 = tpu.scan <sum>, %add3A_758 masked %reduce_sum3A_759 : vector<16xf32>, vector<16xi1> -> vector<16xf32>
        %reduce_sum3A_761 = vector.extract %reduce_sum3A_760[15] : f32 from vector<16xf32>
        %broadcast_in_dim3A_762 = vector.broadcast %reduce_sum3A_761 : f32 to vector<16xf32>
        %exp3A = math.exp %broadcast_in_dim3A_762 : vector<16xf32>
        %swap3A = arith.index_cast %mul3A_643 : i32 to index
        %swap3A_763 = arith.constant 120 : index
        %swap3A_764 = tpu.vector_load %arg17[%swap3A, %swap3A_763] {strides = array<i32>} : memref<40x136xf32, #tpu.memory_space<vmem>>, vector<16xf32>,
        tpu.vector_store %arg17[%swap3A, %swap3A_763], %exp3A {strides = array<i32>} : memref<40x136xf32, #tpu.memory_space<vmem>>, vector<16xf32>,
        %mul3A_765 = arith.mulf %get3A_650, %exp3A : vector<16xf32>
        %swap3A_766 = arith.index_cast %mul3A_643 : i32 to index
        %swap3A_767 = arith.constant 0 : index
        %swap3A_768 = tpu.vector_load %arg17[%swap3A_766, %swap3A_767] {strides = array<i32>} : memref<40x136xf32, #tpu.memory_space<vmem>>, vector<16xf32>,
        tpu.vector_store %arg17[%swap3A_766, %swap3A_767], %mul3A_765 {strides = array<i32>} : memref<40x136xf32, #tpu.memory_space<vmem>>, vector<16xf32>,
        %mul3A_769 = arith.mulf %get3A_653, %exp3A : vector<16xf32>
        %swap3A_770 = arith.index_cast %mul3A_643 : i32 to index
        %swap3A_771 = arith.constant 16 : index
        %swap3A_772 = tpu.vector_load %arg17[%swap3A_770, %swap3A_771] {strides = array<i32>} : memref<40x136xf32, #tpu.memory_space<vmem>>, vector<16xf32>,
        tpu.vector_store %arg17[%swap3A_770, %swap3A_771], %mul3A_769 {strides = array<i32>} : memref<40x136xf32, #tpu.memory_space<vmem>>, vector<16xf32>,
        %mul3A_773 = arith.mulf %get3A_656, %exp3A : vector<16xf32>
        %swap3A_774 = arith.index_cast %mul3A_643 : i32 to index
        %swap3A_775 = arith.constant 32 : index
        %swap3A_776 = tpu.vector_load %arg17[%swap3A_774, %swap3A_775] {strides = array<i32>} : memref<40x136xf32, #tpu.memory_space<vmem>>, vector<16xf32>,
        tpu.vector_store %arg17[%swap3A_774, %swap3A_775], %mul3A_773 {strides = array<i32>} : memref<40x136xf32, #tpu.memory_space<vmem>>, vector<16xf32>,
        %mul3A_777 = arith.mulf %get3A_659, %exp3A : vector<16xf32>
        %swap3A_778 = arith.index_cast %mul3A_643 : i32 to index
        %swap3A_779 = arith.constant 48 : index
        %swap3A_780 = tpu.vector_load %arg17[%swap3A_778, %swap3A_779] {strides = array<i32>} : memref<40x136xf32, #tpu.memory_space<vmem>>, vector<16xf32>,
        tpu.vector_store %arg17[%swap3A_778, %swap3A_779], %mul3A_777 {strides = array<i32>} : memref<40x136xf32, #tpu.memory_space<vmem>>, vector<16xf32>,
        %mul3A_781 = arith.mulf %get3A_662, %exp3A : vector<16xf32>
        %swap3A_782 = arith.index_cast %mul3A_643 : i32 to index
        %swap3A_783 = arith.constant 64 : index
        %swap3A_784 = tpu.vector_load %arg17[%swap3A_782, %swap3A_783] {strides = array<i32>} : memref<40x136xf32, #tpu.memory_space<vmem>>, vector<16xf32>,
        tpu.vector_store %arg17[%swap3A_782, %swap3A_783], %mul3A_781 {strides = array<i32>} : memref<40x136xf32, #tpu.memory_space<vmem>>, vector<16xf32>,
        %mul3A_785 = arith.mulf %get3A_665, %exp3A : vector<16xf32>
        %swap3A_786 = arith.index_cast %mul3A_643 : i32 to index
        %swap3A_787 = arith.constant 80 : index
        %swap3A_788 = tpu.vector_load %arg17[%swap3A_786, %swap3A_787] {strides = array<i32>} : memref<40x136xf32, #tpu.memory_space<vmem>>, vector<16xf32>,
        tpu.vector_store %arg17[%swap3A_786, %swap3A_787], %mul3A_785 {strides = array<i32>} : memref<40x136xf32, #tpu.memory_space<vmem>>, vector<16xf32>,
        %mul3A_789 = arith.mulf %get3A_668, %exp3A : vector<16xf32>
        %swap3A_790 = arith.index_cast %mul3A_643 : i32 to index
        %swap3A_791 = arith.constant 96 : index
        %swap3A_792 = tpu.vector_load %arg17[%swap3A_790, %swap3A_791] {strides = array<i32>} : memref<40x136xf32, #tpu.memory_space<vmem>>, vector<16xf32>,
        tpu.vector_store %arg17[%swap3A_790, %swap3A_791], %mul3A_789 {strides = array<i32>} : memref<40x136xf32, #tpu.memory_space<vmem>>, vector<16xf32>,
        %mul3A_793 = arith.mulf %get3A_671, %exp3A : vector<16xf32>
        %swap3A_794 = arith.index_cast %mul3A_643 : i32 to index
        %swap3A_795 = arith.constant 112 : index
        %swap3A_796 = tpu.vector_load %arg17[%swap3A_794, %swap3A_795] {strides = array<i32>} : memref<40x136xf32, #tpu.memory_space<vmem>>, vector<16xf32>,
        tpu.vector_store %arg17[%swap3A_794, %swap3A_795], %mul3A_793 {strides = array<i32>} : memref<40x136xf32, #tpu.memory_space<vmem>>, vector<16xf32>,
        %get3A_797 = arith.index_cast %add3A_647 : i32 to index
        %get3A_798 = arith.constant 0 : index
        %get3A_799 = tpu.vector_load %arg11[%get3A_797, %get3A_798] {strides = array<i32>} : memref<40x128xf32, #tpu.memory_space<vmem>>, vector<16xf32>,
        %get3A_800 = arith.index_cast %add3A_647 : i32 to index
        %get3A_801 = arith.constant 16 : index
        %get3A_802 = tpu.vector_load %arg11[%get3A_800, %get3A_801] {strides = array<i32>} : memref<40x128xf32, #tpu.memory_space<vmem>>, vector<16xf32>,
        %get3A_803 = arith.index_cast %add3A_647 : i32 to index
        %get3A_804 = arith.constant 32 : index
        %get3A_805 = tpu.vector_load %arg11[%get3A_803, %get3A_804] {strides = array<i32>} : memref<40x128xf32, #tpu.memory_space<vmem>>, vector<16xf32>,
        %get3A_806 = arith.index_cast %add3A_647 : i32 to index
        %get3A_807 = arith.constant 48 : index
        %get3A_808 = tpu.vector_load %arg11[%get3A_806, %get3A_807] {strides = array<i32>} : memref<40x128xf32, #tpu.memory_space<vmem>>, vector<16xf32>,
        %get3A_809 = arith.index_cast %add3A_647 : i32 to index
        %get3A_810 = arith.constant 64 : index
        %get3A_811 = tpu.vector_load %arg11[%get3A_809, %get3A_810] {strides = array<i32>} : memref<40x128xf32, #tpu.memory_space<vmem>>, vector<16xf32>,
        %get3A_812 = arith.index_cast %add3A_647 : i32 to index
        %get3A_813 = arith.constant 80 : index
        %get3A_814 = tpu.vector_load %arg11[%get3A_812, %get3A_813] {strides = array<i32>} : memref<40x128xf32, #tpu.memory_space<vmem>>, vector<16xf32>,
        %get3A_815 = arith.index_cast %add3A_647 : i32 to index
        %get3A_816 = arith.constant 96 : index
        %get3A_817 = tpu.vector_load %arg11[%get3A_815, %get3A_816] {strides = array<i32>} : memref<40x128xf32, #tpu.memory_space<vmem>>, vector<16xf32>,
        %get3A_818 = arith.index_cast %add3A_647 : i32 to index
        %get3A_819 = arith.constant 112 : index
        %get3A_820 = tpu.vector_load %arg11[%get3A_818, %get3A_819] {strides = array<i32>} : memref<40x128xf32, #tpu.memory_space<vmem>>, vector<16xf32>,
        %get3A_821 = arith.index_cast %add3A_647 : i32 to index
        %get3A_822 = arith.constant 0 : index
        %get3A_823 = tpu.vector_load %arg13[%get3A_821, %get3A_822] {strides = array<i32>} : memref<40x128xf32, #tpu.memory_space<vmem>>, vector<16xf32>,
        %add3A_824 = arith.addf %get3A_799, %get3A_823 : vector<16xf32>
        %add3A_825 = arith.addf %add3A_824, %bitcast_convert_type3A_613 : vector<16xf32>
        %mul3A_826 = arith.constant 2.000000e-01 : f32
        %mul3A_827 = vector.broadcast %mul3A_826 : f32 to vector<16xf32>
        %mul3A_828 = arith.mulf %mul3A_827, %add3A_825 : vector<16xf32>
        %max3A_829 = arith.maximumf %add3A_825, %mul3A_828 : vector<16xf32>
        %mul3A_830 = arith.mulf %max3A_829, %get3A_14 : vector<16xf32>
        %add3A_831 = arith.addf %broadcast_in_dim3A_1, %mul3A_830 : vector<16xf32>
        %get3A_832 = arith.index_cast %add3A_647 : i32 to index
        %get3A_833 = arith.constant 16 : index
        %get3A_834 = tpu.vector_load %arg13[%get3A_832, %get3A_833] {strides = array<i32>} : memref<40x128xf32, #tpu.memory_space<vmem>>, vector<16xf32>,
        %add3A_835 = arith.addf %get3A_802, %get3A_834 : vector<16xf32>
        %add3A_836 = arith.addf %add3A_835, %bitcast_convert_type3A_617 : vector<16xf32>
        %mul3A_837 = arith.constant 2.000000e-01 : f32
        %mul3A_838 = vector.broadcast %mul3A_837 : f32 to vector<16xf32>
        %mul3A_839 = arith.mulf %mul3A_838, %add3A_836 : vector<16xf32>
        %max3A_840 = arith.maximumf %add3A_836, %mul3A_839 : vector<16xf32>
        %mul3A_841 = arith.mulf %max3A_840, %get3A_16 : vector<16xf32>
        %add3A_842 = arith.addf %add3A_831, %mul3A_841 : vector<16xf32>
        %get3A_843 = arith.index_cast %add3A_647 : i32 to index
        %get3A_844 = arith.constant 32 : index
        %get3A_845 = tpu.vector_load %arg13[%get3A_843, %get3A_844] {strides = array<i32>} : memref<40x128xf32, #tpu.memory_space<vmem>>, vector<16xf32>,
        %add3A_846 = arith.addf %get3A_805, %get3A_845 : vector<16xf32>
        %add3A_847 = arith.addf %add3A_846, %bitcast_convert_type3A_621 : vector<16xf32>
        %mul3A_848 = arith.constant 2.000000e-01 : f32
        %mul3A_849 = vector.broadcast %mul3A_848 : f32 to vector<16xf32>
        %mul3A_850 = arith.mulf %mul3A_849, %add3A_847 : vector<16xf32>
        %max3A_851 = arith.maximumf %add3A_847, %mul3A_850 : vector<16xf32>
        %mul3A_852 = arith.mulf %max3A_851, %get3A_18 : vector<16xf32>
        %add3A_853 = arith.addf %add3A_842, %mul3A_852 : vector<16xf32>
        %get3A_854 = arith.index_cast %add3A_647 : i32 to index
        %get3A_855 = arith.constant 48 : index
        %get3A_856 = tpu.vector_load %arg13[%get3A_854, %get3A_855] {strides = array<i32>} : memref<40x128xf32, #tpu.memory_space<vmem>>, vector<16xf32>,
        %add3A_857 = arith.addf %get3A_808, %get3A_856 : vector<16xf32>
        %add3A_858 = arith.addf %add3A_857, %bitcast_convert_type3A_625 : vector<16xf32>
        %mul3A_859 = arith.constant 2.000000e-01 : f32
        %mul3A_860 = vector.broadcast %mul3A_859 : f32 to vector<16xf32>
        %mul3A_861 = arith.mulf %mul3A_860, %add3A_858 : vector<16xf32>
        %max3A_862 = arith.maximumf %add3A_858, %mul3A_861 : vector<16xf32>
        %mul3A_863 = arith.mulf %max3A_862, %get3A_20 : vector<16xf32>
        %add3A_864 = arith.addf %add3A_853, %mul3A_863 : vector<16xf32>
        %get3A_865 = arith.index_cast %add3A_647 : i32 to index
        %get3A_866 = arith.constant 64 : index
        %get3A_867 = tpu.vector_load %arg13[%get3A_865, %get3A_866] {strides = array<i32>} : memref<40x128xf32, #tpu.memory_space<vmem>>, vector<16xf32>,
        %add3A_868 = arith.addf %get3A_811, %get3A_867 : vector<16xf32>
        %add3A_869 = arith.addf %add3A_868, %bitcast_convert_type3A_629 : vector<16xf32>
        %mul3A_870 = arith.constant 2.000000e-01 : f32
        %mul3A_871 = vector.broadcast %mul3A_870 : f32 to vector<16xf32>
        %mul3A_872 = arith.mulf %mul3A_871, %add3A_869 : vector<16xf32>
        %max3A_873 = arith.maximumf %add3A_869, %mul3A_872 : vector<16xf32>
        %mul3A_874 = arith.mulf %max3A_873, %get3A_22 : vector<16xf32>
        %add3A_875 = arith.addf %add3A_864, %mul3A_874 : vector<16xf32>
        %get3A_876 = arith.index_cast %add3A_647 : i32 to index
        %get3A_877 = arith.constant 80 : index
        %get3A_878 = tpu.vector_load %arg13[%get3A_876, %get3A_877] {strides = array<i32>} : memref<40x128xf32, #tpu.memory_space<vmem>>, vector<16xf32>,
        %add3A_879 = arith.addf %get3A_814, %get3A_878 : vector<16xf32>
        %add3A_880 = arith.addf %add3A_879, %bitcast_convert_type3A_633 : vector<16xf32>
        %mul3A_881 = arith.constant 2.000000e-01 : f32
        %mul3A_882 = vector.broadcast %mul3A_881 : f32 to vector<16xf32>
        %mul3A_883 = arith.mulf %mul3A_882, %add3A_880 : vector<16xf32>
        %max3A_884 = arith.maximumf %add3A_880, %mul3A_883 : vector<16xf32>
        %mul3A_885 = arith.mulf %max3A_884, %get3A_24 : vector<16xf32>
        %add3A_886 = arith.addf %add3A_875, %mul3A_885 : vector<16xf32>
        %get3A_887 = arith.index_cast %add3A_647 : i32 to index
        %get3A_888 = arith.constant 96 : index
        %get3A_889 = tpu.vector_load %arg13[%get3A_887, %get3A_888] {strides = array<i32>} : memref<40x128xf32, #tpu.memory_space<vmem>>, vector<16xf32>,
        %add3A_890 = arith.addf %get3A_817, %get3A_889 : vector<16xf32>
        %add3A_891 = arith.addf %add3A_890, %bitcast_convert_type3A_637 : vector<16xf32>
        %mul3A_892 = arith.constant 2.000000e-01 : f32
        %mul3A_893 = vector.broadcast %mul3A_892 : f32 to vector<16xf32>
        %mul3A_894 = arith.mulf %mul3A_893, %add3A_891 : vector<16xf32>
        %max3A_895 = arith.maximumf %add3A_891, %mul3A_894 : vector<16xf32>
        %mul3A_896 = arith.mulf %max3A_895, %get3A_26 : vector<16xf32>
        %add3A_897 = arith.addf %add3A_886, %mul3A_896 : vector<16xf32>
        %get3A_898 = arith.index_cast %add3A_647 : i32 to index
        %get3A_899 = arith.constant 112 : index
        %get3A_900 = tpu.vector_load %arg13[%get3A_898, %get3A_899] {strides = array<i32>} : memref<40x128xf32, #tpu.memory_space<vmem>>, vector<16xf32>,
        %add3A_901 = arith.addf %get3A_820, %get3A_900 : vector<16xf32>
        %add3A_902 = arith.addf %add3A_901, %bitcast_convert_type3A_641 : vector<16xf32>
        %mul3A_903 = arith.constant 2.000000e-01 : f32
        %mul3A_904 = vector.broadcast %mul3A_903 : f32 to vector<16xf32>
        %mul3A_905 = arith.mulf %mul3A_904, %add3A_902 : vector<16xf32>
        %max3A_906 = arith.maximumf %add3A_902, %mul3A_905 : vector<16xf32>
        %mul3A_907 = arith.mulf %max3A_906, %get3A_28 : vector<16xf32>
        %add3A_908 = arith.addf %add3A_897, %mul3A_907 : vector<16xf32>
        %reduce_sum3A_909 = arith.constant true
        %reduce_sum3A_910 = vector.broadcast %reduce_sum3A_909 : i1 to vector<16xi1>
        %reduce_sum3A_911 = tpu.scan <sum>, %add3A_908 masked %reduce_sum3A_910 : vector<16xf32>, vector<16xi1> -> vector<16xf32>
        %reduce_sum3A_912 = vector.extract %reduce_sum3A_911[15] : f32 from vector<16xf32>
        %broadcast_in_dim3A_913 = vector.broadcast %reduce_sum3A_912 : f32 to vector<16xf32>
        %exp3A_914 = math.exp %broadcast_in_dim3A_913 : vector<16xf32>
        %swap3A_915 = arith.index_cast %add3A_647 : i32 to index
        %swap3A_916 = arith.constant 120 : index
        %swap3A_917 = tpu.vector_load %arg17[%swap3A_915, %swap3A_916] {strides = array<i32>} : memref<40x136xf32, #tpu.memory_space<vmem>>, vector<16xf32>,
        tpu.vector_store %arg17[%swap3A_915, %swap3A_916], %exp3A_914 {strides = array<i32>} : memref<40x136xf32, #tpu.memory_space<vmem>>, vector<16xf32>,
        %mul3A_918 = arith.mulf %get3A_799, %exp3A_914 : vector<16xf32>
        %swap3A_919 = arith.index_cast %add3A_647 : i32 to index
        %swap3A_920 = arith.constant 0 : index
        %swap3A_921 = tpu.vector_load %arg17[%swap3A_919, %swap3A_920] {strides = array<i32>} : memref<40x136xf32, #tpu.memory_space<vmem>>, vector<16xf32>,
        tpu.vector_store %arg17[%swap3A_919, %swap3A_920], %mul3A_918 {strides = array<i32>} : memref<40x136xf32, #tpu.memory_space<vmem>>, vector<16xf32>,
        %mul3A_922 = arith.mulf %get3A_802, %exp3A_914 : vector<16xf32>
        %swap3A_923 = arith.index_cast %add3A_647 : i32 to index
        %swap3A_924 = arith.constant 16 : index
        %swap3A_925 = tpu.vector_load %arg17[%swap3A_923, %swap3A_924] {strides = array<i32>} : memref<40x136xf32, #tpu.memory_space<vmem>>, vector<16xf32>,
        tpu.vector_store %arg17[%swap3A_923, %swap3A_924], %mul3A_922 {strides = array<i32>} : memref<40x136xf32, #tpu.memory_space<vmem>>, vector<16xf32>,
        %mul3A_926 = arith.mulf %get3A_805, %exp3A_914 : vector<16xf32>
        %swap3A_927 = arith.index_cast %add3A_647 : i32 to index
        %swap3A_928 = arith.constant 32 : index
        %swap3A_929 = tpu.vector_load %arg17[%swap3A_927, %swap3A_928] {strides = array<i32>} : memref<40x136xf32, #tpu.memory_space<vmem>>, vector<16xf32>,
        tpu.vector_store %arg17[%swap3A_927, %swap3A_928], %mul3A_926 {strides = array<i32>} : memref<40x136xf32, #tpu.memory_space<vmem>>, vector<16xf32>,
        %mul3A_930 = arith.mulf %get3A_808, %exp3A_914 : vector<16xf32>
        %swap3A_931 = arith.index_cast %add3A_647 : i32 to index
        %swap3A_932 = arith.constant 48 : index
        %swap3A_933 = tpu.vector_load %arg17[%swap3A_931, %swap3A_932] {strides = array<i32>} : memref<40x136xf32, #tpu.memory_space<vmem>>, vector<16xf32>,
        tpu.vector_store %arg17[%swap3A_931, %swap3A_932], %mul3A_930 {strides = array<i32>} : memref<40x136xf32, #tpu.memory_space<vmem>>, vector<16xf32>,
        %mul3A_934 = arith.mulf %get3A_811, %exp3A_914 : vector<16xf32>
        %swap3A_935 = arith.index_cast %add3A_647 : i32 to index
        %swap3A_936 = arith.constant 64 : index
        %swap3A_937 = tpu.vector_load %arg17[%swap3A_935, %swap3A_936] {strides = array<i32>} : memref<40x136xf32, #tpu.memory_space<vmem>>, vector<16xf32>,
        tpu.vector_store %arg17[%swap3A_935, %swap3A_936], %mul3A_934 {strides = array<i32>} : memref<40x136xf32, #tpu.memory_space<vmem>>, vector<16xf32>,
        %mul3A_938 = arith.mulf %get3A_814, %exp3A_914 : vector<16xf32>
        %swap3A_939 = arith.index_cast %add3A_647 : i32 to index
        %swap3A_940 = arith.constant 80 : index
        %swap3A_941 = tpu.vector_load %arg17[%swap3A_939, %swap3A_940] {strides = array<i32>} : memref<40x136xf32, #tpu.memory_space<vmem>>, vector<16xf32>,
        tpu.vector_store %arg17[%swap3A_939, %swap3A_940], %mul3A_938 {strides = array<i32>} : memref<40x136xf32, #tpu.memory_space<vmem>>, vector<16xf32>,
        %mul3A_942 = arith.mulf %get3A_817, %exp3A_914 : vector<16xf32>
        %swap3A_943 = arith.index_cast %add3A_647 : i32 to index
        %swap3A_944 = arith.constant 96 : index
        %swap3A_945 = tpu.vector_load %arg17[%swap3A_943, %swap3A_944] {strides = array<i32>} : memref<40x136xf32, #tpu.memory_space<vmem>>, vector<16xf32>,
        tpu.vector_store %arg17[%swap3A_943, %swap3A_944], %mul3A_942 {strides = array<i32>} : memref<40x136xf32, #tpu.memory_space<vmem>>, vector<16xf32>,
        %mul3A_946 = arith.mulf %get3A_820, %exp3A_914 : vector<16xf32>
        %swap3A_947 = arith.index_cast %add3A_647 : i32 to index
        %swap3A_948 = arith.constant 112 : index
        %swap3A_949 = tpu.vector_load %arg17[%swap3A_947, %swap3A_948] {strides = array<i32>} : memref<40x136xf32, #tpu.memory_space<vmem>>, vector<16xf32>,
        tpu.vector_store %arg17[%swap3A_947, %swap3A_948], %mul3A_946 {strides = array<i32>} : memref<40x136xf32, #tpu.memory_space<vmem>>, vector<16xf32>,
      }
      %scan3A_241 = arith.constant 20 : i32
      %jit3A_242 = arith.constant 10 : i32
      %div3A_243 = arith.divsi %add3A_109, %jit3A_242 : i32
      %sign3A_244 = arith.constant 0 : i32
      %sign3A_245 = arith.cmpi sgt, %add3A_109, %sign3A_244 : i32
      %sign3A_246 = arith.extui %sign3A_245 : i1 to i32
      %sign3A_247 = arith.constant 0 : i32
      %sign3A_248 = arith.cmpi slt, %add3A_109, %sign3A_247 : i32
      %sign3A_249 = arith.extui %sign3A_248 : i1 to i32
      %sign3A_250 = arith.subi %sign3A_246, %sign3A_249 : i32
      %sign3A_251 = arith.constant 0 : i32
      %sign3A_252 = arith.cmpi sgt, %jit3A_242, %sign3A_251 : i32
      %sign3A_253 = arith.extui %sign3A_252 : i1 to i32
      %sign3A_254 = arith.constant 0 : i32
      %sign3A_255 = arith.cmpi slt, %jit3A_242, %sign3A_254 : i32
      %sign3A_256 = arith.extui %sign3A_255 : i1 to i32
      %sign3A_257 = arith.subi %sign3A_253, %sign3A_256 : i32
      %ne3A_258 = arith.cmpi ne, %sign3A_250, %sign3A_257 : i32
      %rem3A_259 = arith.remsi %add3A_109, %jit3A_242 : i32
      %ne3A_260 = arith.constant 0 : i32
      %ne3A_261 = arith.cmpi ne, %rem3A_259, %ne3A_260 : i32
      %and3A_262 = arith.andi %ne3A_258, %ne3A_261 : i1
      %sub3A_263 = arith.constant 1 : i32
      %sub3A_264 = arith.subi %div3A_243, %sub3A_263 : i32
      %select_n3A_265 = arith.select %and3A_262, %sub3A_264, %div3A_243 : i32
      %jit3A_266 = arith.constant 2 : i32
      %eq3A_267 = arith.constant 0 : i32
      %eq3A_268 = arith.cmpi eq, %jit3A_266, %eq3A_267 : i32
      %jit3A_269 = arith.constant 1 : i32
      %select_n3A_270 = arith.select %eq3A_268, %jit3A_269, %jit3A_266 : i32
      %rem3A_271 = arith.remsi %select_n3A_265, %select_n3A_270 : i32
      %ne3A_272 = arith.constant 0 : i32
      %ne3A_273 = arith.cmpi ne, %rem3A_271, %ne3A_272 : i32
      %lt3A_274 = arith.constant 0 : i32
      %lt3A_275 = arith.cmpi slt, %rem3A_271, %lt3A_274 : i32
      %lt3A_276 = arith.constant 0 : i32
      %lt3A_277 = arith.cmpi slt, %select_n3A_270, %lt3A_276 : i32
      %ne3A_278 = arith.xori %lt3A_275, %lt3A_277 : i1
      %and3A_279 = arith.andi %ne3A_278, %ne3A_273 : i1
      %add3A_280 = arith.addi %rem3A_271, %select_n3A_270 : i32
      %select_n3A_281 = arith.select %and3A_279, %add3A_280, %rem3A_271 : i32
      %jit3A_282 = arith.constant 10 : i32
      %eq3A_283 = arith.constant 0 : i32
      %eq3A_284 = arith.cmpi eq, %jit3A_282, %eq3A_283 : i32
      %jit3A_285 = arith.constant 1 : i32
      %select_n3A_286 = arith.select %eq3A_284, %jit3A_285, %jit3A_282 : i32
      %rem3A_287 = arith.remsi %add3A_109, %select_n3A_286 : i32
      %ne3A_288 = arith.constant 0 : i32
      %ne3A_289 = arith.cmpi ne, %rem3A_287, %ne3A_288 : i32
      %lt3A_290 = arith.constant 0 : i32
      %lt3A_291 = arith.cmpi slt, %rem3A_287, %lt3A_290 : i32
      %lt3A_292 = arith.constant 0 : i32
      %lt3A_293 = arith.cmpi slt, %select_n3A_286, %lt3A_292 : i32
      %ne3A_294 = arith.xori %lt3A_291, %lt3A_293 : i1
      %and3A_295 = arith.andi %ne3A_294, %ne3A_289 : i1
      %add3A_296 = arith.addi %rem3A_287, %select_n3A_286 : i32
      %select_n3A_297 = arith.select %and3A_295, %add3A_296, %rem3A_287 : i32
      %dma_start3A_298 = arith.constant 0 : i32
      %dma_start3A_299 = tpu.memref_slice %arg10[%select_n3A_281, %select_n3A_297, %dma_start3A_298] : memref<2x10x40xi32, #tpu.memory_space<vmem>> -> memref<1x1x40xi32, #tpu.memory_space<vmem>>
      %dma_start3A_300 = tpu.memref_squeeze %dma_start3A_299 : memref<1x1x40xi32, #tpu.memory_space<vmem>> -> memref<40xi32, #tpu.memory_space<vmem>>
      %dma_start3A_301 = arith.constant 0 : i32
      %dma_start3A_302 = arith.constant 0 : i32
      %dma_start3A_303 = tpu.memref_slice %arg20[%dma_start3A_301, %dma_start3A_302] : memref<10000x136xf32, #tpu.memory_space<vmem_shared>> -> memref<10000x136xf32, #tpu.memory_space<vmem_shared>>
      tpu.enqueue_indirect_dma source(%arg17 : memref<40x136xf32, #tpu.memory_space<vmem>>) target(%dma_start3A_303 : memref<10000x136xf32, #tpu.memory_space<vmem_shared>>) offsets(%dma_start3A_300 : memref<40xi32, #tpu.memory_space<vmem>>) semaphore(%arg23 : memref<!tpu.dma_semaphore, #tpu.memory_space<semaphore_mem>>) {add = true}
      %add3A_304 = arith.constant 2 : i32
      %add3A_305 = arith.addi %add3A_109, %add3A_304 : i32
      %lt3A_306 = arith.constant 250 : i32
      %lt3A_307 = arith.cmpi slt, %add3A_305, %lt3A_306 : i32
      %convert_element_type3A_308 = arith.extui %lt3A_307 : i1 to i32
      %cond3A_309 = arith.constant 0 : i32
      %cond3A_310 = arith.cmpi ne, %convert_element_type3A_308, %cond3A_309 : i32
      scf.if %cond3A_310 {
        %add3A_555 = arith.constant 2 : i32
        %add3A_556 = arith.addi %add3A_109, %add3A_555 : i32
        %jit3A_557 = arith.constant 10 : i32
        %eq3A_558 = arith.constant 0 : i32
        %eq3A_559 = arith.cmpi eq, %jit3A_557, %eq3A_558 : i32
        %jit3A_560 = arith.constant 1 : i32
        %select_n3A_561 = arith.select %eq3A_559, %jit3A_560, %jit3A_557 : i32
        %rem3A_562 = arith.remsi %add3A_556, %select_n3A_561 : i32
        %ne3A_563 = arith.constant 0 : i32
        %ne3A_564 = arith.cmpi ne, %rem3A_562, %ne3A_563 : i32
        %lt3A_565 = arith.constant 0 : i32
        %lt3A_566 = arith.cmpi slt, %rem3A_562, %lt3A_565 : i32
        %lt3A_567 = arith.constant 0 : i32
        %lt3A_568 = arith.cmpi slt, %select_n3A_561, %lt3A_567 : i32
        %ne3A_569 = arith.xori %lt3A_566, %lt3A_568 : i1
        %and3A_570 = arith.andi %ne3A_569, %ne3A_564 : i1
        %add3A_571 = arith.addi %rem3A_562, %select_n3A_561 : i32
        %select_n3A_572 = arith.select %and3A_570, %add3A_571, %rem3A_562 : i32
        %eq3A_573 = arith.constant 0 : i32
        %eq3A_574 = arith.cmpi eq, %select_n3A_572, %eq3A_573 : i32
        %convert_element_type3A_575 = arith.extui %eq3A_574 : i1 to i32
        %cond3A_576 = arith.constant 0 : i32
        %cond3A_577 = arith.cmpi ne, %convert_element_type3A_575, %cond3A_576 : i32
        scf.if %cond3A_577 {
          %add3A_714 = arith.constant 2 : i32
          %add3A_715 = arith.addi %add3A_109, %add3A_714 : i32
          %jit3A_716 = arith.constant 10 : i32
          %div3A_717 = arith.divsi %add3A_715, %jit3A_716 : i32
          %sign3A_718 = arith.constant 0 : i32
          %sign3A_719 = arith.cmpi sgt, %add3A_715, %sign3A_718 : i32
          %sign3A_720 = arith.extui %sign3A_719 : i1 to i32
          %sign3A_721 = arith.constant 0 : i32
          %sign3A_722 = arith.cmpi slt, %add3A_715, %sign3A_721 : i32
          %sign3A_723 = arith.extui %sign3A_722 : i1 to i32
          %sign3A_724 = arith.subi %sign3A_720, %sign3A_723 : i32
          %sign3A_725 = arith.constant 0 : i32
          %sign3A_726 = arith.cmpi sgt, %jit3A_716, %sign3A_725 : i32
          %sign3A_727 = arith.extui %sign3A_726 : i1 to i32
          %sign3A_728 = arith.constant 0 : i32
          %sign3A_729 = arith.cmpi slt, %jit3A_716, %sign3A_728 : i32
          %sign3A_730 = arith.extui %sign3A_729 : i1 to i32
          %sign3A_731 = arith.subi %sign3A_727, %sign3A_730 : i32
          %ne3A_732 = arith.cmpi ne, %sign3A_724, %sign3A_731 : i32
          %rem3A_733 = arith.remsi %add3A_715, %jit3A_716 : i32
          %ne3A_734 = arith.constant 0 : i32
          %ne3A_735 = arith.cmpi ne, %rem3A_733, %ne3A_734 : i32
          %and3A_736 = arith.andi %ne3A_732, %ne3A_735 : i1
          %sub3A_737 = arith.constant 1 : i32
          %sub3A_738 = arith.subi %div3A_717, %sub3A_737 : i32
          %select_n3A_739 = arith.select %and3A_736, %sub3A_738, %div3A_717 : i32
          %mul3A_740 = arith.constant 10 : i32
          %mul3A_741 = arith.muli %select_n3A_739, %mul3A_740 : i32
          %jit3A_742 = arith.constant 2 : i32
          %eq3A_743 = arith.constant 0 : i32
          %eq3A_744 = arith.cmpi eq, %jit3A_742, %eq3A_743 : i32
          %jit3A_745 = arith.constant 1 : i32
          %select_n3A_746 = arith.select %eq3A_744, %jit3A_745, %jit3A_742 : i32
          %rem3A_747 = arith.remsi %select_n3A_739, %select_n3A_746 : i32
          %ne3A_748 = arith.constant 0 : i32
          %ne3A_749 = arith.cmpi ne, %rem3A_747, %ne3A_748 : i32
          %lt3A_750 = arith.constant 0 : i32
          %lt3A_751 = arith.cmpi slt, %rem3A_747, %lt3A_750 : i32
          %lt3A_752 = arith.constant 0 : i32
          %lt3A_753 = arith.cmpi slt, %select_n3A_746, %lt3A_752 : i32
          %ne3A_754 = arith.xori %lt3A_751, %lt3A_753 : i1
          %and3A_755 = arith.andi %ne3A_754, %ne3A_749 : i1
          %add3A_756 = arith.addi %rem3A_747, %select_n3A_746 : i32
          %select_n3A_757 = arith.select %and3A_755, %add3A_756, %rem3A_747 : i32
          %dma_wait3A_758 = arith.constant 0 : i32
          %dma_wait3A_759 = arith.constant 0 : i32
          %dma_wait3A_760 = tpu.memref_slice %arg9[%select_n3A_757, %dma_wait3A_758, %dma_wait3A_759] : memref<2x10x40xi32, #tpu.memory_space<vmem>> -> memref<1x10x40xi32, #tpu.memory_space<vmem>>
          %dma_wait3A_761 = tpu.memref_squeeze %dma_wait3A_760 : memref<1x10x40xi32, #tpu.memory_space<vmem>> -> memref<10x40xi32, #tpu.memory_space<vmem>>
          %dma_wait3A_762 = arith.constant 0 : i32
          %dma_wait3A_763 = tpu.memref_slice %arg2[%add3A, %mul3A_741, %dma_wait3A_762] : memref<32x250x40xi32, #tpu.memory_space<hbm>> -> memref<1x10x40xi32, #tpu.memory_space<hbm>>
          %dma_wait3A_764 = tpu.memref_squeeze %dma_wait3A_763 : memref<1x10x40xi32, #tpu.memory_space<hbm>> -> memref<10x40xi32, #tpu.memory_space<hbm>>
          %dma_wait3A_765 = arith.constant 0 : i32
          %dma_wait3A_766 = arith.constant 0 : i32
          %dma_wait3A_767 = tpu.memref_slice %arg9[%select_n3A_757, %dma_wait3A_765, %dma_wait3A_766] : memref<2x10x40xi32, #tpu.memory_space<vmem>> -> memref<1x10x40xi32, #tpu.memory_space<vmem>>
          %dma_wait3A_768 = tpu.memref_squeeze %dma_wait3A_767 : memref<1x10x40xi32, #tpu.memory_space<vmem>> -> memref<10x40xi32, #tpu.memory_space<vmem>>
          %dma_wait3A_769 = arith.constant 0 : i32
          %dma_wait3A_770 = tpu.memref_slice %arg2[%add3A, %mul3A_741, %dma_wait3A_769] : memref<32x250x40xi32, #tpu.memory_space<hbm>> -> memref<1x10x40xi32, #tpu.memory_space<hbm>>
          %dma_wait3A_771 = tpu.memref_squeeze %dma_wait3A_770 : memref<1x10x40xi32, #tpu.memory_space<hbm>> -> memref<10x40xi32, #tpu.memory_space<hbm>>
          tpu.wait_dma2 semaphore(%arg25 : memref<!tpu.dma_semaphore, #tpu.memory_space<semaphore_mem>>) src(%dma_wait3A_771 : memref<10x40xi32, #tpu.memory_space<hbm>>) dst(%dma_wait3A_768 : memref<10x40xi32, #tpu.memory_space<vmem>>)
          %mul3A_772 = arith.constant 10 : i32
          %mul3A_773 = arith.muli %select_n3A_739, %mul3A_772 : i32
          %jit3A_774 = arith.constant 2 : i32
          %eq3A_775 = arith.constant 0 : i32
          %eq3A_776 = arith.cmpi eq, %jit3A_774, %eq3A_775 : i32
          %jit3A_777 = arith.constant 1 : i32
          %select_n3A_778 = arith.select %eq3A_776, %jit3A_777, %jit3A_774 : i32
          %rem3A_779 = arith.remsi %select_n3A_739, %select_n3A_778 : i32
          %ne3A_780 = arith.constant 0 : i32
          %ne3A_781 = arith.cmpi ne, %rem3A_779, %ne3A_780 : i32
          %lt3A_782 = arith.constant 0 : i32
          %lt3A_783 = arith.cmpi slt, %rem3A_779, %lt3A_782 : i32
          %lt3A_784 = arith.constant 0 : i32
          %lt3A_785 = arith.cmpi slt, %select_n3A_778, %lt3A_784 : i32
          %ne3A_786 = arith.xori %lt3A_783, %lt3A_785 : i1
          %and3A_787 = arith.andi %ne3A_786, %ne3A_781 : i1
          %add3A_788 = arith.addi %rem3A_779, %select_n3A_778 : i32
          %select_n3A_789 = arith.select %and3A_787, %add3A_788, %rem3A_779 : i32
          %dma_wait3A_790 = arith.constant 0 : i32
          %dma_wait3A_791 = arith.constant 0 : i32
          %dma_wait3A_792 = tpu.memref_slice %arg10[%select_n3A_789, %dma_wait3A_790, %dma_wait3A_791] : memref<2x10x40xi32, #tpu.memory_space<vmem>> -> memref<1x10x40xi32, #tpu.memory_space<vmem>>
          %dma_wait3A_793 = tpu.memref_squeeze %dma_wait3A_792 : memref<1x10x40xi32, #tpu.memory_space<vmem>> -> memref<10x40xi32, #tpu.memory_space<vmem>>
          %dma_wait3A_794 = arith.constant 0 : i32
          %dma_wait3A_795 = tpu.memref_slice %arg3[%add3A, %mul3A_773, %dma_wait3A_794] : memref<32x250x40xi32, #tpu.memory_space<hbm>> -> memref<1x10x40xi32, #tpu.memory_space<hbm>>
          %dma_wait3A_796 = tpu.memref_squeeze %dma_wait3A_795 : memref<1x10x40xi32, #tpu.memory_space<hbm>> -> memref<10x40xi32, #tpu.memory_space<hbm>>
          %dma_wait3A_797 = arith.constant 0 : i32
          %dma_wait3A_798 = arith.constant 0 : i32
          %dma_wait3A_799 = tpu.memref_slice %arg10[%select_n3A_789, %dma_wait3A_797, %dma_wait3A_798] : memref<2x10x40xi32, #tpu.memory_space<vmem>> -> memref<1x10x40xi32, #tpu.memory_space<vmem>>
          %dma_wait3A_800 = tpu.memref_squeeze %dma_wait3A_799 : memref<1x10x40xi32, #tpu.memory_space<vmem>> -> memref<10x40xi32, #tpu.memory_space<vmem>>
          %dma_wait3A_801 = arith.constant 0 : i32
          %dma_wait3A_802 = tpu.memref_slice %arg3[%add3A, %mul3A_773, %dma_wait3A_801] : memref<32x250x40xi32, #tpu.memory_space<hbm>> -> memref<1x10x40xi32, #tpu.memory_space<hbm>>
          %dma_wait3A_803 = tpu.memref_squeeze %dma_wait3A_802 : memref<1x10x40xi32, #tpu.memory_space<hbm>> -> memref<10x40xi32, #tpu.memory_space<hbm>>
          tpu.wait_dma2 semaphore(%arg25 : memref<!tpu.dma_semaphore, #tpu.memory_space<semaphore_mem>>) src(%dma_wait3A_803 : memref<10x40xi32, #tpu.memory_space<hbm>>) dst(%dma_wait3A_800 : memref<10x40xi32, #tpu.memory_space<vmem>>)
        } else {
        }
        %add3A_578 = arith.constant 2 : i32
        %add3A_579 = arith.addi %add3A_109, %add3A_578 : i32
        %mul3A_580 = arith.constant 5000 : i32
        %mul3A_581 = arith.muli %add3A, %mul3A_580 : i32
        %multiple_of3A_582 = tpu.assume_multiple %mul3A_581, 4 : i32
        %mul3A_583 = arith.constant 20 : i32
        %mul3A_584 = arith.muli %add3A_579, %mul3A_583 : i32
        %add3A_585 = arith.addi %multiple_of3A_582, %mul3A_584 : i32
        %jit3A_586 = arith.constant 10 : i32
        %div3A_587 = arith.divsi %add3A_579, %jit3A_586 : i32
        %sign3A_588 = arith.constant 0 : i32
        %sign3A_589 = arith.cmpi sgt, %add3A_579, %sign3A_588 : i32
        %sign3A_590 = arith.extui %sign3A_589 : i1 to i32
        %sign3A_591 = arith.constant 0 : i32
        %sign3A_592 = arith.cmpi slt, %add3A_579, %sign3A_591 : i32
        %sign3A_593 = arith.extui %sign3A_592 : i1 to i32
        %sign3A_594 = arith.subi %sign3A_590, %sign3A_593 : i32
        %sign3A_595 = arith.constant 0 : i32
        %sign3A_596 = arith.cmpi sgt, %jit3A_586, %sign3A_595 : i32
        %sign3A_597 = arith.extui %sign3A_596 : i1 to i32
        %sign3A_598 = arith.constant 0 : i32
        %sign3A_599 = arith.cmpi slt, %jit3A_586, %sign3A_598 : i32
        %sign3A_600 = arith.extui %sign3A_599 : i1 to i32
        %sign3A_601 = arith.subi %sign3A_597, %sign3A_600 : i32
        %ne3A_602 = arith.cmpi ne, %sign3A_594, %sign3A_601 : i32
        %rem3A_603 = arith.remsi %add3A_579, %jit3A_586 : i32
        %ne3A_604 = arith.constant 0 : i32
        %ne3A_605 = arith.cmpi ne, %rem3A_603, %ne3A_604 : i32
        %and3A_606 = arith.andi %ne3A_602, %ne3A_605 : i1
        %sub3A_607 = arith.constant 1 : i32
        %sub3A_608 = arith.subi %div3A_587, %sub3A_607 : i32
        %select_n3A_609 = arith.select %and3A_606, %sub3A_608, %div3A_587 : i32
        %jit3A_610 = arith.constant 2 : i32
        %eq3A_611 = arith.constant 0 : i32
        %eq3A_612 = arith.cmpi eq, %jit3A_610, %eq3A_611 : i32
        %jit3A_613 = arith.constant 1 : i32
        %select_n3A_614 = arith.select %eq3A_612, %jit3A_613, %jit3A_610 : i32
        %rem3A_615 = arith.remsi %select_n3A_609, %select_n3A_614 : i32
        %ne3A_616 = arith.constant 0 : i32
        %ne3A_617 = arith.cmpi ne, %rem3A_615, %ne3A_616 : i32
        %lt3A_618 = arith.constant 0 : i32
        %lt3A_619 = arith.cmpi slt, %rem3A_615, %lt3A_618 : i32
        %lt3A_620 = arith.constant 0 : i32
        %lt3A_621 = arith.cmpi slt, %select_n3A_614, %lt3A_620 : i32
        %ne3A_622 = arith.xori %lt3A_619, %lt3A_621 : i1
        %and3A_623 = arith.andi %ne3A_622, %ne3A_617 : i1
        %add3A_624 = arith.addi %rem3A_615, %select_n3A_614 : i32
        %select_n3A_625 = arith.select %and3A_623, %add3A_624, %rem3A_615 : i32
        %jit3A_626 = arith.constant 10 : i32
        %eq3A_627 = arith.constant 0 : i32
        %eq3A_628 = arith.cmpi eq, %jit3A_626, %eq3A_627 : i32
        %jit3A_629 = arith.constant 1 : i32
        %select_n3A_630 = arith.select %eq3A_628, %jit3A_629, %jit3A_626 : i32
        %rem3A_631 = arith.remsi %add3A_579, %select_n3A_630 : i32
        %ne3A_632 = arith.constant 0 : i32
        %ne3A_633 = arith.cmpi ne, %rem3A_631, %ne3A_632 : i32
        %lt3A_634 = arith.constant 0 : i32
        %lt3A_635 = arith.cmpi slt, %rem3A_631, %lt3A_634 : i32
        %lt3A_636 = arith.constant 0 : i32
        %lt3A_637 = arith.cmpi slt, %select_n3A_630, %lt3A_636 : i32
        %ne3A_638 = arith.xori %lt3A_635, %lt3A_637 : i1
        %and3A_639 = arith.andi %ne3A_638, %ne3A_633 : i1
        %add3A_640 = arith.addi %rem3A_631, %select_n3A_630 : i32
        %select_n3A_641 = arith.select %and3A_639, %add3A_640, %rem3A_631 : i32
        %dma_start3A_642 = arith.constant 0 : i32
        %dma_start3A_643 = tpu.memref_slice %arg9[%select_n3A_625, %select_n3A_641, %dma_start3A_642] : memref<2x10x40xi32, #tpu.memory_space<vmem>> -> memref<1x1x40xi32, #tpu.memory_space<vmem>>
        %dma_start3A_644 = tpu.memref_squeeze %dma_start3A_643 : memref<1x1x40xi32, #tpu.memory_space<vmem>> -> memref<40xi32, #tpu.memory_space<vmem>>
        %dma_start3A_645 = arith.constant 0 : i32
        %dma_start3A_646 = arith.constant 0 : i32
        %dma_start3A_647 = tpu.memref_slice %arg4[%dma_start3A_645, %dma_start3A_646] : memref<10000x128xf32, #tpu.memory_space<hbm>> -> memref<10000x128xf32, #tpu.memory_space<hbm>>
        tpu.enqueue_indirect_dma source(%dma_start3A_647 : memref<10000x128xf32, #tpu.memory_space<hbm>>) target(%arg11 : memref<40x128xf32, #tpu.memory_space<vmem>>) offsets(%dma_start3A_644 : memref<40xi32, #tpu.memory_space<vmem>>) semaphore(%arg21 : memref<!tpu.dma_semaphore, #tpu.memory_space<semaphore_mem>>)
        %jit3A_648 = arith.constant 10 : i32
        %div3A_649 = arith.divsi %add3A_579, %jit3A_648 : i32
        %sign3A_650 = arith.constant 0 : i32
        %sign3A_651 = arith.cmpi sgt, %add3A_579, %sign3A_650 : i32
        %sign3A_652 = arith.extui %sign3A_651 : i1 to i32
        %sign3A_653 = arith.constant 0 : i32
        %sign3A_654 = arith.cmpi slt, %add3A_579, %sign3A_653 : i32
        %sign3A_655 = arith.extui %sign3A_654 : i1 to i32
        %sign3A_656 = arith.subi %sign3A_652, %sign3A_655 : i32
        %sign3A_657 = arith.constant 0 : i32
        %sign3A_658 = arith.cmpi sgt, %jit3A_648, %sign3A_657 : i32
        %sign3A_659 = arith.extui %sign3A_658 : i1 to i32
        %sign3A_660 = arith.constant 0 : i32
        %sign3A_661 = arith.cmpi slt, %jit3A_648, %sign3A_660 : i32
        %sign3A_662 = arith.extui %sign3A_661 : i1 to i32
        %sign3A_663 = arith.subi %sign3A_659, %sign3A_662 : i32
        %ne3A_664 = arith.cmpi ne, %sign3A_656, %sign3A_663 : i32
        %rem3A_665 = arith.remsi %add3A_579, %jit3A_648 : i32
        %ne3A_666 = arith.constant 0 : i32
        %ne3A_667 = arith.cmpi ne, %rem3A_665, %ne3A_666 : i32
        %and3A_668 = arith.andi %ne3A_664, %ne3A_667 : i1
        %sub3A_669 = arith.constant 1 : i32
        %sub3A_670 = arith.subi %div3A_649, %sub3A_669 : i32
        %select_n3A_671 = arith.select %and3A_668, %sub3A_670, %div3A_649 : i32
        %jit3A_672 = arith.constant 2 : i32
        %eq3A_673 = arith.constant 0 : i32
        %eq3A_674 = arith.cmpi eq, %jit3A_672, %eq3A_673 : i32
        %jit3A_675 = arith.constant 1 : i32
        %select_n3A_676 = arith.select %eq3A_674, %jit3A_675, %jit3A_672 : i32
        %rem3A_677 = arith.remsi %select_n3A_671, %select_n3A_676 : i32
        %ne3A_678 = arith.constant 0 : i32
        %ne3A_679 = arith.cmpi ne, %rem3A_677, %ne3A_678 : i32
        %lt3A_680 = arith.constant 0 : i32
        %lt3A_681 = arith.cmpi slt, %rem3A_677, %lt3A_680 : i32
        %lt3A_682 = arith.constant 0 : i32
        %lt3A_683 = arith.cmpi slt, %select_n3A_676, %lt3A_682 : i32
        %ne3A_684 = arith.xori %lt3A_681, %lt3A_683 : i1
        %and3A_685 = arith.andi %ne3A_684, %ne3A_679 : i1
        %add3A_686 = arith.addi %rem3A_677, %select_n3A_676 : i32
        %select_n3A_687 = arith.select %and3A_685, %add3A_686, %rem3A_677 : i32
        %jit3A_688 = arith.constant 10 : i32
        %eq3A_689 = arith.constant 0 : i32
        %eq3A_690 = arith.cmpi eq, %jit3A_688, %eq3A_689 : i32
        %jit3A_691 = arith.constant 1 : i32
        %select_n3A_692 = arith.select %eq3A_690, %jit3A_691, %jit3A_688 : i32
        %rem3A_693 = arith.remsi %add3A_579, %select_n3A_692 : i32
        %ne3A_694 = arith.constant 0 : i32
        %ne3A_695 = arith.cmpi ne, %rem3A_693, %ne3A_694 : i32
        %lt3A_696 = arith.constant 0 : i32
        %lt3A_697 = arith.cmpi slt, %rem3A_693, %lt3A_696 : i32
        %lt3A_698 = arith.constant 0 : i32
        %lt3A_699 = arith.cmpi slt, %select_n3A_692, %lt3A_698 : i32
        %ne3A_700 = arith.xori %lt3A_697, %lt3A_699 : i1
        %and3A_701 = arith.andi %ne3A_700, %ne3A_695 : i1
        %add3A_702 = arith.addi %rem3A_693, %select_n3A_692 : i32
        %select_n3A_703 = arith.select %and3A_701, %add3A_702, %rem3A_693 : i32
        %dma_start3A_704 = arith.constant 0 : i32
        %dma_start3A_705 = tpu.memref_slice %arg10[%select_n3A_687, %select_n3A_703, %dma_start3A_704] : memref<2x10x40xi32, #tpu.memory_space<vmem>> -> memref<1x1x40xi32, #tpu.memory_space<vmem>>
        %dma_start3A_706 = tpu.memref_squeeze %dma_start3A_705 : memref<1x1x40xi32, #tpu.memory_space<vmem>> -> memref<40xi32, #tpu.memory_space<vmem>>
        %dma_start3A_707 = arith.constant 0 : i32
        %dma_start3A_708 = arith.constant 0 : i32
        %dma_start3A_709 = tpu.memref_slice %arg5[%dma_start3A_707, %dma_start3A_708] : memref<10000x128xf32, #tpu.memory_space<hbm>> -> memref<10000x128xf32, #tpu.memory_space<hbm>>
        tpu.enqueue_indirect_dma source(%dma_start3A_709 : memref<10000x128xf32, #tpu.memory_space<hbm>>) target(%arg13 : memref<40x128xf32, #tpu.memory_space<vmem>>) offsets(%dma_start3A_706 : memref<40xi32, #tpu.memory_space<vmem>>) semaphore(%arg21 : memref<!tpu.dma_semaphore, #tpu.memory_space<semaphore_mem>>)
        %dma_start3A_710 = arith.constant 0 : i32
        %dma_start3A_711 = tpu.memref_slice %arg6[%add3A_585, %dma_start3A_710] : memref<160000x128xi32, #tpu.memory_space<hbm>> -> memref<20x128xi32, #tpu.memory_space<hbm>>
        %dma_start3A_712 = arith.constant 0 : i32
        %dma_start3A_713 = tpu.memref_slice %arg6[%add3A_585, %dma_start3A_712] : memref<160000x128xi32, #tpu.memory_space<hbm>> -> memref<20x128xi32, #tpu.memory_space<hbm>>
        tpu.enqueue_dma source(%dma_start3A_713 : memref<20x128xi32, #tpu.memory_space<hbm>>) target(%arg15 : memref<20x128xi32, #tpu.memory_space<vmem>>) target_semaphore(%arg21 : memref<!tpu.dma_semaphore, #tpu.memory_space<semaphore_mem>>)
      } else {
      }
      %jit3A_311 = arith.constant 10 : i32
      %eq3A_312 = arith.constant 0 : i32
      %eq3A_313 = arith.cmpi eq, %jit3A_311, %eq3A_312 : i32
      %jit3A_314 = arith.constant 1 : i32
      %select_n3A_315 = arith.select %eq3A_313, %jit3A_314, %jit3A_311 : i32
      %rem3A_316 = arith.remsi %add3A_109, %select_n3A_315 : i32
      %ne3A_317 = arith.constant 0 : i32
      %ne3A_318 = arith.cmpi ne, %rem3A_316, %ne3A_317 : i32
      %lt3A_319 = arith.constant 0 : i32
      %lt3A_320 = arith.cmpi slt, %rem3A_316, %lt3A_319 : i32
      %lt3A_321 = arith.constant 0 : i32
      %lt3A_322 = arith.cmpi slt, %select_n3A_315, %lt3A_321 : i32
      %ne3A_323 = arith.xori %lt3A_320, %lt3A_322 : i1
      %and3A_324 = arith.andi %ne3A_323, %ne3A_318 : i1
      %add3A_325 = arith.addi %rem3A_316, %select_n3A_315 : i32
      %select_n3A_326 = arith.select %and3A_324, %add3A_325, %rem3A_316 : i32
      %eq3A_327 = arith.constant 0 : i32
      %eq3A_328 = arith.cmpi eq, %select_n3A_326, %eq3A_327 : i32
      %add3A_329 = arith.constant 10 : i32
      %add3A_330 = arith.addi %add3A_109, %add3A_329 : i32
      %lt3A_331 = arith.constant 250 : i32
      %lt3A_332 = arith.cmpi slt, %add3A_330, %lt3A_331 : i32
      %and3A_333 = arith.andi %eq3A_328, %lt3A_332 : i1
      %convert_element_type3A_334 = arith.extui %and3A_333 : i1 to i32
      %cond3A_335 = arith.constant 0 : i32
      %cond3A_336 = arith.cmpi ne, %convert_element_type3A_334, %cond3A_335 : i32
      scf.if %cond3A_336 {
        %jit3A_555 = arith.constant 10 : i32
        %div3A_556 = arith.divsi %add3A_109, %jit3A_555 : i32
        %sign3A_557 = arith.constant 0 : i32
        %sign3A_558 = arith.cmpi sgt, %add3A_109, %sign3A_557 : i32
        %sign3A_559 = arith.extui %sign3A_558 : i1 to i32
        %sign3A_560 = arith.constant 0 : i32
        %sign3A_561 = arith.cmpi slt, %add3A_109, %sign3A_560 : i32
        %sign3A_562 = arith.extui %sign3A_561 : i1 to i32
        %sign3A_563 = arith.subi %sign3A_559, %sign3A_562 : i32
        %sign3A_564 = arith.constant 0 : i32
        %sign3A_565 = arith.cmpi sgt, %jit3A_555, %sign3A_564 : i32
        %sign3A_566 = arith.extui %sign3A_565 : i1 to i32
        %sign3A_567 = arith.constant 0 : i32
        %sign3A_568 = arith.cmpi slt, %jit3A_555, %sign3A_567 : i32
        %sign3A_569 = arith.extui %sign3A_568 : i1 to i32
        %sign3A_570 = arith.subi %sign3A_566, %sign3A_569 : i32
        %ne3A_571 = arith.cmpi ne, %sign3A_563, %sign3A_570 : i32
        %rem3A_572 = arith.remsi %add3A_109, %jit3A_555 : i32
        %ne3A_573 = arith.constant 0 : i32
        %ne3A_574 = arith.cmpi ne, %rem3A_572, %ne3A_573 : i32
        %and3A_575 = arith.andi %ne3A_571, %ne3A_574 : i1
        %sub3A_576 = arith.constant 1 : i32
        %sub3A_577 = arith.subi %div3A_556, %sub3A_576 : i32
        %select_n3A_578 = arith.select %and3A_575, %sub3A_577, %div3A_556 : i32
        %add3A_579 = arith.constant 1 : i32
        %add3A_580 = arith.addi %select_n3A_578, %add3A_579 : i32
        %mul3A_581 = arith.constant 10 : i32
        %mul3A_582 = arith.muli %add3A_580, %mul3A_581 : i32
        %jit3A_583 = arith.constant 2 : i32
        %eq3A_584 = arith.constant 0 : i32
        %eq3A_585 = arith.cmpi eq, %jit3A_583, %eq3A_584 : i32
        %jit3A_586 = arith.constant 1 : i32
        %select_n3A_587 = arith.select %eq3A_585, %jit3A_586, %jit3A_583 : i32
        %rem3A_588 = arith.remsi %add3A_580, %select_n3A_587 : i32
        %ne3A_589 = arith.constant 0 : i32
        %ne3A_590 = arith.cmpi ne, %rem3A_588, %ne3A_589 : i32
        %lt3A_591 = arith.constant 0 : i32
        %lt3A_592 = arith.cmpi slt, %rem3A_588, %lt3A_591 : i32
        %lt3A_593 = arith.constant 0 : i32
        %lt3A_594 = arith.cmpi slt, %select_n3A_587, %lt3A_593 : i32
        %ne3A_595 = arith.xori %lt3A_592, %lt3A_594 : i1
        %and3A_596 = arith.andi %ne3A_595, %ne3A_590 : i1
        %add3A_597 = arith.addi %rem3A_588, %select_n3A_587 : i32
        %select_n3A_598 = arith.select %and3A_596, %add3A_597, %rem3A_588 : i32
        %dma_start3A_599 = arith.constant 0 : i32
        %dma_start3A_600 = arith.constant 0 : i32
        %dma_start3A_601 = tpu.memref_slice %arg9[%select_n3A_598, %dma_start3A_599, %dma_start3A_600] : memref<2x10x40xi32, #tpu.memory_space<vmem>> -> memref<1x10x40xi32, #tpu.memory_space<vmem>>
        %dma_start3A_602 = tpu.memref_squeeze %dma_start3A_601 : memref<1x10x40xi32, #tpu.memory_space<vmem>> -> memref<10x40xi32, #tpu.memory_space<vmem>>
        %dma_start3A_603 = arith.constant 0 : i32
        %dma_start3A_604 = tpu.memref_slice %arg2[%add3A, %mul3A_582, %dma_start3A_603] : memref<32x250x40xi32, #tpu.memory_space<hbm>> -> memref<1x10x40xi32, #tpu.memory_space<hbm>>
        %dma_start3A_605 = tpu.memref_squeeze %dma_start3A_604 : memref<1x10x40xi32, #tpu.memory_space<hbm>> -> memref<10x40xi32, #tpu.memory_space<hbm>>
        %dma_start3A_606 = arith.constant 0 : i32
        %dma_start3A_607 = arith.constant 0 : i32
        %dma_start3A_608 = tpu.memref_slice %arg9[%select_n3A_598, %dma_start3A_606, %dma_start3A_607] : memref<2x10x40xi32, #tpu.memory_space<vmem>> -> memref<1x10x40xi32, #tpu.memory_space<vmem>>
        %dma_start3A_609 = tpu.memref_squeeze %dma_start3A_608 : memref<1x10x40xi32, #tpu.memory_space<vmem>> -> memref<10x40xi32, #tpu.memory_space<vmem>>
        %dma_start3A_610 = arith.constant 0 : i32
        %dma_start3A_611 = tpu.memref_slice %arg2[%add3A, %mul3A_582, %dma_start3A_610] : memref<32x250x40xi32, #tpu.memory_space<hbm>> -> memref<1x10x40xi32, #tpu.memory_space<hbm>>
        %dma_start3A_612 = tpu.memref_squeeze %dma_start3A_611 : memref<1x10x40xi32, #tpu.memory_space<hbm>> -> memref<10x40xi32, #tpu.memory_space<hbm>>
        tpu.enqueue_dma source(%dma_start3A_612 : memref<10x40xi32, #tpu.memory_space<hbm>>) target(%dma_start3A_609 : memref<10x40xi32, #tpu.memory_space<vmem>>) target_semaphore(%arg25 : memref<!tpu.dma_semaphore, #tpu.memory_space<semaphore_mem>>)
        %mul3A_613 = arith.constant 10 : i32
        %mul3A_614 = arith.muli %add3A_580, %mul3A_613 : i32
        %jit3A_615 = arith.constant 2 : i32
        %eq3A_616 = arith.constant 0 : i32
        %eq3A_617 = arith.cmpi eq, %jit3A_615, %eq3A_616 : i32
        %jit3A_618 = arith.constant 1 : i32
        %select_n3A_619 = arith.select %eq3A_617, %jit3A_618, %jit3A_615 : i32
        %rem3A_620 = arith.remsi %add3A_580, %select_n3A_619 : i32
        %ne3A_621 = arith.constant 0 : i32
        %ne3A_622 = arith.cmpi ne, %rem3A_620, %ne3A_621 : i32
        %lt3A_623 = arith.constant 0 : i32
        %lt3A_624 = arith.cmpi slt, %rem3A_620, %lt3A_623 : i32
        %lt3A_625 = arith.constant 0 : i32
        %lt3A_626 = arith.cmpi slt, %select_n3A_619, %lt3A_625 : i32
        %ne3A_627 = arith.xori %lt3A_624, %lt3A_626 : i1
        %and3A_628 = arith.andi %ne3A_627, %ne3A_622 : i1
        %add3A_629 = arith.addi %rem3A_620, %select_n3A_619 : i32
        %select_n3A_630 = arith.select %and3A_628, %add3A_629, %rem3A_620 : i32
        %dma_start3A_631 = arith.constant 0 : i32
        %dma_start3A_632 = arith.constant 0 : i32
        %dma_start3A_633 = tpu.memref_slice %arg10[%select_n3A_630, %dma_start3A_631, %dma_start3A_632] : memref<2x10x40xi32, #tpu.memory_space<vmem>> -> memref<1x10x40xi32, #tpu.memory_space<vmem>>
        %dma_start3A_634 = tpu.memref_squeeze %dma_start3A_633 : memref<1x10x40xi32, #tpu.memory_space<vmem>> -> memref<10x40xi32, #tpu.memory_space<vmem>>
        %dma_start3A_635 = arith.constant 0 : i32
        %dma_start3A_636 = tpu.memref_slice %arg3[%add3A, %mul3A_614, %dma_start3A_635] : memref<32x250x40xi32, #tpu.memory_space<hbm>> -> memref<1x10x40xi32, #tpu.memory_space<hbm>>
        %dma_start3A_637 = tpu.memref_squeeze %dma_start3A_636 : memref<1x10x40xi32, #tpu.memory_space<hbm>> -> memref<10x40xi32, #tpu.memory_space<hbm>>
        %dma_start3A_638 = arith.constant 0 : i32
        %dma_start3A_639 = arith.constant 0 : i32
        %dma_start3A_640 = tpu.memref_slice %arg10[%select_n3A_630, %dma_start3A_638, %dma_start3A_639] : memref<2x10x40xi32, #tpu.memory_space<vmem>> -> memref<1x10x40xi32, #tpu.memory_space<vmem>>
        %dma_start3A_641 = tpu.memref_squeeze %dma_start3A_640 : memref<1x10x40xi32, #tpu.memory_space<vmem>> -> memref<10x40xi32, #tpu.memory_space<vmem>>
        %dma_start3A_642 = arith.constant 0 : i32
        %dma_start3A_643 = tpu.memref_slice %arg3[%add3A, %mul3A_614, %dma_start3A_642] : memref<32x250x40xi32, #tpu.memory_space<hbm>> -> memref<1x10x40xi32, #tpu.memory_space<hbm>>
        %dma_start3A_644 = tpu.memref_squeeze %dma_start3A_643 : memref<1x10x40xi32, #tpu.memory_space<hbm>> -> memref<10x40xi32, #tpu.memory_space<hbm>>
        tpu.enqueue_dma source(%dma_start3A_644 : memref<10x40xi32, #tpu.memory_space<hbm>>) target(%dma_start3A_641 : memref<10x40xi32, #tpu.memory_space<vmem>>) target_semaphore(%arg25 : memref<!tpu.dma_semaphore, #tpu.memory_space<semaphore_mem>>)
      } else {
      }
      %mul3A_337 = arith.constant 2 : i32
      %mul3A_338 = arith.muli %mul3A_337, %scan3A_105 : i32
      %add3A_339 = arith.constant 1 : i32
      %add3A_340 = arith.addi %mul3A_338, %add3A_339 : i32
      %mul3A_341 = arith.constant 5000 : i32
      %mul3A_342 = arith.muli %add3A, %mul3A_341 : i32
      %multiple_of3A_343 = tpu.assume_multiple %mul3A_342, 4 : i32
      %mul3A_344 = arith.constant 20 : i32
      %mul3A_345 = arith.muli %add3A_340, %mul3A_344 : i32
      %add3A_346 = arith.addi %multiple_of3A_343, %mul3A_345 : i32
      %jit3A_347 = arith.constant 10 : i32
      %div3A_348 = arith.divsi %add3A_340, %jit3A_347 : i32
      %sign3A_349 = arith.constant 0 : i32
      %sign3A_350 = arith.cmpi sgt, %add3A_340, %sign3A_349 : i32
      %sign3A_351 = arith.extui %sign3A_350 : i1 to i32
      %sign3A_352 = arith.constant 0 : i32
      %sign3A_353 = arith.cmpi slt, %add3A_340, %sign3A_352 : i32
      %sign3A_354 = arith.extui %sign3A_353 : i1 to i32
      %sign3A_355 = arith.subi %sign3A_351, %sign3A_354 : i32
      %sign3A_356 = arith.constant 0 : i32
      %sign3A_357 = arith.cmpi sgt, %jit3A_347, %sign3A_356 : i32
      %sign3A_358 = arith.extui %sign3A_357 : i1 to i32
      %sign3A_359 = arith.constant 0 : i32
      %sign3A_360 = arith.cmpi slt, %jit3A_347, %sign3A_359 : i32
      %sign3A_361 = arith.extui %sign3A_360 : i1 to i32
      %sign3A_362 = arith.subi %sign3A_358, %sign3A_361 : i32
      %ne3A_363 = arith.cmpi ne, %sign3A_355, %sign3A_362 : i32
      %rem3A_364 = arith.remsi %add3A_340, %jit3A_347 : i32
      %ne3A_365 = arith.constant 0 : i32
      %ne3A_366 = arith.cmpi ne, %rem3A_364, %ne3A_365 : i32
      %and3A_367 = arith.andi %ne3A_363, %ne3A_366 : i1
      %sub3A_368 = arith.constant 1 : i32
      %sub3A_369 = arith.subi %div3A_348, %sub3A_368 : i32
      %select_n3A_370 = arith.select %and3A_367, %sub3A_369, %div3A_348 : i32
      %jit3A_371 = arith.constant 2 : i32
      %eq3A_372 = arith.constant 0 : i32
      %eq3A_373 = arith.cmpi eq, %jit3A_371, %eq3A_372 : i32
      %jit3A_374 = arith.constant 1 : i32
      %select_n3A_375 = arith.select %eq3A_373, %jit3A_374, %jit3A_371 : i32
      %rem3A_376 = arith.remsi %select_n3A_370, %select_n3A_375 : i32
      %ne3A_377 = arith.constant 0 : i32
      %ne3A_378 = arith.cmpi ne, %rem3A_376, %ne3A_377 : i32
      %lt3A_379 = arith.constant 0 : i32
      %lt3A_380 = arith.cmpi slt, %rem3A_376, %lt3A_379 : i32
      %lt3A_381 = arith.constant 0 : i32
      %lt3A_382 = arith.cmpi slt, %select_n3A_375, %lt3A_381 : i32
      %ne3A_383 = arith.xori %lt3A_380, %lt3A_382 : i1
      %and3A_384 = arith.andi %ne3A_383, %ne3A_378 : i1
      %add3A_385 = arith.addi %rem3A_376, %select_n3A_375 : i32
      %select_n3A_386 = arith.select %and3A_384, %add3A_385, %rem3A_376 : i32
      %jit3A_387 = arith.constant 10 : i32
      %eq3A_388 = arith.constant 0 : i32
      %eq3A_389 = arith.cmpi eq, %jit3A_387, %eq3A_388 : i32
      %jit3A_390 = arith.constant 1 : i32
      %select_n3A_391 = arith.select %eq3A_389, %jit3A_390, %jit3A_387 : i32
      %rem3A_392 = arith.remsi %add3A_340, %select_n3A_391 : i32
      %ne3A_393 = arith.constant 0 : i32
      %ne3A_394 = arith.cmpi ne, %rem3A_392, %ne3A_393 : i32
      %lt3A_395 = arith.constant 0 : i32
      %lt3A_396 = arith.cmpi slt, %rem3A_392, %lt3A_395 : i32
      %lt3A_397 = arith.constant 0 : i32
      %lt3A_398 = arith.cmpi slt, %select_n3A_391, %lt3A_397 : i32
      %ne3A_399 = arith.xori %lt3A_396, %lt3A_398 : i1
      %and3A_400 = arith.andi %ne3A_399, %ne3A_394 : i1
      %add3A_401 = arith.addi %rem3A_392, %select_n3A_391 : i32
      %select_n3A_402 = arith.select %and3A_400, %add3A_401, %rem3A_392 : i32
      %dma_wait3A_403 = arith.constant 0 : i32
      %dma_wait3A_404 = tpu.memref_slice %arg9[%select_n3A_386, %select_n3A_402, %dma_wait3A_403] : memref<2x10x40xi32, #tpu.memory_space<vmem>> -> memref<1x1x40xi32, #tpu.memory_space<vmem>>
      %dma_wait3A_405 = tpu.memref_squeeze %dma_wait3A_404 : memref<1x1x40xi32, #tpu.memory_space<vmem>> -> memref<40xi32, #tpu.memory_space<vmem>>
      %dma_wait3A_406 = arith.constant 0 : i32
      %dma_wait3A_407 = arith.constant 0 : i32
      %dma_wait3A_408 = tpu.memref_slice %arg4[%dma_wait3A_406, %dma_wait3A_407] : memref<10000x128xf32, #tpu.memory_space<hbm>> -> memref<10000x128xf32, #tpu.memory_space<hbm>>
      tpu.wait_indirect_dma semaphore(%arg22 : memref<!tpu.dma_semaphore, #tpu.memory_space<semaphore_mem>>) src(%dma_wait3A_408 : memref<10000x128xf32, #tpu.memory_space<hbm>>) dst(%arg12 : memref<40x128xf32, #tpu.memory_space<vmem>>)
      %jit3A_409 = arith.constant 10 : i32
      %div3A_410 = arith.divsi %add3A_340, %jit3A_409 : i32
      %sign3A_411 = arith.constant 0 : i32
      %sign3A_412 = arith.cmpi sgt, %add3A_340, %sign3A_411 : i32
      %sign3A_413 = arith.extui %sign3A_412 : i1 to i32
      %sign3A_414 = arith.constant 0 : i32
      %sign3A_415 = arith.cmpi slt, %add3A_340, %sign3A_414 : i32
      %sign3A_416 = arith.extui %sign3A_415 : i1 to i32
      %sign3A_417 = arith.subi %sign3A_413, %sign3A_416 : i32
      %sign3A_418 = arith.constant 0 : i32
      %sign3A_419 = arith.cmpi sgt, %jit3A_409, %sign3A_418 : i32
      %sign3A_420 = arith.extui %sign3A_419 : i1 to i32
      %sign3A_421 = arith.constant 0 : i32
      %sign3A_422 = arith.cmpi slt, %jit3A_409, %sign3A_421 : i32
      %sign3A_423 = arith.extui %sign3A_422 : i1 to i32
      %sign3A_424 = arith.subi %sign3A_420, %sign3A_423 : i32
      %ne3A_425 = arith.cmpi ne, %sign3A_417, %sign3A_424 : i32
      %rem3A_426 = arith.remsi %add3A_340, %jit3A_409 : i32
      %ne3A_427 = arith.constant 0 : i32
      %ne3A_428 = arith.cmpi ne, %rem3A_426, %ne3A_427 : i32
      %and3A_429 = arith.andi %ne3A_425, %ne3A_428 : i1
      %sub3A_430 = arith.constant 1 : i32
      %sub3A_431 = arith.subi %div3A_410, %sub3A_430 : i32
      %select_n3A_432 = arith.select %and3A_429, %sub3A_431, %div3A_410 : i32
      %jit3A_433 = arith.constant 2 : i32
      %eq3A_434 = arith.constant 0 : i32
      %eq3A_435 = arith.cmpi eq, %jit3A_433, %eq3A_434 : i32
      %jit3A_436 = arith.constant 1 : i32
      %select_n3A_437 = arith.select %eq3A_435, %jit3A_436, %jit3A_433 : i32
      %rem3A_438 = arith.remsi %select_n3A_432, %select_n3A_437 : i32
      %ne3A_439 = arith.constant 0 : i32
      %ne3A_440 = arith.cmpi ne, %rem3A_438, %ne3A_439 : i32
      %lt3A_441 = arith.constant 0 : i32
      %lt3A_442 = arith.cmpi slt, %rem3A_438, %lt3A_441 : i32
      %lt3A_443 = arith.constant 0 : i32
      %lt3A_444 = arith.cmpi slt, %select_n3A_437, %lt3A_443 : i32
      %ne3A_445 = arith.xori %lt3A_442, %lt3A_444 : i1
      %and3A_446 = arith.andi %ne3A_445, %ne3A_440 : i1
      %add3A_447 = arith.addi %rem3A_438, %select_n3A_437 : i32
      %select_n3A_448 = arith.select %and3A_446, %add3A_447, %rem3A_438 : i32
      %jit3A_449 = arith.constant 10 : i32
      %eq3A_450 = arith.constant 0 : i32
      %eq3A_451 = arith.cmpi eq, %jit3A_449, %eq3A_450 : i32
      %jit3A_452 = arith.constant 1 : i32
      %select_n3A_453 = arith.select %eq3A_451, %jit3A_452, %jit3A_449 : i32
      %rem3A_454 = arith.remsi %add3A_340, %select_n3A_453 : i32
      %ne3A_455 = arith.constant 0 : i32
      %ne3A_456 = arith.cmpi ne, %rem3A_454, %ne3A_455 : i32
      %lt3A_457 = arith.constant 0 : i32
      %lt3A_458 = arith.cmpi slt, %rem3A_454, %lt3A_457 : i32
      %lt3A_459 = arith.constant 0 : i32
      %lt3A_460 = arith.cmpi slt, %select_n3A_453, %lt3A_459 : i32
      %ne3A_461 = arith.xori %lt3A_458, %lt3A_460 : i1
      %and3A_462 = arith.andi %ne3A_461, %ne3A_456 : i1
      %add3A_463 = arith.addi %rem3A_454, %select_n3A_453 : i32
      %select_n3A_464 = arith.select %and3A_462, %add3A_463, %rem3A_454 : i32
      %dma_wait3A_465 = arith.constant 0 : i32
      %dma_wait3A_466 = tpu.memref_slice %arg10[%select_n3A_448, %select_n3A_464, %dma_wait3A_465] : memref<2x10x40xi32, #tpu.memory_space<vmem>> -> memref<1x1x40xi32, #tpu.memory_space<vmem>>
      %dma_wait3A_467 = tpu.memref_squeeze %dma_wait3A_466 : memref<1x1x40xi32, #tpu.memory_space<vmem>> -> memref<40xi32, #tpu.memory_space<vmem>>
      %dma_wait3A_468 = arith.constant 0 : i32
      %dma_wait3A_469 = arith.constant 0 : i32
      %dma_wait3A_470 = tpu.memref_slice %arg5[%dma_wait3A_468, %dma_wait3A_469] : memref<10000x128xf32, #tpu.memory_space<hbm>> -> memref<10000x128xf32, #tpu.memory_space<hbm>>
      tpu.wait_indirect_dma semaphore(%arg22 : memref<!tpu.dma_semaphore, #tpu.memory_space<semaphore_mem>>) src(%dma_wait3A_470 : memref<10000x128xf32, #tpu.memory_space<hbm>>) dst(%arg14 : memref<40x128xf32, #tpu.memory_space<vmem>>)
      %dma_wait3A_471 = arith.constant 0 : i32
      %dma_wait3A_472 = tpu.memref_slice %arg6[%add3A_346, %dma_wait3A_471] : memref<160000x128xi32, #tpu.memory_space<hbm>> -> memref<20x128xi32, #tpu.memory_space<hbm>>
      %dma_wait3A_473 = arith.constant 0 : i32
      %dma_wait3A_474 = tpu.memref_slice %arg6[%add3A_346, %dma_wait3A_473] : memref<160000x128xi32, #tpu.memory_space<hbm>> -> memref<20x128xi32, #tpu.memory_space<hbm>>
      tpu.wait_dma2 semaphore(%arg22 : memref<!tpu.dma_semaphore, #tpu.memory_space<semaphore_mem>>) src(%dma_wait3A_474 : memref<20x128xi32, #tpu.memory_space<hbm>>) dst(%arg16 : memref<20x128xi32, #tpu.memory_space<vmem>>)
      %ge3A_475 = arith.constant 2 : i32
      %ge3A_476 = arith.cmpi sge, %add3A_340, %ge3A_475 : i32
      %convert_element_type3A_477 = arith.extui %ge3A_476 : i1 to i32
      %cond3A_478 = arith.constant 0 : i32
      %cond3A_479 = arith.cmpi ne, %convert_element_type3A_477, %cond3A_478 : i32
      scf.if %cond3A_479 {
        %sub3A_555 = arith.constant 2 : i32
        %sub3A_556 = arith.subi %add3A_340, %sub3A_555 : i32
        %jit3A_557 = arith.constant 10 : i32
        %div3A_558 = arith.divsi %sub3A_556, %jit3A_557 : i32
        %sign3A_559 = arith.constant 0 : i32
        %sign3A_560 = arith.cmpi sgt, %sub3A_556, %sign3A_559 : i32
        %sign3A_561 = arith.extui %sign3A_560 : i1 to i32
        %sign3A_562 = arith.constant 0 : i32
        %sign3A_563 = arith.cmpi slt, %sub3A_556, %sign3A_562 : i32
        %sign3A_564 = arith.extui %sign3A_563 : i1 to i32
        %sign3A_565 = arith.subi %sign3A_561, %sign3A_564 : i32
        %sign3A_566 = arith.constant 0 : i32
        %sign3A_567 = arith.cmpi sgt, %jit3A_557, %sign3A_566 : i32
        %sign3A_568 = arith.extui %sign3A_567 : i1 to i32
        %sign3A_569 = arith.constant 0 : i32
        %sign3A_570 = arith.cmpi slt, %jit3A_557, %sign3A_569 : i32
        %sign3A_571 = arith.extui %sign3A_570 : i1 to i32
        %sign3A_572 = arith.subi %sign3A_568, %sign3A_571 : i32
        %ne3A_573 = arith.cmpi ne, %sign3A_565, %sign3A_572 : i32
        %rem3A_574 = arith.remsi %sub3A_556, %jit3A_557 : i32
        %ne3A_575 = arith.constant 0 : i32
        %ne3A_576 = arith.cmpi ne, %rem3A_574, %ne3A_575 : i32
        %and3A_577 = arith.andi %ne3A_573, %ne3A_576 : i1
        %sub3A_578 = arith.constant 1 : i32
        %sub3A_579 = arith.subi %div3A_558, %sub3A_578 : i32
        %select_n3A_580 = arith.select %and3A_577, %sub3A_579, %div3A_558 : i32
        %jit3A_581 = arith.constant 2 : i32
        %eq3A_582 = arith.constant 0 : i32
        %eq3A_583 = arith.cmpi eq, %jit3A_581, %eq3A_582 : i32
        %jit3A_584 = arith.constant 1 : i32
        %select_n3A_585 = arith.select %eq3A_583, %jit3A_584, %jit3A_581 : i32
        %rem3A_586 = arith.remsi %select_n3A_580, %select_n3A_585 : i32
        %ne3A_587 = arith.constant 0 : i32
        %ne3A_588 = arith.cmpi ne, %rem3A_586, %ne3A_587 : i32
        %lt3A_589 = arith.constant 0 : i32
        %lt3A_590 = arith.cmpi slt, %rem3A_586, %lt3A_589 : i32
        %lt3A_591 = arith.constant 0 : i32
        %lt3A_592 = arith.cmpi slt, %select_n3A_585, %lt3A_591 : i32
        %ne3A_593 = arith.xori %lt3A_590, %lt3A_592 : i1
        %and3A_594 = arith.andi %ne3A_593, %ne3A_588 : i1
        %add3A_595 = arith.addi %rem3A_586, %select_n3A_585 : i32
        %select_n3A_596 = arith.select %and3A_594, %add3A_595, %rem3A_586 : i32
        %jit3A_597 = arith.constant 10 : i32
        %eq3A_598 = arith.constant 0 : i32
        %eq3A_599 = arith.cmpi eq, %jit3A_597, %eq3A_598 : i32
        %jit3A_600 = arith.constant 1 : i32
        %select_n3A_601 = arith.select %eq3A_599, %jit3A_600, %jit3A_597 : i32
        %rem3A_602 = arith.remsi %sub3A_556, %select_n3A_601 : i32
        %ne3A_603 = arith.constant 0 : i32
        %ne3A_604 = arith.cmpi ne, %rem3A_602, %ne3A_603 : i32
        %lt3A_605 = arith.constant 0 : i32
        %lt3A_606 = arith.cmpi slt, %rem3A_602, %lt3A_605 : i32
        %lt3A_607 = arith.constant 0 : i32
        %lt3A_608 = arith.cmpi slt, %select_n3A_601, %lt3A_607 : i32
        %ne3A_609 = arith.xori %lt3A_606, %lt3A_608 : i1
        %and3A_610 = arith.andi %ne3A_609, %ne3A_604 : i1
        %add3A_611 = arith.addi %rem3A_602, %select_n3A_601 : i32
        %select_n3A_612 = arith.select %and3A_610, %add3A_611, %rem3A_602 : i32
        %dma_wait3A_613 = arith.constant 0 : i32
        %dma_wait3A_614 = tpu.memref_slice %arg10[%select_n3A_596, %select_n3A_612, %dma_wait3A_613] : memref<2x10x40xi32, #tpu.memory_space<vmem>> -> memref<1x1x40xi32, #tpu.memory_space<vmem>>
        %dma_wait3A_615 = tpu.memref_squeeze %dma_wait3A_614 : memref<1x1x40xi32, #tpu.memory_space<vmem>> -> memref<40xi32, #tpu.memory_space<vmem>>
        %dma_wait3A_616 = arith.constant 0 : i32
        %dma_wait3A_617 = arith.constant 0 : i32
        %dma_wait3A_618 = tpu.memref_slice %arg20[%dma_wait3A_616, %dma_wait3A_617] : memref<10000x136xf32, #tpu.memory_space<vmem_shared>> -> memref<10000x136xf32, #tpu.memory_space<vmem_shared>>
        tpu.wait_indirect_dma semaphore(%arg24 : memref<!tpu.dma_semaphore, #tpu.memory_space<semaphore_mem>>) src(%arg18 : memref<40x136xf32, #tpu.memory_space<vmem>>) dst(%dma_wait3A_618 : memref<10000x136xf32, #tpu.memory_space<vmem_shared>>)
      } else {
      }
      %scan3A_480 = arith.constant 0 : i32
      %scan3A_481 = arith.constant 0 : i32
      %scan3A_482 = arith.constant 20 : i32
      %scan3A_483 = arith.addi %scan3A_481, %scan3A_482 : i32
      %scan3A_484 = arith.constant 1 : i32
      scf.for %scan3A_555 = %scan3A_481 to %scan3A_483 step %scan3A_484  : i32 {
        %get3A_556 = arith.index_cast %scan3A_555 : i32 to index
        %get3A_557 = arith.constant 0 : index
        %get3A_558 = tpu.vector_load %arg16[%get3A_556, %get3A_557] {strides = array<i32>} : memref<20x128xi32, #tpu.memory_space<vmem>>, vector<16xi32>,
        %get3A_559 = arith.index_cast %scan3A_555 : i32 to index
        %get3A_560 = arith.constant 16 : index
        %get3A_561 = tpu.vector_load %arg16[%get3A_559, %get3A_560] {strides = array<i32>} : memref<20x128xi32, #tpu.memory_space<vmem>>, vector<16xi32>,
        %get3A_562 = arith.index_cast %scan3A_555 : i32 to index
        %get3A_563 = arith.constant 32 : index
        %get3A_564 = tpu.vector_load %arg16[%get3A_562, %get3A_563] {strides = array<i32>} : memref<20x128xi32, #tpu.memory_space<vmem>>, vector<16xi32>,
        %get3A_565 = arith.index_cast %scan3A_555 : i32 to index
        %get3A_566 = arith.constant 48 : index
        %get3A_567 = tpu.vector_load %arg16[%get3A_565, %get3A_566] {strides = array<i32>} : memref<20x128xi32, #tpu.memory_space<vmem>>, vector<16xi32>,
        %get3A_568 = arith.index_cast %scan3A_555 : i32 to index
        %get3A_569 = arith.constant 64 : index
        %get3A_570 = tpu.vector_load %arg16[%get3A_568, %get3A_569] {strides = array<i32>} : memref<20x128xi32, #tpu.memory_space<vmem>>, vector<16xi32>,
        %get3A_571 = arith.index_cast %scan3A_555 : i32 to index
        %get3A_572 = arith.constant 80 : index
        %get3A_573 = tpu.vector_load %arg16[%get3A_571, %get3A_572] {strides = array<i32>} : memref<20x128xi32, #tpu.memory_space<vmem>>, vector<16xi32>,
        %get3A_574 = arith.index_cast %scan3A_555 : i32 to index
        %get3A_575 = arith.constant 96 : index
        %get3A_576 = tpu.vector_load %arg16[%get3A_574, %get3A_575] {strides = array<i32>} : memref<20x128xi32, #tpu.memory_space<vmem>>, vector<16xi32>,
        %get3A_577 = arith.index_cast %scan3A_555 : i32 to index
        %get3A_578 = arith.constant 112 : index
        %get3A_579 = tpu.vector_load %arg16[%get3A_577, %get3A_578] {strides = array<i32>} : memref<20x128xi32, #tpu.memory_space<vmem>>, vector<16xi32>,
        %shift_left3A = arith.constant 16 : i32
        %shift_left3A_580 = vector.broadcast %shift_left3A : i32 to vector<16xi32>
        %shift_left3A_581 = arith.shli %get3A_558, %shift_left3A_580 : vector<16xi32>
        %bitcast_convert_type3A = tpu.bitcast %shift_left3A_581 : vector<16xi32> -> vector<16xf32>
        %shift_left3A_582 = arith.constant 16 : i32
        %shift_left3A_583 = vector.broadcast %shift_left3A_582 : i32 to vector<16xi32>
        %shift_left3A_584 = arith.shli %get3A_561, %shift_left3A_583 : vector<16xi32>
        %bitcast_convert_type3A_585 = tpu.bitcast %shift_left3A_584 : vector<16xi32> -> vector<16xf32>
        %shift_left3A_586 = arith.constant 16 : i32
        %shift_left3A_587 = vector.broadcast %shift_left3A_586 : i32 to vector<16xi32>
        %shift_left3A_588 = arith.shli %get3A_564, %shift_left3A_587 : vector<16xi32>
        %bitcast_convert_type3A_589 = tpu.bitcast %shift_left3A_588 : vector<16xi32> -> vector<16xf32>
        %shift_left3A_590 = arith.constant 16 : i32
        %shift_left3A_591 = vector.broadcast %shift_left3A_590 : i32 to vector<16xi32>
        %shift_left3A_592 = arith.shli %get3A_567, %shift_left3A_591 : vector<16xi32>
        %bitcast_convert_type3A_593 = tpu.bitcast %shift_left3A_592 : vector<16xi32> -> vector<16xf32>
        %shift_left3A_594 = arith.constant 16 : i32
        %shift_left3A_595 = vector.broadcast %shift_left3A_594 : i32 to vector<16xi32>
        %shift_left3A_596 = arith.shli %get3A_570, %shift_left3A_595 : vector<16xi32>
        %bitcast_convert_type3A_597 = tpu.bitcast %shift_left3A_596 : vector<16xi32> -> vector<16xf32>
        %shift_left3A_598 = arith.constant 16 : i32
        %shift_left3A_599 = vector.broadcast %shift_left3A_598 : i32 to vector<16xi32>
        %shift_left3A_600 = arith.shli %get3A_573, %shift_left3A_599 : vector<16xi32>
        %bitcast_convert_type3A_601 = tpu.bitcast %shift_left3A_600 : vector<16xi32> -> vector<16xf32>
        %shift_left3A_602 = arith.constant 16 : i32
        %shift_left3A_603 = vector.broadcast %shift_left3A_602 : i32 to vector<16xi32>
        %shift_left3A_604 = arith.shli %get3A_576, %shift_left3A_603 : vector<16xi32>
        %bitcast_convert_type3A_605 = tpu.bitcast %shift_left3A_604 : vector<16xi32> -> vector<16xf32>
        %shift_left3A_606 = arith.constant 16 : i32
        %shift_left3A_607 = vector.broadcast %shift_left3A_606 : i32 to vector<16xi32>
        %shift_left3A_608 = arith.shli %get3A_579, %shift_left3A_607 : vector<16xi32>
        %bitcast_convert_type3A_609 = tpu.bitcast %shift_left3A_608 : vector<16xi32> -> vector<16xf32>
        %and3A_610 = arith.constant -65536 : i32
        %and3A_611 = vector.broadcast %and3A_610 : i32 to vector<16xi32>
        %and3A_612 = arith.andi %get3A_558, %and3A_611 : vector<16xi32>
        %bitcast_convert_type3A_613 = tpu.bitcast %and3A_612 : vector<16xi32> -> vector<16xf32>
        %and3A_614 = arith.constant -65536 : i32
        %and3A_615 = vector.broadcast %and3A_614 : i32 to vector<16xi32>
        %and3A_616 = arith.andi %get3A_561, %and3A_615 : vector<16xi32>
        %bitcast_convert_type3A_617 = tpu.bitcast %and3A_616 : vector<16xi32> -> vector<16xf32>
        %and3A_618 = arith.constant -65536 : i32
        %and3A_619 = vector.broadcast %and3A_618 : i32 to vector<16xi32>
        %and3A_620 = arith.andi %get3A_564, %and3A_619 : vector<16xi32>
        %bitcast_convert_type3A_621 = tpu.bitcast %and3A_620 : vector<16xi32> -> vector<16xf32>
        %and3A_622 = arith.constant -65536 : i32
        %and3A_623 = vector.broadcast %and3A_622 : i32 to vector<16xi32>
        %and3A_624 = arith.andi %get3A_567, %and3A_623 : vector<16xi32>
        %bitcast_convert_type3A_625 = tpu.bitcast %and3A_624 : vector<16xi32> -> vector<16xf32>
        %and3A_626 = arith.constant -65536 : i32
        %and3A_627 = vector.broadcast %and3A_626 : i32 to vector<16xi32>
        %and3A_628 = arith.andi %get3A_570, %and3A_627 : vector<16xi32>
        %bitcast_convert_type3A_629 = tpu.bitcast %and3A_628 : vector<16xi32> -> vector<16xf32>
        %and3A_630 = arith.constant -65536 : i32
        %and3A_631 = vector.broadcast %and3A_630 : i32 to vector<16xi32>
        %and3A_632 = arith.andi %get3A_573, %and3A_631 : vector<16xi32>
        %bitcast_convert_type3A_633 = tpu.bitcast %and3A_632 : vector<16xi32> -> vector<16xf32>
        %and3A_634 = arith.constant -65536 : i32
        %and3A_635 = vector.broadcast %and3A_634 : i32 to vector<16xi32>
        %and3A_636 = arith.andi %get3A_576, %and3A_635 : vector<16xi32>
        %bitcast_convert_type3A_637 = tpu.bitcast %and3A_636 : vector<16xi32> -> vector<16xf32>
        %and3A_638 = arith.constant -65536 : i32
        %and3A_639 = vector.broadcast %and3A_638 : i32 to vector<16xi32>
        %and3A_640 = arith.andi %get3A_579, %and3A_639 : vector<16xi32>
        %bitcast_convert_type3A_641 = tpu.bitcast %and3A_640 : vector<16xi32> -> vector<16xf32>
        %mul3A_642 = arith.constant 2 : i32
        %mul3A_643 = arith.muli %mul3A_642, %scan3A_555 : i32
        %mul3A_644 = arith.constant 2 : i32
        %mul3A_645 = arith.muli %mul3A_644, %scan3A_555 : i32
        %add3A_646 = arith.constant 1 : i32
        %add3A_647 = arith.addi %mul3A_645, %add3A_646 : i32
        %get3A_648 = arith.index_cast %mul3A_643 : i32 to index
        %get3A_649 = arith.constant 0 : index
        %get3A_650 = tpu.vector_load %arg12[%get3A_648, %get3A_649] {strides = array<i32>} : memref<40x128xf32, #tpu.memory_space<vmem>>, vector<16xf32>,
        %get3A_651 = arith.index_cast %mul3A_643 : i32 to index
        %get3A_652 = arith.constant 16 : index
        %get3A_653 = tpu.vector_load %arg12[%get3A_651, %get3A_652] {strides = array<i32>} : memref<40x128xf32, #tpu.memory_space<vmem>>, vector<16xf32>,
        %get3A_654 = arith.index_cast %mul3A_643 : i32 to index
        %get3A_655 = arith.constant 32 : index
        %get3A_656 = tpu.vector_load %arg12[%get3A_654, %get3A_655] {strides = array<i32>} : memref<40x128xf32, #tpu.memory_space<vmem>>, vector<16xf32>,
        %get3A_657 = arith.index_cast %mul3A_643 : i32 to index
        %get3A_658 = arith.constant 48 : index
        %get3A_659 = tpu.vector_load %arg12[%get3A_657, %get3A_658] {strides = array<i32>} : memref<40x128xf32, #tpu.memory_space<vmem>>, vector<16xf32>,
        %get3A_660 = arith.index_cast %mul3A_643 : i32 to index
        %get3A_661 = arith.constant 64 : index
        %get3A_662 = tpu.vector_load %arg12[%get3A_660, %get3A_661] {strides = array<i32>} : memref<40x128xf32, #tpu.memory_space<vmem>>, vector<16xf32>,
        %get3A_663 = arith.index_cast %mul3A_643 : i32 to index
        %get3A_664 = arith.constant 80 : index
        %get3A_665 = tpu.vector_load %arg12[%get3A_663, %get3A_664] {strides = array<i32>} : memref<40x128xf32, #tpu.memory_space<vmem>>, vector<16xf32>,
        %get3A_666 = arith.index_cast %mul3A_643 : i32 to index
        %get3A_667 = arith.constant 96 : index
        %get3A_668 = tpu.vector_load %arg12[%get3A_666, %get3A_667] {strides = array<i32>} : memref<40x128xf32, #tpu.memory_space<vmem>>, vector<16xf32>,
        %get3A_669 = arith.index_cast %mul3A_643 : i32 to index
        %get3A_670 = arith.constant 112 : index
        %get3A_671 = tpu.vector_load %arg12[%get3A_669, %get3A_670] {strides = array<i32>} : memref<40x128xf32, #tpu.memory_space<vmem>>, vector<16xf32>,
        %get3A_672 = arith.index_cast %mul3A_643 : i32 to index
        %get3A_673 = arith.constant 0 : index
        %get3A_674 = tpu.vector_load %arg14[%get3A_672, %get3A_673] {strides = array<i32>} : memref<40x128xf32, #tpu.memory_space<vmem>>, vector<16xf32>,
        %add3A_675 = arith.addf %get3A_650, %get3A_674 : vector<16xf32>
        %add3A_676 = arith.addf %add3A_675, %bitcast_convert_type3A : vector<16xf32>
        %mul3A_677 = arith.constant 2.000000e-01 : f32
        %mul3A_678 = vector.broadcast %mul3A_677 : f32 to vector<16xf32>
        %mul3A_679 = arith.mulf %mul3A_678, %add3A_676 : vector<16xf32>
        %max3A = arith.maximumf %add3A_676, %mul3A_679 : vector<16xf32>
        %mul3A_680 = arith.mulf %max3A, %get3A_14 : vector<16xf32>
        %add3A_681 = arith.addf %broadcast_in_dim3A_1, %mul3A_680 : vector<16xf32>
        %get3A_682 = arith.index_cast %mul3A_643 : i32 to index
        %get3A_683 = arith.constant 16 : index
        %get3A_684 = tpu.vector_load %arg14[%get3A_682, %get3A_683] {strides = array<i32>} : memref<40x128xf32, #tpu.memory_space<vmem>>, vector<16xf32>,
        %add3A_685 = arith.addf %get3A_653, %get3A_684 : vector<16xf32>
        %add3A_686 = arith.addf %add3A_685, %bitcast_convert_type3A_585 : vector<16xf32>
        %mul3A_687 = arith.constant 2.000000e-01 : f32
        %mul3A_688 = vector.broadcast %mul3A_687 : f32 to vector<16xf32>
        %mul3A_689 = arith.mulf %mul3A_688, %add3A_686 : vector<16xf32>
        %max3A_690 = arith.maximumf %add3A_686, %mul3A_689 : vector<16xf32>
        %mul3A_691 = arith.mulf %max3A_690, %get3A_16 : vector<16xf32>
        %add3A_692 = arith.addf %add3A_681, %mul3A_691 : vector<16xf32>
        %get3A_693 = arith.index_cast %mul3A_643 : i32 to index
        %get3A_694 = arith.constant 32 : index
        %get3A_695 = tpu.vector_load %arg14[%get3A_693, %get3A_694] {strides = array<i32>} : memref<40x128xf32, #tpu.memory_space<vmem>>, vector<16xf32>,
        %add3A_696 = arith.addf %get3A_656, %get3A_695 : vector<16xf32>
        %add3A_697 = arith.addf %add3A_696, %bitcast_convert_type3A_589 : vector<16xf32>
        %mul3A_698 = arith.constant 2.000000e-01 : f32
        %mul3A_699 = vector.broadcast %mul3A_698 : f32 to vector<16xf32>
        %mul3A_700 = arith.mulf %mul3A_699, %add3A_697 : vector<16xf32>
        %max3A_701 = arith.maximumf %add3A_697, %mul3A_700 : vector<16xf32>
        %mul3A_702 = arith.mulf %max3A_701, %get3A_18 : vector<16xf32>
        %add3A_703 = arith.addf %add3A_692, %mul3A_702 : vector<16xf32>
        %get3A_704 = arith.index_cast %mul3A_643 : i32 to index
        %get3A_705 = arith.constant 48 : index
        %get3A_706 = tpu.vector_load %arg14[%get3A_704, %get3A_705] {strides = array<i32>} : memref<40x128xf32, #tpu.memory_space<vmem>>, vector<16xf32>,
        %add3A_707 = arith.addf %get3A_659, %get3A_706 : vector<16xf32>
        %add3A_708 = arith.addf %add3A_707, %bitcast_convert_type3A_593 : vector<16xf32>
        %mul3A_709 = arith.constant 2.000000e-01 : f32
        %mul3A_710 = vector.broadcast %mul3A_709 : f32 to vector<16xf32>
        %mul3A_711 = arith.mulf %mul3A_710, %add3A_708 : vector<16xf32>
        %max3A_712 = arith.maximumf %add3A_708, %mul3A_711 : vector<16xf32>
        %mul3A_713 = arith.mulf %max3A_712, %get3A_20 : vector<16xf32>
        %add3A_714 = arith.addf %add3A_703, %mul3A_713 : vector<16xf32>
        %get3A_715 = arith.index_cast %mul3A_643 : i32 to index
        %get3A_716 = arith.constant 64 : index
        %get3A_717 = tpu.vector_load %arg14[%get3A_715, %get3A_716] {strides = array<i32>} : memref<40x128xf32, #tpu.memory_space<vmem>>, vector<16xf32>,
        %add3A_718 = arith.addf %get3A_662, %get3A_717 : vector<16xf32>
        %add3A_719 = arith.addf %add3A_718, %bitcast_convert_type3A_597 : vector<16xf32>
        %mul3A_720 = arith.constant 2.000000e-01 : f32
        %mul3A_721 = vector.broadcast %mul3A_720 : f32 to vector<16xf32>
        %mul3A_722 = arith.mulf %mul3A_721, %add3A_719 : vector<16xf32>
        %max3A_723 = arith.maximumf %add3A_719, %mul3A_722 : vector<16xf32>
        %mul3A_724 = arith.mulf %max3A_723, %get3A_22 : vector<16xf32>
        %add3A_725 = arith.addf %add3A_714, %mul3A_724 : vector<16xf32>
        %get3A_726 = arith.index_cast %mul3A_643 : i32 to index
        %get3A_727 = arith.constant 80 : index
        %get3A_728 = tpu.vector_load %arg14[%get3A_726, %get3A_727] {strides = array<i32>} : memref<40x128xf32, #tpu.memory_space<vmem>>, vector<16xf32>,
        %add3A_729 = arith.addf %get3A_665, %get3A_728 : vector<16xf32>
        %add3A_730 = arith.addf %add3A_729, %bitcast_convert_type3A_601 : vector<16xf32>
        %mul3A_731 = arith.constant 2.000000e-01 : f32
        %mul3A_732 = vector.broadcast %mul3A_731 : f32 to vector<16xf32>
        %mul3A_733 = arith.mulf %mul3A_732, %add3A_730 : vector<16xf32>
        %max3A_734 = arith.maximumf %add3A_730, %mul3A_733 : vector<16xf32>
        %mul3A_735 = arith.mulf %max3A_734, %get3A_24 : vector<16xf32>
        %add3A_736 = arith.addf %add3A_725, %mul3A_735 : vector<16xf32>
        %get3A_737 = arith.index_cast %mul3A_643 : i32 to index
        %get3A_738 = arith.constant 96 : index
        %get3A_739 = tpu.vector_load %arg14[%get3A_737, %get3A_738] {strides = array<i32>} : memref<40x128xf32, #tpu.memory_space<vmem>>, vector<16xf32>,
        %add3A_740 = arith.addf %get3A_668, %get3A_739 : vector<16xf32>
        %add3A_741 = arith.addf %add3A_740, %bitcast_convert_type3A_605 : vector<16xf32>
        %mul3A_742 = arith.constant 2.000000e-01 : f32
        %mul3A_743 = vector.broadcast %mul3A_742 : f32 to vector<16xf32>
        %mul3A_744 = arith.mulf %mul3A_743, %add3A_741 : vector<16xf32>
        %max3A_745 = arith.maximumf %add3A_741, %mul3A_744 : vector<16xf32>
        %mul3A_746 = arith.mulf %max3A_745, %get3A_26 : vector<16xf32>
        %add3A_747 = arith.addf %add3A_736, %mul3A_746 : vector<16xf32>
        %get3A_748 = arith.index_cast %mul3A_643 : i32 to index
        %get3A_749 = arith.constant 112 : index
        %get3A_750 = tpu.vector_load %arg14[%get3A_748, %get3A_749] {strides = array<i32>} : memref<40x128xf32, #tpu.memory_space<vmem>>, vector<16xf32>,
        %add3A_751 = arith.addf %get3A_671, %get3A_750 : vector<16xf32>
        %add3A_752 = arith.addf %add3A_751, %bitcast_convert_type3A_609 : vector<16xf32>
        %mul3A_753 = arith.constant 2.000000e-01 : f32
        %mul3A_754 = vector.broadcast %mul3A_753 : f32 to vector<16xf32>
        %mul3A_755 = arith.mulf %mul3A_754, %add3A_752 : vector<16xf32>
        %max3A_756 = arith.maximumf %add3A_752, %mul3A_755 : vector<16xf32>
        %mul3A_757 = arith.mulf %max3A_756, %get3A_28 : vector<16xf32>
        %add3A_758 = arith.addf %add3A_747, %mul3A_757 : vector<16xf32>
        %reduce_sum3A = arith.constant true
        %reduce_sum3A_759 = vector.broadcast %reduce_sum3A : i1 to vector<16xi1>
        %reduce_sum3A_760 = tpu.scan <sum>, %add3A_758 masked %reduce_sum3A_759 : vector<16xf32>, vector<16xi1> -> vector<16xf32>
        %reduce_sum3A_761 = vector.extract %reduce_sum3A_760[15] : f32 from vector<16xf32>
        %broadcast_in_dim3A_762 = vector.broadcast %reduce_sum3A_761 : f32 to vector<16xf32>
        %exp3A = math.exp %broadcast_in_dim3A_762 : vector<16xf32>
        %swap3A = arith.index_cast %mul3A_643 : i32 to index
        %swap3A_763 = arith.constant 120 : index
        %swap3A_764 = tpu.vector_load %arg18[%swap3A, %swap3A_763] {strides = array<i32>} : memref<40x136xf32, #tpu.memory_space<vmem>>, vector<16xf32>,
        tpu.vector_store %arg18[%swap3A, %swap3A_763], %exp3A {strides = array<i32>} : memref<40x136xf32, #tpu.memory_space<vmem>>, vector<16xf32>,
        %mul3A_765 = arith.mulf %get3A_650, %exp3A : vector<16xf32>
        %swap3A_766 = arith.index_cast %mul3A_643 : i32 to index
        %swap3A_767 = arith.constant 0 : index
        %swap3A_768 = tpu.vector_load %arg18[%swap3A_766, %swap3A_767] {strides = array<i32>} : memref<40x136xf32, #tpu.memory_space<vmem>>, vector<16xf32>,
        tpu.vector_store %arg18[%swap3A_766, %swap3A_767], %mul3A_765 {strides = array<i32>} : memref<40x136xf32, #tpu.memory_space<vmem>>, vector<16xf32>,
        %mul3A_769 = arith.mulf %get3A_653, %exp3A : vector<16xf32>
        %swap3A_770 = arith.index_cast %mul3A_643 : i32 to index
        %swap3A_771 = arith.constant 16 : index
        %swap3A_772 = tpu.vector_load %arg18[%swap3A_770, %swap3A_771] {strides = array<i32>} : memref<40x136xf32, #tpu.memory_space<vmem>>, vector<16xf32>,
        tpu.vector_store %arg18[%swap3A_770, %swap3A_771], %mul3A_769 {strides = array<i32>} : memref<40x136xf32, #tpu.memory_space<vmem>>, vector<16xf32>,
        %mul3A_773 = arith.mulf %get3A_656, %exp3A : vector<16xf32>
        %swap3A_774 = arith.index_cast %mul3A_643 : i32 to index
        %swap3A_775 = arith.constant 32 : index
        %swap3A_776 = tpu.vector_load %arg18[%swap3A_774, %swap3A_775] {strides = array<i32>} : memref<40x136xf32, #tpu.memory_space<vmem>>, vector<16xf32>,
        tpu.vector_store %arg18[%swap3A_774, %swap3A_775], %mul3A_773 {strides = array<i32>} : memref<40x136xf32, #tpu.memory_space<vmem>>, vector<16xf32>,
        %mul3A_777 = arith.mulf %get3A_659, %exp3A : vector<16xf32>
        %swap3A_778 = arith.index_cast %mul3A_643 : i32 to index
        %swap3A_779 = arith.constant 48 : index
        %swap3A_780 = tpu.vector_load %arg18[%swap3A_778, %swap3A_779] {strides = array<i32>} : memref<40x136xf32, #tpu.memory_space<vmem>>, vector<16xf32>,
        tpu.vector_store %arg18[%swap3A_778, %swap3A_779], %mul3A_777 {strides = array<i32>} : memref<40x136xf32, #tpu.memory_space<vmem>>, vector<16xf32>,
        %mul3A_781 = arith.mulf %get3A_662, %exp3A : vector<16xf32>
        %swap3A_782 = arith.index_cast %mul3A_643 : i32 to index
        %swap3A_783 = arith.constant 64 : index
        %swap3A_784 = tpu.vector_load %arg18[%swap3A_782, %swap3A_783] {strides = array<i32>} : memref<40x136xf32, #tpu.memory_space<vmem>>, vector<16xf32>,
        tpu.vector_store %arg18[%swap3A_782, %swap3A_783], %mul3A_781 {strides = array<i32>} : memref<40x136xf32, #tpu.memory_space<vmem>>, vector<16xf32>,
        %mul3A_785 = arith.mulf %get3A_665, %exp3A : vector<16xf32>
        %swap3A_786 = arith.index_cast %mul3A_643 : i32 to index
        %swap3A_787 = arith.constant 80 : index
        %swap3A_788 = tpu.vector_load %arg18[%swap3A_786, %swap3A_787] {strides = array<i32>} : memref<40x136xf32, #tpu.memory_space<vmem>>, vector<16xf32>,
        tpu.vector_store %arg18[%swap3A_786, %swap3A_787], %mul3A_785 {strides = array<i32>} : memref<40x136xf32, #tpu.memory_space<vmem>>, vector<16xf32>,
        %mul3A_789 = arith.mulf %get3A_668, %exp3A : vector<16xf32>
        %swap3A_790 = arith.index_cast %mul3A_643 : i32 to index
        %swap3A_791 = arith.constant 96 : index
        %swap3A_792 = tpu.vector_load %arg18[%swap3A_790, %swap3A_791] {strides = array<i32>} : memref<40x136xf32, #tpu.memory_space<vmem>>, vector<16xf32>,
        tpu.vector_store %arg18[%swap3A_790, %swap3A_791], %mul3A_789 {strides = array<i32>} : memref<40x136xf32, #tpu.memory_space<vmem>>, vector<16xf32>,
        %mul3A_793 = arith.mulf %get3A_671, %exp3A : vector<16xf32>
        %swap3A_794 = arith.index_cast %mul3A_643 : i32 to index
        %swap3A_795 = arith.constant 112 : index
        %swap3A_796 = tpu.vector_load %arg18[%swap3A_794, %swap3A_795] {strides = array<i32>} : memref<40x136xf32, #tpu.memory_space<vmem>>, vector<16xf32>,
        tpu.vector_store %arg18[%swap3A_794, %swap3A_795], %mul3A_793 {strides = array<i32>} : memref<40x136xf32, #tpu.memory_space<vmem>>, vector<16xf32>,
        %get3A_797 = arith.index_cast %add3A_647 : i32 to index
        %get3A_798 = arith.constant 0 : index
        %get3A_799 = tpu.vector_load %arg12[%get3A_797, %get3A_798] {strides = array<i32>} : memref<40x128xf32, #tpu.memory_space<vmem>>, vector<16xf32>,
        %get3A_800 = arith.index_cast %add3A_647 : i32 to index
        %get3A_801 = arith.constant 16 : index
        %get3A_802 = tpu.vector_load %arg12[%get3A_800, %get3A_801] {strides = array<i32>} : memref<40x128xf32, #tpu.memory_space<vmem>>, vector<16xf32>,
        %get3A_803 = arith.index_cast %add3A_647 : i32 to index
        %get3A_804 = arith.constant 32 : index
        %get3A_805 = tpu.vector_load %arg12[%get3A_803, %get3A_804] {strides = array<i32>} : memref<40x128xf32, #tpu.memory_space<vmem>>, vector<16xf32>,
        %get3A_806 = arith.index_cast %add3A_647 : i32 to index
        %get3A_807 = arith.constant 48 : index
        %get3A_808 = tpu.vector_load %arg12[%get3A_806, %get3A_807] {strides = array<i32>} : memref<40x128xf32, #tpu.memory_space<vmem>>, vector<16xf32>,
        %get3A_809 = arith.index_cast %add3A_647 : i32 to index
        %get3A_810 = arith.constant 64 : index
        %get3A_811 = tpu.vector_load %arg12[%get3A_809, %get3A_810] {strides = array<i32>} : memref<40x128xf32, #tpu.memory_space<vmem>>, vector<16xf32>,
        %get3A_812 = arith.index_cast %add3A_647 : i32 to index
        %get3A_813 = arith.constant 80 : index
        %get3A_814 = tpu.vector_load %arg12[%get3A_812, %get3A_813] {strides = array<i32>} : memref<40x128xf32, #tpu.memory_space<vmem>>, vector<16xf32>,
        %get3A_815 = arith.index_cast %add3A_647 : i32 to index
        %get3A_816 = arith.constant 96 : index
        %get3A_817 = tpu.vector_load %arg12[%get3A_815, %get3A_816] {strides = array<i32>} : memref<40x128xf32, #tpu.memory_space<vmem>>, vector<16xf32>,
        %get3A_818 = arith.index_cast %add3A_647 : i32 to index
        %get3A_819 = arith.constant 112 : index
        %get3A_820 = tpu.vector_load %arg12[%get3A_818, %get3A_819] {strides = array<i32>} : memref<40x128xf32, #tpu.memory_space<vmem>>, vector<16xf32>,
        %get3A_821 = arith.index_cast %add3A_647 : i32 to index
        %get3A_822 = arith.constant 0 : index
        %get3A_823 = tpu.vector_load %arg14[%get3A_821, %get3A_822] {strides = array<i32>} : memref<40x128xf32, #tpu.memory_space<vmem>>, vector<16xf32>,
        %add3A_824 = arith.addf %get3A_799, %get3A_823 : vector<16xf32>
        %add3A_825 = arith.addf %add3A_824, %bitcast_convert_type3A_613 : vector<16xf32>
        %mul3A_826 = arith.constant 2.000000e-01 : f32
        %mul3A_827 = vector.broadcast %mul3A_826 : f32 to vector<16xf32>
        %mul3A_828 = arith.mulf %mul3A_827, %add3A_825 : vector<16xf32>
        %max3A_829 = arith.maximumf %add3A_825, %mul3A_828 : vector<16xf32>
        %mul3A_830 = arith.mulf %max3A_829, %get3A_14 : vector<16xf32>
        %add3A_831 = arith.addf %broadcast_in_dim3A_1, %mul3A_830 : vector<16xf32>
        %get3A_832 = arith.index_cast %add3A_647 : i32 to index
        %get3A_833 = arith.constant 16 : index
        %get3A_834 = tpu.vector_load %arg14[%get3A_832, %get3A_833] {strides = array<i32>} : memref<40x128xf32, #tpu.memory_space<vmem>>, vector<16xf32>,
        %add3A_835 = arith.addf %get3A_802, %get3A_834 : vector<16xf32>
        %add3A_836 = arith.addf %add3A_835, %bitcast_convert_type3A_617 : vector<16xf32>
        %mul3A_837 = arith.constant 2.000000e-01 : f32
        %mul3A_838 = vector.broadcast %mul3A_837 : f32 to vector<16xf32>
        %mul3A_839 = arith.mulf %mul3A_838, %add3A_836 : vector<16xf32>
        %max3A_840 = arith.maximumf %add3A_836, %mul3A_839 : vector<16xf32>
        %mul3A_841 = arith.mulf %max3A_840, %get3A_16 : vector<16xf32>
        %add3A_842 = arith.addf %add3A_831, %mul3A_841 : vector<16xf32>
        %get3A_843 = arith.index_cast %add3A_647 : i32 to index
        %get3A_844 = arith.constant 32 : index
        %get3A_845 = tpu.vector_load %arg14[%get3A_843, %get3A_844] {strides = array<i32>} : memref<40x128xf32, #tpu.memory_space<vmem>>, vector<16xf32>,
        %add3A_846 = arith.addf %get3A_805, %get3A_845 : vector<16xf32>
        %add3A_847 = arith.addf %add3A_846, %bitcast_convert_type3A_621 : vector<16xf32>
        %mul3A_848 = arith.constant 2.000000e-01 : f32
        %mul3A_849 = vector.broadcast %mul3A_848 : f32 to vector<16xf32>
        %mul3A_850 = arith.mulf %mul3A_849, %add3A_847 : vector<16xf32>
        %max3A_851 = arith.maximumf %add3A_847, %mul3A_850 : vector<16xf32>
        %mul3A_852 = arith.mulf %max3A_851, %get3A_18 : vector<16xf32>
        %add3A_853 = arith.addf %add3A_842, %mul3A_852 : vector<16xf32>
        %get3A_854 = arith.index_cast %add3A_647 : i32 to index
        %get3A_855 = arith.constant 48 : index
        %get3A_856 = tpu.vector_load %arg14[%get3A_854, %get3A_855] {strides = array<i32>} : memref<40x128xf32, #tpu.memory_space<vmem>>, vector<16xf32>,
        %add3A_857 = arith.addf %get3A_808, %get3A_856 : vector<16xf32>
        %add3A_858 = arith.addf %add3A_857, %bitcast_convert_type3A_625 : vector<16xf32>
        %mul3A_859 = arith.constant 2.000000e-01 : f32
        %mul3A_860 = vector.broadcast %mul3A_859 : f32 to vector<16xf32>
        %mul3A_861 = arith.mulf %mul3A_860, %add3A_858 : vector<16xf32>
        %max3A_862 = arith.maximumf %add3A_858, %mul3A_861 : vector<16xf32>
        %mul3A_863 = arith.mulf %max3A_862, %get3A_20 : vector<16xf32>
        %add3A_864 = arith.addf %add3A_853, %mul3A_863 : vector<16xf32>
        %get3A_865 = arith.index_cast %add3A_647 : i32 to index
        %get3A_866 = arith.constant 64 : index
        %get3A_867 = tpu.vector_load %arg14[%get3A_865, %get3A_866] {strides = array<i32>} : memref<40x128xf32, #tpu.memory_space<vmem>>, vector<16xf32>,
        %add3A_868 = arith.addf %get3A_811, %get3A_867 : vector<16xf32>
        %add3A_869 = arith.addf %add3A_868, %bitcast_convert_type3A_629 : vector<16xf32>
        %mul3A_870 = arith.constant 2.000000e-01 : f32
        %mul3A_871 = vector.broadcast %mul3A_870 : f32 to vector<16xf32>
        %mul3A_872 = arith.mulf %mul3A_871, %add3A_869 : vector<16xf32>
        %max3A_873 = arith.maximumf %add3A_869, %mul3A_872 : vector<16xf32>
        %mul3A_874 = arith.mulf %max3A_873, %get3A_22 : vector<16xf32>
        %add3A_875 = arith.addf %add3A_864, %mul3A_874 : vector<16xf32>
        %get3A_876 = arith.index_cast %add3A_647 : i32 to index
        %get3A_877 = arith.constant 80 : index
        %get3A_878 = tpu.vector_load %arg14[%get3A_876, %get3A_877] {strides = array<i32>} : memref<40x128xf32, #tpu.memory_space<vmem>>, vector<16xf32>,
        %add3A_879 = arith.addf %get3A_814, %get3A_878 : vector<16xf32>
        %add3A_880 = arith.addf %add3A_879, %bitcast_convert_type3A_633 : vector<16xf32>
        %mul3A_881 = arith.constant 2.000000e-01 : f32
        %mul3A_882 = vector.broadcast %mul3A_881 : f32 to vector<16xf32>
        %mul3A_883 = arith.mulf %mul3A_882, %add3A_880 : vector<16xf32>
        %max3A_884 = arith.maximumf %add3A_880, %mul3A_883 : vector<16xf32>
        %mul3A_885 = arith.mulf %max3A_884, %get3A_24 : vector<16xf32>
        %add3A_886 = arith.addf %add3A_875, %mul3A_885 : vector<16xf32>
        %get3A_887 = arith.index_cast %add3A_647 : i32 to index
        %get3A_888 = arith.constant 96 : index
        %get3A_889 = tpu.vector_load %arg14[%get3A_887, %get3A_888] {strides = array<i32>} : memref<40x128xf32, #tpu.memory_space<vmem>>, vector<16xf32>,
        %add3A_890 = arith.addf %get3A_817, %get3A_889 : vector<16xf32>
        %add3A_891 = arith.addf %add3A_890, %bitcast_convert_type3A_637 : vector<16xf32>
        %mul3A_892 = arith.constant 2.000000e-01 : f32
        %mul3A_893 = vector.broadcast %mul3A_892 : f32 to vector<16xf32>
        %mul3A_894 = arith.mulf %mul3A_893, %add3A_891 : vector<16xf32>
        %max3A_895 = arith.maximumf %add3A_891, %mul3A_894 : vector<16xf32>
        %mul3A_896 = arith.mulf %max3A_895, %get3A_26 : vector<16xf32>
        %add3A_897 = arith.addf %add3A_886, %mul3A_896 : vector<16xf32>
        %get3A_898 = arith.index_cast %add3A_647 : i32 to index
        %get3A_899 = arith.constant 112 : index
        %get3A_900 = tpu.vector_load %arg14[%get3A_898, %get3A_899] {strides = array<i32>} : memref<40x128xf32, #tpu.memory_space<vmem>>, vector<16xf32>,
        %add3A_901 = arith.addf %get3A_820, %get3A_900 : vector<16xf32>
        %add3A_902 = arith.addf %add3A_901, %bitcast_convert_type3A_641 : vector<16xf32>
        %mul3A_903 = arith.constant 2.000000e-01 : f32
        %mul3A_904 = vector.broadcast %mul3A_903 : f32 to vector<16xf32>
        %mul3A_905 = arith.mulf %mul3A_904, %add3A_902 : vector<16xf32>
        %max3A_906 = arith.maximumf %add3A_902, %mul3A_905 : vector<16xf32>
        %mul3A_907 = arith.mulf %max3A_906, %get3A_28 : vector<16xf32>
        %add3A_908 = arith.addf %add3A_897, %mul3A_907 : vector<16xf32>
        %reduce_sum3A_909 = arith.constant true
        %reduce_sum3A_910 = vector.broadcast %reduce_sum3A_909 : i1 to vector<16xi1>
        %reduce_sum3A_911 = tpu.scan <sum>, %add3A_908 masked %reduce_sum3A_910 : vector<16xf32>, vector<16xi1> -> vector<16xf32>
        %reduce_sum3A_912 = vector.extract %reduce_sum3A_911[15] : f32 from vector<16xf32>
        %broadcast_in_dim3A_913 = vector.broadcast %reduce_sum3A_912 : f32 to vector<16xf32>
        %exp3A_914 = math.exp %broadcast_in_dim3A_913 : vector<16xf32>
        %swap3A_915 = arith.index_cast %add3A_647 : i32 to index
        %swap3A_916 = arith.constant 120 : index
        %swap3A_917 = tpu.vector_load %arg18[%swap3A_915, %swap3A_916] {strides = array<i32>} : memref<40x136xf32, #tpu.memory_space<vmem>>, vector<16xf32>,
        tpu.vector_store %arg18[%swap3A_915, %swap3A_916], %exp3A_914 {strides = array<i32>} : memref<40x136xf32, #tpu.memory_space<vmem>>, vector<16xf32>,
        %mul3A_918 = arith.mulf %get3A_799, %exp3A_914 : vector<16xf32>
        %swap3A_919 = arith.index_cast %add3A_647 : i32 to index
        %swap3A_920 = arith.constant 0 : index
        %swap3A_921 = tpu.vector_load %arg18[%swap3A_919, %swap3A_920] {strides = array<i32>} : memref<40x136xf32, #tpu.memory_space<vmem>>, vector<16xf32>,
        tpu.vector_store %arg18[%swap3A_919, %swap3A_920], %mul3A_918 {strides = array<i32>} : memref<40x136xf32, #tpu.memory_space<vmem>>, vector<16xf32>,
        %mul3A_922 = arith.mulf %get3A_802, %exp3A_914 : vector<16xf32>
        %swap3A_923 = arith.index_cast %add3A_647 : i32 to index
        %swap3A_924 = arith.constant 16 : index
        %swap3A_925 = tpu.vector_load %arg18[%swap3A_923, %swap3A_924] {strides = array<i32>} : memref<40x136xf32, #tpu.memory_space<vmem>>, vector<16xf32>,
        tpu.vector_store %arg18[%swap3A_923, %swap3A_924], %mul3A_922 {strides = array<i32>} : memref<40x136xf32, #tpu.memory_space<vmem>>, vector<16xf32>,
        %mul3A_926 = arith.mulf %get3A_805, %exp3A_914 : vector<16xf32>
        %swap3A_927 = arith.index_cast %add3A_647 : i32 to index
        %swap3A_928 = arith.constant 32 : index
        %swap3A_929 = tpu.vector_load %arg18[%swap3A_927, %swap3A_928] {strides = array<i32>} : memref<40x136xf32, #tpu.memory_space<vmem>>, vector<16xf32>,
        tpu.vector_store %arg18[%swap3A_927, %swap3A_928], %mul3A_926 {strides = array<i32>} : memref<40x136xf32, #tpu.memory_space<vmem>>, vector<16xf32>,
        %mul3A_930 = arith.mulf %get3A_808, %exp3A_914 : vector<16xf32>
        %swap3A_931 = arith.index_cast %add3A_647 : i32 to index
        %swap3A_932 = arith.constant 48 : index
        %swap3A_933 = tpu.vector_load %arg18[%swap3A_931, %swap3A_932] {strides = array<i32>} : memref<40x136xf32, #tpu.memory_space<vmem>>, vector<16xf32>,
        tpu.vector_store %arg18[%swap3A_931, %swap3A_932], %mul3A_930 {strides = array<i32>} : memref<40x136xf32, #tpu.memory_space<vmem>>, vector<16xf32>,
        %mul3A_934 = arith.mulf %get3A_811, %exp3A_914 : vector<16xf32>
        %swap3A_935 = arith.index_cast %add3A_647 : i32 to index
        %swap3A_936 = arith.constant 64 : index
        %swap3A_937 = tpu.vector_load %arg18[%swap3A_935, %swap3A_936] {strides = array<i32>} : memref<40x136xf32, #tpu.memory_space<vmem>>, vector<16xf32>,
        tpu.vector_store %arg18[%swap3A_935, %swap3A_936], %mul3A_934 {strides = array<i32>} : memref<40x136xf32, #tpu.memory_space<vmem>>, vector<16xf32>,
        %mul3A_938 = arith.mulf %get3A_814, %exp3A_914 : vector<16xf32>
        %swap3A_939 = arith.index_cast %add3A_647 : i32 to index
        %swap3A_940 = arith.constant 80 : index
        %swap3A_941 = tpu.vector_load %arg18[%swap3A_939, %swap3A_940] {strides = array<i32>} : memref<40x136xf32, #tpu.memory_space<vmem>>, vector<16xf32>,
        tpu.vector_store %arg18[%swap3A_939, %swap3A_940], %mul3A_938 {strides = array<i32>} : memref<40x136xf32, #tpu.memory_space<vmem>>, vector<16xf32>,
        %mul3A_942 = arith.mulf %get3A_817, %exp3A_914 : vector<16xf32>
        %swap3A_943 = arith.index_cast %add3A_647 : i32 to index
        %swap3A_944 = arith.constant 96 : index
        %swap3A_945 = tpu.vector_load %arg18[%swap3A_943, %swap3A_944] {strides = array<i32>} : memref<40x136xf32, #tpu.memory_space<vmem>>, vector<16xf32>,
        tpu.vector_store %arg18[%swap3A_943, %swap3A_944], %mul3A_942 {strides = array<i32>} : memref<40x136xf32, #tpu.memory_space<vmem>>, vector<16xf32>,
        %mul3A_946 = arith.mulf %get3A_820, %exp3A_914 : vector<16xf32>
        %swap3A_947 = arith.index_cast %add3A_647 : i32 to index
        %swap3A_948 = arith.constant 112 : index
        %swap3A_949 = tpu.vector_load %arg18[%swap3A_947, %swap3A_948] {strides = array<i32>} : memref<40x136xf32, #tpu.memory_space<vmem>>, vector<16xf32>,
        tpu.vector_store %arg18[%swap3A_947, %swap3A_948], %mul3A_946 {strides = array<i32>} : memref<40x136xf32, #tpu.memory_space<vmem>>, vector<16xf32>,
      }
      %scan3A_485 = arith.constant 20 : i32
      %jit3A_486 = arith.constant 10 : i32
      %div3A_487 = arith.divsi %add3A_340, %jit3A_486 : i32
      %sign3A_488 = arith.constant 0 : i32
      %sign3A_489 = arith.cmpi sgt, %add3A_340, %sign3A_488 : i32
      %sign3A_490 = arith.extui %sign3A_489 : i1 to i32
      %sign3A_491 = arith.constant 0 : i32
      %sign3A_492 = arith.cmpi slt, %add3A_340, %sign3A_491 : i32
      %sign3A_493 = arith.extui %sign3A_492 : i1 to i32
      %sign3A_494 = arith.subi %sign3A_490, %sign3A_493 : i32
      %sign3A_495 = arith.constant 0 : i32
      %sign3A_496 = arith.cmpi sgt, %jit3A_486, %sign3A_495 : i32
      %sign3A_497 = arith.extui %sign3A_496 : i1 to i32
      %sign3A_498 = arith.constant 0 : i32
      %sign3A_499 = arith.cmpi slt, %jit3A_486, %sign3A_498 : i32
      %sign3A_500 = arith.extui %sign3A_499 : i1 to i32
      %sign3A_501 = arith.subi %sign3A_497, %sign3A_500 : i32
      %ne3A_502 = arith.cmpi ne, %sign3A_494, %sign3A_501 : i32
      %rem3A_503 = arith.remsi %add3A_340, %jit3A_486 : i32
      %ne3A_504 = arith.constant 0 : i32
      %ne3A_505 = arith.cmpi ne, %rem3A_503, %ne3A_504 : i32
      %and3A_506 = arith.andi %ne3A_502, %ne3A_505 : i1
      %sub3A_507 = arith.constant 1 : i32
      %sub3A_508 = arith.subi %div3A_487, %sub3A_507 : i32
      %select_n3A_509 = arith.select %and3A_506, %sub3A_508, %div3A_487 : i32
      %jit3A_510 = arith.constant 2 : i32
      %eq3A_511 = arith.constant 0 : i32
      %eq3A_512 = arith.cmpi eq, %jit3A_510, %eq3A_511 : i32
      %jit3A_513 = arith.constant 1 : i32
      %select_n3A_514 = arith.select %eq3A_512, %jit3A_513, %jit3A_510 : i32
      %rem3A_515 = arith.remsi %select_n3A_509, %select_n3A_514 : i32
      %ne3A_516 = arith.constant 0 : i32
      %ne3A_517 = arith.cmpi ne, %rem3A_515, %ne3A_516 : i32
      %lt3A_518 = arith.constant 0 : i32
      %lt3A_519 = arith.cmpi slt, %rem3A_515, %lt3A_518 : i32
      %lt3A_520 = arith.constant 0 : i32
      %lt3A_521 = arith.cmpi slt, %select_n3A_514, %lt3A_520 : i32
      %ne3A_522 = arith.xori %lt3A_519, %lt3A_521 : i1
      %and3A_523 = arith.andi %ne3A_522, %ne3A_517 : i1
      %add3A_524 = arith.addi %rem3A_515, %select_n3A_514 : i32
      %select_n3A_525 = arith.select %and3A_523, %add3A_524, %rem3A_515 : i32
      %jit3A_526 = arith.constant 10 : i32
      %eq3A_527 = arith.constant 0 : i32
      %eq3A_528 = arith.cmpi eq, %jit3A_526, %eq3A_527 : i32
      %jit3A_529 = arith.constant 1 : i32
      %select_n3A_530 = arith.select %eq3A_528, %jit3A_529, %jit3A_526 : i32
      %rem3A_531 = arith.remsi %add3A_340, %select_n3A_530 : i32
      %ne3A_532 = arith.constant 0 : i32
      %ne3A_533 = arith.cmpi ne, %rem3A_531, %ne3A_532 : i32
      %lt3A_534 = arith.constant 0 : i32
      %lt3A_535 = arith.cmpi slt, %rem3A_531, %lt3A_534 : i32
      %lt3A_536 = arith.constant 0 : i32
      %lt3A_537 = arith.cmpi slt, %select_n3A_530, %lt3A_536 : i32
      %ne3A_538 = arith.xori %lt3A_535, %lt3A_537 : i1
      %and3A_539 = arith.andi %ne3A_538, %ne3A_533 : i1
      %add3A_540 = arith.addi %rem3A_531, %select_n3A_530 : i32
      %select_n3A_541 = arith.select %and3A_539, %add3A_540, %rem3A_531 : i32
      %dma_start3A_542 = arith.constant 0 : i32
      %dma_start3A_543 = tpu.memref_slice %arg10[%select_n3A_525, %select_n3A_541, %dma_start3A_542] : memref<2x10x40xi32, #tpu.memory_space<vmem>> -> memref<1x1x40xi32, #tpu.memory_space<vmem>>
      %dma_start3A_544 = tpu.memref_squeeze %dma_start3A_543 : memref<1x1x40xi32, #tpu.memory_space<vmem>> -> memref<40xi32, #tpu.memory_space<vmem>>
      %dma_start3A_545 = arith.constant 0 : i32
      %dma_start3A_546 = arith.constant 0 : i32
      %dma_start3A_547 = tpu.memref_slice %arg20[%dma_start3A_545, %dma_start3A_546] : memref<10000x136xf32, #tpu.memory_space<vmem_shared>> -> memref<10000x136xf32, #tpu.memory_space<vmem_shared>>
      tpu.enqueue_indirect_dma source(%arg18 : memref<40x136xf32, #tpu.memory_space<vmem>>) target(%dma_start3A_547 : memref<10000x136xf32, #tpu.memory_space<vmem_shared>>) offsets(%dma_start3A_544 : memref<40xi32, #tpu.memory_space<vmem>>) semaphore(%arg24 : memref<!tpu.dma_semaphore, #tpu.memory_space<semaphore_mem>>) {add = true}
      %add3A_548 = arith.constant 2 : i32
      %add3A_549 = arith.addi %add3A_340, %add3A_548 : i32
      %lt3A_550 = arith.constant 250 : i32
      %lt3A_551 = arith.cmpi slt, %add3A_549, %lt3A_550 : i32
      %convert_element_type3A_552 = arith.extui %lt3A_551 : i1 to i32
      %cond3A_553 = arith.constant 0 : i32
      %cond3A_554 = arith.cmpi ne, %convert_element_type3A_552, %cond3A_553 : i32
      scf.if %cond3A_554 {
        %add3A_555 = arith.constant 2 : i32
        %add3A_556 = arith.addi %add3A_340, %add3A_555 : i32
        %jit3A_557 = arith.constant 10 : i32
        %eq3A_558 = arith.constant 0 : i32
        %eq3A_559 = arith.cmpi eq, %jit3A_557, %eq3A_558 : i32
        %jit3A_560 = arith.constant 1 : i32
        %select_n3A_561 = arith.select %eq3A_559, %jit3A_560, %jit3A_557 : i32
        %rem3A_562 = arith.remsi %add3A_556, %select_n3A_561 : i32
        %ne3A_563 = arith.constant 0 : i32
        %ne3A_564 = arith.cmpi ne, %rem3A_562, %ne3A_563 : i32
        %lt3A_565 = arith.constant 0 : i32
        %lt3A_566 = arith.cmpi slt, %rem3A_562, %lt3A_565 : i32
        %lt3A_567 = arith.constant 0 : i32
        %lt3A_568 = arith.cmpi slt, %select_n3A_561, %lt3A_567 : i32
        %ne3A_569 = arith.xori %lt3A_566, %lt3A_568 : i1
        %and3A_570 = arith.andi %ne3A_569, %ne3A_564 : i1
        %add3A_571 = arith.addi %rem3A_562, %select_n3A_561 : i32
        %select_n3A_572 = arith.select %and3A_570, %add3A_571, %rem3A_562 : i32
        %eq3A_573 = arith.constant 0 : i32
        %eq3A_574 = arith.cmpi eq, %select_n3A_572, %eq3A_573 : i32
        %convert_element_type3A_575 = arith.extui %eq3A_574 : i1 to i32
        %cond3A_576 = arith.constant 0 : i32
        %cond3A_577 = arith.cmpi ne, %convert_element_type3A_575, %cond3A_576 : i32
        scf.if %cond3A_577 {
          %add3A_714 = arith.constant 2 : i32
          %add3A_715 = arith.addi %add3A_340, %add3A_714 : i32
          %jit3A_716 = arith.constant 10 : i32
          %div3A_717 = arith.divsi %add3A_715, %jit3A_716 : i32
          %sign3A_718 = arith.constant 0 : i32
          %sign3A_719 = arith.cmpi sgt, %add3A_715, %sign3A_718 : i32
          %sign3A_720 = arith.extui %sign3A_719 : i1 to i32
          %sign3A_721 = arith.constant 0 : i32
          %sign3A_722 = arith.cmpi slt, %add3A_715, %sign3A_721 : i32
          %sign3A_723 = arith.extui %sign3A_722 : i1 to i32
          %sign3A_724 = arith.subi %sign3A_720, %sign3A_723 : i32
          %sign3A_725 = arith.constant 0 : i32
          %sign3A_726 = arith.cmpi sgt, %jit3A_716, %sign3A_725 : i32
          %sign3A_727 = arith.extui %sign3A_726 : i1 to i32
          %sign3A_728 = arith.constant 0 : i32
          %sign3A_729 = arith.cmpi slt, %jit3A_716, %sign3A_728 : i32
          %sign3A_730 = arith.extui %sign3A_729 : i1 to i32
          %sign3A_731 = arith.subi %sign3A_727, %sign3A_730 : i32
          %ne3A_732 = arith.cmpi ne, %sign3A_724, %sign3A_731 : i32
          %rem3A_733 = arith.remsi %add3A_715, %jit3A_716 : i32
          %ne3A_734 = arith.constant 0 : i32
          %ne3A_735 = arith.cmpi ne, %rem3A_733, %ne3A_734 : i32
          %and3A_736 = arith.andi %ne3A_732, %ne3A_735 : i1
          %sub3A_737 = arith.constant 1 : i32
          %sub3A_738 = arith.subi %div3A_717, %sub3A_737 : i32
          %select_n3A_739 = arith.select %and3A_736, %sub3A_738, %div3A_717 : i32
          %mul3A_740 = arith.constant 10 : i32
          %mul3A_741 = arith.muli %select_n3A_739, %mul3A_740 : i32
          %jit3A_742 = arith.constant 2 : i32
          %eq3A_743 = arith.constant 0 : i32
          %eq3A_744 = arith.cmpi eq, %jit3A_742, %eq3A_743 : i32
          %jit3A_745 = arith.constant 1 : i32
          %select_n3A_746 = arith.select %eq3A_744, %jit3A_745, %jit3A_742 : i32
          %rem3A_747 = arith.remsi %select_n3A_739, %select_n3A_746 : i32
          %ne3A_748 = arith.constant 0 : i32
          %ne3A_749 = arith.cmpi ne, %rem3A_747, %ne3A_748 : i32
          %lt3A_750 = arith.constant 0 : i32
          %lt3A_751 = arith.cmpi slt, %rem3A_747, %lt3A_750 : i32
          %lt3A_752 = arith.constant 0 : i32
          %lt3A_753 = arith.cmpi slt, %select_n3A_746, %lt3A_752 : i32
          %ne3A_754 = arith.xori %lt3A_751, %lt3A_753 : i1
          %and3A_755 = arith.andi %ne3A_754, %ne3A_749 : i1
          %add3A_756 = arith.addi %rem3A_747, %select_n3A_746 : i32
          %select_n3A_757 = arith.select %and3A_755, %add3A_756, %rem3A_747 : i32
          %dma_wait3A_758 = arith.constant 0 : i32
          %dma_wait3A_759 = arith.constant 0 : i32
          %dma_wait3A_760 = tpu.memref_slice %arg9[%select_n3A_757, %dma_wait3A_758, %dma_wait3A_759] : memref<2x10x40xi32, #tpu.memory_space<vmem>> -> memref<1x10x40xi32, #tpu.memory_space<vmem>>
          %dma_wait3A_761 = tpu.memref_squeeze %dma_wait3A_760 : memref<1x10x40xi32, #tpu.memory_space<vmem>> -> memref<10x40xi32, #tpu.memory_space<vmem>>
          %dma_wait3A_762 = arith.constant 0 : i32
          %dma_wait3A_763 = tpu.memref_slice %arg2[%add3A, %mul3A_741, %dma_wait3A_762] : memref<32x250x40xi32, #tpu.memory_space<hbm>> -> memref<1x10x40xi32, #tpu.memory_space<hbm>>
          %dma_wait3A_764 = tpu.memref_squeeze %dma_wait3A_763 : memref<1x10x40xi32, #tpu.memory_space<hbm>> -> memref<10x40xi32, #tpu.memory_space<hbm>>
          %dma_wait3A_765 = arith.constant 0 : i32
          %dma_wait3A_766 = arith.constant 0 : i32
          %dma_wait3A_767 = tpu.memref_slice %arg9[%select_n3A_757, %dma_wait3A_765, %dma_wait3A_766] : memref<2x10x40xi32, #tpu.memory_space<vmem>> -> memref<1x10x40xi32, #tpu.memory_space<vmem>>
          %dma_wait3A_768 = tpu.memref_squeeze %dma_wait3A_767 : memref<1x10x40xi32, #tpu.memory_space<vmem>> -> memref<10x40xi32, #tpu.memory_space<vmem>>
          %dma_wait3A_769 = arith.constant 0 : i32
          %dma_wait3A_770 = tpu.memref_slice %arg2[%add3A, %mul3A_741, %dma_wait3A_769] : memref<32x250x40xi32, #tpu.memory_space<hbm>> -> memref<1x10x40xi32, #tpu.memory_space<hbm>>
          %dma_wait3A_771 = tpu.memref_squeeze %dma_wait3A_770 : memref<1x10x40xi32, #tpu.memory_space<hbm>> -> memref<10x40xi32, #tpu.memory_space<hbm>>
          tpu.wait_dma2 semaphore(%arg25 : memref<!tpu.dma_semaphore, #tpu.memory_space<semaphore_mem>>) src(%dma_wait3A_771 : memref<10x40xi32, #tpu.memory_space<hbm>>) dst(%dma_wait3A_768 : memref<10x40xi32, #tpu.memory_space<vmem>>)
          %mul3A_772 = arith.constant 10 : i32
          %mul3A_773 = arith.muli %select_n3A_739, %mul3A_772 : i32
          %jit3A_774 = arith.constant 2 : i32
          %eq3A_775 = arith.constant 0 : i32
          %eq3A_776 = arith.cmpi eq, %jit3A_774, %eq3A_775 : i32
          %jit3A_777 = arith.constant 1 : i32
          %select_n3A_778 = arith.select %eq3A_776, %jit3A_777, %jit3A_774 : i32
          %rem3A_779 = arith.remsi %select_n3A_739, %select_n3A_778 : i32
          %ne3A_780 = arith.constant 0 : i32
          %ne3A_781 = arith.cmpi ne, %rem3A_779, %ne3A_780 : i32
          %lt3A_782 = arith.constant 0 : i32
          %lt3A_783 = arith.cmpi slt, %rem3A_779, %lt3A_782 : i32
          %lt3A_784 = arith.constant 0 : i32
          %lt3A_785 = arith.cmpi slt, %select_n3A_778, %lt3A_784 : i32
          %ne3A_786 = arith.xori %lt3A_783, %lt3A_785 : i1
          %and3A_787 = arith.andi %ne3A_786, %ne3A_781 : i1
          %add3A_788 = arith.addi %rem3A_779, %select_n3A_778 : i32
          %select_n3A_789 = arith.select %and3A_787, %add3A_788, %rem3A_779 : i32
          %dma_wait3A_790 = arith.constant 0 : i32
          %dma_wait3A_791 = arith.constant 0 : i32
          %dma_wait3A_792 = tpu.memref_slice %arg10[%select_n3A_789, %dma_wait3A_790, %dma_wait3A_791] : memref<2x10x40xi32, #tpu.memory_space<vmem>> -> memref<1x10x40xi32, #tpu.memory_space<vmem>>
          %dma_wait3A_793 = tpu.memref_squeeze %dma_wait3A_792 : memref<1x10x40xi32, #tpu.memory_space<vmem>> -> memref<10x40xi32, #tpu.memory_space<vmem>>
          %dma_wait3A_794 = arith.constant 0 : i32
          %dma_wait3A_795 = tpu.memref_slice %arg3[%add3A, %mul3A_773, %dma_wait3A_794] : memref<32x250x40xi32, #tpu.memory_space<hbm>> -> memref<1x10x40xi32, #tpu.memory_space<hbm>>
          %dma_wait3A_796 = tpu.memref_squeeze %dma_wait3A_795 : memref<1x10x40xi32, #tpu.memory_space<hbm>> -> memref<10x40xi32, #tpu.memory_space<hbm>>
          %dma_wait3A_797 = arith.constant 0 : i32
          %dma_wait3A_798 = arith.constant 0 : i32
          %dma_wait3A_799 = tpu.memref_slice %arg10[%select_n3A_789, %dma_wait3A_797, %dma_wait3A_798] : memref<2x10x40xi32, #tpu.memory_space<vmem>> -> memref<1x10x40xi32, #tpu.memory_space<vmem>>
          %dma_wait3A_800 = tpu.memref_squeeze %dma_wait3A_799 : memref<1x10x40xi32, #tpu.memory_space<vmem>> -> memref<10x40xi32, #tpu.memory_space<vmem>>
          %dma_wait3A_801 = arith.constant 0 : i32
          %dma_wait3A_802 = tpu.memref_slice %arg3[%add3A, %mul3A_773, %dma_wait3A_801] : memref<32x250x40xi32, #tpu.memory_space<hbm>> -> memref<1x10x40xi32, #tpu.memory_space<hbm>>
          %dma_wait3A_803 = tpu.memref_squeeze %dma_wait3A_802 : memref<1x10x40xi32, #tpu.memory_space<hbm>> -> memref<10x40xi32, #tpu.memory_space<hbm>>
          tpu.wait_dma2 semaphore(%arg25 : memref<!tpu.dma_semaphore, #tpu.memory_space<semaphore_mem>>) src(%dma_wait3A_803 : memref<10x40xi32, #tpu.memory_space<hbm>>) dst(%dma_wait3A_800 : memref<10x40xi32, #tpu.memory_space<vmem>>)
        } else {
        }
        %add3A_578 = arith.constant 2 : i32
        %add3A_579 = arith.addi %add3A_340, %add3A_578 : i32
        %mul3A_580 = arith.constant 5000 : i32
        %mul3A_581 = arith.muli %add3A, %mul3A_580 : i32
        %multiple_of3A_582 = tpu.assume_multiple %mul3A_581, 4 : i32
        %mul3A_583 = arith.constant 20 : i32
        %mul3A_584 = arith.muli %add3A_579, %mul3A_583 : i32
        %add3A_585 = arith.addi %multiple_of3A_582, %mul3A_584 : i32
        %jit3A_586 = arith.constant 10 : i32
        %div3A_587 = arith.divsi %add3A_579, %jit3A_586 : i32
        %sign3A_588 = arith.constant 0 : i32
        %sign3A_589 = arith.cmpi sgt, %add3A_579, %sign3A_588 : i32
        %sign3A_590 = arith.extui %sign3A_589 : i1 to i32
        %sign3A_591 = arith.constant 0 : i32
        %sign3A_592 = arith.cmpi slt, %add3A_579, %sign3A_591 : i32
        %sign3A_593 = arith.extui %sign3A_592 : i1 to i32
        %sign3A_594 = arith.subi %sign3A_590, %sign3A_593 : i32
        %sign3A_595 = arith.constant 0 : i32
        %sign3A_596 = arith.cmpi sgt, %jit3A_586, %sign3A_595 : i32
        %sign3A_597 = arith.extui %sign3A_596 : i1 to i32
        %sign3A_598 = arith.constant 0 : i32
        %sign3A_599 = arith.cmpi slt, %jit3A_586, %sign3A_598 : i32
        %sign3A_600 = arith.extui %sign3A_599 : i1 to i32
        %sign3A_601 = arith.subi %sign3A_597, %sign3A_600 : i32
        %ne3A_602 = arith.cmpi ne, %sign3A_594, %sign3A_601 : i32
        %rem3A_603 = arith.remsi %add3A_579, %jit3A_586 : i32
        %ne3A_604 = arith.constant 0 : i32
        %ne3A_605 = arith.cmpi ne, %rem3A_603, %ne3A_604 : i32
        %and3A_606 = arith.andi %ne3A_602, %ne3A_605 : i1
        %sub3A_607 = arith.constant 1 : i32
        %sub3A_608 = arith.subi %div3A_587, %sub3A_607 : i32
        %select_n3A_609 = arith.select %and3A_606, %sub3A_608, %div3A_587 : i32
        %jit3A_610 = arith.constant 2 : i32
        %eq3A_611 = arith.constant 0 : i32
        %eq3A_612 = arith.cmpi eq, %jit3A_610, %eq3A_611 : i32
        %jit3A_613 = arith.constant 1 : i32
        %select_n3A_614 = arith.select %eq3A_612, %jit3A_613, %jit3A_610 : i32
        %rem3A_615 = arith.remsi %select_n3A_609, %select_n3A_614 : i32
        %ne3A_616 = arith.constant 0 : i32
        %ne3A_617 = arith.cmpi ne, %rem3A_615, %ne3A_616 : i32
        %lt3A_618 = arith.constant 0 : i32
        %lt3A_619 = arith.cmpi slt, %rem3A_615, %lt3A_618 : i32
        %lt3A_620 = arith.constant 0 : i32
        %lt3A_621 = arith.cmpi slt, %select_n3A_614, %lt3A_620 : i32
        %ne3A_622 = arith.xori %lt3A_619, %lt3A_621 : i1
        %and3A_623 = arith.andi %ne3A_622, %ne3A_617 : i1
        %add3A_624 = arith.addi %rem3A_615, %select_n3A_614 : i32
        %select_n3A_625 = arith.select %and3A_623, %add3A_624, %rem3A_615 : i32
        %jit3A_626 = arith.constant 10 : i32
        %eq3A_627 = arith.constant 0 : i32
        %eq3A_628 = arith.cmpi eq, %jit3A_626, %eq3A_627 : i32
        %jit3A_629 = arith.constant 1 : i32
        %select_n3A_630 = arith.select %eq3A_628, %jit3A_629, %jit3A_626 : i32
        %rem3A_631 = arith.remsi %add3A_579, %select_n3A_630 : i32
        %ne3A_632 = arith.constant 0 : i32
        %ne3A_633 = arith.cmpi ne, %rem3A_631, %ne3A_632 : i32
        %lt3A_634 = arith.constant 0 : i32
        %lt3A_635 = arith.cmpi slt, %rem3A_631, %lt3A_634 : i32
        %lt3A_636 = arith.constant 0 : i32
        %lt3A_637 = arith.cmpi slt, %select_n3A_630, %lt3A_636 : i32
        %ne3A_638 = arith.xori %lt3A_635, %lt3A_637 : i1
        %and3A_639 = arith.andi %ne3A_638, %ne3A_633 : i1
        %add3A_640 = arith.addi %rem3A_631, %select_n3A_630 : i32
        %select_n3A_641 = arith.select %and3A_639, %add3A_640, %rem3A_631 : i32
        %dma_start3A_642 = arith.constant 0 : i32
        %dma_start3A_643 = tpu.memref_slice %arg9[%select_n3A_625, %select_n3A_641, %dma_start3A_642] : memref<2x10x40xi32, #tpu.memory_space<vmem>> -> memref<1x1x40xi32, #tpu.memory_space<vmem>>
        %dma_start3A_644 = tpu.memref_squeeze %dma_start3A_643 : memref<1x1x40xi32, #tpu.memory_space<vmem>> -> memref<40xi32, #tpu.memory_space<vmem>>
        %dma_start3A_645 = arith.constant 0 : i32
        %dma_start3A_646 = arith.constant 0 : i32
        %dma_start3A_647 = tpu.memref_slice %arg4[%dma_start3A_645, %dma_start3A_646] : memref<10000x128xf32, #tpu.memory_space<hbm>> -> memref<10000x128xf32, #tpu.memory_space<hbm>>
        tpu.enqueue_indirect_dma source(%dma_start3A_647 : memref<10000x128xf32, #tpu.memory_space<hbm>>) target(%arg12 : memref<40x128xf32, #tpu.memory_space<vmem>>) offsets(%dma_start3A_644 : memref<40xi32, #tpu.memory_space<vmem>>) semaphore(%arg22 : memref<!tpu.dma_semaphore, #tpu.memory_space<semaphore_mem>>)
        %jit3A_648 = arith.constant 10 : i32
        %div3A_649 = arith.divsi %add3A_579, %jit3A_648 : i32
        %sign3A_650 = arith.constant 0 : i32
        %sign3A_651 = arith.cmpi sgt, %add3A_579, %sign3A_650 : i32
        %sign3A_652 = arith.extui %sign3A_651 : i1 to i32
        %sign3A_653 = arith.constant 0 : i32
        %sign3A_654 = arith.cmpi slt, %add3A_579, %sign3A_653 : i32
        %sign3A_655 = arith.extui %sign3A_654 : i1 to i32
        %sign3A_656 = arith.subi %sign3A_652, %sign3A_655 : i32
        %sign3A_657 = arith.constant 0 : i32
        %sign3A_658 = arith.cmpi sgt, %jit3A_648, %sign3A_657 : i32
        %sign3A_659 = arith.extui %sign3A_658 : i1 to i32
        %sign3A_660 = arith.constant 0 : i32
        %sign3A_661 = arith.cmpi slt, %jit3A_648, %sign3A_660 : i32
        %sign3A_662 = arith.extui %sign3A_661 : i1 to i32
        %sign3A_663 = arith.subi %sign3A_659, %sign3A_662 : i32
        %ne3A_664 = arith.cmpi ne, %sign3A_656, %sign3A_663 : i32
        %rem3A_665 = arith.remsi %add3A_579, %jit3A_648 : i32
        %ne3A_666 = arith.constant 0 : i32
        %ne3A_667 = arith.cmpi ne, %rem3A_665, %ne3A_666 : i32
        %and3A_668 = arith.andi %ne3A_664, %ne3A_667 : i1
        %sub3A_669 = arith.constant 1 : i32
        %sub3A_670 = arith.subi %div3A_649, %sub3A_669 : i32
        %select_n3A_671 = arith.select %and3A_668, %sub3A_670, %div3A_649 : i32
        %jit3A_672 = arith.constant 2 : i32
        %eq3A_673 = arith.constant 0 : i32
        %eq3A_674 = arith.cmpi eq, %jit3A_672, %eq3A_673 : i32
        %jit3A_675 = arith.constant 1 : i32
        %select_n3A_676 = arith.select %eq3A_674, %jit3A_675, %jit3A_672 : i32
        %rem3A_677 = arith.remsi %select_n3A_671, %select_n3A_676 : i32
        %ne3A_678 = arith.constant 0 : i32
        %ne3A_679 = arith.cmpi ne, %rem3A_677, %ne3A_678 : i32
        %lt3A_680 = arith.constant 0 : i32
        %lt3A_681 = arith.cmpi slt, %rem3A_677, %lt3A_680 : i32
        %lt3A_682 = arith.constant 0 : i32
        %lt3A_683 = arith.cmpi slt, %select_n3A_676, %lt3A_682 : i32
        %ne3A_684 = arith.xori %lt3A_681, %lt3A_683 : i1
        %and3A_685 = arith.andi %ne3A_684, %ne3A_679 : i1
        %add3A_686 = arith.addi %rem3A_677, %select_n3A_676 : i32
        %select_n3A_687 = arith.select %and3A_685, %add3A_686, %rem3A_677 : i32
        %jit3A_688 = arith.constant 10 : i32
        %eq3A_689 = arith.constant 0 : i32
        %eq3A_690 = arith.cmpi eq, %jit3A_688, %eq3A_689 : i32
        %jit3A_691 = arith.constant 1 : i32
        %select_n3A_692 = arith.select %eq3A_690, %jit3A_691, %jit3A_688 : i32
        %rem3A_693 = arith.remsi %add3A_579, %select_n3A_692 : i32
        %ne3A_694 = arith.constant 0 : i32
        %ne3A_695 = arith.cmpi ne, %rem3A_693, %ne3A_694 : i32
        %lt3A_696 = arith.constant 0 : i32
        %lt3A_697 = arith.cmpi slt, %rem3A_693, %lt3A_696 : i32
        %lt3A_698 = arith.constant 0 : i32
        %lt3A_699 = arith.cmpi slt, %select_n3A_692, %lt3A_698 : i32
        %ne3A_700 = arith.xori %lt3A_697, %lt3A_699 : i1
        %and3A_701 = arith.andi %ne3A_700, %ne3A_695 : i1
        %add3A_702 = arith.addi %rem3A_693, %select_n3A_692 : i32
        %select_n3A_703 = arith.select %and3A_701, %add3A_702, %rem3A_693 : i32
        %dma_start3A_704 = arith.constant 0 : i32
        %dma_start3A_705 = tpu.memref_slice %arg10[%select_n3A_687, %select_n3A_703, %dma_start3A_704] : memref<2x10x40xi32, #tpu.memory_space<vmem>> -> memref<1x1x40xi32, #tpu.memory_space<vmem>>
        %dma_start3A_706 = tpu.memref_squeeze %dma_start3A_705 : memref<1x1x40xi32, #tpu.memory_space<vmem>> -> memref<40xi32, #tpu.memory_space<vmem>>
        %dma_start3A_707 = arith.constant 0 : i32
        %dma_start3A_708 = arith.constant 0 : i32
        %dma_start3A_709 = tpu.memref_slice %arg5[%dma_start3A_707, %dma_start3A_708] : memref<10000x128xf32, #tpu.memory_space<hbm>> -> memref<10000x128xf32, #tpu.memory_space<hbm>>
        tpu.enqueue_indirect_dma source(%dma_start3A_709 : memref<10000x128xf32, #tpu.memory_space<hbm>>) target(%arg14 : memref<40x128xf32, #tpu.memory_space<vmem>>) offsets(%dma_start3A_706 : memref<40xi32, #tpu.memory_space<vmem>>) semaphore(%arg22 : memref<!tpu.dma_semaphore, #tpu.memory_space<semaphore_mem>>)
        %dma_start3A_710 = arith.constant 0 : i32
        %dma_start3A_711 = tpu.memref_slice %arg6[%add3A_585, %dma_start3A_710] : memref<160000x128xi32, #tpu.memory_space<hbm>> -> memref<20x128xi32, #tpu.memory_space<hbm>>
        %dma_start3A_712 = arith.constant 0 : i32
        %dma_start3A_713 = tpu.memref_slice %arg6[%add3A_585, %dma_start3A_712] : memref<160000x128xi32, #tpu.memory_space<hbm>> -> memref<20x128xi32, #tpu.memory_space<hbm>>
        tpu.enqueue_dma source(%dma_start3A_713 : memref<20x128xi32, #tpu.memory_space<hbm>>) target(%arg16 : memref<20x128xi32, #tpu.memory_space<vmem>>) target_semaphore(%arg22 : memref<!tpu.dma_semaphore, #tpu.memory_space<semaphore_mem>>)
      } else {
      }
    }
    %scan3A_82 = arith.constant 125 : i32
    %dma_wait3A = arith.constant 0 : i32
    %dma_wait3A_83 = arith.constant 8 : i32
    %dma_wait3A_84 = arith.constant 0 : i32
    %dma_wait3A_85 = tpu.memref_slice %arg10[%dma_wait3A, %dma_wait3A_83, %dma_wait3A_84] : memref<2x10x40xi32, #tpu.memory_space<vmem>> -> memref<1x1x40xi32, #tpu.memory_space<vmem>>
    %dma_wait3A_86 = tpu.memref_squeeze %dma_wait3A_85 : memref<1x1x40xi32, #tpu.memory_space<vmem>> -> memref<40xi32, #tpu.memory_space<vmem>>
    %dma_wait3A_87 = arith.constant 0 : i32
    %dma_wait3A_88 = arith.constant 0 : i32
    %dma_wait3A_89 = tpu.memref_slice %arg20[%dma_wait3A_87, %dma_wait3A_88] : memref<10000x136xf32, #tpu.memory_space<vmem_shared>> -> memref<10000x136xf32, #tpu.memory_space<vmem_shared>>
    tpu.wait_indirect_dma semaphore(%arg23 : memref<!tpu.dma_semaphore, #tpu.memory_space<semaphore_mem>>) src(%arg17 : memref<40x136xf32, #tpu.memory_space<vmem>>) dst(%dma_wait3A_89 : memref<10000x136xf32, #tpu.memory_space<vmem_shared>>)
    %dma_wait3A_90 = arith.constant 0 : i32
    %dma_wait3A_91 = arith.constant 9 : i32
    %dma_wait3A_92 = arith.constant 0 : i32
    %dma_wait3A_93 = tpu.memref_slice %arg10[%dma_wait3A_90, %dma_wait3A_91, %dma_wait3A_92] : memref<2x10x40xi32, #tpu.memory_space<vmem>> -> memref<1x1x40xi32, #tpu.memory_space<vmem>>
    %dma_wait3A_94 = tpu.memref_squeeze %dma_wait3A_93 : memref<1x1x40xi32, #tpu.memory_space<vmem>> -> memref<40xi32, #tpu.memory_space<vmem>>
    %dma_wait3A_95 = arith.constant 0 : i32
    %dma_wait3A_96 = arith.constant 0 : i32
    %dma_wait3A_97 = tpu.memref_slice %arg20[%dma_wait3A_95, %dma_wait3A_96] : memref<10000x136xf32, #tpu.memory_space<vmem_shared>> -> memref<10000x136xf32, #tpu.memory_space<vmem_shared>>
    tpu.wait_indirect_dma semaphore(%arg24 : memref<!tpu.dma_semaphore, #tpu.memory_space<semaphore_mem>>) src(%arg18 : memref<40x136xf32, #tpu.memory_space<vmem>>) dst(%dma_wait3A_97 : memref<10000x136xf32, #tpu.memory_space<vmem_shared>>)
    %barrier3A_98 = arith.constant 0 : index
    tpu.barrier barrier_id(%barrier3A_98)
    %scan3A_99 = arith.constant 0 : i32
    %scan3A_100 = arith.constant 0 : i32
    %scan3A_101 = arith.constant 16 : i32
    %scan3A_102 = arith.addi %scan3A_100, %scan3A_101 : i32
    %scan3A_103 = arith.constant 1 : i32
    scf.for %scan3A_105 = %scan3A_100 to %scan3A_102 step %scan3A_103  : i32 {
      %mul3A_106 = arith.constant 16 : i32
      %mul3A_107 = arith.muli %scan3A_105, %mul3A_106 : i32
      %add3A_108 = arith.addi %arg1, %mul3A_107 : i32
      %lt3A = arith.constant 250 : i32
      %lt3A_109 = arith.cmpi slt, %add3A_108, %lt3A : i32
      %convert_element_type3A = arith.extui %lt3A_109 : i1 to i32
      %cond3A = arith.constant 0 : i32
      %cond3A_110 = arith.cmpi ne, %convert_element_type3A, %cond3A : i32
      scf.if %cond3A_110 {
        %mul3A_111 = arith.constant 40 : i32
        %mul3A_112 = arith.muli %add3A_108, %mul3A_111 : i32
        "tpu.region"() ({
          %run_scoped3A_115 = tpu.sem_alloc : memref<!tpu.dma_semaphore, #tpu.memory_space<semaphore_mem>>
          %dma_start3A_116 = arith.constant 0 : i32
          %dma_start3A_117 = tpu.memref_slice %arg20[%mul3A_112, %dma_start3A_116] : memref<10000x136xf32, #tpu.memory_space<vmem_shared>> -> memref<40x136xf32, #tpu.memory_space<vmem_shared>>
          %dma_start3A_118 = arith.constant 0 : i32
          %dma_start3A_119 = tpu.memref_slice %arg20[%mul3A_112, %dma_start3A_118] : memref<10000x136xf32, #tpu.memory_space<vmem_shared>> -> memref<40x136xf32, #tpu.memory_space<vmem_shared>>
          tpu.enqueue_dma source(%dma_start3A_119 : memref<40x136xf32, #tpu.memory_space<vmem_shared>>) target(%arg17 : memref<40x136xf32, #tpu.memory_space<vmem>>) target_semaphore(%run_scoped3A_115 : memref<!tpu.dma_semaphore, #tpu.memory_space<semaphore_mem>>)
          %dma_wait3A_120 = arith.constant 0 : i32
          %dma_wait3A_121 = tpu.memref_slice %arg20[%mul3A_112, %dma_wait3A_120] : memref<10000x136xf32, #tpu.memory_space<vmem_shared>> -> memref<40x136xf32, #tpu.memory_space<vmem_shared>>
          %dma_wait3A_122 = arith.constant 0 : i32
          %dma_wait3A_123 = tpu.memref_slice %arg20[%mul3A_112, %dma_wait3A_122] : memref<10000x136xf32, #tpu.memory_space<vmem_shared>> -> memref<40x136xf32, #tpu.memory_space<vmem_shared>>
          tpu.wait_dma2 semaphore(%run_scoped3A_115 : memref<!tpu.dma_semaphore, #tpu.memory_space<semaphore_mem>>) src(%dma_wait3A_123 : memref<40x136xf32, #tpu.memory_space<vmem_shared>>) dst(%arg17 : memref<40x136xf32, #tpu.memory_space<vmem>>)
          tpu.yield
        }) : () -> ()
        %mul3A_113 = arith.constant 40 : i32
        %mul3A_114 = arith.muli %add3A_108, %mul3A_113 : i32
        "tpu.region"() ({
          %run_scoped3A_115 = tpu.sem_alloc : memref<!tpu.dma_semaphore, #tpu.memory_space<semaphore_mem>>
          %dma_start3A_116 = arith.constant 0 : i32
          %dma_start3A_117 = tpu.memref_slice %arg8[%arg0, %mul3A_114, %dma_start3A_116] : memref<2x10000x136xf32, #tpu.memory_space<hbm>> -> memref<1x40x136xf32, #tpu.memory_space<hbm>>
          %dma_start3A_118 = tpu.memref_squeeze %dma_start3A_117 : memref<1x40x136xf32, #tpu.memory_space<hbm>> -> memref<40x136xf32, #tpu.memory_space<hbm>>
          %dma_start3A_119 = arith.constant 0 : i32
          %dma_start3A_120 = tpu.memref_slice %arg8[%arg0, %mul3A_114, %dma_start3A_119] : memref<2x10000x136xf32, #tpu.memory_space<hbm>> -> memref<1x40x136xf32, #tpu.memory_space<hbm>>
          %dma_start3A_121 = tpu.memref_squeeze %dma_start3A_120 : memref<1x40x136xf32, #tpu.memory_space<hbm>> -> memref<40x136xf32, #tpu.memory_space<hbm>>
          tpu.enqueue_dma source(%arg17 : memref<40x136xf32, #tpu.memory_space<vmem>>) target(%dma_start3A_121 : memref<40x136xf32, #tpu.memory_space<hbm>>) target_semaphore(%run_scoped3A_115 : memref<!tpu.dma_semaphore, #tpu.memory_space<semaphore_mem>>)
          %dma_wait3A_122 = arith.constant 0 : i32
          %dma_wait3A_123 = tpu.memref_slice %arg8[%arg0, %mul3A_114, %dma_wait3A_122] : memref<2x10000x136xf32, #tpu.memory_space<hbm>> -> memref<1x40x136xf32, #tpu.memory_space<hbm>>
          %dma_wait3A_124 = tpu.memref_squeeze %dma_wait3A_123 : memref<1x40x136xf32, #tpu.memory_space<hbm>> -> memref<40x136xf32, #tpu.memory_space<hbm>>
          %dma_wait3A_125 = arith.constant 0 : i32
          %dma_wait3A_126 = tpu.memref_slice %arg8[%arg0, %mul3A_114, %dma_wait3A_125] : memref<2x10000x136xf32, #tpu.memory_space<hbm>> -> memref<1x40x136xf32, #tpu.memory_space<hbm>>
          %dma_wait3A_127 = tpu.memref_squeeze %dma_wait3A_126 : memref<1x40x136xf32, #tpu.memory_space<hbm>> -> memref<40x136xf32, #tpu.memory_space<hbm>>
          tpu.wait_dma2 semaphore(%run_scoped3A_115 : memref<!tpu.dma_semaphore, #tpu.memory_space<semaphore_mem>>) src(%arg17 : memref<40x136xf32, #tpu.memory_space<vmem>>) dst(%dma_wait3A_127 : memref<40x136xf32, #tpu.memory_space<hbm>>)
          tpu.yield
        }) : () -> ()
      } else {
      }
    }
    %scan3A_104 = arith.constant 16 : i32
    return
  }
}

#map = affine_map<(d0, d1) -> (0, 0, 0)>
#map1 = affine_map<(d0, d1) -> (0, 0)>
#map2 = affine_map<(d0, d1) -> (0)>
module attributes {stable_mosaic.version = 14 : i64} {
  func.func @_edge_pass_body(%arg0: i32, %arg1: i32, %arg2: memref<32x250x40xi32, #tpu.memory_space<hbm>>, %arg3: memref<32x250x40xi32, #tpu.memory_space<hbm>>, %arg4: memref<10000x128xf32, #tpu.memory_space<hbm>>, %arg5: memref<10000x128xf32, #tpu.memory_space<hbm>>, %arg6: memref<160000x128xi32, #tpu.memory_space<hbm>>, %arg7: memref<128xf32, #tpu.memory_space<hbm>>, %arg8: memref<2x10000x136xf32, #tpu.memory_space<hbm>>, %arg9: memref<2x10x40xi32, #tpu.memory_space<vmem>>, %arg10: memref<2x10x40xi32, #tpu.memory_space<vmem>>, %arg11: memref<40x128xf32, #tpu.memory_space<vmem>>, %arg12: memref<40x128xf32, #tpu.memory_space<vmem>>, %arg13: memref<40x128xf32, #tpu.memory_space<vmem>>, %arg14: memref<40x128xf32, #tpu.memory_space<vmem>>, %arg15: memref<20x128xi32, #tpu.memory_space<vmem>>, %arg16: memref<20x128xi32, #tpu.memory_space<vmem>>, %arg17: memref<40x136xf32, #tpu.memory_space<vmem>>, %arg18: memref<40x136xf32, #tpu.memory_space<vmem>>, %arg19: memref<128xf32, #tpu.memory_space<vmem>>, %arg20: memref<10000x136xf32, #tpu.memory_space<vmem_shared>>, %arg21: memref<!tpu.dma_semaphore, #tpu.memory_space<semaphore_mem>>, %arg22: memref<!tpu.dma_semaphore, #tpu.memory_space<semaphore_mem>>, %arg23: memref<!tpu.dma_semaphore, #tpu.memory_space<semaphore_mem>>, %arg24: memref<!tpu.dma_semaphore, #tpu.memory_space<semaphore_mem>>, %arg25: memref<!tpu.dma_semaphore, #tpu.memory_space<semaphore_mem>>) attributes {dimension_semantics = [#tpu.dimension_semantics<core_parallel>, #tpu.dimension_semantics<subcore_parallel>], iteration_bounds = array<i64: 2, 16>, scalar_prefetch = 0 : i64, scratch_operands = 17 : i64, tpu.core_type = #tpu.core_type<sc_vector_subcore>, window_params = [{transform_indices = #map}, {transform_indices = #map}, {transform_indices = #map1}, {transform_indices = #map1}, {transform_indices = #map1}, {transform_indices = #map2}, {transform_indices = #map}]} {
    %mul3A = arith.constant 16 : i32
    %mul3A_0 = arith.muli %arg0, %mul3A : i32
    %add3A = arith.addi %mul3A_0, %arg1 : i32
    %broadcast_in_dim3A = arith.constant 0.000000e+00 : f32
    %broadcast_in_dim3A_1 = vector.broadcast %broadcast_in_dim3A : f32 to vector<16xf32>
    %scan3A = arith.constant 0 : i32
    %scan3A_2 = arith.constant 0 : i32
    %scan3A_3 = arith.constant 40 : i32
    %scan3A_4 = arith.addi %scan3A_2, %scan3A_3 : i32
    %scan3A_5 = arith.constant 1 : i32
    scf.for %scan3A_105 = %scan3A_2 to %scan3A_4 step %scan3A_5  : i32 {
      %swap3A = arith.index_cast %scan3A_105 : i32 to index
      %swap3A_106 = arith.constant 120 : index
      %swap3A_107 = tpu.vector_load %arg17[%swap3A, %swap3A_106] {strides = array<i32>} : memref<40x136xf32, #tpu.memory_space<vmem>>, vector<16xf32>,
      tpu.vector_store %arg17[%swap3A, %swap3A_106], %broadcast_in_dim3A_1 {strides = array<i32>} : memref<40x136xf32, #tpu.memory_space<vmem>>, vector<16xf32>,
      %swap3A_108 = arith.index_cast %scan3A_105 : i32 to index
      %swap3A_109 = arith.constant 0 : index
      %swap3A_110 = tpu.vector_load %arg17[%swap3A_108, %swap3A_109] {strides = array<i32>} : memref<40x136xf32, #tpu.memory_space<vmem>>, vector<16xf32>,
      tpu.vector_store %arg17[%swap3A_108, %swap3A_109], %broadcast_in_dim3A_1 {strides = array<i32>} : memref<40x136xf32, #tpu.memory_space<vmem>>, vector<16xf32>,
      %swap3A_111 = arith.index_cast %scan3A_105 : i32 to index
      %swap3A_112 = arith.constant 16 : index
      %swap3A_113 = tpu.vector_load %arg17[%swap3A_111, %swap3A_112] {strides = array<i32>} : memref<40x136xf32, #tpu.memory_space<vmem>>, vector<16xf32>,
      tpu.vector_store %arg17[%swap3A_111, %swap3A_112], %broadcast_in_dim3A_1 {strides = array<i32>} : memref<40x136xf32, #tpu.memory_space<vmem>>, vector<16xf32>,
      %swap3A_114 = arith.index_cast %scan3A_105 : i32 to index
      %swap3A_115 = arith.constant 32 : index
      %swap3A_116 = tpu.vector_load %arg17[%swap3A_114, %swap3A_115] {strides = array<i32>} : memref<40x136xf32, #tpu.memory_space<vmem>>, vector<16xf32>,
      tpu.vector_store %arg17[%swap3A_114, %swap3A_115], %broadcast_in_dim3A_1 {strides = array<i32>} : memref<40x136xf32, #tpu.memory_space<vmem>>, vector<16xf32>,
      %swap3A_117 = arith.index_cast %scan3A_105 : i32 to index
      %swap3A_118 = arith.constant 48 : index
      %swap3A_119 = tpu.vector_load %arg17[%swap3A_117, %swap3A_118] {strides = array<i32>} : memref<40x136xf32, #tpu.memory_space<vmem>>, vector<16xf32>,
      tpu.vector_store %arg17[%swap3A_117, %swap3A_118], %broadcast_in_dim3A_1 {strides = array<i32>} : memref<40x136xf32, #tpu.memory_space<vmem>>, vector<16xf32>,
      %swap3A_120 = arith.index_cast %scan3A_105 : i32 to index
      %swap3A_121 = arith.constant 64 : index
      %swap3A_122 = tpu.vector_load %arg17[%swap3A_120, %swap3A_121] {strides = array<i32>} : memref<40x136xf32, #tpu.memory_space<vmem>>, vector<16xf32>,
      tpu.vector_store %arg17[%swap3A_120, %swap3A_121], %broadcast_in_dim3A_1 {strides = array<i32>} : memref<40x136xf32, #tpu.memory_space<vmem>>, vector<16xf32>,
      %swap3A_123 = arith.index_cast %scan3A_105 : i32 to index
      %swap3A_124 = arith.constant 80 : index
      %swap3A_125 = tpu.vector_load %arg17[%swap3A_123, %swap3A_124] {strides = array<i32>} : memref<40x136xf32, #tpu.memory_space<vmem>>, vector<16xf32>,
      tpu.vector_store %arg17[%swap3A_123, %swap3A_124], %broadcast_in_dim3A_1 {strides = array<i32>} : memref<40x136xf32, #tpu.memory_space<vmem>>, vector<16xf32>,
      %swap3A_126 = arith.index_cast %scan3A_105 : i32 to index
      %swap3A_127 = arith.constant 96 : index
      %swap3A_128 = tpu.vector_load %arg17[%swap3A_126, %swap3A_127] {strides = array<i32>} : memref<40x136xf32, #tpu.memory_space<vmem>>, vector<16xf32>,
      tpu.vector_store %arg17[%swap3A_126, %swap3A_127], %broadcast_in_dim3A_1 {strides = array<i32>} : memref<40x136xf32, #tpu.memory_space<vmem>>, vector<16xf32>,
      %swap3A_129 = arith.index_cast %scan3A_105 : i32 to index
      %swap3A_130 = arith.constant 112 : index
      %swap3A_131 = tpu.vector_load %arg17[%swap3A_129, %swap3A_130] {strides = array<i32>} : memref<40x136xf32, #tpu.memory_space<vmem>>, vector<16xf32>,
      tpu.vector_store %arg17[%swap3A_129, %swap3A_130], %broadcast_in_dim3A_1 {strides = array<i32>} : memref<40x136xf32, #tpu.memory_space<vmem>>, vector<16xf32>,
    }
    %scan3A_6 = arith.constant 40 : i32
    %scan3A_7 = arith.constant 0 : i32
    %scan3A_8 = arith.constant 0 : i32
    %scan3A_9 = arith.constant 16 : i32
    %scan3A_10 = arith.addi %scan3A_8, %scan3A_9 : i32
    %scan3A_11 = arith.constant 1 : i32
    scf.for %scan3A_105 = %scan3A_8 to %scan3A_10 step %scan3A_11  : i32 {
      %mul3A_106 = arith.constant 16 : i32
      %mul3A_107 = arith.muli %scan3A_105, %mul3A_106 : i32
      %add3A_108 = arith.addi %arg1, %mul3A_107 : i32
      %lt3A = arith.constant 250 : i32
      %lt3A_109 = arith.cmpi slt, %add3A_108, %lt3A : i32
      %convert_element_type3A = arith.extui %lt3A_109 : i1 to i32
      %cond3A = arith.constant 0 : i32
      %cond3A_110 = arith.cmpi ne, %convert_element_type3A, %cond3A : i32
      scf.if %cond3A_110 {
        %mul3A_111 = arith.constant 40 : i32
        %mul3A_112 = arith.muli %add3A_108, %mul3A_111 : i32
        "tpu.region"() ({
          %run_scoped3A_113 = tpu.sem_alloc : memref<!tpu.dma_semaphore, #tpu.memory_space<semaphore_mem>>
          %dma_start3A_114 = arith.constant 0 : i32
          %dma_start3A_115 = tpu.memref_slice %arg20[%mul3A_112, %dma_start3A_114] : memref<10000x136xf32, #tpu.memory_space<vmem_shared>> -> memref<40x136xf32, #tpu.memory_space<vmem_shared>>
          %dma_start3A_116 = arith.constant 0 : i32
          %dma_start3A_117 = tpu.memref_slice %arg20[%mul3A_112, %dma_start3A_116] : memref<10000x136xf32, #tpu.memory_space<vmem_shared>> -> memref<40x136xf32, #tpu.memory_space<vmem_shared>>
          tpu.enqueue_dma source(%arg17 : memref<40x136xf32, #tpu.memory_space<vmem>>) target(%dma_start3A_117 : memref<40x136xf32, #tpu.memory_space<vmem_shared>>) target_semaphore(%run_scoped3A_113 : memref<!tpu.dma_semaphore, #tpu.memory_space<semaphore_mem>>)
          %dma_wait3A_118 = arith.constant 0 : i32
          %dma_wait3A_119 = tpu.memref_slice %arg20[%mul3A_112, %dma_wait3A_118] : memref<10000x136xf32, #tpu.memory_space<vmem_shared>> -> memref<40x136xf32, #tpu.memory_space<vmem_shared>>
          %dma_wait3A_120 = arith.constant 0 : i32
          %dma_wait3A_121 = tpu.memref_slice %arg20[%mul3A_112, %dma_wait3A_120] : memref<10000x136xf32, #tpu.memory_space<vmem_shared>> -> memref<40x136xf32, #tpu.memory_space<vmem_shared>>
          tpu.wait_dma2 semaphore(%run_scoped3A_113 : memref<!tpu.dma_semaphore, #tpu.memory_space<semaphore_mem>>) src(%arg17 : memref<40x136xf32, #tpu.memory_space<vmem>>) dst(%dma_wait3A_121 : memref<40x136xf32, #tpu.memory_space<vmem_shared>>)
          tpu.yield
        }) : () -> ()
      } else {
      }
    }
    %scan3A_12 = arith.constant 16 : i32
    %run_scoped3A = arith.constant 0 : i32
    "tpu.region"() ({
      %run_scoped3A_105 = tpu.sem_alloc : memref<!tpu.dma_semaphore, #tpu.memory_space<semaphore_mem>>
      %dma_start3A_106 = arith.constant 0 : i32
      %dma_start3A_107 = arith.constant 0 : i32
      %dma_start3A_108 = tpu.memref_slice %arg9[%run_scoped3A, %dma_start3A_106, %dma_start3A_107] : memref<2x10x40xi32, #tpu.memory_space<vmem>> -> memref<1x10x40xi32, #tpu.memory_space<vmem>>
      %dma_start3A_109 = tpu.memref_squeeze %dma_start3A_108 : memref<1x10x40xi32, #tpu.memory_space<vmem>> -> memref<10x40xi32, #tpu.memory_space<vmem>>
      %dma_start3A_110 = arith.constant 0 : i32
      %dma_start3A_111 = arith.constant 0 : i32
      %dma_start3A_112 = tpu.memref_slice %arg2[%add3A, %dma_start3A_110, %dma_start3A_111] : memref<32x250x40xi32, #tpu.memory_space<hbm>> -> memref<1x10x40xi32, #tpu.memory_space<hbm>>
      %dma_start3A_113 = tpu.memref_squeeze %dma_start3A_112 : memref<1x10x40xi32, #tpu.memory_space<hbm>> -> memref<10x40xi32, #tpu.memory_space<hbm>>
      %dma_start3A_114 = arith.constant 0 : i32
      %dma_start3A_115 = arith.constant 0 : i32
      %dma_start3A_116 = tpu.memref_slice %arg9[%run_scoped3A, %dma_start3A_114, %dma_start3A_115] : memref<2x10x40xi32, #tpu.memory_space<vmem>> -> memref<1x10x40xi32, #tpu.memory_space<vmem>>
      %dma_start3A_117 = tpu.memref_squeeze %dma_start3A_116 : memref<1x10x40xi32, #tpu.memory_space<vmem>> -> memref<10x40xi32, #tpu.memory_space<vmem>>
      %dma_start3A_118 = arith.constant 0 : i32
      %dma_start3A_119 = arith.constant 0 : i32
      %dma_start3A_120 = tpu.memref_slice %arg2[%add3A, %dma_start3A_118, %dma_start3A_119] : memref<32x250x40xi32, #tpu.memory_space<hbm>> -> memref<1x10x40xi32, #tpu.memory_space<hbm>>
      %dma_start3A_121 = tpu.memref_squeeze %dma_start3A_120 : memref<1x10x40xi32, #tpu.memory_space<hbm>> -> memref<10x40xi32, #tpu.memory_space<hbm>>
      tpu.enqueue_dma source(%dma_start3A_121 : memref<10x40xi32, #tpu.memory_space<hbm>>) target(%dma_start3A_117 : memref<10x40xi32, #tpu.memory_space<vmem>>) target_semaphore(%run_scoped3A_105 : memref<!tpu.dma_semaphore, #tpu.memory_space<semaphore_mem>>)
      %dma_wait3A_122 = arith.constant 0 : i32
      %dma_wait3A_123 = arith.constant 0 : i32
      %dma_wait3A_124 = tpu.memref_slice %arg9[%run_scoped3A, %dma_wait3A_122, %dma_wait3A_123] : memref<2x10x40xi32, #tpu.memory_space<vmem>> -> memref<1x10x40xi32, #tpu.memory_space<vmem>>
      %dma_wait3A_125 = tpu.memref_squeeze %dma_wait3A_124 : memref<1x10x40xi32, #tpu.memory_space<vmem>> -> memref<10x40xi32, #tpu.memory_space<vmem>>
      %dma_wait3A_126 = arith.constant 0 : i32
      %dma_wait3A_127 = arith.constant 0 : i32
      %dma_wait3A_128 = tpu.memref_slice %arg2[%add3A, %dma_wait3A_126, %dma_wait3A_127] : memref<32x250x40xi32, #tpu.memory_space<hbm>> -> memref<1x10x40xi32, #tpu.memory_space<hbm>>
      %dma_wait3A_129 = tpu.memref_squeeze %dma_wait3A_128 : memref<1x10x40xi32, #tpu.memory_space<hbm>> -> memref<10x40xi32, #tpu.memory_space<hbm>>
      %dma_wait3A_130 = arith.constant 0 : i32
      %dma_wait3A_131 = arith.constant 0 : i32
      %dma_wait3A_132 = tpu.memref_slice %arg9[%run_scoped3A, %dma_wait3A_130, %dma_wait3A_131] : memref<2x10x40xi32, #tpu.memory_space<vmem>> -> memref<1x10x40xi32, #tpu.memory_space<vmem>>
      %dma_wait3A_133 = tpu.memref_squeeze %dma_wait3A_132 : memref<1x10x40xi32, #tpu.memory_space<vmem>> -> memref<10x40xi32, #tpu.memory_space<vmem>>
      %dma_wait3A_134 = arith.constant 0 : i32
      %dma_wait3A_135 = arith.constant 0 : i32
      %dma_wait3A_136 = tpu.memref_slice %arg2[%add3A, %dma_wait3A_134, %dma_wait3A_135] : memref<32x250x40xi32, #tpu.memory_space<hbm>> -> memref<1x10x40xi32, #tpu.memory_space<hbm>>
      %dma_wait3A_137 = tpu.memref_squeeze %dma_wait3A_136 : memref<1x10x40xi32, #tpu.memory_space<hbm>> -> memref<10x40xi32, #tpu.memory_space<hbm>>
      tpu.wait_dma2 semaphore(%run_scoped3A_105 : memref<!tpu.dma_semaphore, #tpu.memory_space<semaphore_mem>>) src(%dma_wait3A_137 : memref<10x40xi32, #tpu.memory_space<hbm>>) dst(%dma_wait3A_133 : memref<10x40xi32, #tpu.memory_space<vmem>>)
      tpu.yield
    }) : () -> ()
    %run_scoped3A_13 = arith.constant 0 : i32
    "tpu.region"() ({
      %run_scoped3A_105 = tpu.sem_alloc : memref<!tpu.dma_semaphore, #tpu.memory_space<semaphore_mem>>
      %dma_start3A_106 = arith.constant 0 : i32
      %dma_start3A_107 = arith.constant 0 : i32
      %dma_start3A_108 = tpu.memref_slice %arg10[%run_scoped3A_13, %dma_start3A_106, %dma_start3A_107] : memref<2x10x40xi32, #tpu.memory_space<vmem>> -> memref<1x10x40xi32, #tpu.memory_space<vmem>>
      %dma_start3A_109 = tpu.memref_squeeze %dma_start3A_108 : memref<1x10x40xi32, #tpu.memory_space<vmem>> -> memref<10x40xi32, #tpu.memory_space<vmem>>
      %dma_start3A_110 = arith.constant 0 : i32
      %dma_start3A_111 = arith.constant 0 : i32
      %dma_start3A_112 = tpu.memref_slice %arg3[%add3A, %dma_start3A_110, %dma_start3A_111] : memref<32x250x40xi32, #tpu.memory_space<hbm>> -> memref<1x10x40xi32, #tpu.memory_space<hbm>>
      %dma_start3A_113 = tpu.memref_squeeze %dma_start3A_112 : memref<1x10x40xi32, #tpu.memory_space<hbm>> -> memref<10x40xi32, #tpu.memory_space<hbm>>
      %dma_start3A_114 = arith.constant 0 : i32
      %dma_start3A_115 = arith.constant 0 : i32
      %dma_start3A_116 = tpu.memref_slice %arg10[%run_scoped3A_13, %dma_start3A_114, %dma_start3A_115] : memref<2x10x40xi32, #tpu.memory_space<vmem>> -> memref<1x10x40xi32, #tpu.memory_space<vmem>>
      %dma_start3A_117 = tpu.memref_squeeze %dma_start3A_116 : memref<1x10x40xi32, #tpu.memory_space<vmem>> -> memref<10x40xi32, #tpu.memory_space<vmem>>
      %dma_start3A_118 = arith.constant 0 : i32
      %dma_start3A_119 = arith.constant 0 : i32
      %dma_start3A_120 = tpu.memref_slice %arg3[%add3A, %dma_start3A_118, %dma_start3A_119] : memref<32x250x40xi32, #tpu.memory_space<hbm>> -> memref<1x10x40xi32, #tpu.memory_space<hbm>>
      %dma_start3A_121 = tpu.memref_squeeze %dma_start3A_120 : memref<1x10x40xi32, #tpu.memory_space<hbm>> -> memref<10x40xi32, #tpu.memory_space<hbm>>
      tpu.enqueue_dma source(%dma_start3A_121 : memref<10x40xi32, #tpu.memory_space<hbm>>) target(%dma_start3A_117 : memref<10x40xi32, #tpu.memory_space<vmem>>) target_semaphore(%run_scoped3A_105 : memref<!tpu.dma_semaphore, #tpu.memory_space<semaphore_mem>>)
      %dma_wait3A_122 = arith.constant 0 : i32
      %dma_wait3A_123 = arith.constant 0 : i32
      %dma_wait3A_124 = tpu.memref_slice %arg10[%run_scoped3A_13, %dma_wait3A_122, %dma_wait3A_123] : memref<2x10x40xi32, #tpu.memory_space<vmem>> -> memref<1x10x40xi32, #tpu.memory_space<vmem>>
      %dma_wait3A_125 = tpu.memref_squeeze %dma_wait3A_124 : memref<1x10x40xi32, #tpu.memory_space<vmem>> -> memref<10x40xi32, #tpu.memory_space<vmem>>
      %dma_wait3A_126 = arith.constant 0 : i32
      %dma_wait3A_127 = arith.constant 0 : i32
      %dma_wait3A_128 = tpu.memref_slice %arg3[%add3A, %dma_wait3A_126, %dma_wait3A_127] : memref<32x250x40xi32, #tpu.memory_space<hbm>> -> memref<1x10x40xi32, #tpu.memory_space<hbm>>
      %dma_wait3A_129 = tpu.memref_squeeze %dma_wait3A_128 : memref<1x10x40xi32, #tpu.memory_space<hbm>> -> memref<10x40xi32, #tpu.memory_space<hbm>>
      %dma_wait3A_130 = arith.constant 0 : i32
      %dma_wait3A_131 = arith.constant 0 : i32
      %dma_wait3A_132 = tpu.memref_slice %arg10[%run_scoped3A_13, %dma_wait3A_130, %dma_wait3A_131] : memref<2x10x40xi32, #tpu.memory_space<vmem>> -> memref<1x10x40xi32, #tpu.memory_space<vmem>>
      %dma_wait3A_133 = tpu.memref_squeeze %dma_wait3A_132 : memref<1x10x40xi32, #tpu.memory_space<vmem>> -> memref<10x40xi32, #tpu.memory_space<vmem>>
      %dma_wait3A_134 = arith.constant 0 : i32
      %dma_wait3A_135 = arith.constant 0 : i32
      %dma_wait3A_136 = tpu.memref_slice %arg3[%add3A, %dma_wait3A_134, %dma_wait3A_135] : memref<32x250x40xi32, #tpu.memory_space<hbm>> -> memref<1x10x40xi32, #tpu.memory_space<hbm>>
      %dma_wait3A_137 = tpu.memref_squeeze %dma_wait3A_136 : memref<1x10x40xi32, #tpu.memory_space<hbm>> -> memref<10x40xi32, #tpu.memory_space<hbm>>
      tpu.wait_dma2 semaphore(%run_scoped3A_105 : memref<!tpu.dma_semaphore, #tpu.memory_space<semaphore_mem>>) src(%dma_wait3A_137 : memref<10x40xi32, #tpu.memory_space<hbm>>) dst(%dma_wait3A_133 : memref<10x40xi32, #tpu.memory_space<vmem>>)
      tpu.yield
    }) : () -> ()
    "tpu.region"() ({
      %run_scoped3A_105 = tpu.sem_alloc : memref<!tpu.dma_semaphore, #tpu.memory_space<semaphore_mem>>
      tpu.enqueue_dma source(%arg7 : memref<128xf32, #tpu.memory_space<hbm>>) target(%arg19 : memref<128xf32, #tpu.memory_space<vmem>>) target_semaphore(%run_scoped3A_105 : memref<!tpu.dma_semaphore, #tpu.memory_space<semaphore_mem>>)
      tpu.wait_dma2 semaphore(%run_scoped3A_105 : memref<!tpu.dma_semaphore, #tpu.memory_space<semaphore_mem>>) src(%arg7 : memref<128xf32, #tpu.memory_space<hbm>>) dst(%arg19 : memref<128xf32, #tpu.memory_space<vmem>>)
      tpu.yield
    }) : () -> ()
    %barrier3A = arith.constant 0 : index
    tpu.barrier barrier_id(%barrier3A)
    %get3A = arith.constant 0 : index
    %get3A_14 = tpu.vector_load %arg19[%get3A] {strides = array<i32>} : memref<128xf32, #tpu.memory_space<vmem>>, vector<16xf32>,
    %get3A_15 = arith.constant 16 : index
    %get3A_16 = tpu.vector_load %arg19[%get3A_15] {strides = array<i32>} : memref<128xf32, #tpu.memory_space<vmem>>, vector<16xf32>,
    %get3A_17 = arith.constant 32 : index
    %get3A_18 = tpu.vector_load %arg19[%get3A_17] {strides = array<i32>} : memref<128xf32, #tpu.memory_space<vmem>>, vector<16xf32>,
    %get3A_19 = arith.constant 48 : index
    %get3A_20 = tpu.vector_load %arg19[%get3A_19] {strides = array<i32>} : memref<128xf32, #tpu.memory_space<vmem>>, vector<16xf32>,
    %get3A_21 = arith.constant 64 : index
    %get3A_22 = tpu.vector_load %arg19[%get3A_21] {strides = array<i32>} : memref<128xf32, #tpu.memory_space<vmem>>, vector<16xf32>,
    %get3A_23 = arith.constant 80 : index
    %get3A_24 = tpu.vector_load %arg19[%get3A_23] {strides = array<i32>} : memref<128xf32, #tpu.memory_space<vmem>>, vector<16xf32>,
    %get3A_25 = arith.constant 96 : index
    %get3A_26 = tpu.vector_load %arg19[%get3A_25] {strides = array<i32>} : memref<128xf32, #tpu.memory_space<vmem>>, vector<16xf32>,
    %get3A_27 = arith.constant 112 : index
    %get3A_28 = tpu.vector_load %arg19[%get3A_27] {strides = array<i32>} : memref<128xf32, #tpu.memory_space<vmem>>, vector<16xf32>,
    %mul3A_29 = arith.constant 5000 : i32
    %mul3A_30 = arith.muli %add3A, %mul3A_29 : i32
    %multiple_of3A = tpu.assume_multiple %mul3A_30, 4 : i32
    %add3A_31 = arith.constant 0 : i32
    %add3A_32 = arith.addi %multiple_of3A, %add3A_31 : i32
    %dma_start3A = arith.constant 0 : i32
    %dma_start3A_33 = arith.constant 0 : i32
    %dma_start3A_34 = arith.constant 0 : i32
    %dma_start3A_35 = tpu.memref_slice %arg9[%dma_start3A, %dma_start3A_33, %dma_start3A_34] : memref<2x10x40xi32, #tpu.memory_space<vmem>> -> memref<1x1x40xi32, #tpu.memory_space<vmem>>
    %dma_start3A_36 = tpu.memref_squeeze %dma_start3A_35 : memref<1x1x40xi32, #tpu.memory_space<vmem>> -> memref<40xi32, #tpu.memory_space<vmem>>
    %dma_start3A_37 = arith.constant 0 : i32
    %dma_start3A_38 = arith.constant 0 : i32
    %dma_start3A_39 = tpu.memref_slice %arg4[%dma_start3A_37, %dma_start3A_38] : memref<10000x128xf32, #tpu.memory_space<hbm>> -> memref<10000x128xf32, #tpu.memory_space<hbm>>
    tpu.enqueue_indirect_dma source(%dma_start3A_39 : memref<10000x128xf32, #tpu.memory_space<hbm>>) target(%arg11 : memref<40x128xf32, #tpu.memory_space<vmem>>) offsets(%dma_start3A_36 : memref<40xi32, #tpu.memory_space<vmem>>) semaphore(%arg21 : memref<!tpu.dma_semaphore, #tpu.memory_space<semaphore_mem>>)
    %dma_start3A_40 = arith.constant 0 : i32
    %dma_start3A_41 = arith.constant 0 : i32
    %dma_start3A_42 = arith.constant 0 : i32
    %dma_start3A_43 = tpu.memref_slice %arg10[%dma_start3A_40, %dma_start3A_41, %dma_start3A_42] : memref<2x10x40xi32, #tpu.memory_space<vmem>> -> memref<1x1x40xi32, #tpu.memory_space<vmem>>
    %dma_start3A_44 = tpu.memref_squeeze %dma_start3A_43 : memref<1x1x40xi32, #tpu.memory_space<vmem>> -> memref<40xi32, #tpu.memory_space<vmem>>
    %dma_start3A_45 = arith.constant 0 : i32
    %dma_start3A_46 = arith.constant 0 : i32
    %dma_start3A_47 = tpu.memref_slice %arg5[%dma_start3A_45, %dma_start3A_46] : memref<10000x128xf32, #tpu.memory_space<hbm>> -> memref<10000x128xf32, #tpu.memory_space<hbm>>
    tpu.enqueue_indirect_dma source(%dma_start3A_47 : memref<10000x128xf32, #tpu.memory_space<hbm>>) target(%arg13 : memref<40x128xf32, #tpu.memory_space<vmem>>) offsets(%dma_start3A_44 : memref<40xi32, #tpu.memory_space<vmem>>) semaphore(%arg21 : memref<!tpu.dma_semaphore, #tpu.memory_space<semaphore_mem>>)
    %dma_start3A_48 = arith.constant 0 : i32
    %dma_start3A_49 = tpu.memref_slice %arg6[%add3A_32, %dma_start3A_48] : memref<160000x128xi32, #tpu.memory_space<hbm>> -> memref<20x128xi32, #tpu.memory_space<hbm>>
    %dma_start3A_50 = arith.constant 0 : i32
    %dma_start3A_51 = tpu.memref_slice %arg6[%add3A_32, %dma_start3A_50] : memref<160000x128xi32, #tpu.memory_space<hbm>> -> memref<20x128xi32, #tpu.memory_space<hbm>>
    tpu.enqueue_dma source(%dma_start3A_51 : memref<20x128xi32, #tpu.memory_space<hbm>>) target(%arg15 : memref<20x128xi32, #tpu.memory_space<vmem>>) target_semaphore(%arg21 : memref<!tpu.dma_semaphore, #tpu.memory_space<semaphore_mem>>)
    %mul3A_52 = arith.constant 5000 : i32
    %mul3A_53 = arith.muli %add3A, %mul3A_52 : i32
    %multiple_of3A_54 = tpu.assume_multiple %mul3A_53, 4 : i32
    %add3A_55 = arith.constant 20 : i32
    %add3A_56 = arith.addi %multiple_of3A_54, %add3A_55 : i32
    %dma_start3A_57 = arith.constant 0 : i32
    %dma_start3A_58 = arith.constant 1 : i32
    %dma_start3A_59 = arith.constant 0 : i32
    %dma_start3A_60 = tpu.memref_slice %arg9[%dma_start3A_57, %dma_start3A_58, %dma_start3A_59] : memref<2x10x40xi32, #tpu.memory_space<vmem>> -> memref<1x1x40xi32, #tpu.memory_space<vmem>>
    %dma_start3A_61 = tpu.memref_squeeze %dma_start3A_60 : memref<1x1x40xi32, #tpu.memory_space<vmem>> -> memref<40xi32, #tpu.memory_space<vmem>>
    %dma_start3A_62 = arith.constant 0 : i32
    %dma_start3A_63 = arith.constant 0 : i32
    %dma_start3A_64 = tpu.memref_slice %arg4[%dma_start3A_62, %dma_start3A_63] : memref<10000x128xf32, #tpu.memory_space<hbm>> -> memref<10000x128xf32, #tpu.memory_space<hbm>>
    tpu.enqueue_indirect_dma source(%dma_start3A_64 : memref<10000x128xf32, #tpu.memory_space<hbm>>) target(%arg12 : memref<40x128xf32, #tpu.memory_space<vmem>>) offsets(%dma_start3A_61 : memref<40xi32, #tpu.memory_space<vmem>>) semaphore(%arg22 : memref<!tpu.dma_semaphore, #tpu.memory_space<semaphore_mem>>)
    %dma_start3A_65 = arith.constant 0 : i32
    %dma_start3A_66 = arith.constant 1 : i32
    %dma_start3A_67 = arith.constant 0 : i32
    %dma_start3A_68 = tpu.memref_slice %arg10[%dma_start3A_65, %dma_start3A_66, %dma_start3A_67] : memref<2x10x40xi32, #tpu.memory_space<vmem>> -> memref<1x1x40xi32, #tpu.memory_space<vmem>>
    %dma_start3A_69 = tpu.memref_squeeze %dma_start3A_68 : memref<1x1x40xi32, #tpu.memory_space<vmem>> -> memref<40xi32, #tpu.memory_space<vmem>>
    %dma_start3A_70 = arith.constant 0 : i32
    %dma_start3A_71 = arith.constant 0 : i32
    %dma_start3A_72 = tpu.memref_slice %arg5[%dma_start3A_70, %dma_start3A_71] : memref<10000x128xf32, #tpu.memory_space<hbm>> -> memref<10000x128xf32, #tpu.memory_space<hbm>>
    tpu.enqueue_indirect_dma source(%dma_start3A_72 : memref<10000x128xf32, #tpu.memory_space<hbm>>) target(%arg14 : memref<40x128xf32, #tpu.memory_space<vmem>>) offsets(%dma_start3A_69 : memref<40xi32, #tpu.memory_space<vmem>>) semaphore(%arg22 : memref<!tpu.dma_semaphore, #tpu.memory_space<semaphore_mem>>)
    %dma_start3A_73 = arith.constant 0 : i32
    %dma_start3A_74 = tpu.memref_slice %arg6[%add3A_56, %dma_start3A_73] : memref<160000x128xi32, #tpu.memory_space<hbm>> -> memref<20x128xi32, #tpu.memory_space<hbm>>
    %dma_start3A_75 = arith.constant 0 : i32
    %dma_start3A_76 = tpu.memref_slice %arg6[%add3A_56, %dma_start3A_75] : memref<160000x128xi32, #tpu.memory_space<hbm>> -> memref<20x128xi32, #tpu.memory_space<hbm>>
    tpu.enqueue_dma source(%dma_start3A_76 : memref<20x128xi32, #tpu.memory_space<hbm>>) target(%arg16 : memref<20x128xi32, #tpu.memory_space<vmem>>) target_semaphore(%arg22 : memref<!tpu.dma_semaphore, #tpu.memory_space<semaphore_mem>>)
    %scan3A_77 = arith.constant 0 : i32
    %scan3A_78 = arith.constant 0 : i32
    %scan3A_79 = arith.constant 125 : i32
    %scan3A_80 = arith.addi %scan3A_78, %scan3A_79 : i32
    %scan3A_81 = arith.constant 1 : i32
    scf.for %scan3A_105 = %scan3A_78 to %scan3A_80 step %scan3A_81  : i32 {
      %mul3A_106 = arith.constant 2 : i32
      %mul3A_107 = arith.muli %mul3A_106, %scan3A_105 : i32
      %add3A_108 = arith.constant 0 : i32
      %add3A_109 = arith.addi %mul3A_107, %add3A_108 : i32
      %mul3A_110 = arith.constant 5000 : i32
      %mul3A_111 = arith.muli %add3A, %mul3A_110 : i32
      %multiple_of3A_112 = tpu.assume_multiple %mul3A_111, 4 : i32
      %mul3A_113 = arith.constant 20 : i32
      %mul3A_114 = arith.muli %add3A_109, %mul3A_113 : i32
      %add3A_115 = arith.addi %multiple_of3A_112, %mul3A_114 : i32
      %jit3A = arith.constant 10 : i32
      %div3A = arith.divsi %add3A_109, %jit3A : i32
      %sign3A = arith.constant 0 : i32
      %sign3A_116 = arith.cmpi sgt, %add3A_109, %sign3A : i32
      %sign3A_117 = arith.extui %sign3A_116 : i1 to i32
      %sign3A_118 = arith.constant 0 : i32
      %sign3A_119 = arith.cmpi slt, %add3A_109, %sign3A_118 : i32
      %sign3A_120 = arith.extui %sign3A_119 : i1 to i32
      %sign3A_121 = arith.subi %sign3A_117, %sign3A_120 : i32
      %sign3A_122 = arith.constant 0 : i32
      %sign3A_123 = arith.cmpi sgt, %jit3A, %sign3A_122 : i32
      %sign3A_124 = arith.extui %sign3A_123 : i1 to i32
      %sign3A_125 = arith.constant 0 : i32
      %sign3A_126 = arith.cmpi slt, %jit3A, %sign3A_125 : i32
      %sign3A_127 = arith.extui %sign3A_126 : i1 to i32
      %sign3A_128 = arith.subi %sign3A_124, %sign3A_127 : i32
      %ne3A = arith.cmpi ne, %sign3A_121, %sign3A_128 : i32
      %rem3A = arith.remsi %add3A_109, %jit3A : i32
      %ne3A_129 = arith.constant 0 : i32
      %ne3A_130 = arith.cmpi ne, %rem3A, %ne3A_129 : i32
      %and3A = arith.andi %ne3A, %ne3A_130 : i1
      %sub3A = arith.constant 1 : i32
      %sub3A_131 = arith.subi %div3A, %sub3A : i32
      %select_n3A = arith.select %and3A, %sub3A_131, %div3A : i32
      %jit3A_132 = arith.constant 2 : i32
      %eq3A = arith.constant 0 : i32
      %eq3A_133 = arith.cmpi eq, %jit3A_132, %eq3A : i32
      %jit3A_134 = arith.constant 1 : i32
      %select_n3A_135 = arith.select %eq3A_133, %jit3A_134, %jit3A_132 : i32
      %rem3A_136 = arith.remsi %select_n3A, %select_n3A_135 : i32
      %ne3A_137 = arith.constant 0 : i32
      %ne3A_138 = arith.cmpi ne, %rem3A_136, %ne3A_137 : i32
      %lt3A = arith.constant 0 : i32
      %lt3A_139 = arith.cmpi slt, %rem3A_136, %lt3A : i32
      %lt3A_140 = arith.constant 0 : i32
      %lt3A_141 = arith.cmpi slt, %select_n3A_135, %lt3A_140 : i32
      %ne3A_142 = arith.xori %lt3A_139, %lt3A_141 : i1
      %and3A_143 = arith.andi %ne3A_142, %ne3A_138 : i1
      %add3A_144 = arith.addi %rem3A_136, %select_n3A_135 : i32
      %select_n3A_145 = arith.select %and3A_143, %add3A_144, %rem3A_136 : i32
      %jit3A_146 = arith.constant 10 : i32
      %eq3A_147 = arith.constant 0 : i32
      %eq3A_148 = arith.cmpi eq, %jit3A_146, %eq3A_147 : i32
      %jit3A_149 = arith.constant 1 : i32
      %select_n3A_150 = arith.select %eq3A_148, %jit3A_149, %jit3A_146 : i32
      %rem3A_151 = arith.remsi %add3A_109, %select_n3A_150 : i32
      %ne3A_152 = arith.constant 0 : i32
      %ne3A_153 = arith.cmpi ne, %rem3A_151, %ne3A_152 : i32
      %lt3A_154 = arith.constant 0 : i32
      %lt3A_155 = arith.cmpi slt, %rem3A_151, %lt3A_154 : i32
      %lt3A_156 = arith.constant 0 : i32
      %lt3A_157 = arith.cmpi slt, %select_n3A_150, %lt3A_156 : i32
      %ne3A_158 = arith.xori %lt3A_155, %lt3A_157 : i1
      %and3A_159 = arith.andi %ne3A_158, %ne3A_153 : i1
      %add3A_160 = arith.addi %rem3A_151, %select_n3A_150 : i32
      %select_n3A_161 = arith.select %and3A_159, %add3A_160, %rem3A_151 : i32
      %dma_wait3A_162 = arith.constant 0 : i32
      %dma_wait3A_163 = tpu.memref_slice %arg9[%select_n3A_145, %select_n3A_161, %dma_wait3A_162] : memref<2x10x40xi32, #tpu.memory_space<vmem>> -> memref<1x1x40xi32, #tpu.memory_space<vmem>>
      %dma_wait3A_164 = tpu.memref_squeeze %dma_wait3A_163 : memref<1x1x40xi32, #tpu.memory_space<vmem>> -> memref<40xi32, #tpu.memory_space<vmem>>
      %dma_wait3A_165 = arith.constant 0 : i32
      %dma_wait3A_166 = arith.constant 0 : i32
      %dma_wait3A_167 = tpu.memref_slice %arg4[%dma_wait3A_165, %dma_wait3A_166] : memref<10000x128xf32, #tpu.memory_space<hbm>> -> memref<10000x128xf32, #tpu.memory_space<hbm>>
      tpu.wait_indirect_dma semaphore(%arg21 : memref<!tpu.dma_semaphore, #tpu.memory_space<semaphore_mem>>) src(%dma_wait3A_167 : memref<10000x128xf32, #tpu.memory_space<hbm>>) dst(%arg11 : memref<40x128xf32, #tpu.memory_space<vmem>>)
      %jit3A_168 = arith.constant 10 : i32
      %div3A_169 = arith.divsi %add3A_109, %jit3A_168 : i32
      %sign3A_170 = arith.constant 0 : i32
      %sign3A_171 = arith.cmpi sgt, %add3A_109, %sign3A_170 : i32
      %sign3A_172 = arith.extui %sign3A_171 : i1 to i32
      %sign3A_173 = arith.constant 0 : i32
      %sign3A_174 = arith.cmpi slt, %add3A_109, %sign3A_173 : i32
      %sign3A_175 = arith.extui %sign3A_174 : i1 to i32
      %sign3A_176 = arith.subi %sign3A_172, %sign3A_175 : i32
      %sign3A_177 = arith.constant 0 : i32
      %sign3A_178 = arith.cmpi sgt, %jit3A_168, %sign3A_177 : i32
      %sign3A_179 = arith.extui %sign3A_178 : i1 to i32
      %sign3A_180 = arith.constant 0 : i32
      %sign3A_181 = arith.cmpi slt, %jit3A_168, %sign3A_180 : i32
      %sign3A_182 = arith.extui %sign3A_181 : i1 to i32
      %sign3A_183 = arith.subi %sign3A_179, %sign3A_182 : i32
      %ne3A_184 = arith.cmpi ne, %sign3A_176, %sign3A_183 : i32
      %rem3A_185 = arith.remsi %add3A_109, %jit3A_168 : i32
      %ne3A_186 = arith.constant 0 : i32
      %ne3A_187 = arith.cmpi ne, %rem3A_185, %ne3A_186 : i32
      %and3A_188 = arith.andi %ne3A_184, %ne3A_187 : i1
      %sub3A_189 = arith.constant 1 : i32
      %sub3A_190 = arith.subi %div3A_169, %sub3A_189 : i32
      %select_n3A_191 = arith.select %and3A_188, %sub3A_190, %div3A_169 : i32
      %jit3A_192 = arith.constant 2 : i32
      %eq3A_193 = arith.constant 0 : i32
      %eq3A_194 = arith.cmpi eq, %jit3A_192, %eq3A_193 : i32
      %jit3A_195 = arith.constant 1 : i32
      %select_n3A_196 = arith.select %eq3A_194, %jit3A_195, %jit3A_192 : i32
      %rem3A_197 = arith.remsi %select_n3A_191, %select_n3A_196 : i32
      %ne3A_198 = arith.constant 0 : i32
      %ne3A_199 = arith.cmpi ne, %rem3A_197, %ne3A_198 : i32
      %lt3A_200 = arith.constant 0 : i32
      %lt3A_201 = arith.cmpi slt, %rem3A_197, %lt3A_200 : i32
      %lt3A_202 = arith.constant 0 : i32
      %lt3A_203 = arith.cmpi slt, %select_n3A_196, %lt3A_202 : i32
      %ne3A_204 = arith.xori %lt3A_201, %lt3A_203 : i1
      %and3A_205 = arith.andi %ne3A_204, %ne3A_199 : i1
      %add3A_206 = arith.addi %rem3A_197, %select_n3A_196 : i32
      %select_n3A_207 = arith.select %and3A_205, %add3A_206, %rem3A_197 : i32
      %jit3A_208 = arith.constant 10 : i32
      %eq3A_209 = arith.constant 0 : i32
      %eq3A_210 = arith.cmpi eq, %jit3A_208, %eq3A_209 : i32
      %jit3A_211 = arith.constant 1 : i32
      %select_n3A_212 = arith.select %eq3A_210, %jit3A_211, %jit3A_208 : i32
      %rem3A_213 = arith.remsi %add3A_109, %select_n3A_212 : i32
      %ne3A_214 = arith.constant 0 : i32
      %ne3A_215 = arith.cmpi ne, %rem3A_213, %ne3A_214 : i32
      %lt3A_216 = arith.constant 0 : i32
      %lt3A_217 = arith.cmpi slt, %rem3A_213, %lt3A_216 : i32
      %lt3A_218 = arith.constant 0 : i32
      %lt3A_219 = arith.cmpi slt, %select_n3A_212, %lt3A_218 : i32
      %ne3A_220 = arith.xori %lt3A_217, %lt3A_219 : i1
      %and3A_221 = arith.andi %ne3A_220, %ne3A_215 : i1
      %add3A_222 = arith.addi %rem3A_213, %select_n3A_212 : i32
      %select_n3A_223 = arith.select %and3A_221, %add3A_222, %rem3A_213 : i32
      %dma_wait3A_224 = arith.constant 0 : i32
      %dma_wait3A_225 = tpu.memref_slice %arg10[%select_n3A_207, %select_n3A_223, %dma_wait3A_224] : memref<2x10x40xi32, #tpu.memory_space<vmem>> -> memref<1x1x40xi32, #tpu.memory_space<vmem>>
      %dma_wait3A_226 = tpu.memref_squeeze %dma_wait3A_225 : memref<1x1x40xi32, #tpu.memory_space<vmem>> -> memref<40xi32, #tpu.memory_space<vmem>>
      %dma_wait3A_227 = arith.constant 0 : i32
      %dma_wait3A_228 = arith.constant 0 : i32
      %dma_wait3A_229 = tpu.memref_slice %arg5[%dma_wait3A_227, %dma_wait3A_228] : memref<10000x128xf32, #tpu.memory_space<hbm>> -> memref<10000x128xf32, #tpu.memory_space<hbm>>
      tpu.wait_indirect_dma semaphore(%arg21 : memref<!tpu.dma_semaphore, #tpu.memory_space<semaphore_mem>>) src(%dma_wait3A_229 : memref<10000x128xf32, #tpu.memory_space<hbm>>) dst(%arg13 : memref<40x128xf32, #tpu.memory_space<vmem>>)
      %dma_wait3A_230 = arith.constant 0 : i32
      %dma_wait3A_231 = tpu.memref_slice %arg6[%add3A_115, %dma_wait3A_230] : memref<160000x128xi32, #tpu.memory_space<hbm>> -> memref<20x128xi32, #tpu.memory_space<hbm>>
      %dma_wait3A_232 = arith.constant 0 : i32
      %dma_wait3A_233 = tpu.memref_slice %arg6[%add3A_115, %dma_wait3A_232] : memref<160000x128xi32, #tpu.memory_space<hbm>> -> memref<20x128xi32, #tpu.memory_space<hbm>>
      tpu.wait_dma2 semaphore(%arg21 : memref<!tpu.dma_semaphore, #tpu.memory_space<semaphore_mem>>) src(%dma_wait3A_233 : memref<20x128xi32, #tpu.memory_space<hbm>>) dst(%arg15 : memref<20x128xi32, #tpu.memory_space<vmem>>)
      %ge3A = arith.constant 2 : i32
      %ge3A_234 = arith.cmpi sge, %add3A_109, %ge3A : i32
      %convert_element_type3A = arith.extui %ge3A_234 : i1 to i32
      %cond3A = arith.constant 0 : i32
      %cond3A_235 = arith.cmpi ne, %convert_element_type3A, %cond3A : i32
      scf.if %cond3A_235 {
        %sub3A_555 = arith.constant 2 : i32
        %sub3A_556 = arith.subi %add3A_109, %sub3A_555 : i32
        %jit3A_557 = arith.constant 10 : i32
        %div3A_558 = arith.divsi %sub3A_556, %jit3A_557 : i32
        %sign3A_559 = arith.constant 0 : i32
        %sign3A_560 = arith.cmpi sgt, %sub3A_556, %sign3A_559 : i32
        %sign3A_561 = arith.extui %sign3A_560 : i1 to i32
        %sign3A_562 = arith.constant 0 : i32
        %sign3A_563 = arith.cmpi slt, %sub3A_556, %sign3A_562 : i32
        %sign3A_564 = arith.extui %sign3A_563 : i1 to i32
        %sign3A_565 = arith.subi %sign3A_561, %sign3A_564 : i32
        %sign3A_566 = arith.constant 0 : i32
        %sign3A_567 = arith.cmpi sgt, %jit3A_557, %sign3A_566 : i32
        %sign3A_568 = arith.extui %sign3A_567 : i1 to i32
        %sign3A_569 = arith.constant 0 : i32
        %sign3A_570 = arith.cmpi slt, %jit3A_557, %sign3A_569 : i32
        %sign3A_571 = arith.extui %sign3A_570 : i1 to i32
        %sign3A_572 = arith.subi %sign3A_568, %sign3A_571 : i32
        %ne3A_573 = arith.cmpi ne, %sign3A_565, %sign3A_572 : i32
        %rem3A_574 = arith.remsi %sub3A_556, %jit3A_557 : i32
        %ne3A_575 = arith.constant 0 : i32
        %ne3A_576 = arith.cmpi ne, %rem3A_574, %ne3A_575 : i32
        %and3A_577 = arith.andi %ne3A_573, %ne3A_576 : i1
        %sub3A_578 = arith.constant 1 : i32
        %sub3A_579 = arith.subi %div3A_558, %sub3A_578 : i32
        %select_n3A_580 = arith.select %and3A_577, %sub3A_579, %div3A_558 : i32
        %jit3A_581 = arith.constant 2 : i32
        %eq3A_582 = arith.constant 0 : i32
        %eq3A_583 = arith.cmpi eq, %jit3A_581, %eq3A_582 : i32
        %jit3A_584 = arith.constant 1 : i32
        %select_n3A_585 = arith.select %eq3A_583, %jit3A_584, %jit3A_581 : i32
        %rem3A_586 = arith.remsi %select_n3A_580, %select_n3A_585 : i32
        %ne3A_587 = arith.constant 0 : i32
        %ne3A_588 = arith.cmpi ne, %rem3A_586, %ne3A_587 : i32
        %lt3A_589 = arith.constant 0 : i32
        %lt3A_590 = arith.cmpi slt, %rem3A_586, %lt3A_589 : i32
        %lt3A_591 = arith.constant 0 : i32
        %lt3A_592 = arith.cmpi slt, %select_n3A_585, %lt3A_591 : i32
        %ne3A_593 = arith.xori %lt3A_590, %lt3A_592 : i1
        %and3A_594 = arith.andi %ne3A_593, %ne3A_588 : i1
        %add3A_595 = arith.addi %rem3A_586, %select_n3A_585 : i32
        %select_n3A_596 = arith.select %and3A_594, %add3A_595, %rem3A_586 : i32
        %jit3A_597 = arith.constant 10 : i32
        %eq3A_598 = arith.constant 0 : i32
        %eq3A_599 = arith.cmpi eq, %jit3A_597, %eq3A_598 : i32
        %jit3A_600 = arith.constant 1 : i32
        %select_n3A_601 = arith.select %eq3A_599, %jit3A_600, %jit3A_597 : i32
        %rem3A_602 = arith.remsi %sub3A_556, %select_n3A_601 : i32
        %ne3A_603 = arith.constant 0 : i32
        %ne3A_604 = arith.cmpi ne, %rem3A_602, %ne3A_603 : i32
        %lt3A_605 = arith.constant 0 : i32
        %lt3A_606 = arith.cmpi slt, %rem3A_602, %lt3A_605 : i32
        %lt3A_607 = arith.constant 0 : i32
        %lt3A_608 = arith.cmpi slt, %select_n3A_601, %lt3A_607 : i32
        %ne3A_609 = arith.xori %lt3A_606, %lt3A_608 : i1
        %and3A_610 = arith.andi %ne3A_609, %ne3A_604 : i1
        %add3A_611 = arith.addi %rem3A_602, %select_n3A_601 : i32
        %select_n3A_612 = arith.select %and3A_610, %add3A_611, %rem3A_602 : i32
        %dma_wait3A_613 = arith.constant 0 : i32
        %dma_wait3A_614 = tpu.memref_slice %arg10[%select_n3A_596, %select_n3A_612, %dma_wait3A_613] : memref<2x10x40xi32, #tpu.memory_space<vmem>> -> memref<1x1x40xi32, #tpu.memory_space<vmem>>
        %dma_wait3A_615 = tpu.memref_squeeze %dma_wait3A_614 : memref<1x1x40xi32, #tpu.memory_space<vmem>> -> memref<40xi32, #tpu.memory_space<vmem>>
        %dma_wait3A_616 = arith.constant 0 : i32
        %dma_wait3A_617 = arith.constant 0 : i32
        %dma_wait3A_618 = tpu.memref_slice %arg20[%dma_wait3A_616, %dma_wait3A_617] : memref<10000x136xf32, #tpu.memory_space<vmem_shared>> -> memref<10000x136xf32, #tpu.memory_space<vmem_shared>>
        tpu.wait_indirect_dma semaphore(%arg23 : memref<!tpu.dma_semaphore, #tpu.memory_space<semaphore_mem>>) src(%arg17 : memref<40x136xf32, #tpu.memory_space<vmem>>) dst(%dma_wait3A_618 : memref<10000x136xf32, #tpu.memory_space<vmem_shared>>)
      } else {
      }
      %scan3A_236 = arith.constant 0 : i32
      %scan3A_237 = arith.constant 0 : i32
      %scan3A_238 = arith.constant 20 : i32
      %scan3A_239 = arith.addi %scan3A_237, %scan3A_238 : i32
      %scan3A_240 = arith.constant 1 : i32
      scf.for %scan3A_555 = %scan3A_237 to %scan3A_239 step %scan3A_240  : i32 {
        %get3A_556 = arith.index_cast %scan3A_555 : i32 to index
        %get3A_557 = arith.constant 0 : index
        %get3A_558 = tpu.vector_load %arg15[%get3A_556, %get3A_557] {strides = array<i32>} : memref<20x128xi32, #tpu.memory_space<vmem>>, vector<16xi32>,
        %get3A_559 = arith.index_cast %scan3A_555 : i32 to index
        %get3A_560 = arith.constant 16 : index
        %get3A_561 = tpu.vector_load %arg15[%get3A_559, %get3A_560] {strides = array<i32>} : memref<20x128xi32, #tpu.memory_space<vmem>>, vector<16xi32>,
        %get3A_562 = arith.index_cast %scan3A_555 : i32 to index
        %get3A_563 = arith.constant 32 : index
        %get3A_564 = tpu.vector_load %arg15[%get3A_562, %get3A_563] {strides = array<i32>} : memref<20x128xi32, #tpu.memory_space<vmem>>, vector<16xi32>,
        %get3A_565 = arith.index_cast %scan3A_555 : i32 to index
        %get3A_566 = arith.constant 48 : index
        %get3A_567 = tpu.vector_load %arg15[%get3A_565, %get3A_566] {strides = array<i32>} : memref<20x128xi32, #tpu.memory_space<vmem>>, vector<16xi32>,
        %get3A_568 = arith.index_cast %scan3A_555 : i32 to index
        %get3A_569 = arith.constant 64 : index
        %get3A_570 = tpu.vector_load %arg15[%get3A_568, %get3A_569] {strides = array<i32>} : memref<20x128xi32, #tpu.memory_space<vmem>>, vector<16xi32>,
        %get3A_571 = arith.index_cast %scan3A_555 : i32 to index
        %get3A_572 = arith.constant 80 : index
        %get3A_573 = tpu.vector_load %arg15[%get3A_571, %get3A_572] {strides = array<i32>} : memref<20x128xi32, #tpu.memory_space<vmem>>, vector<16xi32>,
        %get3A_574 = arith.index_cast %scan3A_555 : i32 to index
        %get3A_575 = arith.constant 96 : index
        %get3A_576 = tpu.vector_load %arg15[%get3A_574, %get3A_575] {strides = array<i32>} : memref<20x128xi32, #tpu.memory_space<vmem>>, vector<16xi32>,
        %get3A_577 = arith.index_cast %scan3A_555 : i32 to index
        %get3A_578 = arith.constant 112 : index
        %get3A_579 = tpu.vector_load %arg15[%get3A_577, %get3A_578] {strides = array<i32>} : memref<20x128xi32, #tpu.memory_space<vmem>>, vector<16xi32>,
        %shift_left3A = arith.constant 16 : i32
        %shift_left3A_580 = vector.broadcast %shift_left3A : i32 to vector<16xi32>
        %shift_left3A_581 = arith.shli %get3A_558, %shift_left3A_580 : vector<16xi32>
        %bitcast_convert_type3A = tpu.bitcast %shift_left3A_581 : vector<16xi32> -> vector<16xf32>
        %shift_left3A_582 = arith.constant 16 : i32
        %shift_left3A_583 = vector.broadcast %shift_left3A_582 : i32 to vector<16xi32>
        %shift_left3A_584 = arith.shli %get3A_561, %shift_left3A_583 : vector<16xi32>
        %bitcast_convert_type3A_585 = tpu.bitcast %shift_left3A_584 : vector<16xi32> -> vector<16xf32>
        %shift_left3A_586 = arith.constant 16 : i32
        %shift_left3A_587 = vector.broadcast %shift_left3A_586 : i32 to vector<16xi32>
        %shift_left3A_588 = arith.shli %get3A_564, %shift_left3A_587 : vector<16xi32>
        %bitcast_convert_type3A_589 = tpu.bitcast %shift_left3A_588 : vector<16xi32> -> vector<16xf32>
        %shift_left3A_590 = arith.constant 16 : i32
        %shift_left3A_591 = vector.broadcast %shift_left3A_590 : i32 to vector<16xi32>
        %shift_left3A_592 = arith.shli %get3A_567, %shift_left3A_591 : vector<16xi32>
        %bitcast_convert_type3A_593 = tpu.bitcast %shift_left3A_592 : vector<16xi32> -> vector<16xf32>
        %shift_left3A_594 = arith.constant 16 : i32
        %shift_left3A_595 = vector.broadcast %shift_left3A_594 : i32 to vector<16xi32>
        %shift_left3A_596 = arith.shli %get3A_570, %shift_left3A_595 : vector<16xi32>
        %bitcast_convert_type3A_597 = tpu.bitcast %shift_left3A_596 : vector<16xi32> -> vector<16xf32>
        %shift_left3A_598 = arith.constant 16 : i32
        %shift_left3A_599 = vector.broadcast %shift_left3A_598 : i32 to vector<16xi32>
        %shift_left3A_600 = arith.shli %get3A_573, %shift_left3A_599 : vector<16xi32>
        %bitcast_convert_type3A_601 = tpu.bitcast %shift_left3A_600 : vector<16xi32> -> vector<16xf32>
        %shift_left3A_602 = arith.constant 16 : i32
        %shift_left3A_603 = vector.broadcast %shift_left3A_602 : i32 to vector<16xi32>
        %shift_left3A_604 = arith.shli %get3A_576, %shift_left3A_603 : vector<16xi32>
        %bitcast_convert_type3A_605 = tpu.bitcast %shift_left3A_604 : vector<16xi32> -> vector<16xf32>
        %shift_left3A_606 = arith.constant 16 : i32
        %shift_left3A_607 = vector.broadcast %shift_left3A_606 : i32 to vector<16xi32>
        %shift_left3A_608 = arith.shli %get3A_579, %shift_left3A_607 : vector<16xi32>
        %bitcast_convert_type3A_609 = tpu.bitcast %shift_left3A_608 : vector<16xi32> -> vector<16xf32>
        %and3A_610 = arith.constant -65536 : i32
        %and3A_611 = vector.broadcast %and3A_610 : i32 to vector<16xi32>
        %and3A_612 = arith.andi %get3A_558, %and3A_611 : vector<16xi32>
        %bitcast_convert_type3A_613 = tpu.bitcast %and3A_612 : vector<16xi32> -> vector<16xf32>
        %and3A_614 = arith.constant -65536 : i32
        %and3A_615 = vector.broadcast %and3A_614 : i32 to vector<16xi32>
        %and3A_616 = arith.andi %get3A_561, %and3A_615 : vector<16xi32>
        %bitcast_convert_type3A_617 = tpu.bitcast %and3A_616 : vector<16xi32> -> vector<16xf32>
        %and3A_618 = arith.constant -65536 : i32
        %and3A_619 = vector.broadcast %and3A_618 : i32 to vector<16xi32>
        %and3A_620 = arith.andi %get3A_564, %and3A_619 : vector<16xi32>
        %bitcast_convert_type3A_621 = tpu.bitcast %and3A_620 : vector<16xi32> -> vector<16xf32>
        %and3A_622 = arith.constant -65536 : i32
        %and3A_623 = vector.broadcast %and3A_622 : i32 to vector<16xi32>
        %and3A_624 = arith.andi %get3A_567, %and3A_623 : vector<16xi32>
        %bitcast_convert_type3A_625 = tpu.bitcast %and3A_624 : vector<16xi32> -> vector<16xf32>
        %and3A_626 = arith.constant -65536 : i32
        %and3A_627 = vector.broadcast %and3A_626 : i32 to vector<16xi32>
        %and3A_628 = arith.andi %get3A_570, %and3A_627 : vector<16xi32>
        %bitcast_convert_type3A_629 = tpu.bitcast %and3A_628 : vector<16xi32> -> vector<16xf32>
        %and3A_630 = arith.constant -65536 : i32
        %and3A_631 = vector.broadcast %and3A_630 : i32 to vector<16xi32>
        %and3A_632 = arith.andi %get3A_573, %and3A_631 : vector<16xi32>
        %bitcast_convert_type3A_633 = tpu.bitcast %and3A_632 : vector<16xi32> -> vector<16xf32>
        %and3A_634 = arith.constant -65536 : i32
        %and3A_635 = vector.broadcast %and3A_634 : i32 to vector<16xi32>
        %and3A_636 = arith.andi %get3A_576, %and3A_635 : vector<16xi32>
        %bitcast_convert_type3A_637 = tpu.bitcast %and3A_636 : vector<16xi32> -> vector<16xf32>
        %and3A_638 = arith.constant -65536 : i32
        %and3A_639 = vector.broadcast %and3A_638 : i32 to vector<16xi32>
        %and3A_640 = arith.andi %get3A_579, %and3A_639 : vector<16xi32>
        %bitcast_convert_type3A_641 = tpu.bitcast %and3A_640 : vector<16xi32> -> vector<16xf32>
        %mul3A_642 = arith.constant 2 : i32
        %mul3A_643 = arith.muli %mul3A_642, %scan3A_555 : i32
        %mul3A_644 = arith.constant 2 : i32
        %mul3A_645 = arith.muli %mul3A_644, %scan3A_555 : i32
        %add3A_646 = arith.constant 1 : i32
        %add3A_647 = arith.addi %mul3A_645, %add3A_646 : i32
        %get3A_648 = arith.index_cast %mul3A_643 : i32 to index
        %get3A_649 = arith.constant 0 : index
        %get3A_650 = tpu.vector_load %arg11[%get3A_648, %get3A_649] {strides = array<i32>} : memref<40x128xf32, #tpu.memory_space<vmem>>, vector<16xf32>,
        %get3A_651 = arith.index_cast %mul3A_643 : i32 to index
        %get3A_652 = arith.constant 16 : index
        %get3A_653 = tpu.vector_load %arg11[%get3A_651, %get3A_652] {strides = array<i32>} : memref<40x128xf32, #tpu.memory_space<vmem>>, vector<16xf32>,
        %get3A_654 = arith.index_cast %mul3A_643 : i32 to index
        %get3A_655 = arith.constant 32 : index
        %get3A_656 = tpu.vector_load %arg11[%get3A_654, %get3A_655] {strides = array<i32>} : memref<40x128xf32, #tpu.memory_space<vmem>>, vector<16xf32>,
        %get3A_657 = arith.index_cast %mul3A_643 : i32 to index
        %get3A_658 = arith.constant 48 : index
        %get3A_659 = tpu.vector_load %arg11[%get3A_657, %get3A_658] {strides = array<i32>} : memref<40x128xf32, #tpu.memory_space<vmem>>, vector<16xf32>,
        %get3A_660 = arith.index_cast %mul3A_643 : i32 to index
        %get3A_661 = arith.constant 64 : index
        %get3A_662 = tpu.vector_load %arg11[%get3A_660, %get3A_661] {strides = array<i32>} : memref<40x128xf32, #tpu.memory_space<vmem>>, vector<16xf32>,
        %get3A_663 = arith.index_cast %mul3A_643 : i32 to index
        %get3A_664 = arith.constant 80 : index
        %get3A_665 = tpu.vector_load %arg11[%get3A_663, %get3A_664] {strides = array<i32>} : memref<40x128xf32, #tpu.memory_space<vmem>>, vector<16xf32>,
        %get3A_666 = arith.index_cast %mul3A_643 : i32 to index
        %get3A_667 = arith.constant 96 : index
        %get3A_668 = tpu.vector_load %arg11[%get3A_666, %get3A_667] {strides = array<i32>} : memref<40x128xf32, #tpu.memory_space<vmem>>, vector<16xf32>,
        %get3A_669 = arith.index_cast %mul3A_643 : i32 to index
        %get3A_670 = arith.constant 112 : index
        %get3A_671 = tpu.vector_load %arg11[%get3A_669, %get3A_670] {strides = array<i32>} : memref<40x128xf32, #tpu.memory_space<vmem>>, vector<16xf32>,
        %get3A_672 = arith.index_cast %mul3A_643 : i32 to index
        %get3A_673 = arith.constant 0 : index
        %get3A_674 = tpu.vector_load %arg13[%get3A_672, %get3A_673] {strides = array<i32>} : memref<40x128xf32, #tpu.memory_space<vmem>>, vector<16xf32>,
        %add3A_675 = arith.addf %get3A_650, %get3A_674 : vector<16xf32>
        %add3A_676 = arith.addf %add3A_675, %bitcast_convert_type3A : vector<16xf32>
        %mul3A_677 = arith.constant 2.000000e-01 : f32
        %mul3A_678 = vector.broadcast %mul3A_677 : f32 to vector<16xf32>
        %mul3A_679 = arith.mulf %mul3A_678, %add3A_676 : vector<16xf32>
        %max3A = arith.maximumf %add3A_676, %mul3A_679 : vector<16xf32>
        %mul3A_680 = arith.mulf %max3A, %get3A_14 : vector<16xf32>
        %add3A_681 = arith.addf %broadcast_in_dim3A_1, %mul3A_680 : vector<16xf32>
        %get3A_682 = arith.index_cast %mul3A_643 : i32 to index
        %get3A_683 = arith.constant 16 : index
        %get3A_684 = tpu.vector_load %arg13[%get3A_682, %get3A_683] {strides = array<i32>} : memref<40x128xf32, #tpu.memory_space<vmem>>, vector<16xf32>,
        %add3A_685 = arith.addf %get3A_653, %get3A_684 : vector<16xf32>
        %add3A_686 = arith.addf %add3A_685, %bitcast_convert_type3A_585 : vector<16xf32>
        %mul3A_687 = arith.constant 2.000000e-01 : f32
        %mul3A_688 = vector.broadcast %mul3A_687 : f32 to vector<16xf32>
        %mul3A_689 = arith.mulf %mul3A_688, %add3A_686 : vector<16xf32>
        %max3A_690 = arith.maximumf %add3A_686, %mul3A_689 : vector<16xf32>
        %mul3A_691 = arith.mulf %max3A_690, %get3A_16 : vector<16xf32>
        %add3A_692 = arith.addf %add3A_681, %mul3A_691 : vector<16xf32>
        %get3A_693 = arith.index_cast %mul3A_643 : i32 to index
        %get3A_694 = arith.constant 32 : index
        %get3A_695 = tpu.vector_load %arg13[%get3A_693, %get3A_694] {strides = array<i32>} : memref<40x128xf32, #tpu.memory_space<vmem>>, vector<16xf32>,
        %add3A_696 = arith.addf %get3A_656, %get3A_695 : vector<16xf32>
        %add3A_697 = arith.addf %add3A_696, %bitcast_convert_type3A_589 : vector<16xf32>
        %mul3A_698 = arith.constant 2.000000e-01 : f32
        %mul3A_699 = vector.broadcast %mul3A_698 : f32 to vector<16xf32>
        %mul3A_700 = arith.mulf %mul3A_699, %add3A_697 : vector<16xf32>
        %max3A_701 = arith.maximumf %add3A_697, %mul3A_700 : vector<16xf32>
        %mul3A_702 = arith.mulf %max3A_701, %get3A_18 : vector<16xf32>
        %add3A_703 = arith.addf %add3A_692, %mul3A_702 : vector<16xf32>
        %get3A_704 = arith.index_cast %mul3A_643 : i32 to index
        %get3A_705 = arith.constant 48 : index
        %get3A_706 = tpu.vector_load %arg13[%get3A_704, %get3A_705] {strides = array<i32>} : memref<40x128xf32, #tpu.memory_space<vmem>>, vector<16xf32>,
        %add3A_707 = arith.addf %get3A_659, %get3A_706 : vector<16xf32>
        %add3A_708 = arith.addf %add3A_707, %bitcast_convert_type3A_593 : vector<16xf32>
        %mul3A_709 = arith.constant 2.000000e-01 : f32
        %mul3A_710 = vector.broadcast %mul3A_709 : f32 to vector<16xf32>
        %mul3A_711 = arith.mulf %mul3A_710, %add3A_708 : vector<16xf32>
        %max3A_712 = arith.maximumf %add3A_708, %mul3A_711 : vector<16xf32>
        %mul3A_713 = arith.mulf %max3A_712, %get3A_20 : vector<16xf32>
        %add3A_714 = arith.addf %add3A_703, %mul3A_713 : vector<16xf32>
        %get3A_715 = arith.index_cast %mul3A_643 : i32 to index
        %get3A_716 = arith.constant 64 : index
        %get3A_717 = tpu.vector_load %arg13[%get3A_715, %get3A_716] {strides = array<i32>} : memref<40x128xf32, #tpu.memory_space<vmem>>, vector<16xf32>,
        %add3A_718 = arith.addf %get3A_662, %get3A_717 : vector<16xf32>
        %add3A_719 = arith.addf %add3A_718, %bitcast_convert_type3A_597 : vector<16xf32>
        %mul3A_720 = arith.constant 2.000000e-01 : f32
        %mul3A_721 = vector.broadcast %mul3A_720 : f32 to vector<16xf32>
        %mul3A_722 = arith.mulf %mul3A_721, %add3A_719 : vector<16xf32>
        %max3A_723 = arith.maximumf %add3A_719, %mul3A_722 : vector<16xf32>
        %mul3A_724 = arith.mulf %max3A_723, %get3A_22 : vector<16xf32>
        %add3A_725 = arith.addf %add3A_714, %mul3A_724 : vector<16xf32>
        %get3A_726 = arith.index_cast %mul3A_643 : i32 to index
        %get3A_727 = arith.constant 80 : index
        %get3A_728 = tpu.vector_load %arg13[%get3A_726, %get3A_727] {strides = array<i32>} : memref<40x128xf32, #tpu.memory_space<vmem>>, vector<16xf32>,
        %add3A_729 = arith.addf %get3A_665, %get3A_728 : vector<16xf32>
        %add3A_730 = arith.addf %add3A_729, %bitcast_convert_type3A_601 : vector<16xf32>
        %mul3A_731 = arith.constant 2.000000e-01 : f32
        %mul3A_732 = vector.broadcast %mul3A_731 : f32 to vector<16xf32>
        %mul3A_733 = arith.mulf %mul3A_732, %add3A_730 : vector<16xf32>
        %max3A_734 = arith.maximumf %add3A_730, %mul3A_733 : vector<16xf32>
        %mul3A_735 = arith.mulf %max3A_734, %get3A_24 : vector<16xf32>
        %add3A_736 = arith.addf %add3A_725, %mul3A_735 : vector<16xf32>
        %get3A_737 = arith.index_cast %mul3A_643 : i32 to index
        %get3A_738 = arith.constant 96 : index
        %get3A_739 = tpu.vector_load %arg13[%get3A_737, %get3A_738] {strides = array<i32>} : memref<40x128xf32, #tpu.memory_space<vmem>>, vector<16xf32>,
        %add3A_740 = arith.addf %get3A_668, %get3A_739 : vector<16xf32>
        %add3A_741 = arith.addf %add3A_740, %bitcast_convert_type3A_605 : vector<16xf32>
        %mul3A_742 = arith.constant 2.000000e-01 : f32
        %mul3A_743 = vector.broadcast %mul3A_742 : f32 to vector<16xf32>
        %mul3A_744 = arith.mulf %mul3A_743, %add3A_741 : vector<16xf32>
        %max3A_745 = arith.maximumf %add3A_741, %mul3A_744 : vector<16xf32>
        %mul3A_746 = arith.mulf %max3A_745, %get3A_26 : vector<16xf32>
        %add3A_747 = arith.addf %add3A_736, %mul3A_746 : vector<16xf32>
        %get3A_748 = arith.index_cast %mul3A_643 : i32 to index
        %get3A_749 = arith.constant 112 : index
        %get3A_750 = tpu.vector_load %arg13[%get3A_748, %get3A_749] {strides = array<i32>} : memref<40x128xf32, #tpu.memory_space<vmem>>, vector<16xf32>,
        %add3A_751 = arith.addf %get3A_671, %get3A_750 : vector<16xf32>
        %add3A_752 = arith.addf %add3A_751, %bitcast_convert_type3A_609 : vector<16xf32>
        %mul3A_753 = arith.constant 2.000000e-01 : f32
        %mul3A_754 = vector.broadcast %mul3A_753 : f32 to vector<16xf32>
        %mul3A_755 = arith.mulf %mul3A_754, %add3A_752 : vector<16xf32>
        %max3A_756 = arith.maximumf %add3A_752, %mul3A_755 : vector<16xf32>
        %mul3A_757 = arith.mulf %max3A_756, %get3A_28 : vector<16xf32>
        %add3A_758 = arith.addf %add3A_747, %mul3A_757 : vector<16xf32>
        %reduce_sum3A = arith.constant true
        %reduce_sum3A_759 = vector.broadcast %reduce_sum3A : i1 to vector<16xi1>
        %reduce_sum3A_760 = tpu.scan <sum>, %add3A_758 masked %reduce_sum3A_759 : vector<16xf32>, vector<16xi1> -> vector<16xf32>
        %reduce_sum3A_761 = vector.extract %reduce_sum3A_760[15] : f32 from vector<16xf32>
        %broadcast_in_dim3A_762 = vector.broadcast %reduce_sum3A_761 : f32 to vector<16xf32>
        %exp3A = math.exp %broadcast_in_dim3A_762 : vector<16xf32>
        %swap3A = arith.index_cast %mul3A_643 : i32 to index
        %swap3A_763 = arith.constant 120 : index
        %swap3A_764 = tpu.vector_load %arg17[%swap3A, %swap3A_763] {strides = array<i32>} : memref<40x136xf32, #tpu.memory_space<vmem>>, vector<16xf32>,
        tpu.vector_store %arg17[%swap3A, %swap3A_763], %exp3A {strides = array<i32>} : memref<40x136xf32, #tpu.memory_space<vmem>>, vector<16xf32>,
        %mul3A_765 = arith.mulf %get3A_650, %exp3A : vector<16xf32>
        %swap3A_766 = arith.index_cast %mul3A_643 : i32 to index
        %swap3A_767 = arith.constant 0 : index
        %swap3A_768 = tpu.vector_load %arg17[%swap3A_766, %swap3A_767] {strides = array<i32>} : memref<40x136xf32, #tpu.memory_space<vmem>>, vector<16xf32>,
        tpu.vector_store %arg17[%swap3A_766, %swap3A_767], %mul3A_765 {strides = array<i32>} : memref<40x136xf32, #tpu.memory_space<vmem>>, vector<16xf32>,
        %mul3A_769 = arith.mulf %get3A_653, %exp3A : vector<16xf32>
        %swap3A_770 = arith.index_cast %mul3A_643 : i32 to index
        %swap3A_771 = arith.constant 16 : index
        %swap3A_772 = tpu.vector_load %arg17[%swap3A_770, %swap3A_771] {strides = array<i32>} : memref<40x136xf32, #tpu.memory_space<vmem>>, vector<16xf32>,
        tpu.vector_store %arg17[%swap3A_770, %swap3A_771], %mul3A_769 {strides = array<i32>} : memref<40x136xf32, #tpu.memory_space<vmem>>, vector<16xf32>,
        %mul3A_773 = arith.mulf %get3A_656, %exp3A : vector<16xf32>
        %swap3A_774 = arith.index_cast %mul3A_643 : i32 to index
        %swap3A_775 = arith.constant 32 : index
        %swap3A_776 = tpu.vector_load %arg17[%swap3A_774, %swap3A_775] {strides = array<i32>} : memref<40x136xf32, #tpu.memory_space<vmem>>, vector<16xf32>,
        tpu.vector_store %arg17[%swap3A_774, %swap3A_775], %mul3A_773 {strides = array<i32>} : memref<40x136xf32, #tpu.memory_space<vmem>>, vector<16xf32>,
        %mul3A_777 = arith.mulf %get3A_659, %exp3A : vector<16xf32>
        %swap3A_778 = arith.index_cast %mul3A_643 : i32 to index
        %swap3A_779 = arith.constant 48 : index
        %swap3A_780 = tpu.vector_load %arg17[%swap3A_778, %swap3A_779] {strides = array<i32>} : memref<40x136xf32, #tpu.memory_space<vmem>>, vector<16xf32>,
        tpu.vector_store %arg17[%swap3A_778, %swap3A_779], %mul3A_777 {strides = array<i32>} : memref<40x136xf32, #tpu.memory_space<vmem>>, vector<16xf32>,
        %mul3A_781 = arith.mulf %get3A_662, %exp3A : vector<16xf32>
        %swap3A_782 = arith.index_cast %mul3A_643 : i32 to index
        %swap3A_783 = arith.constant 64 : index
        %swap3A_784 = tpu.vector_load %arg17[%swap3A_782, %swap3A_783] {strides = array<i32>} : memref<40x136xf32, #tpu.memory_space<vmem>>, vector<16xf32>,
        tpu.vector_store %arg17[%swap3A_782, %swap3A_783], %mul3A_781 {strides = array<i32>} : memref<40x136xf32, #tpu.memory_space<vmem>>, vector<16xf32>,
        %mul3A_785 = arith.mulf %get3A_665, %exp3A : vector<16xf32>
        %swap3A_786 = arith.index_cast %mul3A_643 : i32 to index
        %swap3A_787 = arith.constant 80 : index
        %swap3A_788 = tpu.vector_load %arg17[%swap3A_786, %swap3A_787] {strides = array<i32>} : memref<40x136xf32, #tpu.memory_space<vmem>>, vector<16xf32>,
        tpu.vector_store %arg17[%swap3A_786, %swap3A_787], %mul3A_785 {strides = array<i32>} : memref<40x136xf32, #tpu.memory_space<vmem>>, vector<16xf32>,
        %mul3A_789 = arith.mulf %get3A_668, %exp3A : vector<16xf32>
        %swap3A_790 = arith.index_cast %mul3A_643 : i32 to index
        %swap3A_791 = arith.constant 96 : index
        %swap3A_792 = tpu.vector_load %arg17[%swap3A_790, %swap3A_791] {strides = array<i32>} : memref<40x136xf32, #tpu.memory_space<vmem>>, vector<16xf32>,
        tpu.vector_store %arg17[%swap3A_790, %swap3A_791], %mul3A_789 {strides = array<i32>} : memref<40x136xf32, #tpu.memory_space<vmem>>, vector<16xf32>,
        %mul3A_793 = arith.mulf %get3A_671, %exp3A : vector<16xf32>
        %swap3A_794 = arith.index_cast %mul3A_643 : i32 to index
        %swap3A_795 = arith.constant 112 : index
        %swap3A_796 = tpu.vector_load %arg17[%swap3A_794, %swap3A_795] {strides = array<i32>} : memref<40x136xf32, #tpu.memory_space<vmem>>, vector<16xf32>,
        tpu.vector_store %arg17[%swap3A_794, %swap3A_795], %mul3A_793 {strides = array<i32>} : memref<40x136xf32, #tpu.memory_space<vmem>>, vector<16xf32>,
        %get3A_797 = arith.index_cast %add3A_647 : i32 to index
        %get3A_798 = arith.constant 0 : index
        %get3A_799 = tpu.vector_load %arg11[%get3A_797, %get3A_798] {strides = array<i32>} : memref<40x128xf32, #tpu.memory_space<vmem>>, vector<16xf32>,
        %get3A_800 = arith.index_cast %add3A_647 : i32 to index
        %get3A_801 = arith.constant 16 : index
        %get3A_802 = tpu.vector_load %arg11[%get3A_800, %get3A_801] {strides = array<i32>} : memref<40x128xf32, #tpu.memory_space<vmem>>, vector<16xf32>,
        %get3A_803 = arith.index_cast %add3A_647 : i32 to index
        %get3A_804 = arith.constant 32 : index
        %get3A_805 = tpu.vector_load %arg11[%get3A_803, %get3A_804] {strides = array<i32>} : memref<40x128xf32, #tpu.memory_space<vmem>>, vector<16xf32>,
        %get3A_806 = arith.index_cast %add3A_647 : i32 to index
        %get3A_807 = arith.constant 48 : index
        %get3A_808 = tpu.vector_load %arg11[%get3A_806, %get3A_807] {strides = array<i32>} : memref<40x128xf32, #tpu.memory_space<vmem>>, vector<16xf32>,
        %get3A_809 = arith.index_cast %add3A_647 : i32 to index
        %get3A_810 = arith.constant 64 : index
        %get3A_811 = tpu.vector_load %arg11[%get3A_809, %get3A_810] {strides = array<i32>} : memref<40x128xf32, #tpu.memory_space<vmem>>, vector<16xf32>,
        %get3A_812 = arith.index_cast %add3A_647 : i32 to index
        %get3A_813 = arith.constant 80 : index
        %get3A_814 = tpu.vector_load %arg11[%get3A_812, %get3A_813] {strides = array<i32>} : memref<40x128xf32, #tpu.memory_space<vmem>>, vector<16xf32>,
        %get3A_815 = arith.index_cast %add3A_647 : i32 to index
        %get3A_816 = arith.constant 96 : index
        %get3A_817 = tpu.vector_load %arg11[%get3A_815, %get3A_816] {strides = array<i32>} : memref<40x128xf32, #tpu.memory_space<vmem>>, vector<16xf32>,
        %get3A_818 = arith.index_cast %add3A_647 : i32 to index
        %get3A_819 = arith.constant 112 : index
        %get3A_820 = tpu.vector_load %arg11[%get3A_818, %get3A_819] {strides = array<i32>} : memref<40x128xf32, #tpu.memory_space<vmem>>, vector<16xf32>,
        %get3A_821 = arith.index_cast %add3A_647 : i32 to index
        %get3A_822 = arith.constant 0 : index
        %get3A_823 = tpu.vector_load %arg13[%get3A_821, %get3A_822] {strides = array<i32>} : memref<40x128xf32, #tpu.memory_space<vmem>>, vector<16xf32>,
        %add3A_824 = arith.addf %get3A_799, %get3A_823 : vector<16xf32>
        %add3A_825 = arith.addf %add3A_824, %bitcast_convert_type3A_613 : vector<16xf32>
        %mul3A_826 = arith.constant 2.000000e-01 : f32
        %mul3A_827 = vector.broadcast %mul3A_826 : f32 to vector<16xf32>
        %mul3A_828 = arith.mulf %mul3A_827, %add3A_825 : vector<16xf32>
        %max3A_829 = arith.maximumf %add3A_825, %mul3A_828 : vector<16xf32>
        %mul3A_830 = arith.mulf %max3A_829, %get3A_14 : vector<16xf32>
        %add3A_831 = arith.addf %broadcast_in_dim3A_1, %mul3A_830 : vector<16xf32>
        %get3A_832 = arith.index_cast %add3A_647 : i32 to index
        %get3A_833 = arith.constant 16 : index
        %get3A_834 = tpu.vector_load %arg13[%get3A_832, %get3A_833] {strides = array<i32>} : memref<40x128xf32, #tpu.memory_space<vmem>>, vector<16xf32>,
        %add3A_835 = arith.addf %get3A_802, %get3A_834 : vector<16xf32>
        %add3A_836 = arith.addf %add3A_835, %bitcast_convert_type3A_617 : vector<16xf32>
        %mul3A_837 = arith.constant 2.000000e-01 : f32
        %mul3A_838 = vector.broadcast %mul3A_837 : f32 to vector<16xf32>
        %mul3A_839 = arith.mulf %mul3A_838, %add3A_836 : vector<16xf32>
        %max3A_840 = arith.maximumf %add3A_836, %mul3A_839 : vector<16xf32>
        %mul3A_841 = arith.mulf %max3A_840, %get3A_16 : vector<16xf32>
        %add3A_842 = arith.addf %add3A_831, %mul3A_841 : vector<16xf32>
        %get3A_843 = arith.index_cast %add3A_647 : i32 to index
        %get3A_844 = arith.constant 32 : index
        %get3A_845 = tpu.vector_load %arg13[%get3A_843, %get3A_844] {strides = array<i32>} : memref<40x128xf32, #tpu.memory_space<vmem>>, vector<16xf32>,
        %add3A_846 = arith.addf %get3A_805, %get3A_845 : vector<16xf32>
        %add3A_847 = arith.addf %add3A_846, %bitcast_convert_type3A_621 : vector<16xf32>
        %mul3A_848 = arith.constant 2.000000e-01 : f32
        %mul3A_849 = vector.broadcast %mul3A_848 : f32 to vector<16xf32>
        %mul3A_850 = arith.mulf %mul3A_849, %add3A_847 : vector<16xf32>
        %max3A_851 = arith.maximumf %add3A_847, %mul3A_850 : vector<16xf32>
        %mul3A_852 = arith.mulf %max3A_851, %get3A_18 : vector<16xf32>
        %add3A_853 = arith.addf %add3A_842, %mul3A_852 : vector<16xf32>
        %get3A_854 = arith.index_cast %add3A_647 : i32 to index
        %get3A_855 = arith.constant 48 : index
        %get3A_856 = tpu.vector_load %arg13[%get3A_854, %get3A_855] {strides = array<i32>} : memref<40x128xf32, #tpu.memory_space<vmem>>, vector<16xf32>,
        %add3A_857 = arith.addf %get3A_808, %get3A_856 : vector<16xf32>
        %add3A_858 = arith.addf %add3A_857, %bitcast_convert_type3A_625 : vector<16xf32>
        %mul3A_859 = arith.constant 2.000000e-01 : f32
        %mul3A_860 = vector.broadcast %mul3A_859 : f32 to vector<16xf32>
        %mul3A_861 = arith.mulf %mul3A_860, %add3A_858 : vector<16xf32>
        %max3A_862 = arith.maximumf %add3A_858, %mul3A_861 : vector<16xf32>
        %mul3A_863 = arith.mulf %max3A_862, %get3A_20 : vector<16xf32>
        %add3A_864 = arith.addf %add3A_853, %mul3A_863 : vector<16xf32>
        %get3A_865 = arith.index_cast %add3A_647 : i32 to index
        %get3A_866 = arith.constant 64 : index
        %get3A_867 = tpu.vector_load %arg13[%get3A_865, %get3A_866] {strides = array<i32>} : memref<40x128xf32, #tpu.memory_space<vmem>>, vector<16xf32>,
        %add3A_868 = arith.addf %get3A_811, %get3A_867 : vector<16xf32>
        %add3A_869 = arith.addf %add3A_868, %bitcast_convert_type3A_629 : vector<16xf32>
        %mul3A_870 = arith.constant 2.000000e-01 : f32
        %mul3A_871 = vector.broadcast %mul3A_870 : f32 to vector<16xf32>
        %mul3A_872 = arith.mulf %mul3A_871, %add3A_869 : vector<16xf32>
        %max3A_873 = arith.maximumf %add3A_869, %mul3A_872 : vector<16xf32>
        %mul3A_874 = arith.mulf %max3A_873, %get3A_22 : vector<16xf32>
        %add3A_875 = arith.addf %add3A_864, %mul3A_874 : vector<16xf32>
        %get3A_876 = arith.index_cast %add3A_647 : i32 to index
        %get3A_877 = arith.constant 80 : index
        %get3A_878 = tpu.vector_load %arg13[%get3A_876, %get3A_877] {strides = array<i32>} : memref<40x128xf32, #tpu.memory_space<vmem>>, vector<16xf32>,
        %add3A_879 = arith.addf %get3A_814, %get3A_878 : vector<16xf32>
        %add3A_880 = arith.addf %add3A_879, %bitcast_convert_type3A_633 : vector<16xf32>
        %mul3A_881 = arith.constant 2.000000e-01 : f32
        %mul3A_882 = vector.broadcast %mul3A_881 : f32 to vector<16xf32>
        %mul3A_883 = arith.mulf %mul3A_882, %add3A_880 : vector<16xf32>
        %max3A_884 = arith.maximumf %add3A_880, %mul3A_883 : vector<16xf32>
        %mul3A_885 = arith.mulf %max3A_884, %get3A_24 : vector<16xf32>
        %add3A_886 = arith.addf %add3A_875, %mul3A_885 : vector<16xf32>
        %get3A_887 = arith.index_cast %add3A_647 : i32 to index
        %get3A_888 = arith.constant 96 : index
        %get3A_889 = tpu.vector_load %arg13[%get3A_887, %get3A_888] {strides = array<i32>} : memref<40x128xf32, #tpu.memory_space<vmem>>, vector<16xf32>,
        %add3A_890 = arith.addf %get3A_817, %get3A_889 : vector<16xf32>
        %add3A_891 = arith.addf %add3A_890, %bitcast_convert_type3A_637 : vector<16xf32>
        %mul3A_892 = arith.constant 2.000000e-01 : f32
        %mul3A_893 = vector.broadcast %mul3A_892 : f32 to vector<16xf32>
        %mul3A_894 = arith.mulf %mul3A_893, %add3A_891 : vector<16xf32>
        %max3A_895 = arith.maximumf %add3A_891, %mul3A_894 : vector<16xf32>
        %mul3A_896 = arith.mulf %max3A_895, %get3A_26 : vector<16xf32>
        %add3A_897 = arith.addf %add3A_886, %mul3A_896 : vector<16xf32>
        %get3A_898 = arith.index_cast %add3A_647 : i32 to index
        %get3A_899 = arith.constant 112 : index
        %get3A_900 = tpu.vector_load %arg13[%get3A_898, %get3A_899] {strides = array<i32>} : memref<40x128xf32, #tpu.memory_space<vmem>>, vector<16xf32>,
        %add3A_901 = arith.addf %get3A_820, %get3A_900 : vector<16xf32>
        %add3A_902 = arith.addf %add3A_901, %bitcast_convert_type3A_641 : vector<16xf32>
        %mul3A_903 = arith.constant 2.000000e-01 : f32
        %mul3A_904 = vector.broadcast %mul3A_903 : f32 to vector<16xf32>
        %mul3A_905 = arith.mulf %mul3A_904, %add3A_902 : vector<16xf32>
        %max3A_906 = arith.maximumf %add3A_902, %mul3A_905 : vector<16xf32>
        %mul3A_907 = arith.mulf %max3A_906, %get3A_28 : vector<16xf32>
        %add3A_908 = arith.addf %add3A_897, %mul3A_907 : vector<16xf32>
        %reduce_sum3A_909 = arith.constant true
        %reduce_sum3A_910 = vector.broadcast %reduce_sum3A_909 : i1 to vector<16xi1>
        %reduce_sum3A_911 = tpu.scan <sum>, %add3A_908 masked %reduce_sum3A_910 : vector<16xf32>, vector<16xi1> -> vector<16xf32>
        %reduce_sum3A_912 = vector.extract %reduce_sum3A_911[15] : f32 from vector<16xf32>
        %broadcast_in_dim3A_913 = vector.broadcast %reduce_sum3A_912 : f32 to vector<16xf32>
        %exp3A_914 = math.exp %broadcast_in_dim3A_913 : vector<16xf32>
        %swap3A_915 = arith.index_cast %add3A_647 : i32 to index
        %swap3A_916 = arith.constant 120 : index
        %swap3A_917 = tpu.vector_load %arg17[%swap3A_915, %swap3A_916] {strides = array<i32>} : memref<40x136xf32, #tpu.memory_space<vmem>>, vector<16xf32>,
        tpu.vector_store %arg17[%swap3A_915, %swap3A_916], %exp3A_914 {strides = array<i32>} : memref<40x136xf32, #tpu.memory_space<vmem>>, vector<16xf32>,
        %mul3A_918 = arith.mulf %get3A_799, %exp3A_914 : vector<16xf32>
        %swap3A_919 = arith.index_cast %add3A_647 : i32 to index
        %swap3A_920 = arith.constant 0 : index
        %swap3A_921 = tpu.vector_load %arg17[%swap3A_919, %swap3A_920] {strides = array<i32>} : memref<40x136xf32, #tpu.memory_space<vmem>>, vector<16xf32>,
        tpu.vector_store %arg17[%swap3A_919, %swap3A_920], %mul3A_918 {strides = array<i32>} : memref<40x136xf32, #tpu.memory_space<vmem>>, vector<16xf32>,
        %mul3A_922 = arith.mulf %get3A_802, %exp3A_914 : vector<16xf32>
        %swap3A_923 = arith.index_cast %add3A_647 : i32 to index
        %swap3A_924 = arith.constant 16 : index
        %swap3A_925 = tpu.vector_load %arg17[%swap3A_923, %swap3A_924] {strides = array<i32>} : memref<40x136xf32, #tpu.memory_space<vmem>>, vector<16xf32>,
        tpu.vector_store %arg17[%swap3A_923, %swap3A_924], %mul3A_922 {strides = array<i32>} : memref<40x136xf32, #tpu.memory_space<vmem>>, vector<16xf32>,
        %mul3A_926 = arith.mulf %get3A_805, %exp3A_914 : vector<16xf32>
        %swap3A_927 = arith.index_cast %add3A_647 : i32 to index
        %swap3A_928 = arith.constant 32 : index
        %swap3A_929 = tpu.vector_load %arg17[%swap3A_927, %swap3A_928] {strides = array<i32>} : memref<40x136xf32, #tpu.memory_space<vmem>>, vector<16xf32>,
        tpu.vector_store %arg17[%swap3A_927, %swap3A_928], %mul3A_926 {strides = array<i32>} : memref<40x136xf32, #tpu.memory_space<vmem>>, vector<16xf32>,
        %mul3A_930 = arith.mulf %get3A_808, %exp3A_914 : vector<16xf32>
        %swap3A_931 = arith.index_cast %add3A_647 : i32 to index
        %swap3A_932 = arith.constant 48 : index
        %swap3A_933 = tpu.vector_load %arg17[%swap3A_931, %swap3A_932] {strides = array<i32>} : memref<40x136xf32, #tpu.memory_space<vmem>>, vector<16xf32>,
        tpu.vector_store %arg17[%swap3A_931, %swap3A_932], %mul3A_930 {strides = array<i32>} : memref<40x136xf32, #tpu.memory_space<vmem>>, vector<16xf32>,
        %mul3A_934 = arith.mulf %get3A_811, %exp3A_914 : vector<16xf32>
        %swap3A_935 = arith.index_cast %add3A_647 : i32 to index
        %swap3A_936 = arith.constant 64 : index
        %swap3A_937 = tpu.vector_load %arg17[%swap3A_935, %swap3A_936] {strides = array<i32>} : memref<40x136xf32, #tpu.memory_space<vmem>>, vector<16xf32>,
        tpu.vector_store %arg17[%swap3A_935, %swap3A_936], %mul3A_934 {strides = array<i32>} : memref<40x136xf32, #tpu.memory_space<vmem>>, vector<16xf32>,
        %mul3A_938 = arith.mulf %get3A_814, %exp3A_914 : vector<16xf32>
        %swap3A_939 = arith.index_cast %add3A_647 : i32 to index
        %swap3A_940 = arith.constant 80 : index
        %swap3A_941 = tpu.vector_load %arg17[%swap3A_939, %swap3A_940] {strides = array<i32>} : memref<40x136xf32, #tpu.memory_space<vmem>>, vector<16xf32>,
        tpu.vector_store %arg17[%swap3A_939, %swap3A_940], %mul3A_938 {strides = array<i32>} : memref<40x136xf32, #tpu.memory_space<vmem>>, vector<16xf32>,
        %mul3A_942 = arith.mulf %get3A_817, %exp3A_914 : vector<16xf32>
        %swap3A_943 = arith.index_cast %add3A_647 : i32 to index
        %swap3A_944 = arith.constant 96 : index
        %swap3A_945 = tpu.vector_load %arg17[%swap3A_943, %swap3A_944] {strides = array<i32>} : memref<40x136xf32, #tpu.memory_space<vmem>>, vector<16xf32>,
        tpu.vector_store %arg17[%swap3A_943, %swap3A_944], %mul3A_942 {strides = array<i32>} : memref<40x136xf32, #tpu.memory_space<vmem>>, vector<16xf32>,
        %mul3A_946 = arith.mulf %get3A_820, %exp3A_914 : vector<16xf32>
        %swap3A_947 = arith.index_cast %add3A_647 : i32 to index
        %swap3A_948 = arith.constant 112 : index
        %swap3A_949 = tpu.vector_load %arg17[%swap3A_947, %swap3A_948] {strides = array<i32>} : memref<40x136xf32, #tpu.memory_space<vmem>>, vector<16xf32>,
        tpu.vector_store %arg17[%swap3A_947, %swap3A_948], %mul3A_946 {strides = array<i32>} : memref<40x136xf32, #tpu.memory_space<vmem>>, vector<16xf32>,
      }
      %scan3A_241 = arith.constant 20 : i32
      %jit3A_242 = arith.constant 10 : i32
      %div3A_243 = arith.divsi %add3A_109, %jit3A_242 : i32
      %sign3A_244 = arith.constant 0 : i32
      %sign3A_245 = arith.cmpi sgt, %add3A_109, %sign3A_244 : i32
      %sign3A_246 = arith.extui %sign3A_245 : i1 to i32
      %sign3A_247 = arith.constant 0 : i32
      %sign3A_248 = arith.cmpi slt, %add3A_109, %sign3A_247 : i32
      %sign3A_249 = arith.extui %sign3A_248 : i1 to i32
      %sign3A_250 = arith.subi %sign3A_246, %sign3A_249 : i32
      %sign3A_251 = arith.constant 0 : i32
      %sign3A_252 = arith.cmpi sgt, %jit3A_242, %sign3A_251 : i32
      %sign3A_253 = arith.extui %sign3A_252 : i1 to i32
      %sign3A_254 = arith.constant 0 : i32
      %sign3A_255 = arith.cmpi slt, %jit3A_242, %sign3A_254 : i32
      %sign3A_256 = arith.extui %sign3A_255 : i1 to i32
      %sign3A_257 = arith.subi %sign3A_253, %sign3A_256 : i32
      %ne3A_258 = arith.cmpi ne, %sign3A_250, %sign3A_257 : i32
      %rem3A_259 = arith.remsi %add3A_109, %jit3A_242 : i32
      %ne3A_260 = arith.constant 0 : i32
      %ne3A_261 = arith.cmpi ne, %rem3A_259, %ne3A_260 : i32
      %and3A_262 = arith.andi %ne3A_258, %ne3A_261 : i1
      %sub3A_263 = arith.constant 1 : i32
      %sub3A_264 = arith.subi %div3A_243, %sub3A_263 : i32
      %select_n3A_265 = arith.select %and3A_262, %sub3A_264, %div3A_243 : i32
      %jit3A_266 = arith.constant 2 : i32
      %eq3A_267 = arith.constant 0 : i32
      %eq3A_268 = arith.cmpi eq, %jit3A_266, %eq3A_267 : i32
      %jit3A_269 = arith.constant 1 : i32
      %select_n3A_270 = arith.select %eq3A_268, %jit3A_269, %jit3A_266 : i32
      %rem3A_271 = arith.remsi %select_n3A_265, %select_n3A_270 : i32
      %ne3A_272 = arith.constant 0 : i32
      %ne3A_273 = arith.cmpi ne, %rem3A_271, %ne3A_272 : i32
      %lt3A_274 = arith.constant 0 : i32
      %lt3A_275 = arith.cmpi slt, %rem3A_271, %lt3A_274 : i32
      %lt3A_276 = arith.constant 0 : i32
      %lt3A_277 = arith.cmpi slt, %select_n3A_270, %lt3A_276 : i32
      %ne3A_278 = arith.xori %lt3A_275, %lt3A_277 : i1
      %and3A_279 = arith.andi %ne3A_278, %ne3A_273 : i1
      %add3A_280 = arith.addi %rem3A_271, %select_n3A_270 : i32
      %select_n3A_281 = arith.select %and3A_279, %add3A_280, %rem3A_271 : i32
      %jit3A_282 = arith.constant 10 : i32
      %eq3A_283 = arith.constant 0 : i32
      %eq3A_284 = arith.cmpi eq, %jit3A_282, %eq3A_283 : i32
      %jit3A_285 = arith.constant 1 : i32
      %select_n3A_286 = arith.select %eq3A_284, %jit3A_285, %jit3A_282 : i32
      %rem3A_287 = arith.remsi %add3A_109, %select_n3A_286 : i32
      %ne3A_288 = arith.constant 0 : i32
      %ne3A_289 = arith.cmpi ne, %rem3A_287, %ne3A_288 : i32
      %lt3A_290 = arith.constant 0 : i32
      %lt3A_291 = arith.cmpi slt, %rem3A_287, %lt3A_290 : i32
      %lt3A_292 = arith.constant 0 : i32
      %lt3A_293 = arith.cmpi slt, %select_n3A_286, %lt3A_292 : i32
      %ne3A_294 = arith.xori %lt3A_291, %lt3A_293 : i1
      %and3A_295 = arith.andi %ne3A_294, %ne3A_289 : i1
      %add3A_296 = arith.addi %rem3A_287, %select_n3A_286 : i32
      %select_n3A_297 = arith.select %and3A_295, %add3A_296, %rem3A_287 : i32
      %dma_start3A_298 = arith.constant 0 : i32
      %dma_start3A_299 = tpu.memref_slice %arg10[%select_n3A_281, %select_n3A_297, %dma_start3A_298] : memref<2x10x40xi32, #tpu.memory_space<vmem>> -> memref<1x1x40xi32, #tpu.memory_space<vmem>>
      %dma_start3A_300 = tpu.memref_squeeze %dma_start3A_299 : memref<1x1x40xi32, #tpu.memory_space<vmem>> -> memref<40xi32, #tpu.memory_space<vmem>>
      %dma_start3A_301 = arith.constant 0 : i32
      %dma_start3A_302 = arith.constant 0 : i32
      %dma_start3A_303 = tpu.memref_slice %arg20[%dma_start3A_301, %dma_start3A_302] : memref<10000x136xf32, #tpu.memory_space<vmem_shared>> -> memref<10000x136xf32, #tpu.memory_space<vmem_shared>>
      tpu.enqueue_indirect_dma source(%arg17 : memref<40x136xf32, #tpu.memory_space<vmem>>) target(%dma_start3A_303 : memref<10000x136xf32, #tpu.memory_space<vmem_shared>>) offsets(%dma_start3A_300 : memref<40xi32, #tpu.memory_space<vmem>>) semaphore(%arg23 : memref<!tpu.dma_semaphore, #tpu.memory_space<semaphore_mem>>) {add = true}
      %add3A_304 = arith.constant 2 : i32
      %add3A_305 = arith.addi %add3A_109, %add3A_304 : i32
      %lt3A_306 = arith.constant 250 : i32
      %lt3A_307 = arith.cmpi slt, %add3A_305, %lt3A_306 : i32
      %convert_element_type3A_308 = arith.extui %lt3A_307 : i1 to i32
      %cond3A_309 = arith.constant 0 : i32
      %cond3A_310 = arith.cmpi ne, %convert_element_type3A_308, %cond3A_309 : i32
      scf.if %cond3A_310 {
        %add3A_555 = arith.constant 2 : i32
        %add3A_556 = arith.addi %add3A_109, %add3A_555 : i32
        %jit3A_557 = arith.constant 10 : i32
        %eq3A_558 = arith.constant 0 : i32
        %eq3A_559 = arith.cmpi eq, %jit3A_557, %eq3A_558 : i32
        %jit3A_560 = arith.constant 1 : i32
        %select_n3A_561 = arith.select %eq3A_559, %jit3A_560, %jit3A_557 : i32
        %rem3A_562 = arith.remsi %add3A_556, %select_n3A_561 : i32
        %ne3A_563 = arith.constant 0 : i32
        %ne3A_564 = arith.cmpi ne, %rem3A_562, %ne3A_563 : i32
        %lt3A_565 = arith.constant 0 : i32
        %lt3A_566 = arith.cmpi slt, %rem3A_562, %lt3A_565 : i32
        %lt3A_567 = arith.constant 0 : i32
        %lt3A_568 = arith.cmpi slt, %select_n3A_561, %lt3A_567 : i32
        %ne3A_569 = arith.xori %lt3A_566, %lt3A_568 : i1
        %and3A_570 = arith.andi %ne3A_569, %ne3A_564 : i1
        %add3A_571 = arith.addi %rem3A_562, %select_n3A_561 : i32
        %select_n3A_572 = arith.select %and3A_570, %add3A_571, %rem3A_562 : i32
        %eq3A_573 = arith.constant 0 : i32
        %eq3A_574 = arith.cmpi eq, %select_n3A_572, %eq3A_573 : i32
        %convert_element_type3A_575 = arith.extui %eq3A_574 : i1 to i32
        %cond3A_576 = arith.constant 0 : i32
        %cond3A_577 = arith.cmpi ne, %convert_element_type3A_575, %cond3A_576 : i32
        scf.if %cond3A_577 {
          %add3A_714 = arith.constant 2 : i32
          %add3A_715 = arith.addi %add3A_109, %add3A_714 : i32
          %jit3A_716 = arith.constant 10 : i32
          %div3A_717 = arith.divsi %add3A_715, %jit3A_716 : i32
          %sign3A_718 = arith.constant 0 : i32
          %sign3A_719 = arith.cmpi sgt, %add3A_715, %sign3A_718 : i32
          %sign3A_720 = arith.extui %sign3A_719 : i1 to i32
          %sign3A_721 = arith.constant 0 : i32
          %sign3A_722 = arith.cmpi slt, %add3A_715, %sign3A_721 : i32
          %sign3A_723 = arith.extui %sign3A_722 : i1 to i32
          %sign3A_724 = arith.subi %sign3A_720, %sign3A_723 : i32
          %sign3A_725 = arith.constant 0 : i32
          %sign3A_726 = arith.cmpi sgt, %jit3A_716, %sign3A_725 : i32
          %sign3A_727 = arith.extui %sign3A_726 : i1 to i32
          %sign3A_728 = arith.constant 0 : i32
          %sign3A_729 = arith.cmpi slt, %jit3A_716, %sign3A_728 : i32
          %sign3A_730 = arith.extui %sign3A_729 : i1 to i32
          %sign3A_731 = arith.subi %sign3A_727, %sign3A_730 : i32
          %ne3A_732 = arith.cmpi ne, %sign3A_724, %sign3A_731 : i32
          %rem3A_733 = arith.remsi %add3A_715, %jit3A_716 : i32
          %ne3A_734 = arith.constant 0 : i32
          %ne3A_735 = arith.cmpi ne, %rem3A_733, %ne3A_734 : i32
          %and3A_736 = arith.andi %ne3A_732, %ne3A_735 : i1
          %sub3A_737 = arith.constant 1 : i32
          %sub3A_738 = arith.subi %div3A_717, %sub3A_737 : i32
          %select_n3A_739 = arith.select %and3A_736, %sub3A_738, %div3A_717 : i32
          %mul3A_740 = arith.constant 10 : i32
          %mul3A_741 = arith.muli %select_n3A_739, %mul3A_740 : i32
          %jit3A_742 = arith.constant 2 : i32
          %eq3A_743 = arith.constant 0 : i32
          %eq3A_744 = arith.cmpi eq, %jit3A_742, %eq3A_743 : i32
          %jit3A_745 = arith.constant 1 : i32
          %select_n3A_746 = arith.select %eq3A_744, %jit3A_745, %jit3A_742 : i32
          %rem3A_747 = arith.remsi %select_n3A_739, %select_n3A_746 : i32
          %ne3A_748 = arith.constant 0 : i32
          %ne3A_749 = arith.cmpi ne, %rem3A_747, %ne3A_748 : i32
          %lt3A_750 = arith.constant 0 : i32
          %lt3A_751 = arith.cmpi slt, %rem3A_747, %lt3A_750 : i32
          %lt3A_752 = arith.constant 0 : i32
          %lt3A_753 = arith.cmpi slt, %select_n3A_746, %lt3A_752 : i32
          %ne3A_754 = arith.xori %lt3A_751, %lt3A_753 : i1
          %and3A_755 = arith.andi %ne3A_754, %ne3A_749 : i1
          %add3A_756 = arith.addi %rem3A_747, %select_n3A_746 : i32
          %select_n3A_757 = arith.select %and3A_755, %add3A_756, %rem3A_747 : i32
          %dma_wait3A_758 = arith.constant 0 : i32
          %dma_wait3A_759 = arith.constant 0 : i32
          %dma_wait3A_760 = tpu.memref_slice %arg9[%select_n3A_757, %dma_wait3A_758, %dma_wait3A_759] : memref<2x10x40xi32, #tpu.memory_space<vmem>> -> memref<1x10x40xi32, #tpu.memory_space<vmem>>
          %dma_wait3A_761 = tpu.memref_squeeze %dma_wait3A_760 : memref<1x10x40xi32, #tpu.memory_space<vmem>> -> memref<10x40xi32, #tpu.memory_space<vmem>>
          %dma_wait3A_762 = arith.constant 0 : i32
          %dma_wait3A_763 = tpu.memref_slice %arg2[%add3A, %mul3A_741, %dma_wait3A_762] : memref<32x250x40xi32, #tpu.memory_space<hbm>> -> memref<1x10x40xi32, #tpu.memory_space<hbm>>
          %dma_wait3A_764 = tpu.memref_squeeze %dma_wait3A_763 : memref<1x10x40xi32, #tpu.memory_space<hbm>> -> memref<10x40xi32, #tpu.memory_space<hbm>>
          %dma_wait3A_765 = arith.constant 0 : i32
          %dma_wait3A_766 = arith.constant 0 : i32
          %dma_wait3A_767 = tpu.memref_slice %arg9[%select_n3A_757, %dma_wait3A_765, %dma_wait3A_766] : memref<2x10x40xi32, #tpu.memory_space<vmem>> -> memref<1x10x40xi32, #tpu.memory_space<vmem>>
          %dma_wait3A_768 = tpu.memref_squeeze %dma_wait3A_767 : memref<1x10x40xi32, #tpu.memory_space<vmem>> -> memref<10x40xi32, #tpu.memory_space<vmem>>
          %dma_wait3A_769 = arith.constant 0 : i32
          %dma_wait3A_770 = tpu.memref_slice %arg2[%add3A, %mul3A_741, %dma_wait3A_769] : memref<32x250x40xi32, #tpu.memory_space<hbm>> -> memref<1x10x40xi32, #tpu.memory_space<hbm>>
          %dma_wait3A_771 = tpu.memref_squeeze %dma_wait3A_770 : memref<1x10x40xi32, #tpu.memory_space<hbm>> -> memref<10x40xi32, #tpu.memory_space<hbm>>
          tpu.wait_dma2 semaphore(%arg25 : memref<!tpu.dma_semaphore, #tpu.memory_space<semaphore_mem>>) src(%dma_wait3A_771 : memref<10x40xi32, #tpu.memory_space<hbm>>) dst(%dma_wait3A_768 : memref<10x40xi32, #tpu.memory_space<vmem>>)
          %mul3A_772 = arith.constant 10 : i32
          %mul3A_773 = arith.muli %select_n3A_739, %mul3A_772 : i32
          %jit3A_774 = arith.constant 2 : i32
          %eq3A_775 = arith.constant 0 : i32
          %eq3A_776 = arith.cmpi eq, %jit3A_774, %eq3A_775 : i32
          %jit3A_777 = arith.constant 1 : i32
          %select_n3A_778 = arith.select %eq3A_776, %jit3A_777, %jit3A_774 : i32
          %rem3A_779 = arith.remsi %select_n3A_739, %select_n3A_778 : i32
          %ne3A_780 = arith.constant 0 : i32
          %ne3A_781 = arith.cmpi ne, %rem3A_779, %ne3A_780 : i32
          %lt3A_782 = arith.constant 0 : i32
          %lt3A_783 = arith.cmpi slt, %rem3A_779, %lt3A_782 : i32
          %lt3A_784 = arith.constant 0 : i32
          %lt3A_785 = arith.cmpi slt, %select_n3A_778, %lt3A_784 : i32
          %ne3A_786 = arith.xori %lt3A_783, %lt3A_785 : i1
          %and3A_787 = arith.andi %ne3A_786, %ne3A_781 : i1
          %add3A_788 = arith.addi %rem3A_779, %select_n3A_778 : i32
          %select_n3A_789 = arith.select %and3A_787, %add3A_788, %rem3A_779 : i32
          %dma_wait3A_790 = arith.constant 0 : i32
          %dma_wait3A_791 = arith.constant 0 : i32
          %dma_wait3A_792 = tpu.memref_slice %arg10[%select_n3A_789, %dma_wait3A_790, %dma_wait3A_791] : memref<2x10x40xi32, #tpu.memory_space<vmem>> -> memref<1x10x40xi32, #tpu.memory_space<vmem>>
          %dma_wait3A_793 = tpu.memref_squeeze %dma_wait3A_792 : memref<1x10x40xi32, #tpu.memory_space<vmem>> -> memref<10x40xi32, #tpu.memory_space<vmem>>
          %dma_wait3A_794 = arith.constant 0 : i32
          %dma_wait3A_795 = tpu.memref_slice %arg3[%add3A, %mul3A_773, %dma_wait3A_794] : memref<32x250x40xi32, #tpu.memory_space<hbm>> -> memref<1x10x40xi32, #tpu.memory_space<hbm>>
          %dma_wait3A_796 = tpu.memref_squeeze %dma_wait3A_795 : memref<1x10x40xi32, #tpu.memory_space<hbm>> -> memref<10x40xi32, #tpu.memory_space<hbm>>
          %dma_wait3A_797 = arith.constant 0 : i32
          %dma_wait3A_798 = arith.constant 0 : i32
          %dma_wait3A_799 = tpu.memref_slice %arg10[%select_n3A_789, %dma_wait3A_797, %dma_wait3A_798] : memref<2x10x40xi32, #tpu.memory_space<vmem>> -> memref<1x10x40xi32, #tpu.memory_space<vmem>>
          %dma_wait3A_800 = tpu.memref_squeeze %dma_wait3A_799 : memref<1x10x40xi32, #tpu.memory_space<vmem>> -> memref<10x40xi32, #tpu.memory_space<vmem>>
          %dma_wait3A_801 = arith.constant 0 : i32
          %dma_wait3A_802 = tpu.memref_slice %arg3[%add3A, %mul3A_773, %dma_wait3A_801] : memref<32x250x40xi32, #tpu.memory_space<hbm>> -> memref<1x10x40xi32, #tpu.memory_space<hbm>>
          %dma_wait3A_803 = tpu.memref_squeeze %dma_wait3A_802 : memref<1x10x40xi32, #tpu.memory_space<hbm>> -> memref<10x40xi32, #tpu.memory_space<hbm>>
          tpu.wait_dma2 semaphore(%arg25 : memref<!tpu.dma_semaphore, #tpu.memory_space<semaphore_mem>>) src(%dma_wait3A_803 : memref<10x40xi32, #tpu.memory_space<hbm>>) dst(%dma_wait3A_800 : memref<10x40xi32, #tpu.memory_space<vmem>>)
        } else {
        }
        %add3A_578 = arith.constant 2 : i32
        %add3A_579 = arith.addi %add3A_109, %add3A_578 : i32
        %mul3A_580 = arith.constant 5000 : i32
        %mul3A_581 = arith.muli %add3A, %mul3A_580 : i32
        %multiple_of3A_582 = tpu.assume_multiple %mul3A_581, 4 : i32
        %mul3A_583 = arith.constant 20 : i32
        %mul3A_584 = arith.muli %add3A_579, %mul3A_583 : i32
        %add3A_585 = arith.addi %multiple_of3A_582, %mul3A_584 : i32
        %jit3A_586 = arith.constant 10 : i32
        %div3A_587 = arith.divsi %add3A_579, %jit3A_586 : i32
        %sign3A_588 = arith.constant 0 : i32
        %sign3A_589 = arith.cmpi sgt, %add3A_579, %sign3A_588 : i32
        %sign3A_590 = arith.extui %sign3A_589 : i1 to i32
        %sign3A_591 = arith.constant 0 : i32
        %sign3A_592 = arith.cmpi slt, %add3A_579, %sign3A_591 : i32
        %sign3A_593 = arith.extui %sign3A_592 : i1 to i32
        %sign3A_594 = arith.subi %sign3A_590, %sign3A_593 : i32
        %sign3A_595 = arith.constant 0 : i32
        %sign3A_596 = arith.cmpi sgt, %jit3A_586, %sign3A_595 : i32
        %sign3A_597 = arith.extui %sign3A_596 : i1 to i32
        %sign3A_598 = arith.constant 0 : i32
        %sign3A_599 = arith.cmpi slt, %jit3A_586, %sign3A_598 : i32
        %sign3A_600 = arith.extui %sign3A_599 : i1 to i32
        %sign3A_601 = arith.subi %sign3A_597, %sign3A_600 : i32
        %ne3A_602 = arith.cmpi ne, %sign3A_594, %sign3A_601 : i32
        %rem3A_603 = arith.remsi %add3A_579, %jit3A_586 : i32
        %ne3A_604 = arith.constant 0 : i32
        %ne3A_605 = arith.cmpi ne, %rem3A_603, %ne3A_604 : i32
        %and3A_606 = arith.andi %ne3A_602, %ne3A_605 : i1
        %sub3A_607 = arith.constant 1 : i32
        %sub3A_608 = arith.subi %div3A_587, %sub3A_607 : i32
        %select_n3A_609 = arith.select %and3A_606, %sub3A_608, %div3A_587 : i32
        %jit3A_610 = arith.constant 2 : i32
        %eq3A_611 = arith.constant 0 : i32
        %eq3A_612 = arith.cmpi eq, %jit3A_610, %eq3A_611 : i32
        %jit3A_613 = arith.constant 1 : i32
        %select_n3A_614 = arith.select %eq3A_612, %jit3A_613, %jit3A_610 : i32
        %rem3A_615 = arith.remsi %select_n3A_609, %select_n3A_614 : i32
        %ne3A_616 = arith.constant 0 : i32
        %ne3A_617 = arith.cmpi ne, %rem3A_615, %ne3A_616 : i32
        %lt3A_618 = arith.constant 0 : i32
        %lt3A_619 = arith.cmpi slt, %rem3A_615, %lt3A_618 : i32
        %lt3A_620 = arith.constant 0 : i32
        %lt3A_621 = arith.cmpi slt, %select_n3A_614, %lt3A_620 : i32
        %ne3A_622 = arith.xori %lt3A_619, %lt3A_621 : i1
        %and3A_623 = arith.andi %ne3A_622, %ne3A_617 : i1
        %add3A_624 = arith.addi %rem3A_615, %select_n3A_614 : i32
        %select_n3A_625 = arith.select %and3A_623, %add3A_624, %rem3A_615 : i32
        %jit3A_626 = arith.constant 10 : i32
        %eq3A_627 = arith.constant 0 : i32
        %eq3A_628 = arith.cmpi eq, %jit3A_626, %eq3A_627 : i32
        %jit3A_629 = arith.constant 1 : i32
        %select_n3A_630 = arith.select %eq3A_628, %jit3A_629, %jit3A_626 : i32
        %rem3A_631 = arith.remsi %add3A_579, %select_n3A_630 : i32
        %ne3A_632 = arith.constant 0 : i32
        %ne3A_633 = arith.cmpi ne, %rem3A_631, %ne3A_632 : i32
        %lt3A_634 = arith.constant 0 : i32
        %lt3A_635 = arith.cmpi slt, %rem3A_631, %lt3A_634 : i32
        %lt3A_636 = arith.constant 0 : i32
        %lt3A_637 = arith.cmpi slt, %select_n3A_630, %lt3A_636 : i32
        %ne3A_638 = arith.xori %lt3A_635, %lt3A_637 : i1
        %and3A_639 = arith.andi %ne3A_638, %ne3A_633 : i1
        %add3A_640 = arith.addi %rem3A_631, %select_n3A_630 : i32
        %select_n3A_641 = arith.select %and3A_639, %add3A_640, %rem3A_631 : i32
        %dma_start3A_642 = arith.constant 0 : i32
        %dma_start3A_643 = tpu.memref_slice %arg9[%select_n3A_625, %select_n3A_641, %dma_start3A_642] : memref<2x10x40xi32, #tpu.memory_space<vmem>> -> memref<1x1x40xi32, #tpu.memory_space<vmem>>
        %dma_start3A_644 = tpu.memref_squeeze %dma_start3A_643 : memref<1x1x40xi32, #tpu.memory_space<vmem>> -> memref<40xi32, #tpu.memory_space<vmem>>
        %dma_start3A_645 = arith.constant 0 : i32
        %dma_start3A_646 = arith.constant 0 : i32
        %dma_start3A_647 = tpu.memref_slice %arg4[%dma_start3A_645, %dma_start3A_646] : memref<10000x128xf32, #tpu.memory_space<hbm>> -> memref<10000x128xf32, #tpu.memory_space<hbm>>
        tpu.enqueue_indirect_dma source(%dma_start3A_647 : memref<10000x128xf32, #tpu.memory_space<hbm>>) target(%arg11 : memref<40x128xf32, #tpu.memory_space<vmem>>) offsets(%dma_start3A_644 : memref<40xi32, #tpu.memory_space<vmem>>) semaphore(%arg21 : memref<!tpu.dma_semaphore, #tpu.memory_space<semaphore_mem>>)
        %jit3A_648 = arith.constant 10 : i32
        %div3A_649 = arith.divsi %add3A_579, %jit3A_648 : i32
        %sign3A_650 = arith.constant 0 : i32
        %sign3A_651 = arith.cmpi sgt, %add3A_579, %sign3A_650 : i32
        %sign3A_652 = arith.extui %sign3A_651 : i1 to i32
        %sign3A_653 = arith.constant 0 : i32
        %sign3A_654 = arith.cmpi slt, %add3A_579, %sign3A_653 : i32
        %sign3A_655 = arith.extui %sign3A_654 : i1 to i32
        %sign3A_656 = arith.subi %sign3A_652, %sign3A_655 : i32
        %sign3A_657 = arith.constant 0 : i32
        %sign3A_658 = arith.cmpi sgt, %jit3A_648, %sign3A_657 : i32
        %sign3A_659 = arith.extui %sign3A_658 : i1 to i32
        %sign3A_660 = arith.constant 0 : i32
        %sign3A_661 = arith.cmpi slt, %jit3A_648, %sign3A_660 : i32
        %sign3A_662 = arith.extui %sign3A_661 : i1 to i32
        %sign3A_663 = arith.subi %sign3A_659, %sign3A_662 : i32
        %ne3A_664 = arith.cmpi ne, %sign3A_656, %sign3A_663 : i32
        %rem3A_665 = arith.remsi %add3A_579, %jit3A_648 : i32
        %ne3A_666 = arith.constant 0 : i32
        %ne3A_667 = arith.cmpi ne, %rem3A_665, %ne3A_666 : i32
        %and3A_668 = arith.andi %ne3A_664, %ne3A_667 : i1
        %sub3A_669 = arith.constant 1 : i32
        %sub3A_670 = arith.subi %div3A_649, %sub3A_669 : i32
        %select_n3A_671 = arith.select %and3A_668, %sub3A_670, %div3A_649 : i32
        %jit3A_672 = arith.constant 2 : i32
        %eq3A_673 = arith.constant 0 : i32
        %eq3A_674 = arith.cmpi eq, %jit3A_672, %eq3A_673 : i32
        %jit3A_675 = arith.constant 1 : i32
        %select_n3A_676 = arith.select %eq3A_674, %jit3A_675, %jit3A_672 : i32
        %rem3A_677 = arith.remsi %select_n3A_671, %select_n3A_676 : i32
        %ne3A_678 = arith.constant 0 : i32
        %ne3A_679 = arith.cmpi ne, %rem3A_677, %ne3A_678 : i32
        %lt3A_680 = arith.constant 0 : i32
        %lt3A_681 = arith.cmpi slt, %rem3A_677, %lt3A_680 : i32
        %lt3A_682 = arith.constant 0 : i32
        %lt3A_683 = arith.cmpi slt, %select_n3A_676, %lt3A_682 : i32
        %ne3A_684 = arith.xori %lt3A_681, %lt3A_683 : i1
        %and3A_685 = arith.andi %ne3A_684, %ne3A_679 : i1
        %add3A_686 = arith.addi %rem3A_677, %select_n3A_676 : i32
        %select_n3A_687 = arith.select %and3A_685, %add3A_686, %rem3A_677 : i32
        %jit3A_688 = arith.constant 10 : i32
        %eq3A_689 = arith.constant 0 : i32
        %eq3A_690 = arith.cmpi eq, %jit3A_688, %eq3A_689 : i32
        %jit3A_691 = arith.constant 1 : i32
        %select_n3A_692 = arith.select %eq3A_690, %jit3A_691, %jit3A_688 : i32
        %rem3A_693 = arith.remsi %add3A_579, %select_n3A_692 : i32
        %ne3A_694 = arith.constant 0 : i32
        %ne3A_695 = arith.cmpi ne, %rem3A_693, %ne3A_694 : i32
        %lt3A_696 = arith.constant 0 : i32
        %lt3A_697 = arith.cmpi slt, %rem3A_693, %lt3A_696 : i32
        %lt3A_698 = arith.constant 0 : i32
        %lt3A_699 = arith.cmpi slt, %select_n3A_692, %lt3A_698 : i32
        %ne3A_700 = arith.xori %lt3A_697, %lt3A_699 : i1
        %and3A_701 = arith.andi %ne3A_700, %ne3A_695 : i1
        %add3A_702 = arith.addi %rem3A_693, %select_n3A_692 : i32
        %select_n3A_703 = arith.select %and3A_701, %add3A_702, %rem3A_693 : i32
        %dma_start3A_704 = arith.constant 0 : i32
        %dma_start3A_705 = tpu.memref_slice %arg10[%select_n3A_687, %select_n3A_703, %dma_start3A_704] : memref<2x10x40xi32, #tpu.memory_space<vmem>> -> memref<1x1x40xi32, #tpu.memory_space<vmem>>
        %dma_start3A_706 = tpu.memref_squeeze %dma_start3A_705 : memref<1x1x40xi32, #tpu.memory_space<vmem>> -> memref<40xi32, #tpu.memory_space<vmem>>
        %dma_start3A_707 = arith.constant 0 : i32
        %dma_start3A_708 = arith.constant 0 : i32
        %dma_start3A_709 = tpu.memref_slice %arg5[%dma_start3A_707, %dma_start3A_708] : memref<10000x128xf32, #tpu.memory_space<hbm>> -> memref<10000x128xf32, #tpu.memory_space<hbm>>
        tpu.enqueue_indirect_dma source(%dma_start3A_709 : memref<10000x128xf32, #tpu.memory_space<hbm>>) target(%arg13 : memref<40x128xf32, #tpu.memory_space<vmem>>) offsets(%dma_start3A_706 : memref<40xi32, #tpu.memory_space<vmem>>) semaphore(%arg21 : memref<!tpu.dma_semaphore, #tpu.memory_space<semaphore_mem>>)
        %dma_start3A_710 = arith.constant 0 : i32
        %dma_start3A_711 = tpu.memref_slice %arg6[%add3A_585, %dma_start3A_710] : memref<160000x128xi32, #tpu.memory_space<hbm>> -> memref<20x128xi32, #tpu.memory_space<hbm>>
        %dma_start3A_712 = arith.constant 0 : i32
        %dma_start3A_713 = tpu.memref_slice %arg6[%add3A_585, %dma_start3A_712] : memref<160000x128xi32, #tpu.memory_space<hbm>> -> memref<20x128xi32, #tpu.memory_space<hbm>>
        tpu.enqueue_dma source(%dma_start3A_713 : memref<20x128xi32, #tpu.memory_space<hbm>>) target(%arg15 : memref<20x128xi32, #tpu.memory_space<vmem>>) target_semaphore(%arg21 : memref<!tpu.dma_semaphore, #tpu.memory_space<semaphore_mem>>)
      } else {
      }
      %jit3A_311 = arith.constant 10 : i32
      %eq3A_312 = arith.constant 0 : i32
      %eq3A_313 = arith.cmpi eq, %jit3A_311, %eq3A_312 : i32
      %jit3A_314 = arith.constant 1 : i32
      %select_n3A_315 = arith.select %eq3A_313, %jit3A_314, %jit3A_311 : i32
      %rem3A_316 = arith.remsi %add3A_109, %select_n3A_315 : i32
      %ne3A_317 = arith.constant 0 : i32
      %ne3A_318 = arith.cmpi ne, %rem3A_316, %ne3A_317 : i32
      %lt3A_319 = arith.constant 0 : i32
      %lt3A_320 = arith.cmpi slt, %rem3A_316, %lt3A_319 : i32
      %lt3A_321 = arith.constant 0 : i32
      %lt3A_322 = arith.cmpi slt, %select_n3A_315, %lt3A_321 : i32
      %ne3A_323 = arith.xori %lt3A_320, %lt3A_322 : i1
      %and3A_324 = arith.andi %ne3A_323, %ne3A_318 : i1
      %add3A_325 = arith.addi %rem3A_316, %select_n3A_315 : i32
      %select_n3A_326 = arith.select %and3A_324, %add3A_325, %rem3A_316 : i32
      %eq3A_327 = arith.constant 0 : i32
      %eq3A_328 = arith.cmpi eq, %select_n3A_326, %eq3A_327 : i32
      %add3A_329 = arith.constant 10 : i32
      %add3A_330 = arith.addi %add3A_109, %add3A_329 : i32
      %lt3A_331 = arith.constant 250 : i32
      %lt3A_332 = arith.cmpi slt, %add3A_330, %lt3A_331 : i32
      %and3A_333 = arith.andi %eq3A_328, %lt3A_332 : i1
      %convert_element_type3A_334 = arith.extui %and3A_333 : i1 to i32
      %cond3A_335 = arith.constant 0 : i32
      %cond3A_336 = arith.cmpi ne, %convert_element_type3A_334, %cond3A_335 : i32
      scf.if %cond3A_336 {
        %jit3A_555 = arith.constant 10 : i32
        %div3A_556 = arith.divsi %add3A_109, %jit3A_555 : i32
        %sign3A_557 = arith.constant 0 : i32
        %sign3A_558 = arith.cmpi sgt, %add3A_109, %sign3A_557 : i32
        %sign3A_559 = arith.extui %sign3A_558 : i1 to i32
        %sign3A_560 = arith.constant 0 : i32
        %sign3A_561 = arith.cmpi slt, %add3A_109, %sign3A_560 : i32
        %sign3A_562 = arith.extui %sign3A_561 : i1 to i32
        %sign3A_563 = arith.subi %sign3A_559, %sign3A_562 : i32
        %sign3A_564 = arith.constant 0 : i32
        %sign3A_565 = arith.cmpi sgt, %jit3A_555, %sign3A_564 : i32
        %sign3A_566 = arith.extui %sign3A_565 : i1 to i32
        %sign3A_567 = arith.constant 0 : i32
        %sign3A_568 = arith.cmpi slt, %jit3A_555, %sign3A_567 : i32
        %sign3A_569 = arith.extui %sign3A_568 : i1 to i32
        %sign3A_570 = arith.subi %sign3A_566, %sign3A_569 : i32
        %ne3A_571 = arith.cmpi ne, %sign3A_563, %sign3A_570 : i32
        %rem3A_572 = arith.remsi %add3A_109, %jit3A_555 : i32
        %ne3A_573 = arith.constant 0 : i32
        %ne3A_574 = arith.cmpi ne, %rem3A_572, %ne3A_573 : i32
        %and3A_575 = arith.andi %ne3A_571, %ne3A_574 : i1
        %sub3A_576 = arith.constant 1 : i32
        %sub3A_577 = arith.subi %div3A_556, %sub3A_576 : i32
        %select_n3A_578 = arith.select %and3A_575, %sub3A_577, %div3A_556 : i32
        %add3A_579 = arith.constant 1 : i32
        %add3A_580 = arith.addi %select_n3A_578, %add3A_579 : i32
        %mul3A_581 = arith.constant 10 : i32
        %mul3A_582 = arith.muli %add3A_580, %mul3A_581 : i32
        %jit3A_583 = arith.constant 2 : i32
        %eq3A_584 = arith.constant 0 : i32
        %eq3A_585 = arith.cmpi eq, %jit3A_583, %eq3A_584 : i32
        %jit3A_586 = arith.constant 1 : i32
        %select_n3A_587 = arith.select %eq3A_585, %jit3A_586, %jit3A_583 : i32
        %rem3A_588 = arith.remsi %add3A_580, %select_n3A_587 : i32
        %ne3A_589 = arith.constant 0 : i32
        %ne3A_590 = arith.cmpi ne, %rem3A_588, %ne3A_589 : i32
        %lt3A_591 = arith.constant 0 : i32
        %lt3A_592 = arith.cmpi slt, %rem3A_588, %lt3A_591 : i32
        %lt3A_593 = arith.constant 0 : i32
        %lt3A_594 = arith.cmpi slt, %select_n3A_587, %lt3A_593 : i32
        %ne3A_595 = arith.xori %lt3A_592, %lt3A_594 : i1
        %and3A_596 = arith.andi %ne3A_595, %ne3A_590 : i1
        %add3A_597 = arith.addi %rem3A_588, %select_n3A_587 : i32
        %select_n3A_598 = arith.select %and3A_596, %add3A_597, %rem3A_588 : i32
        %dma_start3A_599 = arith.constant 0 : i32
        %dma_start3A_600 = arith.constant 0 : i32
        %dma_start3A_601 = tpu.memref_slice %arg9[%select_n3A_598, %dma_start3A_599, %dma_start3A_600] : memref<2x10x40xi32, #tpu.memory_space<vmem>> -> memref<1x10x40xi32, #tpu.memory_space<vmem>>
        %dma_start3A_602 = tpu.memref_squeeze %dma_start3A_601 : memref<1x10x40xi32, #tpu.memory_space<vmem>> -> memref<10x40xi32, #tpu.memory_space<vmem>>
        %dma_start3A_603 = arith.constant 0 : i32
        %dma_start3A_604 = tpu.memref_slice %arg2[%add3A, %mul3A_582, %dma_start3A_603] : memref<32x250x40xi32, #tpu.memory_space<hbm>> -> memref<1x10x40xi32, #tpu.memory_space<hbm>>
        %dma_start3A_605 = tpu.memref_squeeze %dma_start3A_604 : memref<1x10x40xi32, #tpu.memory_space<hbm>> -> memref<10x40xi32, #tpu.memory_space<hbm>>
        %dma_start3A_606 = arith.constant 0 : i32
        %dma_start3A_607 = arith.constant 0 : i32
        %dma_start3A_608 = tpu.memref_slice %arg9[%select_n3A_598, %dma_start3A_606, %dma_start3A_607] : memref<2x10x40xi32, #tpu.memory_space<vmem>> -> memref<1x10x40xi32, #tpu.memory_space<vmem>>
        %dma_start3A_609 = tpu.memref_squeeze %dma_start3A_608 : memref<1x10x40xi32, #tpu.memory_space<vmem>> -> memref<10x40xi32, #tpu.memory_space<vmem>>
        %dma_start3A_610 = arith.constant 0 : i32
        %dma_start3A_611 = tpu.memref_slice %arg2[%add3A, %mul3A_582, %dma_start3A_610] : memref<32x250x40xi32, #tpu.memory_space<hbm>> -> memref<1x10x40xi32, #tpu.memory_space<hbm>>
        %dma_start3A_612 = tpu.memref_squeeze %dma_start3A_611 : memref<1x10x40xi32, #tpu.memory_space<hbm>> -> memref<10x40xi32, #tpu.memory_space<hbm>>
        tpu.enqueue_dma source(%dma_start3A_612 : memref<10x40xi32, #tpu.memory_space<hbm>>) target(%dma_start3A_609 : memref<10x40xi32, #tpu.memory_space<vmem>>) target_semaphore(%arg25 : memref<!tpu.dma_semaphore, #tpu.memory_space<semaphore_mem>>)
        %mul3A_613 = arith.constant 10 : i32
        %mul3A_614 = arith.muli %add3A_580, %mul3A_613 : i32
        %jit3A_615 = arith.constant 2 : i32
        %eq3A_616 = arith.constant 0 : i32
        %eq3A_617 = arith.cmpi eq, %jit3A_615, %eq3A_616 : i32
        %jit3A_618 = arith.constant 1 : i32
        %select_n3A_619 = arith.select %eq3A_617, %jit3A_618, %jit3A_615 : i32
        %rem3A_620 = arith.remsi %add3A_580, %select_n3A_619 : i32
        %ne3A_621 = arith.constant 0 : i32
        %ne3A_622 = arith.cmpi ne, %rem3A_620, %ne3A_621 : i32
        %lt3A_623 = arith.constant 0 : i32
        %lt3A_624 = arith.cmpi slt, %rem3A_620, %lt3A_623 : i32
        %lt3A_625 = arith.constant 0 : i32
        %lt3A_626 = arith.cmpi slt, %select_n3A_619, %lt3A_625 : i32
        %ne3A_627 = arith.xori %lt3A_624, %lt3A_626 : i1
        %and3A_628 = arith.andi %ne3A_627, %ne3A_622 : i1
        %add3A_629 = arith.addi %rem3A_620, %select_n3A_619 : i32
        %select_n3A_630 = arith.select %and3A_628, %add3A_629, %rem3A_620 : i32
        %dma_start3A_631 = arith.constant 0 : i32
        %dma_start3A_632 = arith.constant 0 : i32
        %dma_start3A_633 = tpu.memref_slice %arg10[%select_n3A_630, %dma_start3A_631, %dma_start3A_632] : memref<2x10x40xi32, #tpu.memory_space<vmem>> -> memref<1x10x40xi32, #tpu.memory_space<vmem>>
        %dma_start3A_634 = tpu.memref_squeeze %dma_start3A_633 : memref<1x10x40xi32, #tpu.memory_space<vmem>> -> memref<10x40xi32, #tpu.memory_space<vmem>>
        %dma_start3A_635 = arith.constant 0 : i32
        %dma_start3A_636 = tpu.memref_slice %arg3[%add3A, %mul3A_614, %dma_start3A_635] : memref<32x250x40xi32, #tpu.memory_space<hbm>> -> memref<1x10x40xi32, #tpu.memory_space<hbm>>
        %dma_start3A_637 = tpu.memref_squeeze %dma_start3A_636 : memref<1x10x40xi32, #tpu.memory_space<hbm>> -> memref<10x40xi32, #tpu.memory_space<hbm>>
        %dma_start3A_638 = arith.constant 0 : i32
        %dma_start3A_639 = arith.constant 0 : i32
        %dma_start3A_640 = tpu.memref_slice %arg10[%select_n3A_630, %dma_start3A_638, %dma_start3A_639] : memref<2x10x40xi32, #tpu.memory_space<vmem>> -> memref<1x10x40xi32, #tpu.memory_space<vmem>>
        %dma_start3A_641 = tpu.memref_squeeze %dma_start3A_640 : memref<1x10x40xi32, #tpu.memory_space<vmem>> -> memref<10x40xi32, #tpu.memory_space<vmem>>
        %dma_start3A_642 = arith.constant 0 : i32
        %dma_start3A_643 = tpu.memref_slice %arg3[%add3A, %mul3A_614, %dma_start3A_642] : memref<32x250x40xi32, #tpu.memory_space<hbm>> -> memref<1x10x40xi32, #tpu.memory_space<hbm>>
        %dma_start3A_644 = tpu.memref_squeeze %dma_start3A_643 : memref<1x10x40xi32, #tpu.memory_space<hbm>> -> memref<10x40xi32, #tpu.memory_space<hbm>>
        tpu.enqueue_dma source(%dma_start3A_644 : memref<10x40xi32, #tpu.memory_space<hbm>>) target(%dma_start3A_641 : memref<10x40xi32, #tpu.memory_space<vmem>>) target_semaphore(%arg25 : memref<!tpu.dma_semaphore, #tpu.memory_space<semaphore_mem>>)
      } else {
      }
      %mul3A_337 = arith.constant 2 : i32
      %mul3A_338 = arith.muli %mul3A_337, %scan3A_105 : i32
      %add3A_339 = arith.constant 1 : i32
      %add3A_340 = arith.addi %mul3A_338, %add3A_339 : i32
      %mul3A_341 = arith.constant 5000 : i32
      %mul3A_342 = arith.muli %add3A, %mul3A_341 : i32
      %multiple_of3A_343 = tpu.assume_multiple %mul3A_342, 4 : i32
      %mul3A_344 = arith.constant 20 : i32
      %mul3A_345 = arith.muli %add3A_340, %mul3A_344 : i32
      %add3A_346 = arith.addi %multiple_of3A_343, %mul3A_345 : i32
      %jit3A_347 = arith.constant 10 : i32
      %div3A_348 = arith.divsi %add3A_340, %jit3A_347 : i32
      %sign3A_349 = arith.constant 0 : i32
      %sign3A_350 = arith.cmpi sgt, %add3A_340, %sign3A_349 : i32
      %sign3A_351 = arith.extui %sign3A_350 : i1 to i32
      %sign3A_352 = arith.constant 0 : i32
      %sign3A_353 = arith.cmpi slt, %add3A_340, %sign3A_352 : i32
      %sign3A_354 = arith.extui %sign3A_353 : i1 to i32
      %sign3A_355 = arith.subi %sign3A_351, %sign3A_354 : i32
      %sign3A_356 = arith.constant 0 : i32
      %sign3A_357 = arith.cmpi sgt, %jit3A_347, %sign3A_356 : i32
      %sign3A_358 = arith.extui %sign3A_357 : i1 to i32
      %sign3A_359 = arith.constant 0 : i32
      %sign3A_360 = arith.cmpi slt, %jit3A_347, %sign3A_359 : i32
      %sign3A_361 = arith.extui %sign3A_360 : i1 to i32
      %sign3A_362 = arith.subi %sign3A_358, %sign3A_361 : i32
      %ne3A_363 = arith.cmpi ne, %sign3A_355, %sign3A_362 : i32
      %rem3A_364 = arith.remsi %add3A_340, %jit3A_347 : i32
      %ne3A_365 = arith.constant 0 : i32
      %ne3A_366 = arith.cmpi ne, %rem3A_364, %ne3A_365 : i32
      %and3A_367 = arith.andi %ne3A_363, %ne3A_366 : i1
      %sub3A_368 = arith.constant 1 : i32
      %sub3A_369 = arith.subi %div3A_348, %sub3A_368 : i32
      %select_n3A_370 = arith.select %and3A_367, %sub3A_369, %div3A_348 : i32
      %jit3A_371 = arith.constant 2 : i32
      %eq3A_372 = arith.constant 0 : i32
      %eq3A_373 = arith.cmpi eq, %jit3A_371, %eq3A_372 : i32
      %jit3A_374 = arith.constant 1 : i32
      %select_n3A_375 = arith.select %eq3A_373, %jit3A_374, %jit3A_371 : i32
      %rem3A_376 = arith.remsi %select_n3A_370, %select_n3A_375 : i32
      %ne3A_377 = arith.constant 0 : i32
      %ne3A_378 = arith.cmpi ne, %rem3A_376, %ne3A_377 : i32
      %lt3A_379 = arith.constant 0 : i32
      %lt3A_380 = arith.cmpi slt, %rem3A_376, %lt3A_379 : i32
      %lt3A_381 = arith.constant 0 : i32
      %lt3A_382 = arith.cmpi slt, %select_n3A_375, %lt3A_381 : i32
      %ne3A_383 = arith.xori %lt3A_380, %lt3A_382 : i1
      %and3A_384 = arith.andi %ne3A_383, %ne3A_378 : i1
      %add3A_385 = arith.addi %rem3A_376, %select_n3A_375 : i32
      %select_n3A_386 = arith.select %and3A_384, %add3A_385, %rem3A_376 : i32
      %jit3A_387 = arith.constant 10 : i32
      %eq3A_388 = arith.constant 0 : i32
      %eq3A_389 = arith.cmpi eq, %jit3A_387, %eq3A_388 : i32
      %jit3A_390 = arith.constant 1 : i32
      %select_n3A_391 = arith.select %eq3A_389, %jit3A_390, %jit3A_387 : i32
      %rem3A_392 = arith.remsi %add3A_340, %select_n3A_391 : i32
      %ne3A_393 = arith.constant 0 : i32
      %ne3A_394 = arith.cmpi ne, %rem3A_392, %ne3A_393 : i32
      %lt3A_395 = arith.constant 0 : i32
      %lt3A_396 = arith.cmpi slt, %rem3A_392, %lt3A_395 : i32
      %lt3A_397 = arith.constant 0 : i32
      %lt3A_398 = arith.cmpi slt, %select_n3A_391, %lt3A_397 : i32
      %ne3A_399 = arith.xori %lt3A_396, %lt3A_398 : i1
      %and3A_400 = arith.andi %ne3A_399, %ne3A_394 : i1
      %add3A_401 = arith.addi %rem3A_392, %select_n3A_391 : i32
      %select_n3A_402 = arith.select %and3A_400, %add3A_401, %rem3A_392 : i32
      %dma_wait3A_403 = arith.constant 0 : i32
      %dma_wait3A_404 = tpu.memref_slice %arg9[%select_n3A_386, %select_n3A_402, %dma_wait3A_403] : memref<2x10x40xi32, #tpu.memory_space<vmem>> -> memref<1x1x40xi32, #tpu.memory_space<vmem>>
      %dma_wait3A_405 = tpu.memref_squeeze %dma_wait3A_404 : memref<1x1x40xi32, #tpu.memory_space<vmem>> -> memref<40xi32, #tpu.memory_space<vmem>>
      %dma_wait3A_406 = arith.constant 0 : i32
      %dma_wait3A_407 = arith.constant 0 : i32
      %dma_wait3A_408 = tpu.memref_slice %arg4[%dma_wait3A_406, %dma_wait3A_407] : memref<10000x128xf32, #tpu.memory_space<hbm>> -> memref<10000x128xf32, #tpu.memory_space<hbm>>
      tpu.wait_indirect_dma semaphore(%arg22 : memref<!tpu.dma_semaphore, #tpu.memory_space<semaphore_mem>>) src(%dma_wait3A_408 : memref<10000x128xf32, #tpu.memory_space<hbm>>) dst(%arg12 : memref<40x128xf32, #tpu.memory_space<vmem>>)
      %jit3A_409 = arith.constant 10 : i32
      %div3A_410 = arith.divsi %add3A_340, %jit3A_409 : i32
      %sign3A_411 = arith.constant 0 : i32
      %sign3A_412 = arith.cmpi sgt, %add3A_340, %sign3A_411 : i32
      %sign3A_413 = arith.extui %sign3A_412 : i1 to i32
      %sign3A_414 = arith.constant 0 : i32
      %sign3A_415 = arith.cmpi slt, %add3A_340, %sign3A_414 : i32
      %sign3A_416 = arith.extui %sign3A_415 : i1 to i32
      %sign3A_417 = arith.subi %sign3A_413, %sign3A_416 : i32
      %sign3A_418 = arith.constant 0 : i32
      %sign3A_419 = arith.cmpi sgt, %jit3A_409, %sign3A_418 : i32
      %sign3A_420 = arith.extui %sign3A_419 : i1 to i32
      %sign3A_421 = arith.constant 0 : i32
      %sign3A_422 = arith.cmpi slt, %jit3A_409, %sign3A_421 : i32
      %sign3A_423 = arith.extui %sign3A_422 : i1 to i32
      %sign3A_424 = arith.subi %sign3A_420, %sign3A_423 : i32
      %ne3A_425 = arith.cmpi ne, %sign3A_417, %sign3A_424 : i32
      %rem3A_426 = arith.remsi %add3A_340, %jit3A_409 : i32
      %ne3A_427 = arith.constant 0 : i32
      %ne3A_428 = arith.cmpi ne, %rem3A_426, %ne3A_427 : i32
      %and3A_429 = arith.andi %ne3A_425, %ne3A_428 : i1
      %sub3A_430 = arith.constant 1 : i32
      %sub3A_431 = arith.subi %div3A_410, %sub3A_430 : i32
      %select_n3A_432 = arith.select %and3A_429, %sub3A_431, %div3A_410 : i32
      %jit3A_433 = arith.constant 2 : i32
      %eq3A_434 = arith.constant 0 : i32
      %eq3A_435 = arith.cmpi eq, %jit3A_433, %eq3A_434 : i32
      %jit3A_436 = arith.constant 1 : i32
      %select_n3A_437 = arith.select %eq3A_435, %jit3A_436, %jit3A_433 : i32
      %rem3A_438 = arith.remsi %select_n3A_432, %select_n3A_437 : i32
      %ne3A_439 = arith.constant 0 : i32
      %ne3A_440 = arith.cmpi ne, %rem3A_438, %ne3A_439 : i32
      %lt3A_441 = arith.constant 0 : i32
      %lt3A_442 = arith.cmpi slt, %rem3A_438, %lt3A_441 : i32
      %lt3A_443 = arith.constant 0 : i32
      %lt3A_444 = arith.cmpi slt, %select_n3A_437, %lt3A_443 : i32
      %ne3A_445 = arith.xori %lt3A_442, %lt3A_444 : i1
      %and3A_446 = arith.andi %ne3A_445, %ne3A_440 : i1
      %add3A_447 = arith.addi %rem3A_438, %select_n3A_437 : i32
      %select_n3A_448 = arith.select %and3A_446, %add3A_447, %rem3A_438 : i32
      %jit3A_449 = arith.constant 10 : i32
      %eq3A_450 = arith.constant 0 : i32
      %eq3A_451 = arith.cmpi eq, %jit3A_449, %eq3A_450 : i32
      %jit3A_452 = arith.constant 1 : i32
      %select_n3A_453 = arith.select %eq3A_451, %jit3A_452, %jit3A_449 : i32
      %rem3A_454 = arith.remsi %add3A_340, %select_n3A_453 : i32
      %ne3A_455 = arith.constant 0 : i32
      %ne3A_456 = arith.cmpi ne, %rem3A_454, %ne3A_455 : i32
      %lt3A_457 = arith.constant 0 : i32
      %lt3A_458 = arith.cmpi slt, %rem3A_454, %lt3A_457 : i32
      %lt3A_459 = arith.constant 0 : i32
      %lt3A_460 = arith.cmpi slt, %select_n3A_453, %lt3A_459 : i32
      %ne3A_461 = arith.xori %lt3A_458, %lt3A_460 : i1
      %and3A_462 = arith.andi %ne3A_461, %ne3A_456 : i1
      %add3A_463 = arith.addi %rem3A_454, %select_n3A_453 : i32
      %select_n3A_464 = arith.select %and3A_462, %add3A_463, %rem3A_454 : i32
      %dma_wait3A_465 = arith.constant 0 : i32
      %dma_wait3A_466 = tpu.memref_slice %arg10[%select_n3A_448, %select_n3A_464, %dma_wait3A_465] : memref<2x10x40xi32, #tpu.memory_space<vmem>> -> memref<1x1x40xi32, #tpu.memory_space<vmem>>
      %dma_wait3A_467 = tpu.memref_squeeze %dma_wait3A_466 : memref<1x1x40xi32, #tpu.memory_space<vmem>> -> memref<40xi32, #tpu.memory_space<vmem>>
      %dma_wait3A_468 = arith.constant 0 : i32
      %dma_wait3A_469 = arith.constant 0 : i32
      %dma_wait3A_470 = tpu.memref_slice %arg5[%dma_wait3A_468, %dma_wait3A_469] : memref<10000x128xf32, #tpu.memory_space<hbm>> -> memref<10000x128xf32, #tpu.memory_space<hbm>>
      tpu.wait_indirect_dma semaphore(%arg22 : memref<!tpu.dma_semaphore, #tpu.memory_space<semaphore_mem>>) src(%dma_wait3A_470 : memref<10000x128xf32, #tpu.memory_space<hbm>>) dst(%arg14 : memref<40x128xf32, #tpu.memory_space<vmem>>)
      %dma_wait3A_471 = arith.constant 0 : i32
      %dma_wait3A_472 = tpu.memref_slice %arg6[%add3A_346, %dma_wait3A_471] : memref<160000x128xi32, #tpu.memory_space<hbm>> -> memref<20x128xi32, #tpu.memory_space<hbm>>
      %dma_wait3A_473 = arith.constant 0 : i32
      %dma_wait3A_474 = tpu.memref_slice %arg6[%add3A_346, %dma_wait3A_473] : memref<160000x128xi32, #tpu.memory_space<hbm>> -> memref<20x128xi32, #tpu.memory_space<hbm>>
      tpu.wait_dma2 semaphore(%arg22 : memref<!tpu.dma_semaphore, #tpu.memory_space<semaphore_mem>>) src(%dma_wait3A_474 : memref<20x128xi32, #tpu.memory_space<hbm>>) dst(%arg16 : memref<20x128xi32, #tpu.memory_space<vmem>>)
      %ge3A_475 = arith.constant 2 : i32
      %ge3A_476 = arith.cmpi sge, %add3A_340, %ge3A_475 : i32
      %convert_element_type3A_477 = arith.extui %ge3A_476 : i1 to i32
      %cond3A_478 = arith.constant 0 : i32
      %cond3A_479 = arith.cmpi ne, %convert_element_type3A_477, %cond3A_478 : i32
      scf.if %cond3A_479 {
        %sub3A_555 = arith.constant 2 : i32
        %sub3A_556 = arith.subi %add3A_340, %sub3A_555 : i32
        %jit3A_557 = arith.constant 10 : i32
        %div3A_558 = arith.divsi %sub3A_556, %jit3A_557 : i32
        %sign3A_559 = arith.constant 0 : i32
        %sign3A_560 = arith.cmpi sgt, %sub3A_556, %sign3A_559 : i32
        %sign3A_561 = arith.extui %sign3A_560 : i1 to i32
        %sign3A_562 = arith.constant 0 : i32
        %sign3A_563 = arith.cmpi slt, %sub3A_556, %sign3A_562 : i32
        %sign3A_564 = arith.extui %sign3A_563 : i1 to i32
        %sign3A_565 = arith.subi %sign3A_561, %sign3A_564 : i32
        %sign3A_566 = arith.constant 0 : i32
        %sign3A_567 = arith.cmpi sgt, %jit3A_557, %sign3A_566 : i32
        %sign3A_568 = arith.extui %sign3A_567 : i1 to i32
        %sign3A_569 = arith.constant 0 : i32
        %sign3A_570 = arith.cmpi slt, %jit3A_557, %sign3A_569 : i32
        %sign3A_571 = arith.extui %sign3A_570 : i1 to i32
        %sign3A_572 = arith.subi %sign3A_568, %sign3A_571 : i32
        %ne3A_573 = arith.cmpi ne, %sign3A_565, %sign3A_572 : i32
        %rem3A_574 = arith.remsi %sub3A_556, %jit3A_557 : i32
        %ne3A_575 = arith.constant 0 : i32
        %ne3A_576 = arith.cmpi ne, %rem3A_574, %ne3A_575 : i32
        %and3A_577 = arith.andi %ne3A_573, %ne3A_576 : i1
        %sub3A_578 = arith.constant 1 : i32
        %sub3A_579 = arith.subi %div3A_558, %sub3A_578 : i32
        %select_n3A_580 = arith.select %and3A_577, %sub3A_579, %div3A_558 : i32
        %jit3A_581 = arith.constant 2 : i32
        %eq3A_582 = arith.constant 0 : i32
        %eq3A_583 = arith.cmpi eq, %jit3A_581, %eq3A_582 : i32
        %jit3A_584 = arith.constant 1 : i32
        %select_n3A_585 = arith.select %eq3A_583, %jit3A_584, %jit3A_581 : i32
        %rem3A_586 = arith.remsi %select_n3A_580, %select_n3A_585 : i32
        %ne3A_587 = arith.constant 0 : i32
        %ne3A_588 = arith.cmpi ne, %rem3A_586, %ne3A_587 : i32
        %lt3A_589 = arith.constant 0 : i32
        %lt3A_590 = arith.cmpi slt, %rem3A_586, %lt3A_589 : i32
        %lt3A_591 = arith.constant 0 : i32
        %lt3A_592 = arith.cmpi slt, %select_n3A_585, %lt3A_591 : i32
        %ne3A_593 = arith.xori %lt3A_590, %lt3A_592 : i1
        %and3A_594 = arith.andi %ne3A_593, %ne3A_588 : i1
        %add3A_595 = arith.addi %rem3A_586, %select_n3A_585 : i32
        %select_n3A_596 = arith.select %and3A_594, %add3A_595, %rem3A_586 : i32
        %jit3A_597 = arith.constant 10 : i32
        %eq3A_598 = arith.constant 0 : i32
        %eq3A_599 = arith.cmpi eq, %jit3A_597, %eq3A_598 : i32
        %jit3A_600 = arith.constant 1 : i32
        %select_n3A_601 = arith.select %eq3A_599, %jit3A_600, %jit3A_597 : i32
        %rem3A_602 = arith.remsi %sub3A_556, %select_n3A_601 : i32
        %ne3A_603 = arith.constant 0 : i32
        %ne3A_604 = arith.cmpi ne, %rem3A_602, %ne3A_603 : i32
        %lt3A_605 = arith.constant 0 : i32
        %lt3A_606 = arith.cmpi slt, %rem3A_602, %lt3A_605 : i32
        %lt3A_607 = arith.constant 0 : i32
        %lt3A_608 = arith.cmpi slt, %select_n3A_601, %lt3A_607 : i32
        %ne3A_609 = arith.xori %lt3A_606, %lt3A_608 : i1
        %and3A_610 = arith.andi %ne3A_609, %ne3A_604 : i1
        %add3A_611 = arith.addi %rem3A_602, %select_n3A_601 : i32
        %select_n3A_612 = arith.select %and3A_610, %add3A_611, %rem3A_602 : i32
        %dma_wait3A_613 = arith.constant 0 : i32
        %dma_wait3A_614 = tpu.memref_slice %arg10[%select_n3A_596, %select_n3A_612, %dma_wait3A_613] : memref<2x10x40xi32, #tpu.memory_space<vmem>> -> memref<1x1x40xi32, #tpu.memory_space<vmem>>
        %dma_wait3A_615 = tpu.memref_squeeze %dma_wait3A_614 : memref<1x1x40xi32, #tpu.memory_space<vmem>> -> memref<40xi32, #tpu.memory_space<vmem>>
        %dma_wait3A_616 = arith.constant 0 : i32
        %dma_wait3A_617 = arith.constant 0 : i32
        %dma_wait3A_618 = tpu.memref_slice %arg20[%dma_wait3A_616, %dma_wait3A_617] : memref<10000x136xf32, #tpu.memory_space<vmem_shared>> -> memref<10000x136xf32, #tpu.memory_space<vmem_shared>>
        tpu.wait_indirect_dma semaphore(%arg24 : memref<!tpu.dma_semaphore, #tpu.memory_space<semaphore_mem>>) src(%arg18 : memref<40x136xf32, #tpu.memory_space<vmem>>) dst(%dma_wait3A_618 : memref<10000x136xf32, #tpu.memory_space<vmem_shared>>)
      } else {
      }
      %scan3A_480 = arith.constant 0 : i32
      %scan3A_481 = arith.constant 0 : i32
      %scan3A_482 = arith.constant 20 : i32
      %scan3A_483 = arith.addi %scan3A_481, %scan3A_482 : i32
      %scan3A_484 = arith.constant 1 : i32
      scf.for %scan3A_555 = %scan3A_481 to %scan3A_483 step %scan3A_484  : i32 {
        %get3A_556 = arith.index_cast %scan3A_555 : i32 to index
        %get3A_557 = arith.constant 0 : index
        %get3A_558 = tpu.vector_load %arg16[%get3A_556, %get3A_557] {strides = array<i32>} : memref<20x128xi32, #tpu.memory_space<vmem>>, vector<16xi32>,
        %get3A_559 = arith.index_cast %scan3A_555 : i32 to index
        %get3A_560 = arith.constant 16 : index
        %get3A_561 = tpu.vector_load %arg16[%get3A_559, %get3A_560] {strides = array<i32>} : memref<20x128xi32, #tpu.memory_space<vmem>>, vector<16xi32>,
        %get3A_562 = arith.index_cast %scan3A_555 : i32 to index
        %get3A_563 = arith.constant 32 : index
        %get3A_564 = tpu.vector_load %arg16[%get3A_562, %get3A_563] {strides = array<i32>} : memref<20x128xi32, #tpu.memory_space<vmem>>, vector<16xi32>,
        %get3A_565 = arith.index_cast %scan3A_555 : i32 to index
        %get3A_566 = arith.constant 48 : index
        %get3A_567 = tpu.vector_load %arg16[%get3A_565, %get3A_566] {strides = array<i32>} : memref<20x128xi32, #tpu.memory_space<vmem>>, vector<16xi32>,
        %get3A_568 = arith.index_cast %scan3A_555 : i32 to index
        %get3A_569 = arith.constant 64 : index
        %get3A_570 = tpu.vector_load %arg16[%get3A_568, %get3A_569] {strides = array<i32>} : memref<20x128xi32, #tpu.memory_space<vmem>>, vector<16xi32>,
        %get3A_571 = arith.index_cast %scan3A_555 : i32 to index
        %get3A_572 = arith.constant 80 : index
        %get3A_573 = tpu.vector_load %arg16[%get3A_571, %get3A_572] {strides = array<i32>} : memref<20x128xi32, #tpu.memory_space<vmem>>, vector<16xi32>,
        %get3A_574 = arith.index_cast %scan3A_555 : i32 to index
        %get3A_575 = arith.constant 96 : index
        %get3A_576 = tpu.vector_load %arg16[%get3A_574, %get3A_575] {strides = array<i32>} : memref<20x128xi32, #tpu.memory_space<vmem>>, vector<16xi32>,
        %get3A_577 = arith.index_cast %scan3A_555 : i32 to index
        %get3A_578 = arith.constant 112 : index
        %get3A_579 = tpu.vector_load %arg16[%get3A_577, %get3A_578] {strides = array<i32>} : memref<20x128xi32, #tpu.memory_space<vmem>>, vector<16xi32>,
        %shift_left3A = arith.constant 16 : i32
        %shift_left3A_580 = vector.broadcast %shift_left3A : i32 to vector<16xi32>
        %shift_left3A_581 = arith.shli %get3A_558, %shift_left3A_580 : vector<16xi32>
        %bitcast_convert_type3A = tpu.bitcast %shift_left3A_581 : vector<16xi32> -> vector<16xf32>
        %shift_left3A_582 = arith.constant 16 : i32
        %shift_left3A_583 = vector.broadcast %shift_left3A_582 : i32 to vector<16xi32>
        %shift_left3A_584 = arith.shli %get3A_561, %shift_left3A_583 : vector<16xi32>
        %bitcast_convert_type3A_585 = tpu.bitcast %shift_left3A_584 : vector<16xi32> -> vector<16xf32>
        %shift_left3A_586 = arith.constant 16 : i32
        %shift_left3A_587 = vector.broadcast %shift_left3A_586 : i32 to vector<16xi32>
        %shift_left3A_588 = arith.shli %get3A_564, %shift_left3A_587 : vector<16xi32>
        %bitcast_convert_type3A_589 = tpu.bitcast %shift_left3A_588 : vector<16xi32> -> vector<16xf32>
        %shift_left3A_590 = arith.constant 16 : i32
        %shift_left3A_591 = vector.broadcast %shift_left3A_590 : i32 to vector<16xi32>
        %shift_left3A_592 = arith.shli %get3A_567, %shift_left3A_591 : vector<16xi32>
        %bitcast_convert_type3A_593 = tpu.bitcast %shift_left3A_592 : vector<16xi32> -> vector<16xf32>
        %shift_left3A_594 = arith.constant 16 : i32
        %shift_left3A_595 = vector.broadcast %shift_left3A_594 : i32 to vector<16xi32>
        %shift_left3A_596 = arith.shli %get3A_570, %shift_left3A_595 : vector<16xi32>
        %bitcast_convert_type3A_597 = tpu.bitcast %shift_left3A_596 : vector<16xi32> -> vector<16xf32>
        %shift_left3A_598 = arith.constant 16 : i32
        %shift_left3A_599 = vector.broadcast %shift_left3A_598 : i32 to vector<16xi32>
        %shift_left3A_600 = arith.shli %get3A_573, %shift_left3A_599 : vector<16xi32>
        %bitcast_convert_type3A_601 = tpu.bitcast %shift_left3A_600 : vector<16xi32> -> vector<16xf32>
        %shift_left3A_602 = arith.constant 16 : i32
        %shift_left3A_603 = vector.broadcast %shift_left3A_602 : i32 to vector<16xi32>
        %shift_left3A_604 = arith.shli %get3A_576, %shift_left3A_603 : vector<16xi32>
        %bitcast_convert_type3A_605 = tpu.bitcast %shift_left3A_604 : vector<16xi32> -> vector<16xf32>
        %shift_left3A_606 = arith.constant 16 : i32
        %shift_left3A_607 = vector.broadcast %shift_left3A_606 : i32 to vector<16xi32>
        %shift_left3A_608 = arith.shli %get3A_579, %shift_left3A_607 : vector<16xi32>
        %bitcast_convert_type3A_609 = tpu.bitcast %shift_left3A_608 : vector<16xi32> -> vector<16xf32>
        %and3A_610 = arith.constant -65536 : i32
        %and3A_611 = vector.broadcast %and3A_610 : i32 to vector<16xi32>
        %and3A_612 = arith.andi %get3A_558, %and3A_611 : vector<16xi32>
        %bitcast_convert_type3A_613 = tpu.bitcast %and3A_612 : vector<16xi32> -> vector<16xf32>
        %and3A_614 = arith.constant -65536 : i32
        %and3A_615 = vector.broadcast %and3A_614 : i32 to vector<16xi32>
        %and3A_616 = arith.andi %get3A_561, %and3A_615 : vector<16xi32>
        %bitcast_convert_type3A_617 = tpu.bitcast %and3A_616 : vector<16xi32> -> vector<16xf32>
        %and3A_618 = arith.constant -65536 : i32
        %and3A_619 = vector.broadcast %and3A_618 : i32 to vector<16xi32>
        %and3A_620 = arith.andi %get3A_564, %and3A_619 : vector<16xi32>
        %bitcast_convert_type3A_621 = tpu.bitcast %and3A_620 : vector<16xi32> -> vector<16xf32>
        %and3A_622 = arith.constant -65536 : i32
        %and3A_623 = vector.broadcast %and3A_622 : i32 to vector<16xi32>
        %and3A_624 = arith.andi %get3A_567, %and3A_623 : vector<16xi32>
        %bitcast_convert_type3A_625 = tpu.bitcast %and3A_624 : vector<16xi32> -> vector<16xf32>
        %and3A_626 = arith.constant -65536 : i32
        %and3A_627 = vector.broadcast %and3A_626 : i32 to vector<16xi32>
        %and3A_628 = arith.andi %get3A_570, %and3A_627 : vector<16xi32>
        %bitcast_convert_type3A_629 = tpu.bitcast %and3A_628 : vector<16xi32> -> vector<16xf32>
        %and3A_630 = arith.constant -65536 : i32
        %and3A_631 = vector.broadcast %and3A_630 : i32 to vector<16xi32>
        %and3A_632 = arith.andi %get3A_573, %and3A_631 : vector<16xi32>
        %bitcast_convert_type3A_633 = tpu.bitcast %and3A_632 : vector<16xi32> -> vector<16xf32>
        %and3A_634 = arith.constant -65536 : i32
        %and3A_635 = vector.broadcast %and3A_634 : i32 to vector<16xi32>
        %and3A_636 = arith.andi %get3A_576, %and3A_635 : vector<16xi32>
        %bitcast_convert_type3A_637 = tpu.bitcast %and3A_636 : vector<16xi32> -> vector<16xf32>
        %and3A_638 = arith.constant -65536 : i32
        %and3A_639 = vector.broadcast %and3A_638 : i32 to vector<16xi32>
        %and3A_640 = arith.andi %get3A_579, %and3A_639 : vector<16xi32>
        %bitcast_convert_type3A_641 = tpu.bitcast %and3A_640 : vector<16xi32> -> vector<16xf32>
        %mul3A_642 = arith.constant 2 : i32
        %mul3A_643 = arith.muli %mul3A_642, %scan3A_555 : i32
        %mul3A_644 = arith.constant 2 : i32
        %mul3A_645 = arith.muli %mul3A_644, %scan3A_555 : i32
        %add3A_646 = arith.constant 1 : i32
        %add3A_647 = arith.addi %mul3A_645, %add3A_646 : i32
        %get3A_648 = arith.index_cast %mul3A_643 : i32 to index
        %get3A_649 = arith.constant 0 : index
        %get3A_650 = tpu.vector_load %arg12[%get3A_648, %get3A_649] {strides = array<i32>} : memref<40x128xf32, #tpu.memory_space<vmem>>, vector<16xf32>,
        %get3A_651 = arith.index_cast %mul3A_643 : i32 to index
        %get3A_652 = arith.constant 16 : index
        %get3A_653 = tpu.vector_load %arg12[%get3A_651, %get3A_652] {strides = array<i32>} : memref<40x128xf32, #tpu.memory_space<vmem>>, vector<16xf32>,
        %get3A_654 = arith.index_cast %mul3A_643 : i32 to index
        %get3A_655 = arith.constant 32 : index
        %get3A_656 = tpu.vector_load %arg12[%get3A_654, %get3A_655] {strides = array<i32>} : memref<40x128xf32, #tpu.memory_space<vmem>>, vector<16xf32>,
        %get3A_657 = arith.index_cast %mul3A_643 : i32 to index
        %get3A_658 = arith.constant 48 : index
        %get3A_659 = tpu.vector_load %arg12[%get3A_657, %get3A_658] {strides = array<i32>} : memref<40x128xf32, #tpu.memory_space<vmem>>, vector<16xf32>,
        %get3A_660 = arith.index_cast %mul3A_643 : i32 to index
        %get3A_661 = arith.constant 64 : index
        %get3A_662 = tpu.vector_load %arg12[%get3A_660, %get3A_661] {strides = array<i32>} : memref<40x128xf32, #tpu.memory_space<vmem>>, vector<16xf32>,
        %get3A_663 = arith.index_cast %mul3A_643 : i32 to index
        %get3A_664 = arith.constant 80 : index
        %get3A_665 = tpu.vector_load %arg12[%get3A_663, %get3A_664] {strides = array<i32>} : memref<40x128xf32, #tpu.memory_space<vmem>>, vector<16xf32>,
        %get3A_666 = arith.index_cast %mul3A_643 : i32 to index
        %get3A_667 = arith.constant 96 : index
        %get3A_668 = tpu.vector_load %arg12[%get3A_666, %get3A_667] {strides = array<i32>} : memref<40x128xf32, #tpu.memory_space<vmem>>, vector<16xf32>,
        %get3A_669 = arith.index_cast %mul3A_643 : i32 to index
        %get3A_670 = arith.constant 112 : index
        %get3A_671 = tpu.vector_load %arg12[%get3A_669, %get3A_670] {strides = array<i32>} : memref<40x128xf32, #tpu.memory_space<vmem>>, vector<16xf32>,
        %get3A_672 = arith.index_cast %mul3A_643 : i32 to index
        %get3A_673 = arith.constant 0 : index
        %get3A_674 = tpu.vector_load %arg14[%get3A_672, %get3A_673] {strides = array<i32>} : memref<40x128xf32, #tpu.memory_space<vmem>>, vector<16xf32>,
        %add3A_675 = arith.addf %get3A_650, %get3A_674 : vector<16xf32>
        %add3A_676 = arith.addf %add3A_675, %bitcast_convert_type3A : vector<16xf32>
        %mul3A_677 = arith.constant 2.000000e-01 : f32
        %mul3A_678 = vector.broadcast %mul3A_677 : f32 to vector<16xf32>
        %mul3A_679 = arith.mulf %mul3A_678, %add3A_676 : vector<16xf32>
        %max3A = arith.maximumf %add3A_676, %mul3A_679 : vector<16xf32>
        %mul3A_680 = arith.mulf %max3A, %get3A_14 : vector<16xf32>
        %add3A_681 = arith.addf %broadcast_in_dim3A_1, %mul3A_680 : vector<16xf32>
        %get3A_682 = arith.index_cast %mul3A_643 : i32 to index
        %get3A_683 = arith.constant 16 : index
        %get3A_684 = tpu.vector_load %arg14[%get3A_682, %get3A_683] {strides = array<i32>} : memref<40x128xf32, #tpu.memory_space<vmem>>, vector<16xf32>,
        %add3A_685 = arith.addf %get3A_653, %get3A_684 : vector<16xf32>
        %add3A_686 = arith.addf %add3A_685, %bitcast_convert_type3A_585 : vector<16xf32>
        %mul3A_687 = arith.constant 2.000000e-01 : f32
        %mul3A_688 = vector.broadcast %mul3A_687 : f32 to vector<16xf32>
        %mul3A_689 = arith.mulf %mul3A_688, %add3A_686 : vector<16xf32>
        %max3A_690 = arith.maximumf %add3A_686, %mul3A_689 : vector<16xf32>
        %mul3A_691 = arith.mulf %max3A_690, %get3A_16 : vector<16xf32>
        %add3A_692 = arith.addf %add3A_681, %mul3A_691 : vector<16xf32>
        %get3A_693 = arith.index_cast %mul3A_643 : i32 to index
        %get3A_694 = arith.constant 32 : index
        %get3A_695 = tpu.vector_load %arg14[%get3A_693, %get3A_694] {strides = array<i32>} : memref<40x128xf32, #tpu.memory_space<vmem>>, vector<16xf32>,
        %add3A_696 = arith.addf %get3A_656, %get3A_695 : vector<16xf32>
        %add3A_697 = arith.addf %add3A_696, %bitcast_convert_type3A_589 : vector<16xf32>
        %mul3A_698 = arith.constant 2.000000e-01 : f32
        %mul3A_699 = vector.broadcast %mul3A_698 : f32 to vector<16xf32>
        %mul3A_700 = arith.mulf %mul3A_699, %add3A_697 : vector<16xf32>
        %max3A_701 = arith.maximumf %add3A_697, %mul3A_700 : vector<16xf32>
        %mul3A_702 = arith.mulf %max3A_701, %get3A_18 : vector<16xf32>
        %add3A_703 = arith.addf %add3A_692, %mul3A_702 : vector<16xf32>
        %get3A_704 = arith.index_cast %mul3A_643 : i32 to index
        %get3A_705 = arith.constant 48 : index
        %get3A_706 = tpu.vector_load %arg14[%get3A_704, %get3A_705] {strides = array<i32>} : memref<40x128xf32, #tpu.memory_space<vmem>>, vector<16xf32>,
        %add3A_707 = arith.addf %get3A_659, %get3A_706 : vector<16xf32>
        %add3A_708 = arith.addf %add3A_707, %bitcast_convert_type3A_593 : vector<16xf32>
        %mul3A_709 = arith.constant 2.000000e-01 : f32
        %mul3A_710 = vector.broadcast %mul3A_709 : f32 to vector<16xf32>
        %mul3A_711 = arith.mulf %mul3A_710, %add3A_708 : vector<16xf32>
        %max3A_712 = arith.maximumf %add3A_708, %mul3A_711 : vector<16xf32>
        %mul3A_713 = arith.mulf %max3A_712, %get3A_20 : vector<16xf32>
        %add3A_714 = arith.addf %add3A_703, %mul3A_713 : vector<16xf32>
        %get3A_715 = arith.index_cast %mul3A_643 : i32 to index
        %get3A_716 = arith.constant 64 : index
        %get3A_717 = tpu.vector_load %arg14[%get3A_715, %get3A_716] {strides = array<i32>} : memref<40x128xf32, #tpu.memory_space<vmem>>, vector<16xf32>,
        %add3A_718 = arith.addf %get3A_662, %get3A_717 : vector<16xf32>
        %add3A_719 = arith.addf %add3A_718, %bitcast_convert_type3A_597 : vector<16xf32>
        %mul3A_720 = arith.constant 2.000000e-01 : f32
        %mul3A_721 = vector.broadcast %mul3A_720 : f32 to vector<16xf32>
        %mul3A_722 = arith.mulf %mul3A_721, %add3A_719 : vector<16xf32>
        %max3A_723 = arith.maximumf %add3A_719, %mul3A_722 : vector<16xf32>
        %mul3A_724 = arith.mulf %max3A_723, %get3A_22 : vector<16xf32>
        %add3A_725 = arith.addf %add3A_714, %mul3A_724 : vector<16xf32>
        %get3A_726 = arith.index_cast %mul3A_643 : i32 to index
        %get3A_727 = arith.constant 80 : index
        %get3A_728 = tpu.vector_load %arg14[%get3A_726, %get3A_727] {strides = array<i32>} : memref<40x128xf32, #tpu.memory_space<vmem>>, vector<16xf32>,
        %add3A_729 = arith.addf %get3A_665, %get3A_728 : vector<16xf32>
        %add3A_730 = arith.addf %add3A_729, %bitcast_convert_type3A_601 : vector<16xf32>
        %mul3A_731 = arith.constant 2.000000e-01 : f32
        %mul3A_732 = vector.broadcast %mul3A_731 : f32 to vector<16xf32>
        %mul3A_733 = arith.mulf %mul3A_732, %add3A_730 : vector<16xf32>
        %max3A_734 = arith.maximumf %add3A_730, %mul3A_733 : vector<16xf32>
        %mul3A_735 = arith.mulf %max3A_734, %get3A_24 : vector<16xf32>
        %add3A_736 = arith.addf %add3A_725, %mul3A_735 : vector<16xf32>
        %get3A_737 = arith.index_cast %mul3A_643 : i32 to index
        %get3A_738 = arith.constant 96 : index
        %get3A_739 = tpu.vector_load %arg14[%get3A_737, %get3A_738] {strides = array<i32>} : memref<40x128xf32, #tpu.memory_space<vmem>>, vector<16xf32>,
        %add3A_740 = arith.addf %get3A_668, %get3A_739 : vector<16xf32>
        %add3A_741 = arith.addf %add3A_740, %bitcast_convert_type3A_605 : vector<16xf32>
        %mul3A_742 = arith.constant 2.000000e-01 : f32
        %mul3A_743 = vector.broadcast %mul3A_742 : f32 to vector<16xf32>
        %mul3A_744 = arith.mulf %mul3A_743, %add3A_741 : vector<16xf32>
        %max3A_745 = arith.maximumf %add3A_741, %mul3A_744 : vector<16xf32>
        %mul3A_746 = arith.mulf %max3A_745, %get3A_26 : vector<16xf32>
        %add3A_747 = arith.addf %add3A_736, %mul3A_746 : vector<16xf32>
        %get3A_748 = arith.index_cast %mul3A_643 : i32 to index
        %get3A_749 = arith.constant 112 : index
        %get3A_750 = tpu.vector_load %arg14[%get3A_748, %get3A_749] {strides = array<i32>} : memref<40x128xf32, #tpu.memory_space<vmem>>, vector<16xf32>,
        %add3A_751 = arith.addf %get3A_671, %get3A_750 : vector<16xf32>
        %add3A_752 = arith.addf %add3A_751, %bitcast_convert_type3A_609 : vector<16xf32>
        %mul3A_753 = arith.constant 2.000000e-01 : f32
        %mul3A_754 = vector.broadcast %mul3A_753 : f32 to vector<16xf32>
        %mul3A_755 = arith.mulf %mul3A_754, %add3A_752 : vector<16xf32>
        %max3A_756 = arith.maximumf %add3A_752, %mul3A_755 : vector<16xf32>
        %mul3A_757 = arith.mulf %max3A_756, %get3A_28 : vector<16xf32>
        %add3A_758 = arith.addf %add3A_747, %mul3A_757 : vector<16xf32>
        %reduce_sum3A = arith.constant true
        %reduce_sum3A_759 = vector.broadcast %reduce_sum3A : i1 to vector<16xi1>
        %reduce_sum3A_760 = tpu.scan <sum>, %add3A_758 masked %reduce_sum3A_759 : vector<16xf32>, vector<16xi1> -> vector<16xf32>
        %reduce_sum3A_761 = vector.extract %reduce_sum3A_760[15] : f32 from vector<16xf32>
        %broadcast_in_dim3A_762 = vector.broadcast %reduce_sum3A_761 : f32 to vector<16xf32>
        %exp3A = math.exp %broadcast_in_dim3A_762 : vector<16xf32>
        %swap3A = arith.index_cast %mul3A_643 : i32 to index
        %swap3A_763 = arith.constant 120 : index
        %swap3A_764 = tpu.vector_load %arg18[%swap3A, %swap3A_763] {strides = array<i32>} : memref<40x136xf32, #tpu.memory_space<vmem>>, vector<16xf32>,
        tpu.vector_store %arg18[%swap3A, %swap3A_763], %exp3A {strides = array<i32>} : memref<40x136xf32, #tpu.memory_space<vmem>>, vector<16xf32>,
        %mul3A_765 = arith.mulf %get3A_650, %exp3A : vector<16xf32>
        %swap3A_766 = arith.index_cast %mul3A_643 : i32 to index
        %swap3A_767 = arith.constant 0 : index
        %swap3A_768 = tpu.vector_load %arg18[%swap3A_766, %swap3A_767] {strides = array<i32>} : memref<40x136xf32, #tpu.memory_space<vmem>>, vector<16xf32>,
        tpu.vector_store %arg18[%swap3A_766, %swap3A_767], %mul3A_765 {strides = array<i32>} : memref<40x136xf32, #tpu.memory_space<vmem>>, vector<16xf32>,
        %mul3A_769 = arith.mulf %get3A_653, %exp3A : vector<16xf32>
        %swap3A_770 = arith.index_cast %mul3A_643 : i32 to index
        %swap3A_771 = arith.constant 16 : index
        %swap3A_772 = tpu.vector_load %arg18[%swap3A_770, %swap3A_771] {strides = array<i32>} : memref<40x136xf32, #tpu.memory_space<vmem>>, vector<16xf32>,
        tpu.vector_store %arg18[%swap3A_770, %swap3A_771], %mul3A_769 {strides = array<i32>} : memref<40x136xf32, #tpu.memory_space<vmem>>, vector<16xf32>,
        %mul3A_773 = arith.mulf %get3A_656, %exp3A : vector<16xf32>
        %swap3A_774 = arith.index_cast %mul3A_643 : i32 to index
        %swap3A_775 = arith.constant 32 : index
        %swap3A_776 = tpu.vector_load %arg18[%swap3A_774, %swap3A_775] {strides = array<i32>} : memref<40x136xf32, #tpu.memory_space<vmem>>, vector<16xf32>,
        tpu.vector_store %arg18[%swap3A_774, %swap3A_775], %mul3A_773 {strides = array<i32>} : memref<40x136xf32, #tpu.memory_space<vmem>>, vector<16xf32>,
        %mul3A_777 = arith.mulf %get3A_659, %exp3A : vector<16xf32>
        %swap3A_778 = arith.index_cast %mul3A_643 : i32 to index
        %swap3A_779 = arith.constant 48 : index
        %swap3A_780 = tpu.vector_load %arg18[%swap3A_778, %swap3A_779] {strides = array<i32>} : memref<40x136xf32, #tpu.memory_space<vmem>>, vector<16xf32>,
        tpu.vector_store %arg18[%swap3A_778, %swap3A_779], %mul3A_777 {strides = array<i32>} : memref<40x136xf32, #tpu.memory_space<vmem>>, vector<16xf32>,
        %mul3A_781 = arith.mulf %get3A_662, %exp3A : vector<16xf32>
        %swap3A_782 = arith.index_cast %mul3A_643 : i32 to index
        %swap3A_783 = arith.constant 64 : index
        %swap3A_784 = tpu.vector_load %arg18[%swap3A_782, %swap3A_783] {strides = array<i32>} : memref<40x136xf32, #tpu.memory_space<vmem>>, vector<16xf32>,
        tpu.vector_store %arg18[%swap3A_782, %swap3A_783], %mul3A_781 {strides = array<i32>} : memref<40x136xf32, #tpu.memory_space<vmem>>, vector<16xf32>,
        %mul3A_785 = arith.mulf %get3A_665, %exp3A : vector<16xf32>
        %swap3A_786 = arith.index_cast %mul3A_643 : i32 to index
        %swap3A_787 = arith.constant 80 : index
        %swap3A_788 = tpu.vector_load %arg18[%swap3A_786, %swap3A_787] {strides = array<i32>} : memref<40x136xf32, #tpu.memory_space<vmem>>, vector<16xf32>,
        tpu.vector_store %arg18[%swap3A_786, %swap3A_787], %mul3A_785 {strides = array<i32>} : memref<40x136xf32, #tpu.memory_space<vmem>>, vector<16xf32>,
        %mul3A_789 = arith.mulf %get3A_668, %exp3A : vector<16xf32>
        %swap3A_790 = arith.index_cast %mul3A_643 : i32 to index
        %swap3A_791 = arith.constant 96 : index
        %swap3A_792 = tpu.vector_load %arg18[%swap3A_790, %swap3A_791] {strides = array<i32>} : memref<40x136xf32, #tpu.memory_space<vmem>>, vector<16xf32>,
        tpu.vector_store %arg18[%swap3A_790, %swap3A_791], %mul3A_789 {strides = array<i32>} : memref<40x136xf32, #tpu.memory_space<vmem>>, vector<16xf32>,
        %mul3A_793 = arith.mulf %get3A_671, %exp3A : vector<16xf32>
        %swap3A_794 = arith.index_cast %mul3A_643 : i32 to index
        %swap3A_795 = arith.constant 112 : index
        %swap3A_796 = tpu.vector_load %arg18[%swap3A_794, %swap3A_795] {strides = array<i32>} : memref<40x136xf32, #tpu.memory_space<vmem>>, vector<16xf32>,
        tpu.vector_store %arg18[%swap3A_794, %swap3A_795], %mul3A_793 {strides = array<i32>} : memref<40x136xf32, #tpu.memory_space<vmem>>, vector<16xf32>,
        %get3A_797 = arith.index_cast %add3A_647 : i32 to index
        %get3A_798 = arith.constant 0 : index
        %get3A_799 = tpu.vector_load %arg12[%get3A_797, %get3A_798] {strides = array<i32>} : memref<40x128xf32, #tpu.memory_space<vmem>>, vector<16xf32>,
        %get3A_800 = arith.index_cast %add3A_647 : i32 to index
        %get3A_801 = arith.constant 16 : index
        %get3A_802 = tpu.vector_load %arg12[%get3A_800, %get3A_801] {strides = array<i32>} : memref<40x128xf32, #tpu.memory_space<vmem>>, vector<16xf32>,
        %get3A_803 = arith.index_cast %add3A_647 : i32 to index
        %get3A_804 = arith.constant 32 : index
        %get3A_805 = tpu.vector_load %arg12[%get3A_803, %get3A_804] {strides = array<i32>} : memref<40x128xf32, #tpu.memory_space<vmem>>, vector<16xf32>,
        %get3A_806 = arith.index_cast %add3A_647 : i32 to index
        %get3A_807 = arith.constant 48 : index
        %get3A_808 = tpu.vector_load %arg12[%get3A_806, %get3A_807] {strides = array<i32>} : memref<40x128xf32, #tpu.memory_space<vmem>>, vector<16xf32>,
        %get3A_809 = arith.index_cast %add3A_647 : i32 to index
        %get3A_810 = arith.constant 64 : index
        %get3A_811 = tpu.vector_load %arg12[%get3A_809, %get3A_810] {strides = array<i32>} : memref<40x128xf32, #tpu.memory_space<vmem>>, vector<16xf32>,
        %get3A_812 = arith.index_cast %add3A_647 : i32 to index
        %get3A_813 = arith.constant 80 : index
        %get3A_814 = tpu.vector_load %arg12[%get3A_812, %get3A_813] {strides = array<i32>} : memref<40x128xf32, #tpu.memory_space<vmem>>, vector<16xf32>,
        %get3A_815 = arith.index_cast %add3A_647 : i32 to index
        %get3A_816 = arith.constant 96 : index
        %get3A_817 = tpu.vector_load %arg12[%get3A_815, %get3A_816] {strides = array<i32>} : memref<40x128xf32, #tpu.memory_space<vmem>>, vector<16xf32>,
        %get3A_818 = arith.index_cast %add3A_647 : i32 to index
        %get3A_819 = arith.constant 112 : index
        %get3A_820 = tpu.vector_load %arg12[%get3A_818, %get3A_819] {strides = array<i32>} : memref<40x128xf32, #tpu.memory_space<vmem>>, vector<16xf32>,
        %get3A_821 = arith.index_cast %add3A_647 : i32 to index
        %get3A_822 = arith.constant 0 : index
        %get3A_823 = tpu.vector_load %arg14[%get3A_821, %get3A_822] {strides = array<i32>} : memref<40x128xf32, #tpu.memory_space<vmem>>, vector<16xf32>,
        %add3A_824 = arith.addf %get3A_799, %get3A_823 : vector<16xf32>
        %add3A_825 = arith.addf %add3A_824, %bitcast_convert_type3A_613 : vector<16xf32>
        %mul3A_826 = arith.constant 2.000000e-01 : f32
        %mul3A_827 = vector.broadcast %mul3A_826 : f32 to vector<16xf32>
        %mul3A_828 = arith.mulf %mul3A_827, %add3A_825 : vector<16xf32>
        %max3A_829 = arith.maximumf %add3A_825, %mul3A_828 : vector<16xf32>
        %mul3A_830 = arith.mulf %max3A_829, %get3A_14 : vector<16xf32>
        %add3A_831 = arith.addf %broadcast_in_dim3A_1, %mul3A_830 : vector<16xf32>
        %get3A_832 = arith.index_cast %add3A_647 : i32 to index
        %get3A_833 = arith.constant 16 : index
        %get3A_834 = tpu.vector_load %arg14[%get3A_832, %get3A_833] {strides = array<i32>} : memref<40x128xf32, #tpu.memory_space<vmem>>, vector<16xf32>,
        %add3A_835 = arith.addf %get3A_802, %get3A_834 : vector<16xf32>
        %add3A_836 = arith.addf %add3A_835, %bitcast_convert_type3A_617 : vector<16xf32>
        %mul3A_837 = arith.constant 2.000000e-01 : f32
        %mul3A_838 = vector.broadcast %mul3A_837 : f32 to vector<16xf32>
        %mul3A_839 = arith.mulf %mul3A_838, %add3A_836 : vector<16xf32>
        %max3A_840 = arith.maximumf %add3A_836, %mul3A_839 : vector<16xf32>
        %mul3A_841 = arith.mulf %max3A_840, %get3A_16 : vector<16xf32>
        %add3A_842 = arith.addf %add3A_831, %mul3A_841 : vector<16xf32>
        %get3A_843 = arith.index_cast %add3A_647 : i32 to index
        %get3A_844 = arith.constant 32 : index
        %get3A_845 = tpu.vector_load %arg14[%get3A_843, %get3A_844] {strides = array<i32>} : memref<40x128xf32, #tpu.memory_space<vmem>>, vector<16xf32>,
        %add3A_846 = arith.addf %get3A_805, %get3A_845 : vector<16xf32>
        %add3A_847 = arith.addf %add3A_846, %bitcast_convert_type3A_621 : vector<16xf32>
        %mul3A_848 = arith.constant 2.000000e-01 : f32
        %mul3A_849 = vector.broadcast %mul3A_848 : f32 to vector<16xf32>
        %mul3A_850 = arith.mulf %mul3A_849, %add3A_847 : vector<16xf32>
        %max3A_851 = arith.maximumf %add3A_847, %mul3A_850 : vector<16xf32>
        %mul3A_852 = arith.mulf %max3A_851, %get3A_18 : vector<16xf32>
        %add3A_853 = arith.addf %add3A_842, %mul3A_852 : vector<16xf32>
        %get3A_854 = arith.index_cast %add3A_647 : i32 to index
        %get3A_855 = arith.constant 48 : index
        %get3A_856 = tpu.vector_load %arg14[%get3A_854, %get3A_855] {strides = array<i32>} : memref<40x128xf32, #tpu.memory_space<vmem>>, vector<16xf32>,
        %add3A_857 = arith.addf %get3A_808, %get3A_856 : vector<16xf32>
        %add3A_858 = arith.addf %add3A_857, %bitcast_convert_type3A_625 : vector<16xf32>
        %mul3A_859 = arith.constant 2.000000e-01 : f32
        %mul3A_860 = vector.broadcast %mul3A_859 : f32 to vector<16xf32>
        %mul3A_861 = arith.mulf %mul3A_860, %add3A_858 : vector<16xf32>
        %max3A_862 = arith.maximumf %add3A_858, %mul3A_861 : vector<16xf32>
        %mul3A_863 = arith.mulf %max3A_862, %get3A_20 : vector<16xf32>
        %add3A_864 = arith.addf %add3A_853, %mul3A_863 : vector<16xf32>
        %get3A_865 = arith.index_cast %add3A_647 : i32 to index
        %get3A_866 = arith.constant 64 : index
        %get3A_867 = tpu.vector_load %arg14[%get3A_865, %get3A_866] {strides = array<i32>} : memref<40x128xf32, #tpu.memory_space<vmem>>, vector<16xf32>,
        %add3A_868 = arith.addf %get3A_811, %get3A_867 : vector<16xf32>
        %add3A_869 = arith.addf %add3A_868, %bitcast_convert_type3A_629 : vector<16xf32>
        %mul3A_870 = arith.constant 2.000000e-01 : f32
        %mul3A_871 = vector.broadcast %mul3A_870 : f32 to vector<16xf32>
        %mul3A_872 = arith.mulf %mul3A_871, %add3A_869 : vector<16xf32>
        %max3A_873 = arith.maximumf %add3A_869, %mul3A_872 : vector<16xf32>
        %mul3A_874 = arith.mulf %max3A_873, %get3A_22 : vector<16xf32>
        %add3A_875 = arith.addf %add3A_864, %mul3A_874 : vector<16xf32>
        %get3A_876 = arith.index_cast %add3A_647 : i32 to index
        %get3A_877 = arith.constant 80 : index
        %get3A_878 = tpu.vector_load %arg14[%get3A_876, %get3A_877] {strides = array<i32>} : memref<40x128xf32, #tpu.memory_space<vmem>>, vector<16xf32>,
        %add3A_879 = arith.addf %get3A_814, %get3A_878 : vector<16xf32>
        %add3A_880 = arith.addf %add3A_879, %bitcast_convert_type3A_633 : vector<16xf32>
        %mul3A_881 = arith.constant 2.000000e-01 : f32
        %mul3A_882 = vector.broadcast %mul3A_881 : f32 to vector<16xf32>
        %mul3A_883 = arith.mulf %mul3A_882, %add3A_880 : vector<16xf32>
        %max3A_884 = arith.maximumf %add3A_880, %mul3A_883 : vector<16xf32>
        %mul3A_885 = arith.mulf %max3A_884, %get3A_24 : vector<16xf32>
        %add3A_886 = arith.addf %add3A_875, %mul3A_885 : vector<16xf32>
        %get3A_887 = arith.index_cast %add3A_647 : i32 to index
        %get3A_888 = arith.constant 96 : index
        %get3A_889 = tpu.vector_load %arg14[%get3A_887, %get3A_888] {strides = array<i32>} : memref<40x128xf32, #tpu.memory_space<vmem>>, vector<16xf32>,
        %add3A_890 = arith.addf %get3A_817, %get3A_889 : vector<16xf32>
        %add3A_891 = arith.addf %add3A_890, %bitcast_convert_type3A_637 : vector<16xf32>
        %mul3A_892 = arith.constant 2.000000e-01 : f32
        %mul3A_893 = vector.broadcast %mul3A_892 : f32 to vector<16xf32>
        %mul3A_894 = arith.mulf %mul3A_893, %add3A_891 : vector<16xf32>
        %max3A_895 = arith.maximumf %add3A_891, %mul3A_894 : vector<16xf32>
        %mul3A_896 = arith.mulf %max3A_895, %get3A_26 : vector<16xf32>
        %add3A_897 = arith.addf %add3A_886, %mul3A_896 : vector<16xf32>
        %get3A_898 = arith.index_cast %add3A_647 : i32 to index
        %get3A_899 = arith.constant 112 : index
        %get3A_900 = tpu.vector_load %arg14[%get3A_898, %get3A_899] {strides = array<i32>} : memref<40x128xf32, #tpu.memory_space<vmem>>, vector<16xf32>,
        %add3A_901 = arith.addf %get3A_820, %get3A_900 : vector<16xf32>
        %add3A_902 = arith.addf %add3A_901, %bitcast_convert_type3A_641 : vector<16xf32>
        %mul3A_903 = arith.constant 2.000000e-01 : f32
        %mul3A_904 = vector.broadcast %mul3A_903 : f32 to vector<16xf32>
        %mul3A_905 = arith.mulf %mul3A_904, %add3A_902 : vector<16xf32>
        %max3A_906 = arith.maximumf %add3A_902, %mul3A_905 : vector<16xf32>
        %mul3A_907 = arith.mulf %max3A_906, %get3A_28 : vector<16xf32>
        %add3A_908 = arith.addf %add3A_897, %mul3A_907 : vector<16xf32>
        %reduce_sum3A_909 = arith.constant true
        %reduce_sum3A_910 = vector.broadcast %reduce_sum3A_909 : i1 to vector<16xi1>
        %reduce_sum3A_911 = tpu.scan <sum>, %add3A_908 masked %reduce_sum3A_910 : vector<16xf32>, vector<16xi1> -> vector<16xf32>
        %reduce_sum3A_912 = vector.extract %reduce_sum3A_911[15] : f32 from vector<16xf32>
        %broadcast_in_dim3A_913 = vector.broadcast %reduce_sum3A_912 : f32 to vector<16xf32>
        %exp3A_914 = math.exp %broadcast_in_dim3A_913 : vector<16xf32>
        %swap3A_915 = arith.index_cast %add3A_647 : i32 to index
        %swap3A_916 = arith.constant 120 : index
        %swap3A_917 = tpu.vector_load %arg18[%swap3A_915, %swap3A_916] {strides = array<i32>} : memref<40x136xf32, #tpu.memory_space<vmem>>, vector<16xf32>,
        tpu.vector_store %arg18[%swap3A_915, %swap3A_916], %exp3A_914 {strides = array<i32>} : memref<40x136xf32, #tpu.memory_space<vmem>>, vector<16xf32>,
        %mul3A_918 = arith.mulf %get3A_799, %exp3A_914 : vector<16xf32>
        %swap3A_919 = arith.index_cast %add3A_647 : i32 to index
        %swap3A_920 = arith.constant 0 : index
        %swap3A_921 = tpu.vector_load %arg18[%swap3A_919, %swap3A_920] {strides = array<i32>} : memref<40x136xf32, #tpu.memory_space<vmem>>, vector<16xf32>,
        tpu.vector_store %arg18[%swap3A_919, %swap3A_920], %mul3A_918 {strides = array<i32>} : memref<40x136xf32, #tpu.memory_space<vmem>>, vector<16xf32>,
        %mul3A_922 = arith.mulf %get3A_802, %exp3A_914 : vector<16xf32>
        %swap3A_923 = arith.index_cast %add3A_647 : i32 to index
        %swap3A_924 = arith.constant 16 : index
        %swap3A_925 = tpu.vector_load %arg18[%swap3A_923, %swap3A_924] {strides = array<i32>} : memref<40x136xf32, #tpu.memory_space<vmem>>, vector<16xf32>,
        tpu.vector_store %arg18[%swap3A_923, %swap3A_924], %mul3A_922 {strides = array<i32>} : memref<40x136xf32, #tpu.memory_space<vmem>>, vector<16xf32>,
        %mul3A_926 = arith.mulf %get3A_805, %exp3A_914 : vector<16xf32>
        %swap3A_927 = arith.index_cast %add3A_647 : i32 to index
        %swap3A_928 = arith.constant 32 : index
        %swap3A_929 = tpu.vector_load %arg18[%swap3A_927, %swap3A_928] {strides = array<i32>} : memref<40x136xf32, #tpu.memory_space<vmem>>, vector<16xf32>,
        tpu.vector_store %arg18[%swap3A_927, %swap3A_928], %mul3A_926 {strides = array<i32>} : memref<40x136xf32, #tpu.memory_space<vmem>>, vector<16xf32>,
        %mul3A_930 = arith.mulf %get3A_808, %exp3A_914 : vector<16xf32>
        %swap3A_931 = arith.index_cast %add3A_647 : i32 to index
        %swap3A_932 = arith.constant 48 : index
        %swap3A_933 = tpu.vector_load %arg18[%swap3A_931, %swap3A_932] {strides = array<i32>} : memref<40x136xf32, #tpu.memory_space<vmem>>, vector<16xf32>,
        tpu.vector_store %arg18[%swap3A_931, %swap3A_932], %mul3A_930 {strides = array<i32>} : memref<40x136xf32, #tpu.memory_space<vmem>>, vector<16xf32>,
        %mul3A_934 = arith.mulf %get3A_811, %exp3A_914 : vector<16xf32>
        %swap3A_935 = arith.index_cast %add3A_647 : i32 to index
        %swap3A_936 = arith.constant 64 : index
        %swap3A_937 = tpu.vector_load %arg18[%swap3A_935, %swap3A_936] {strides = array<i32>} : memref<40x136xf32, #tpu.memory_space<vmem>>, vector<16xf32>,
        tpu.vector_store %arg18[%swap3A_935, %swap3A_936], %mul3A_934 {strides = array<i32>} : memref<40x136xf32, #tpu.memory_space<vmem>>, vector<16xf32>,
        %mul3A_938 = arith.mulf %get3A_814, %exp3A_914 : vector<16xf32>
        %swap3A_939 = arith.index_cast %add3A_647 : i32 to index
        %swap3A_940 = arith.constant 80 : index
        %swap3A_941 = tpu.vector_load %arg18[%swap3A_939, %swap3A_940] {strides = array<i32>} : memref<40x136xf32, #tpu.memory_space<vmem>>, vector<16xf32>,
        tpu.vector_store %arg18[%swap3A_939, %swap3A_940], %mul3A_938 {strides = array<i32>} : memref<40x136xf32, #tpu.memory_space<vmem>>, vector<16xf32>,
        %mul3A_942 = arith.mulf %get3A_817, %exp3A_914 : vector<16xf32>
        %swap3A_943 = arith.index_cast %add3A_647 : i32 to index
        %swap3A_944 = arith.constant 96 : index
        %swap3A_945 = tpu.vector_load %arg18[%swap3A_943, %swap3A_944] {strides = array<i32>} : memref<40x136xf32, #tpu.memory_space<vmem>>, vector<16xf32>,
        tpu.vector_store %arg18[%swap3A_943, %swap3A_944], %mul3A_942 {strides = array<i32>} : memref<40x136xf32, #tpu.memory_space<vmem>>, vector<16xf32>,
        %mul3A_946 = arith.mulf %get3A_820, %exp3A_914 : vector<16xf32>
        %swap3A_947 = arith.index_cast %add3A_647 : i32 to index
        %swap3A_948 = arith.constant 112 : index
        %swap3A_949 = tpu.vector_load %arg18[%swap3A_947, %swap3A_948] {strides = array<i32>} : memref<40x136xf32, #tpu.memory_space<vmem>>, vector<16xf32>,
        tpu.vector_store %arg18[%swap3A_947, %swap3A_948], %mul3A_946 {strides = array<i32>} : memref<40x136xf32, #tpu.memory_space<vmem>>, vector<16xf32>,
      }
      %scan3A_485 = arith.constant 20 : i32
      %jit3A_486 = arith.constant 10 : i32
      %div3A_487 = arith.divsi %add3A_340, %jit3A_486 : i32
      %sign3A_488 = arith.constant 0 : i32
      %sign3A_489 = arith.cmpi sgt, %add3A_340, %sign3A_488 : i32
      %sign3A_490 = arith.extui %sign3A_489 : i1 to i32
      %sign3A_491 = arith.constant 0 : i32
      %sign3A_492 = arith.cmpi slt, %add3A_340, %sign3A_491 : i32
      %sign3A_493 = arith.extui %sign3A_492 : i1 to i32
      %sign3A_494 = arith.subi %sign3A_490, %sign3A_493 : i32
      %sign3A_495 = arith.constant 0 : i32
      %sign3A_496 = arith.cmpi sgt, %jit3A_486, %sign3A_495 : i32
      %sign3A_497 = arith.extui %sign3A_496 : i1 to i32
      %sign3A_498 = arith.constant 0 : i32
      %sign3A_499 = arith.cmpi slt, %jit3A_486, %sign3A_498 : i32
      %sign3A_500 = arith.extui %sign3A_499 : i1 to i32
      %sign3A_501 = arith.subi %sign3A_497, %sign3A_500 : i32
      %ne3A_502 = arith.cmpi ne, %sign3A_494, %sign3A_501 : i32
      %rem3A_503 = arith.remsi %add3A_340, %jit3A_486 : i32
      %ne3A_504 = arith.constant 0 : i32
      %ne3A_505 = arith.cmpi ne, %rem3A_503, %ne3A_504 : i32
      %and3A_506 = arith.andi %ne3A_502, %ne3A_505 : i1
      %sub3A_507 = arith.constant 1 : i32
      %sub3A_508 = arith.subi %div3A_487, %sub3A_507 : i32
      %select_n3A_509 = arith.select %and3A_506, %sub3A_508, %div3A_487 : i32
      %jit3A_510 = arith.constant 2 : i32
      %eq3A_511 = arith.constant 0 : i32
      %eq3A_512 = arith.cmpi eq, %jit3A_510, %eq3A_511 : i32
      %jit3A_513 = arith.constant 1 : i32
      %select_n3A_514 = arith.select %eq3A_512, %jit3A_513, %jit3A_510 : i32
      %rem3A_515 = arith.remsi %select_n3A_509, %select_n3A_514 : i32
      %ne3A_516 = arith.constant 0 : i32
      %ne3A_517 = arith.cmpi ne, %rem3A_515, %ne3A_516 : i32
      %lt3A_518 = arith.constant 0 : i32
      %lt3A_519 = arith.cmpi slt, %rem3A_515, %lt3A_518 : i32
      %lt3A_520 = arith.constant 0 : i32
      %lt3A_521 = arith.cmpi slt, %select_n3A_514, %lt3A_520 : i32
      %ne3A_522 = arith.xori %lt3A_519, %lt3A_521 : i1
      %and3A_523 = arith.andi %ne3A_522, %ne3A_517 : i1
      %add3A_524 = arith.addi %rem3A_515, %select_n3A_514 : i32
      %select_n3A_525 = arith.select %and3A_523, %add3A_524, %rem3A_515 : i32
      %jit3A_526 = arith.constant 10 : i32
      %eq3A_527 = arith.constant 0 : i32
      %eq3A_528 = arith.cmpi eq, %jit3A_526, %eq3A_527 : i32
      %jit3A_529 = arith.constant 1 : i32
      %select_n3A_530 = arith.select %eq3A_528, %jit3A_529, %jit3A_526 : i32
      %rem3A_531 = arith.remsi %add3A_340, %select_n3A_530 : i32
      %ne3A_532 = arith.constant 0 : i32
      %ne3A_533 = arith.cmpi ne, %rem3A_531, %ne3A_532 : i32
      %lt3A_534 = arith.constant 0 : i32
      %lt3A_535 = arith.cmpi slt, %rem3A_531, %lt3A_534 : i32
      %lt3A_536 = arith.constant 0 : i32
      %lt3A_537 = arith.cmpi slt, %select_n3A_530, %lt3A_536 : i32
      %ne3A_538 = arith.xori %lt3A_535, %lt3A_537 : i1
      %and3A_539 = arith.andi %ne3A_538, %ne3A_533 : i1
      %add3A_540 = arith.addi %rem3A_531, %select_n3A_530 : i32
      %select_n3A_541 = arith.select %and3A_539, %add3A_540, %rem3A_531 : i32
      %dma_start3A_542 = arith.constant 0 : i32
      %dma_start3A_543 = tpu.memref_slice %arg10[%select_n3A_525, %select_n3A_541, %dma_start3A_542] : memref<2x10x40xi32, #tpu.memory_space<vmem>> -> memref<1x1x40xi32, #tpu.memory_space<vmem>>
      %dma_start3A_544 = tpu.memref_squeeze %dma_start3A_543 : memref<1x1x40xi32, #tpu.memory_space<vmem>> -> memref<40xi32, #tpu.memory_space<vmem>>
      %dma_start3A_545 = arith.constant 0 : i32
      %dma_start3A_546 = arith.constant 0 : i32
      %dma_start3A_547 = tpu.memref_slice %arg20[%dma_start3A_545, %dma_start3A_546] : memref<10000x136xf32, #tpu.memory_space<vmem_shared>> -> memref<10000x136xf32, #tpu.memory_space<vmem_shared>>
      tpu.enqueue_indirect_dma source(%arg18 : memref<40x136xf32, #tpu.memory_space<vmem>>) target(%dma_start3A_547 : memref<10000x136xf32, #tpu.memory_space<vmem_shared>>) offsets(%dma_start3A_544 : memref<40xi32, #tpu.memory_space<vmem>>) semaphore(%arg24 : memref<!tpu.dma_semaphore, #tpu.memory_space<semaphore_mem>>) {add = true}
      %add3A_548 = arith.constant 2 : i32
      %add3A_549 = arith.addi %add3A_340, %add3A_548 : i32
      %lt3A_550 = arith.constant 250 : i32
      %lt3A_551 = arith.cmpi slt, %add3A_549, %lt3A_550 : i32
      %convert_element_type3A_552 = arith.extui %lt3A_551 : i1 to i32
      %cond3A_553 = arith.constant 0 : i32
      %cond3A_554 = arith.cmpi ne, %convert_element_type3A_552, %cond3A_553 : i32
      scf.if %cond3A_554 {
        %add3A_555 = arith.constant 2 : i32
        %add3A_556 = arith.addi %add3A_340, %add3A_555 : i32
        %jit3A_557 = arith.constant 10 : i32
        %eq3A_558 = arith.constant 0 : i32
        %eq3A_559 = arith.cmpi eq, %jit3A_557, %eq3A_558 : i32
        %jit3A_560 = arith.constant 1 : i32
        %select_n3A_561 = arith.select %eq3A_559, %jit3A_560, %jit3A_557 : i32
        %rem3A_562 = arith.remsi %add3A_556, %select_n3A_561 : i32
        %ne3A_563 = arith.constant 0 : i32
        %ne3A_564 = arith.cmpi ne, %rem3A_562, %ne3A_563 : i32
        %lt3A_565 = arith.constant 0 : i32
        %lt3A_566 = arith.cmpi slt, %rem3A_562, %lt3A_565 : i32
        %lt3A_567 = arith.constant 0 : i32
        %lt3A_568 = arith.cmpi slt, %select_n3A_561, %lt3A_567 : i32
        %ne3A_569 = arith.xori %lt3A_566, %lt3A_568 : i1
        %and3A_570 = arith.andi %ne3A_569, %ne3A_564 : i1
        %add3A_571 = arith.addi %rem3A_562, %select_n3A_561 : i32
        %select_n3A_572 = arith.select %and3A_570, %add3A_571, %rem3A_562 : i32
        %eq3A_573 = arith.constant 0 : i32
        %eq3A_574 = arith.cmpi eq, %select_n3A_572, %eq3A_573 : i32
        %convert_element_type3A_575 = arith.extui %eq3A_574 : i1 to i32
        %cond3A_576 = arith.constant 0 : i32
        %cond3A_577 = arith.cmpi ne, %convert_element_type3A_575, %cond3A_576 : i32
        scf.if %cond3A_577 {
          %add3A_714 = arith.constant 2 : i32
          %add3A_715 = arith.addi %add3A_340, %add3A_714 : i32
          %jit3A_716 = arith.constant 10 : i32
          %div3A_717 = arith.divsi %add3A_715, %jit3A_716 : i32
          %sign3A_718 = arith.constant 0 : i32
          %sign3A_719 = arith.cmpi sgt, %add3A_715, %sign3A_718 : i32
          %sign3A_720 = arith.extui %sign3A_719 : i1 to i32
          %sign3A_721 = arith.constant 0 : i32
          %sign3A_722 = arith.cmpi slt, %add3A_715, %sign3A_721 : i32
          %sign3A_723 = arith.extui %sign3A_722 : i1 to i32
          %sign3A_724 = arith.subi %sign3A_720, %sign3A_723 : i32
          %sign3A_725 = arith.constant 0 : i32
          %sign3A_726 = arith.cmpi sgt, %jit3A_716, %sign3A_725 : i32
          %sign3A_727 = arith.extui %sign3A_726 : i1 to i32
          %sign3A_728 = arith.constant 0 : i32
          %sign3A_729 = arith.cmpi slt, %jit3A_716, %sign3A_728 : i32
          %sign3A_730 = arith.extui %sign3A_729 : i1 to i32
          %sign3A_731 = arith.subi %sign3A_727, %sign3A_730 : i32
          %ne3A_732 = arith.cmpi ne, %sign3A_724, %sign3A_731 : i32
          %rem3A_733 = arith.remsi %add3A_715, %jit3A_716 : i32
          %ne3A_734 = arith.constant 0 : i32
          %ne3A_735 = arith.cmpi ne, %rem3A_733, %ne3A_734 : i32
          %and3A_736 = arith.andi %ne3A_732, %ne3A_735 : i1
          %sub3A_737 = arith.constant 1 : i32
          %sub3A_738 = arith.subi %div3A_717, %sub3A_737 : i32
          %select_n3A_739 = arith.select %and3A_736, %sub3A_738, %div3A_717 : i32
          %mul3A_740 = arith.constant 10 : i32
          %mul3A_741 = arith.muli %select_n3A_739, %mul3A_740 : i32
          %jit3A_742 = arith.constant 2 : i32
          %eq3A_743 = arith.constant 0 : i32
          %eq3A_744 = arith.cmpi eq, %jit3A_742, %eq3A_743 : i32
          %jit3A_745 = arith.constant 1 : i32
          %select_n3A_746 = arith.select %eq3A_744, %jit3A_745, %jit3A_742 : i32
          %rem3A_747 = arith.remsi %select_n3A_739, %select_n3A_746 : i32
          %ne3A_748 = arith.constant 0 : i32
          %ne3A_749 = arith.cmpi ne, %rem3A_747, %ne3A_748 : i32
          %lt3A_750 = arith.constant 0 : i32
          %lt3A_751 = arith.cmpi slt, %rem3A_747, %lt3A_750 : i32
          %lt3A_752 = arith.constant 0 : i32
          %lt3A_753 = arith.cmpi slt, %select_n3A_746, %lt3A_752 : i32
          %ne3A_754 = arith.xori %lt3A_751, %lt3A_753 : i1
          %and3A_755 = arith.andi %ne3A_754, %ne3A_749 : i1
          %add3A_756 = arith.addi %rem3A_747, %select_n3A_746 : i32
          %select_n3A_757 = arith.select %and3A_755, %add3A_756, %rem3A_747 : i32
          %dma_wait3A_758 = arith.constant 0 : i32
          %dma_wait3A_759 = arith.constant 0 : i32
          %dma_wait3A_760 = tpu.memref_slice %arg9[%select_n3A_757, %dma_wait3A_758, %dma_wait3A_759] : memref<2x10x40xi32, #tpu.memory_space<vmem>> -> memref<1x10x40xi32, #tpu.memory_space<vmem>>
          %dma_wait3A_761 = tpu.memref_squeeze %dma_wait3A_760 : memref<1x10x40xi32, #tpu.memory_space<vmem>> -> memref<10x40xi32, #tpu.memory_space<vmem>>
          %dma_wait3A_762 = arith.constant 0 : i32
          %dma_wait3A_763 = tpu.memref_slice %arg2[%add3A, %mul3A_741, %dma_wait3A_762] : memref<32x250x40xi32, #tpu.memory_space<hbm>> -> memref<1x10x40xi32, #tpu.memory_space<hbm>>
          %dma_wait3A_764 = tpu.memref_squeeze %dma_wait3A_763 : memref<1x10x40xi32, #tpu.memory_space<hbm>> -> memref<10x40xi32, #tpu.memory_space<hbm>>
          %dma_wait3A_765 = arith.constant 0 : i32
          %dma_wait3A_766 = arith.constant 0 : i32
          %dma_wait3A_767 = tpu.memref_slice %arg9[%select_n3A_757, %dma_wait3A_765, %dma_wait3A_766] : memref<2x10x40xi32, #tpu.memory_space<vmem>> -> memref<1x10x40xi32, #tpu.memory_space<vmem>>
          %dma_wait3A_768 = tpu.memref_squeeze %dma_wait3A_767 : memref<1x10x40xi32, #tpu.memory_space<vmem>> -> memref<10x40xi32, #tpu.memory_space<vmem>>
          %dma_wait3A_769 = arith.constant 0 : i32
          %dma_wait3A_770 = tpu.memref_slice %arg2[%add3A, %mul3A_741, %dma_wait3A_769] : memref<32x250x40xi32, #tpu.memory_space<hbm>> -> memref<1x10x40xi32, #tpu.memory_space<hbm>>
          %dma_wait3A_771 = tpu.memref_squeeze %dma_wait3A_770 : memref<1x10x40xi32, #tpu.memory_space<hbm>> -> memref<10x40xi32, #tpu.memory_space<hbm>>
          tpu.wait_dma2 semaphore(%arg25 : memref<!tpu.dma_semaphore, #tpu.memory_space<semaphore_mem>>) src(%dma_wait3A_771 : memref<10x40xi32, #tpu.memory_space<hbm>>) dst(%dma_wait3A_768 : memref<10x40xi32, #tpu.memory_space<vmem>>)
          %mul3A_772 = arith.constant 10 : i32
          %mul3A_773 = arith.muli %select_n3A_739, %mul3A_772 : i32
          %jit3A_774 = arith.constant 2 : i32
          %eq3A_775 = arith.constant 0 : i32
          %eq3A_776 = arith.cmpi eq, %jit3A_774, %eq3A_775 : i32
          %jit3A_777 = arith.constant 1 : i32
          %select_n3A_778 = arith.select %eq3A_776, %jit3A_777, %jit3A_774 : i32
          %rem3A_779 = arith.remsi %select_n3A_739, %select_n3A_778 : i32
          %ne3A_780 = arith.constant 0 : i32
          %ne3A_781 = arith.cmpi ne, %rem3A_779, %ne3A_780 : i32
          %lt3A_782 = arith.constant 0 : i32
          %lt3A_783 = arith.cmpi slt, %rem3A_779, %lt3A_782 : i32
          %lt3A_784 = arith.constant 0 : i32
          %lt3A_785 = arith.cmpi slt, %select_n3A_778, %lt3A_784 : i32
          %ne3A_786 = arith.xori %lt3A_783, %lt3A_785 : i1
          %and3A_787 = arith.andi %ne3A_786, %ne3A_781 : i1
          %add3A_788 = arith.addi %rem3A_779, %select_n3A_778 : i32
          %select_n3A_789 = arith.select %and3A_787, %add3A_788, %rem3A_779 : i32
          %dma_wait3A_790 = arith.constant 0 : i32
          %dma_wait3A_791 = arith.constant 0 : i32
          %dma_wait3A_792 = tpu.memref_slice %arg10[%select_n3A_789, %dma_wait3A_790, %dma_wait3A_791] : memref<2x10x40xi32, #tpu.memory_space<vmem>> -> memref<1x10x40xi32, #tpu.memory_space<vmem>>
          %dma_wait3A_793 = tpu.memref_squeeze %dma_wait3A_792 : memref<1x10x40xi32, #tpu.memory_space<vmem>> -> memref<10x40xi32, #tpu.memory_space<vmem>>
          %dma_wait3A_794 = arith.constant 0 : i32
          %dma_wait3A_795 = tpu.memref_slice %arg3[%add3A, %mul3A_773, %dma_wait3A_794] : memref<32x250x40xi32, #tpu.memory_space<hbm>> -> memref<1x10x40xi32, #tpu.memory_space<hbm>>
          %dma_wait3A_796 = tpu.memref_squeeze %dma_wait3A_795 : memref<1x10x40xi32, #tpu.memory_space<hbm>> -> memref<10x40xi32, #tpu.memory_space<hbm>>
          %dma_wait3A_797 = arith.constant 0 : i32
          %dma_wait3A_798 = arith.constant 0 : i32
          %dma_wait3A_799 = tpu.memref_slice %arg10[%select_n3A_789, %dma_wait3A_797, %dma_wait3A_798] : memref<2x10x40xi32, #tpu.memory_space<vmem>> -> memref<1x10x40xi32, #tpu.memory_space<vmem>>
          %dma_wait3A_800 = tpu.memref_squeeze %dma_wait3A_799 : memref<1x10x40xi32, #tpu.memory_space<vmem>> -> memref<10x40xi32, #tpu.memory_space<vmem>>
          %dma_wait3A_801 = arith.constant 0 : i32
          %dma_wait3A_802 = tpu.memref_slice %arg3[%add3A, %mul3A_773, %dma_wait3A_801] : memref<32x250x40xi32, #tpu.memory_space<hbm>> -> memref<1x10x40xi32, #tpu.memory_space<hbm>>
          %dma_wait3A_803 = tpu.memref_squeeze %dma_wait3A_802 : memref<1x10x40xi32, #tpu.memory_space<hbm>> -> memref<10x40xi32, #tpu.memory_space<hbm>>
          tpu.wait_dma2 semaphore(%arg25 : memref<!tpu.dma_semaphore, #tpu.memory_space<semaphore_mem>>) src(%dma_wait3A_803 : memref<10x40xi32, #tpu.memory_space<hbm>>) dst(%dma_wait3A_800 : memref<10x40xi32, #tpu.memory_space<vmem>>)
        } else {
        }
        %add3A_578 = arith.constant 2 : i32
        %add3A_579 = arith.addi %add3A_340, %add3A_578 : i32
        %mul3A_580 = arith.constant 5000 : i32
        %mul3A_581 = arith.muli %add3A, %mul3A_580 : i32
        %multiple_of3A_582 = tpu.assume_multiple %mul3A_581, 4 : i32
        %mul3A_583 = arith.constant 20 : i32
        %mul3A_584 = arith.muli %add3A_579, %mul3A_583 : i32
        %add3A_585 = arith.addi %multiple_of3A_582, %mul3A_584 : i32
        %jit3A_586 = arith.constant 10 : i32
        %div3A_587 = arith.divsi %add3A_579, %jit3A_586 : i32
        %sign3A_588 = arith.constant 0 : i32
        %sign3A_589 = arith.cmpi sgt, %add3A_579, %sign3A_588 : i32
        %sign3A_590 = arith.extui %sign3A_589 : i1 to i32
        %sign3A_591 = arith.constant 0 : i32
        %sign3A_592 = arith.cmpi slt, %add3A_579, %sign3A_591 : i32
        %sign3A_593 = arith.extui %sign3A_592 : i1 to i32
        %sign3A_594 = arith.subi %sign3A_590, %sign3A_593 : i32
        %sign3A_595 = arith.constant 0 : i32
        %sign3A_596 = arith.cmpi sgt, %jit3A_586, %sign3A_595 : i32
        %sign3A_597 = arith.extui %sign3A_596 : i1 to i32
        %sign3A_598 = arith.constant 0 : i32
        %sign3A_599 = arith.cmpi slt, %jit3A_586, %sign3A_598 : i32
        %sign3A_600 = arith.extui %sign3A_599 : i1 to i32
        %sign3A_601 = arith.subi %sign3A_597, %sign3A_600 : i32
        %ne3A_602 = arith.cmpi ne, %sign3A_594, %sign3A_601 : i32
        %rem3A_603 = arith.remsi %add3A_579, %jit3A_586 : i32
        %ne3A_604 = arith.constant 0 : i32
        %ne3A_605 = arith.cmpi ne, %rem3A_603, %ne3A_604 : i32
        %and3A_606 = arith.andi %ne3A_602, %ne3A_605 : i1
        %sub3A_607 = arith.constant 1 : i32
        %sub3A_608 = arith.subi %div3A_587, %sub3A_607 : i32
        %select_n3A_609 = arith.select %and3A_606, %sub3A_608, %div3A_587 : i32
        %jit3A_610 = arith.constant 2 : i32
        %eq3A_611 = arith.constant 0 : i32
        %eq3A_612 = arith.cmpi eq, %jit3A_610, %eq3A_611 : i32
        %jit3A_613 = arith.constant 1 : i32
        %select_n3A_614 = arith.select %eq3A_612, %jit3A_613, %jit3A_610 : i32
        %rem3A_615 = arith.remsi %select_n3A_609, %select_n3A_614 : i32
        %ne3A_616 = arith.constant 0 : i32
        %ne3A_617 = arith.cmpi ne, %rem3A_615, %ne3A_616 : i32
        %lt3A_618 = arith.constant 0 : i32
        %lt3A_619 = arith.cmpi slt, %rem3A_615, %lt3A_618 : i32
        %lt3A_620 = arith.constant 0 : i32
        %lt3A_621 = arith.cmpi slt, %select_n3A_614, %lt3A_620 : i32
        %ne3A_622 = arith.xori %lt3A_619, %lt3A_621 : i1
        %and3A_623 = arith.andi %ne3A_622, %ne3A_617 : i1
        %add3A_624 = arith.addi %rem3A_615, %select_n3A_614 : i32
        %select_n3A_625 = arith.select %and3A_623, %add3A_624, %rem3A_615 : i32
        %jit3A_626 = arith.constant 10 : i32
        %eq3A_627 = arith.constant 0 : i32
        %eq3A_628 = arith.cmpi eq, %jit3A_626, %eq3A_627 : i32
        %jit3A_629 = arith.constant 1 : i32
        %select_n3A_630 = arith.select %eq3A_628, %jit3A_629, %jit3A_626 : i32
        %rem3A_631 = arith.remsi %add3A_579, %select_n3A_630 : i32
        %ne3A_632 = arith.constant 0 : i32
        %ne3A_633 = arith.cmpi ne, %rem3A_631, %ne3A_632 : i32
        %lt3A_634 = arith.constant 0 : i32
        %lt3A_635 = arith.cmpi slt, %rem3A_631, %lt3A_634 : i32
        %lt3A_636 = arith.constant 0 : i32
        %lt3A_637 = arith.cmpi slt, %select_n3A_630, %lt3A_636 : i32
        %ne3A_638 = arith.xori %lt3A_635, %lt3A_637 : i1
        %and3A_639 = arith.andi %ne3A_638, %ne3A_633 : i1
        %add3A_640 = arith.addi %rem3A_631, %select_n3A_630 : i32
        %select_n3A_641 = arith.select %and3A_639, %add3A_640, %rem3A_631 : i32
        %dma_start3A_642 = arith.constant 0 : i32
        %dma_start3A_643 = tpu.memref_slice %arg9[%select_n3A_625, %select_n3A_641, %dma_start3A_642] : memref<2x10x40xi32, #tpu.memory_space<vmem>> -> memref<1x1x40xi32, #tpu.memory_space<vmem>>
        %dma_start3A_644 = tpu.memref_squeeze %dma_start3A_643 : memref<1x1x40xi32, #tpu.memory_space<vmem>> -> memref<40xi32, #tpu.memory_space<vmem>>
        %dma_start3A_645 = arith.constant 0 : i32
        %dma_start3A_646 = arith.constant 0 : i32
        %dma_start3A_647 = tpu.memref_slice %arg4[%dma_start3A_645, %dma_start3A_646] : memref<10000x128xf32, #tpu.memory_space<hbm>> -> memref<10000x128xf32, #tpu.memory_space<hbm>>
        tpu.enqueue_indirect_dma source(%dma_start3A_647 : memref<10000x128xf32, #tpu.memory_space<hbm>>) target(%arg12 : memref<40x128xf32, #tpu.memory_space<vmem>>) offsets(%dma_start3A_644 : memref<40xi32, #tpu.memory_space<vmem>>) semaphore(%arg22 : memref<!tpu.dma_semaphore, #tpu.memory_space<semaphore_mem>>)
        %jit3A_648 = arith.constant 10 : i32
        %div3A_649 = arith.divsi %add3A_579, %jit3A_648 : i32
        %sign3A_650 = arith.constant 0 : i32
        %sign3A_651 = arith.cmpi sgt, %add3A_579, %sign3A_650 : i32
        %sign3A_652 = arith.extui %sign3A_651 : i1 to i32
        %sign3A_653 = arith.constant 0 : i32
        %sign3A_654 = arith.cmpi slt, %add3A_579, %sign3A_653 : i32
        %sign3A_655 = arith.extui %sign3A_654 : i1 to i32
        %sign3A_656 = arith.subi %sign3A_652, %sign3A_655 : i32
        %sign3A_657 = arith.constant 0 : i32
        %sign3A_658 = arith.cmpi sgt, %jit3A_648, %sign3A_657 : i32
        %sign3A_659 = arith.extui %sign3A_658 : i1 to i32
        %sign3A_660 = arith.constant 0 : i32
        %sign3A_661 = arith.cmpi slt, %jit3A_648, %sign3A_660 : i32
        %sign3A_662 = arith.extui %sign3A_661 : i1 to i32
        %sign3A_663 = arith.subi %sign3A_659, %sign3A_662 : i32
        %ne3A_664 = arith.cmpi ne, %sign3A_656, %sign3A_663 : i32
        %rem3A_665 = arith.remsi %add3A_579, %jit3A_648 : i32
        %ne3A_666 = arith.constant 0 : i32
        %ne3A_667 = arith.cmpi ne, %rem3A_665, %ne3A_666 : i32
        %and3A_668 = arith.andi %ne3A_664, %ne3A_667 : i1
        %sub3A_669 = arith.constant 1 : i32
        %sub3A_670 = arith.subi %div3A_649, %sub3A_669 : i32
        %select_n3A_671 = arith.select %and3A_668, %sub3A_670, %div3A_649 : i32
        %jit3A_672 = arith.constant 2 : i32
        %eq3A_673 = arith.constant 0 : i32
        %eq3A_674 = arith.cmpi eq, %jit3A_672, %eq3A_673 : i32
        %jit3A_675 = arith.constant 1 : i32
        %select_n3A_676 = arith.select %eq3A_674, %jit3A_675, %jit3A_672 : i32
        %rem3A_677 = arith.remsi %select_n3A_671, %select_n3A_676 : i32
        %ne3A_678 = arith.constant 0 : i32
        %ne3A_679 = arith.cmpi ne, %rem3A_677, %ne3A_678 : i32
        %lt3A_680 = arith.constant 0 : i32
        %lt3A_681 = arith.cmpi slt, %rem3A_677, %lt3A_680 : i32
        %lt3A_682 = arith.constant 0 : i32
        %lt3A_683 = arith.cmpi slt, %select_n3A_676, %lt3A_682 : i32
        %ne3A_684 = arith.xori %lt3A_681, %lt3A_683 : i1
        %and3A_685 = arith.andi %ne3A_684, %ne3A_679 : i1
        %add3A_686 = arith.addi %rem3A_677, %select_n3A_676 : i32
        %select_n3A_687 = arith.select %and3A_685, %add3A_686, %rem3A_677 : i32
        %jit3A_688 = arith.constant 10 : i32
        %eq3A_689 = arith.constant 0 : i32
        %eq3A_690 = arith.cmpi eq, %jit3A_688, %eq3A_689 : i32
        %jit3A_691 = arith.constant 1 : i32
        %select_n3A_692 = arith.select %eq3A_690, %jit3A_691, %jit3A_688 : i32
        %rem3A_693 = arith.remsi %add3A_579, %select_n3A_692 : i32
        %ne3A_694 = arith.constant 0 : i32
        %ne3A_695 = arith.cmpi ne, %rem3A_693, %ne3A_694 : i32
        %lt3A_696 = arith.constant 0 : i32
        %lt3A_697 = arith.cmpi slt, %rem3A_693, %lt3A_696 : i32
        %lt3A_698 = arith.constant 0 : i32
        %lt3A_699 = arith.cmpi slt, %select_n3A_692, %lt3A_698 : i32
        %ne3A_700 = arith.xori %lt3A_697, %lt3A_699 : i1
        %and3A_701 = arith.andi %ne3A_700, %ne3A_695 : i1
        %add3A_702 = arith.addi %rem3A_693, %select_n3A_692 : i32
        %select_n3A_703 = arith.select %and3A_701, %add3A_702, %rem3A_693 : i32
        %dma_start3A_704 = arith.constant 0 : i32
        %dma_start3A_705 = tpu.memref_slice %arg10[%select_n3A_687, %select_n3A_703, %dma_start3A_704] : memref<2x10x40xi32, #tpu.memory_space<vmem>> -> memref<1x1x40xi32, #tpu.memory_space<vmem>>
        %dma_start3A_706 = tpu.memref_squeeze %dma_start3A_705 : memref<1x1x40xi32, #tpu.memory_space<vmem>> -> memref<40xi32, #tpu.memory_space<vmem>>
        %dma_start3A_707 = arith.constant 0 : i32
        %dma_start3A_708 = arith.constant 0 : i32
        %dma_start3A_709 = tpu.memref_slice %arg5[%dma_start3A_707, %dma_start3A_708] : memref<10000x128xf32, #tpu.memory_space<hbm>> -> memref<10000x128xf32, #tpu.memory_space<hbm>>
        tpu.enqueue_indirect_dma source(%dma_start3A_709 : memref<10000x128xf32, #tpu.memory_space<hbm>>) target(%arg14 : memref<40x128xf32, #tpu.memory_space<vmem>>) offsets(%dma_start3A_706 : memref<40xi32, #tpu.memory_space<vmem>>) semaphore(%arg22 : memref<!tpu.dma_semaphore, #tpu.memory_space<semaphore_mem>>)
        %dma_start3A_710 = arith.constant 0 : i32
        %dma_start3A_711 = tpu.memref_slice %arg6[%add3A_585, %dma_start3A_710] : memref<160000x128xi32, #tpu.memory_space<hbm>> -> memref<20x128xi32, #tpu.memory_space<hbm>>
        %dma_start3A_712 = arith.constant 0 : i32
        %dma_start3A_713 = tpu.memref_slice %arg6[%add3A_585, %dma_start3A_712] : memref<160000x128xi32, #tpu.memory_space<hbm>> -> memref<20x128xi32, #tpu.memory_space<hbm>>
        tpu.enqueue_dma source(%dma_start3A_713 : memref<20x128xi32, #tpu.memory_space<hbm>>) target(%arg16 : memref<20x128xi32, #tpu.memory_space<vmem>>) target_semaphore(%arg22 : memref<!tpu.dma_semaphore, #tpu.memory_space<semaphore_mem>>)
      } else {
      }
    }
    %scan3A_82 = arith.constant 125 : i32
    %dma_wait3A = arith.constant 0 : i32
    %dma_wait3A_83 = arith.constant 8 : i32
    %dma_wait3A_84 = arith.constant 0 : i32
    %dma_wait3A_85 = tpu.memref_slice %arg10[%dma_wait3A, %dma_wait3A_83, %dma_wait3A_84] : memref<2x10x40xi32, #tpu.memory_space<vmem>> -> memref<1x1x40xi32, #tpu.memory_space<vmem>>
    %dma_wait3A_86 = tpu.memref_squeeze %dma_wait3A_85 : memref<1x1x40xi32, #tpu.memory_space<vmem>> -> memref<40xi32, #tpu.memory_space<vmem>>
    %dma_wait3A_87 = arith.constant 0 : i32
    %dma_wait3A_88 = arith.constant 0 : i32
    %dma_wait3A_89 = tpu.memref_slice %arg20[%dma_wait3A_87, %dma_wait3A_88] : memref<10000x136xf32, #tpu.memory_space<vmem_shared>> -> memref<10000x136xf32, #tpu.memory_space<vmem_shared>>
    tpu.wait_indirect_dma semaphore(%arg23 : memref<!tpu.dma_semaphore, #tpu.memory_space<semaphore_mem>>) src(%arg17 : memref<40x136xf32, #tpu.memory_space<vmem>>) dst(%dma_wait3A_89 : memref<10000x136xf32, #tpu.memory_space<vmem_shared>>)
    %dma_wait3A_90 = arith.constant 0 : i32
    %dma_wait3A_91 = arith.constant 9 : i32
    %dma_wait3A_92 = arith.constant 0 : i32
    %dma_wait3A_93 = tpu.memref_slice %arg10[%dma_wait3A_90, %dma_wait3A_91, %dma_wait3A_92] : memref<2x10x40xi32, #tpu.memory_space<vmem>> -> memref<1x1x40xi32, #tpu.memory_space<vmem>>
    %dma_wait3A_94 = tpu.memref_squeeze %dma_wait3A_93 : memref<1x1x40xi32, #tpu.memory_space<vmem>> -> memref<40xi32, #tpu.memory_space<vmem>>
    %dma_wait3A_95 = arith.constant 0 : i32
    %dma_wait3A_96 = arith.constant 0 : i32
    %dma_wait3A_97 = tpu.memref_slice %arg20[%dma_wait3A_95, %dma_wait3A_96] : memref<10000x136xf32, #tpu.memory_space<vmem_shared>> -> memref<10000x136xf32, #tpu.memory_space<vmem_shared>>
    tpu.wait_indirect_dma semaphore(%arg24 : memref<!tpu.dma_semaphore, #tpu.memory_space<semaphore_mem>>) src(%arg18 : memref<40x136xf32, #tpu.memory_space<vmem>>) dst(%dma_wait3A_97 : memref<10000x136xf32, #tpu.memory_space<vmem_shared>>)
    %barrier3A_98 = arith.constant 0 : index
    tpu.barrier barrier_id(%barrier3A_98)
    %scan3A_99 = arith.constant 0 : i32
    %scan3A_100 = arith.constant 0 : i32
    %scan3A_101 = arith.constant 16 : i32
    %scan3A_102 = arith.addi %scan3A_100, %scan3A_101 : i32
    %scan3A_103 = arith.constant 1 : i32
    scf.for %scan3A_105 = %scan3A_100 to %scan3A_102 step %scan3A_103  : i32 {
      %mul3A_106 = arith.constant 16 : i32
      %mul3A_107 = arith.muli %scan3A_105, %mul3A_106 : i32
      %add3A_108 = arith.addi %arg1, %mul3A_107 : i32
      %lt3A = arith.constant 250 : i32
      %lt3A_109 = arith.cmpi slt, %add3A_108, %lt3A : i32
      %convert_element_type3A = arith.extui %lt3A_109 : i1 to i32
      %cond3A = arith.constant 0 : i32
      %cond3A_110 = arith.cmpi ne, %convert_element_type3A, %cond3A : i32
      scf.if %cond3A_110 {
        %mul3A_111 = arith.constant 40 : i32
        %mul3A_112 = arith.muli %add3A_108, %mul3A_111 : i32
        "tpu.region"() ({
          %run_scoped3A_115 = tpu.sem_alloc : memref<!tpu.dma_semaphore, #tpu.memory_space<semaphore_mem>>
          %dma_start3A_116 = arith.constant 0 : i32
          %dma_start3A_117 = tpu.memref_slice %arg20[%mul3A_112, %dma_start3A_116] : memref<10000x136xf32, #tpu.memory_space<vmem_shared>> -> memref<40x136xf32, #tpu.memory_space<vmem_shared>>
          %dma_start3A_118 = arith.constant 0 : i32
          %dma_start3A_119 = tpu.memref_slice %arg20[%mul3A_112, %dma_start3A_118] : memref<10000x136xf32, #tpu.memory_space<vmem_shared>> -> memref<40x136xf32, #tpu.memory_space<vmem_shared>>
          tpu.enqueue_dma source(%dma_start3A_119 : memref<40x136xf32, #tpu.memory_space<vmem_shared>>) target(%arg17 : memref<40x136xf32, #tpu.memory_space<vmem>>) target_semaphore(%run_scoped3A_115 : memref<!tpu.dma_semaphore, #tpu.memory_space<semaphore_mem>>)
          %dma_wait3A_120 = arith.constant 0 : i32
          %dma_wait3A_121 = tpu.memref_slice %arg20[%mul3A_112, %dma_wait3A_120] : memref<10000x136xf32, #tpu.memory_space<vmem_shared>> -> memref<40x136xf32, #tpu.memory_space<vmem_shared>>
          %dma_wait3A_122 = arith.constant 0 : i32
          %dma_wait3A_123 = tpu.memref_slice %arg20[%mul3A_112, %dma_wait3A_122] : memref<10000x136xf32, #tpu.memory_space<vmem_shared>> -> memref<40x136xf32, #tpu.memory_space<vmem_shared>>
          tpu.wait_dma2 semaphore(%run_scoped3A_115 : memref<!tpu.dma_semaphore, #tpu.memory_space<semaphore_mem>>) src(%dma_wait3A_123 : memref<40x136xf32, #tpu.memory_space<vmem_shared>>) dst(%arg17 : memref<40x136xf32, #tpu.memory_space<vmem>>)
          tpu.yield
        }) : () -> ()
        %mul3A_113 = arith.constant 40 : i32
        %mul3A_114 = arith.muli %add3A_108, %mul3A_113 : i32
        "tpu.region"() ({
          %run_scoped3A_115 = tpu.sem_alloc : memref<!tpu.dma_semaphore, #tpu.memory_space<semaphore_mem>>
          %dma_start3A_116 = arith.constant 0 : i32
          %dma_start3A_117 = tpu.memref_slice %arg8[%arg0, %mul3A_114, %dma_start3A_116] : memref<2x10000x136xf32, #tpu.memory_space<hbm>> -> memref<1x40x136xf32, #tpu.memory_space<hbm>>
          %dma_start3A_118 = tpu.memref_squeeze %dma_start3A_117 : memref<1x40x136xf32, #tpu.memory_space<hbm>> -> memref<40x136xf32, #tpu.memory_space<hbm>>
          %dma_start3A_119 = arith.constant 0 : i32
          %dma_start3A_120 = tpu.memref_slice %arg8[%arg0, %mul3A_114, %dma_start3A_119] : memref<2x10000x136xf32, #tpu.memory_space<hbm>> -> memref<1x40x136xf32, #tpu.memory_space<hbm>>
          %dma_start3A_121 = tpu.memref_squeeze %dma_start3A_120 : memref<1x40x136xf32, #tpu.memory_space<hbm>> -> memref<40x136xf32, #tpu.memory_space<hbm>>
          tpu.enqueue_dma source(%arg17 : memref<40x136xf32, #tpu.memory_space<vmem>>) target(%dma_start3A_121 : memref<40x136xf32, #tpu.memory_space<hbm>>) target_semaphore(%run_scoped3A_115 : memref<!tpu.dma_semaphore, #tpu.memory_space<semaphore_mem>>)
          %dma_wait3A_122 = arith.constant 0 : i32
          %dma_wait3A_123 = tpu.memref_slice %arg8[%arg0, %mul3A_114, %dma_wait3A_122] : memref<2x10000x136xf32, #tpu.memory_space<hbm>> -> memref<1x40x136xf32, #tpu.memory_space<hbm>>
          %dma_wait3A_124 = tpu.memref_squeeze %dma_wait3A_123 : memref<1x40x136xf32, #tpu.memory_space<hbm>> -> memref<40x136xf32, #tpu.memory_space<hbm>>
          %dma_wait3A_125 = arith.constant 0 : i32
          %dma_wait3A_126 = tpu.memref_slice %arg8[%arg0, %mul3A_114, %dma_wait3A_125] : memref<2x10000x136xf32, #tpu.memory_space<hbm>> -> memref<1x40x136xf32, #tpu.memory_space<hbm>>
          %dma_wait3A_127 = tpu.memref_squeeze %dma_wait3A_126 : memref<1x40x136xf32, #tpu.memory_space<hbm>> -> memref<40x136xf32, #tpu.memory_space<hbm>>
          tpu.wait_dma2 semaphore(%run_scoped3A_115 : memref<!tpu.dma_semaphore, #tpu.memory_space<semaphore_mem>>) src(%arg17 : memref<40x136xf32, #tpu.memory_space<vmem>>) dst(%dma_wait3A_127 : memref<40x136xf32, #tpu.memory_space<hbm>>)
          tpu.yield
        }) : () -> ()
      } else {
      }
    }
    %scan3A_104 = arith.constant 16 : i32
    return
  }
}

module attributes {stable_mosaic.version = 14 : i64} {
  func.func @_edge_mm_body(%arg0: i32, %arg1: memref<4000x16xf32, #tpu.memory_space<vmem>>, %arg2: memref<16x128xf32, #tpu.memory_space<vmem>>, %arg3: memref<2000x128xi32, #tpu.memory_space<vmem>>) attributes {dimension_semantics = [#tpu.dimension_semantics<arbitrary>], iteration_bounds = array<i64: 80>, scalar_prefetch = 0 : i64, scratch_operands = 0 : i64, tpu.core_type = #tpu.core_type<tc>, window_params = [{transform_indices = @transform_0, window_bounds = array<i64: 4000, 16>}, {pipeline_mode = #tpu.pipeline_mode<synchronous>, transform_indices = @transform_1, window_bounds = array<i64: 16, 128>}, {transform_indices = @transform_2, window_bounds = array<i64: 2000, 128>}]} {
    %get3A = arith.constant 0 : index
    %get3A_0 = arith.constant 0 : index
    %get3A_1 = vector.load %arg1[%get3A, %get3A_0] : memref<4000x16xf32, #tpu.memory_space<vmem>>, vector<4000x16xf32>
    %get3A_2 = arith.constant 0 : index
    %get3A_3 = arith.constant 0 : index
    %get3A_4 = vector.load %arg2[%get3A_2, %get3A_3] : memref<16x128xf32, #tpu.memory_space<vmem>>, vector<16x128xf32>
    %dot_general3A = arith.constant dense<0.000000e+00> : vector<4000x128xf32>
    %dot_general3A_5 = tpu.matmul %get3A_1, %get3A_4, %dot_general3A {dimension_numbers = #tpu.dot_dimension_numbers<[1], [0], [0], [1], [0, 0, 1, 1], [], []>, transpose_lhs_hint = false} : vector<4000x16xf32>, vector<16x128xf32>, vector<4000x128xf32> -> vector<4000x128xf32>
    %convert_element_type3A = arith.truncf %dot_general3A_5 : vector<4000x128xf32> to vector<4000x128xbf16>
    %bitcast3A = tpu.bitcast %convert_element_type3A : vector<4000x128xbf16> -> vector<2000x128xi32>
    %swap3A = arith.constant 0 : index
    %swap3A_6 = arith.constant 0 : index
    %swap3A_7 = vector.load %arg3[%swap3A, %swap3A_6] : memref<2000x128xi32, #tpu.memory_space<vmem>>, vector<2000x128xi32>
    tpu.vector_store %arg3[%swap3A, %swap3A_6], %bitcast3A {strides = array<i32>} : memref<2000x128xi32, #tpu.memory_space<vmem>>, vector<2000x128xi32>,
    return
  }
  func.func @transform_0(%arg0: i32) -> (i32, i32) {
    %c0_i32 = arith.constant 0 : i32
    %c0_i32_0 = arith.constant 0 : i32
    return %arg0, %c0_i32 : i32, i32
  }
  func.func @transform_1(%arg0: i32) -> (i32, i32) {
    %c0_i32 = arith.constant 0 : i32
    %c0_i32_0 = arith.constant 0 : i32
    %c0_i32_1 = arith.constant 0 : i32
    return %c0_i32, %c0_i32_0 : i32, i32
  }
  func.func @transform_2(%arg0: i32) -> (i32, i32) {
    %c0_i32 = arith.constant 0 : i32
    %c0_i32_0 = arith.constant 0 : i32
    return %arg0, %c0_i32 : i32, i32
  }
}

module attributes {stable_mosaic.version = 14 : i64} {
  func.func @_node_mm_body(%arg0: i32, %arg1: memref<1000x128xf32, #tpu.memory_space<vmem>>, %arg2: memref<128x128xf32, #tpu.memory_space<vmem>>, %arg3: memref<128x128xf32, #tpu.memory_space<vmem>>, %arg4: memref<1000x128xf32, #tpu.memory_space<vmem>>, %arg5: memref<1000x128xf32, #tpu.memory_space<vmem>>) attributes {dimension_semantics = [#tpu.dimension_semantics<arbitrary>], iteration_bounds = array<i64: 10>, scalar_prefetch = 0 : i64, scratch_operands = 0 : i64, tpu.core_type = #tpu.core_type<tc>, window_params = [{transform_indices = @transform_0, window_bounds = array<i64: 1000, 128>}, {pipeline_mode = #tpu.pipeline_mode<synchronous>, transform_indices = @transform_1, window_bounds = array<i64: 128, 128>}, {pipeline_mode = #tpu.pipeline_mode<synchronous>, transform_indices = @transform_2, window_bounds = array<i64: 128, 128>}, {transform_indices = @transform_3, window_bounds = array<i64: 1000, 128>}, {transform_indices = @transform_4, window_bounds = array<i64: 1000, 128>}]} {
    %get3A = arith.constant 0 : index
    %get3A_0 = arith.constant 0 : index
    %get3A_1 = vector.load %arg1[%get3A, %get3A_0] : memref<1000x128xf32, #tpu.memory_space<vmem>>, vector<1000x128xf32>
    %get3A_2 = arith.constant 0 : index
    %get3A_3 = arith.constant 0 : index
    %get3A_4 = vector.load %arg2[%get3A_2, %get3A_3] : memref<128x128xf32, #tpu.memory_space<vmem>>, vector<128x128xf32>
    %dot_general3A = arith.constant dense<0.000000e+00> : vector<1000x128xf32>
    %dot_general3A_5 = tpu.matmul %get3A_1, %get3A_4, %dot_general3A {dimension_numbers = #tpu.dot_dimension_numbers<[1], [0], [0], [1], [0, 0, 1, 1], [], []>, transpose_lhs_hint = false} : vector<1000x128xf32>, vector<128x128xf32>, vector<1000x128xf32> -> vector<1000x128xf32>
    %swap3A = arith.constant 0 : index
    %swap3A_6 = arith.constant 0 : index
    %swap3A_7 = vector.load %arg4[%swap3A, %swap3A_6] : memref<1000x128xf32, #tpu.memory_space<vmem>>, vector<1000x128xf32>
    tpu.vector_store %arg4[%swap3A, %swap3A_6], %dot_general3A_5 {strides = array<i32>} : memref<1000x128xf32, #tpu.memory_space<vmem>>, vector<1000x128xf32>,
    %get3A_8 = arith.constant 0 : index
    %get3A_9 = arith.constant 0 : index
    %get3A_10 = vector.load %arg3[%get3A_8, %get3A_9] : memref<128x128xf32, #tpu.memory_space<vmem>>, vector<128x128xf32>
    %dot_general3A_11 = arith.constant dense<0.000000e+00> : vector<1000x128xf32>
    %dot_general3A_12 = tpu.matmul %get3A_1, %get3A_10, %dot_general3A_11 {dimension_numbers = #tpu.dot_dimension_numbers<[1], [0], [0], [1], [0, 0, 1, 1], [], []>, transpose_lhs_hint = false} : vector<1000x128xf32>, vector<128x128xf32>, vector<1000x128xf32> -> vector<1000x128xf32>
    %swap3A_13 = arith.constant 0 : index
    %swap3A_14 = arith.constant 0 : index
    %swap3A_15 = vector.load %arg5[%swap3A_13, %swap3A_14] : memref<1000x128xf32, #tpu.memory_space<vmem>>, vector<1000x128xf32>
    tpu.vector_store %arg5[%swap3A_13, %swap3A_14], %dot_general3A_12 {strides = array<i32>} : memref<1000x128xf32, #tpu.memory_space<vmem>>, vector<1000x128xf32>,
    return
  }
  func.func @transform_0(%arg0: i32) -> (i32, i32) {
    %c0_i32 = arith.constant 0 : i32
    %c0_i32_0 = arith.constant 0 : i32
    return %arg0, %c0_i32 : i32, i32
  }
  func.func @transform_1(%arg0: i32) -> (i32, i32) {
    %c0_i32 = arith.constant 0 : i32
    %c0_i32_0 = arith.constant 0 : i32
    %c0_i32_1 = arith.constant 0 : i32
    return %c0_i32, %c0_i32_0 : i32, i32
  }
  func.func @transform_2(%arg0: i32) -> (i32, i32) {
    %c0_i32 = arith.constant 0 : i32
    %c0_i32_0 = arith.constant 0 : i32
    %c0_i32_1 = arith.constant 0 : i32
    return %c0_i32, %c0_i32_0 : i32, i32
  }
  func.func @transform_3(%arg0: i32) -> (i32, i32) {
    %c0_i32 = arith.constant 0 : i32
    %c0_i32_0 = arith.constant 0 : i32
    return %arg0, %c0_i32 : i32, i32
  }
  func.func @transform_4(%arg0: i32) -> (i32, i32) {
    %c0_i32 = arith.constant 0 : i32
    %c0_i32_0 = arith.constant 0 : i32
    return %arg0, %c0_i32 : i32, i32
  }
}

module attributes {stable_mosaic.version = 14 : i64} {
  func.func @_combine_mm_body(%arg0: i32, %arg1: memref<2x1000x136xf32, #tpu.memory_space<vmem>>, %arg2: memref<1x128xf32, #tpu.memory_space<vmem>>, %arg3: memref<128x128xf32, #tpu.memory_space<vmem>>, %arg4: memref<128x128xf32, #tpu.memory_space<vmem>>, %arg5: memref<1000x128xf32, #tpu.memory_space<vmem>>, %arg6: memref<1000x128xf32, #tpu.memory_space<vmem>>) attributes {dimension_semantics = [#tpu.dimension_semantics<arbitrary>], iteration_bounds = array<i64: 10>, scalar_prefetch = 0 : i64, scratch_operands = 0 : i64, tpu.core_type = #tpu.core_type<tc>, window_params = [{transform_indices = @transform_0, window_bounds = array<i64: 2, 1000, 136>}, {pipeline_mode = #tpu.pipeline_mode<synchronous>, transform_indices = @transform_1, window_bounds = array<i64: 1, 128>}, {pipeline_mode = #tpu.pipeline_mode<synchronous>, transform_indices = @transform_2, window_bounds = array<i64: 128, 128>}, {pipeline_mode = #tpu.pipeline_mode<synchronous>, transform_indices = @transform_3, window_bounds = array<i64: 128, 128>}, {transform_indices = @transform_4, window_bounds = array<i64: 1000, 128>}, {transform_indices = @transform_5, window_bounds = array<i64: 1000, 128>}]} {
    %get3A = arith.constant 0 : index
    %get3A_0 = arith.constant 0 : index
    %get3A_1 = arith.constant 0 : index
    %get3A_2 = vector.load %arg1[%get3A, %get3A_0, %get3A_1] : memref<2x1000x136xf32, #tpu.memory_space<vmem>>, vector<1x1000x136xf32>
    %get3A_3 = vector.shape_cast %get3A_2 : vector<1x1000x136xf32> to vector<1000x136xf32>
    %get3A_4 = arith.constant 1 : index
    %get3A_5 = arith.constant 0 : index
    %get3A_6 = arith.constant 0 : index
    %get3A_7 = vector.load %arg1[%get3A_4, %get3A_5, %get3A_6] : memref<2x1000x136xf32, #tpu.memory_space<vmem>>, vector<1x1000x136xf32>
    %get3A_8 = vector.shape_cast %get3A_7 : vector<1x1000x136xf32> to vector<1000x136xf32>
    %add3A = arith.addf %get3A_3, %get3A_8 : vector<1000x136xf32>
    %slice3A = vector.extract_strided_slice %add3A {offsets = [0, 0], sizes = [1000, 128], strides = [1, 1]} : vector<1000x136xf32> to vector<1000x128xf32>
    %slice3A_9 = vector.extract_strided_slice %add3A {offsets = [0, 128], sizes = [1000, 1], strides = [1, 1]} : vector<1000x136xf32> to vector<1000x1xf32>
    %add3A_10 = arith.constant 1.000000e-16 : f32
    %add3A_11 = vector.broadcast %add3A_10 : f32 to vector<1000x1xf32>
    %add3A_12 = arith.addf %slice3A_9, %add3A_11 : vector<1000x1xf32>
    %div3A = vector.broadcast %add3A_12 : vector<1000x1xf32> to vector<1000x128xf32>
    %div3A_13 = arith.divf %slice3A, %div3A : vector<1000x128xf32>
    %get3A_14 = arith.constant 0 : index
    %get3A_15 = arith.constant 0 : index
    %get3A_16 = vector.load %arg2[%get3A_14, %get3A_15] : memref<1x128xf32, #tpu.memory_space<vmem>>, vector<1x128xf32>
    %add3A_17 = vector.broadcast %get3A_16 : vector<1x128xf32> to vector<1000x128xf32>
    %add3A_18 = arith.addf %div3A_13, %add3A_17 : vector<1000x128xf32>
    %gt3A = arith.constant 0.000000e+00 : f32
    %gt3A_19 = vector.broadcast %gt3A : f32 to vector<1000x128xf32>
    %gt3A_20 = arith.cmpf ogt, %add3A_18, %gt3A_19 : vector<1000x128xf32>
    %exp3A = math.exp %add3A_18 : vector<1000x128xf32>
    %sub3A = arith.constant 1.000000e+00 : f32
    %sub3A_21 = vector.broadcast %sub3A : f32 to vector<1000x128xf32>
    %sub3A_22 = arith.subf %exp3A, %sub3A_21 : vector<1000x128xf32>
    %select_n3A = arith.select %gt3A_20, %add3A_18, %sub3A_22 : vector<1000x128xi1>, vector<1000x128xf32>
    %get3A_23 = arith.constant 0 : index
    %get3A_24 = arith.constant 0 : index
    %get3A_25 = vector.load %arg3[%get3A_23, %get3A_24] : memref<128x128xf32, #tpu.memory_space<vmem>>, vector<128x128xf32>
    %dot_general3A = arith.constant dense<0.000000e+00> : vector<1000x128xf32>
    %dot_general3A_26 = tpu.matmul %select_n3A, %get3A_25, %dot_general3A {dimension_numbers = #tpu.dot_dimension_numbers<[1], [0], [0], [1], [0, 0, 1, 1], [], []>, transpose_lhs_hint = false} : vector<1000x128xf32>, vector<128x128xf32>, vector<1000x128xf32> -> vector<1000x128xf32>
    %swap3A = arith.constant 0 : index
    %swap3A_27 = arith.constant 0 : index
    %swap3A_28 = vector.load %arg5[%swap3A, %swap3A_27] : memref<1000x128xf32, #tpu.memory_space<vmem>>, vector<1000x128xf32>
    tpu.vector_store %arg5[%swap3A, %swap3A_27], %dot_general3A_26 {strides = array<i32>} : memref<1000x128xf32, #tpu.memory_space<vmem>>, vector<1000x128xf32>,
    %get3A_29 = arith.constant 0 : index
    %get3A_30 = arith.constant 0 : index
    %get3A_31 = vector.load %arg4[%get3A_29, %get3A_30] : memref<128x128xf32, #tpu.memory_space<vmem>>, vector<128x128xf32>
    %dot_general3A_32 = arith.constant dense<0.000000e+00> : vector<1000x128xf32>
    %dot_general3A_33 = tpu.matmul %select_n3A, %get3A_31, %dot_general3A_32 {dimension_numbers = #tpu.dot_dimension_numbers<[1], [0], [0], [1], [0, 0, 1, 1], [], []>, transpose_lhs_hint = false} : vector<1000x128xf32>, vector<128x128xf32>, vector<1000x128xf32> -> vector<1000x128xf32>
    %swap3A_34 = arith.constant 0 : index
    %swap3A_35 = arith.constant 0 : index
    %swap3A_36 = vector.load %arg6[%swap3A_34, %swap3A_35] : memref<1000x128xf32, #tpu.memory_space<vmem>>, vector<1000x128xf32>
    tpu.vector_store %arg6[%swap3A_34, %swap3A_35], %dot_general3A_33 {strides = array<i32>} : memref<1000x128xf32, #tpu.memory_space<vmem>>, vector<1000x128xf32>,
    return
  }
  func.func @transform_0(%arg0: i32) -> (i32, i32, i32) {
    %c0_i32 = arith.constant 0 : i32
    %c0_i32_0 = arith.constant 0 : i32
    %c0_i32_1 = arith.constant 0 : i32
    return %c0_i32, %arg0, %c0_i32_0 : i32, i32, i32
  }
  func.func @transform_1(%arg0: i32) -> (i32, i32) {
    %c0_i32 = arith.constant 0 : i32
    %c0_i32_0 = arith.constant 0 : i32
    %c0_i32_1 = arith.constant 0 : i32
    return %c0_i32, %c0_i32_0 : i32, i32
  }
  func.func @transform_2(%arg0: i32) -> (i32, i32) {
    %c0_i32 = arith.constant 0 : i32
    %c0_i32_0 = arith.constant 0 : i32
    %c0_i32_1 = arith.constant 0 : i32
    return %c0_i32, %c0_i32_0 : i32, i32
  }
  func.func @transform_3(%arg0: i32) -> (i32, i32) {
    %c0_i32 = arith.constant 0 : i32
    %c0_i32_0 = arith.constant 0 : i32
    %c0_i32_1 = arith.constant 0 : i32
    return %c0_i32, %c0_i32_0 : i32, i32
  }
  func.func @transform_4(%arg0: i32) -> (i32, i32) {
    %c0_i32 = arith.constant 0 : i32
    %c0_i32_0 = arith.constant 0 : i32
    return %arg0, %c0_i32 : i32, i32
  }
  func.func @transform_5(%arg0: i32) -> (i32, i32) {
    %c0_i32 = arith.constant 0 : i32
    %c0_i32_0 = arith.constant 0 : i32
    return %arg0, %c0_i32 : i32, i32
  }
}

module attributes {stable_mosaic.version = 14 : i64} {
  func.func @_combine_final_body(%arg0: i32, %arg1: memref<2x1000x136xf32, #tpu.memory_space<vmem>>, %arg2: memref<1x128xf32, #tpu.memory_space<vmem>>, %arg3: memref<1000x128xf32, #tpu.memory_space<vmem>>) attributes {dimension_semantics = [#tpu.dimension_semantics<arbitrary>], iteration_bounds = array<i64: 10>, scalar_prefetch = 0 : i64, scratch_operands = 0 : i64, tpu.core_type = #tpu.core_type<tc>, window_params = [{transform_indices = @transform_0, window_bounds = array<i64: 2, 1000, 136>}, {pipeline_mode = #tpu.pipeline_mode<synchronous>, transform_indices = @transform_1, window_bounds = array<i64: 1, 128>}, {transform_indices = @transform_2, window_bounds = array<i64: 1000, 128>}]} {
    %get3A = arith.constant 0 : index
    %get3A_0 = arith.constant 0 : index
    %get3A_1 = arith.constant 0 : index
    %get3A_2 = vector.load %arg1[%get3A, %get3A_0, %get3A_1] : memref<2x1000x136xf32, #tpu.memory_space<vmem>>, vector<1x1000x136xf32>
    %get3A_3 = vector.shape_cast %get3A_2 : vector<1x1000x136xf32> to vector<1000x136xf32>
    %get3A_4 = arith.constant 1 : index
    %get3A_5 = arith.constant 0 : index
    %get3A_6 = arith.constant 0 : index
    %get3A_7 = vector.load %arg1[%get3A_4, %get3A_5, %get3A_6] : memref<2x1000x136xf32, #tpu.memory_space<vmem>>, vector<1x1000x136xf32>
    %get3A_8 = vector.shape_cast %get3A_7 : vector<1x1000x136xf32> to vector<1000x136xf32>
    %add3A = arith.addf %get3A_3, %get3A_8 : vector<1000x136xf32>
    %slice3A = vector.extract_strided_slice %add3A {offsets = [0, 0], sizes = [1000, 128], strides = [1, 1]} : vector<1000x136xf32> to vector<1000x128xf32>
    %slice3A_9 = vector.extract_strided_slice %add3A {offsets = [0, 128], sizes = [1000, 1], strides = [1, 1]} : vector<1000x136xf32> to vector<1000x1xf32>
    %add3A_10 = arith.constant 1.000000e-16 : f32
    %add3A_11 = vector.broadcast %add3A_10 : f32 to vector<1000x1xf32>
    %add3A_12 = arith.addf %slice3A_9, %add3A_11 : vector<1000x1xf32>
    %div3A = vector.broadcast %add3A_12 : vector<1000x1xf32> to vector<1000x128xf32>
    %div3A_13 = arith.divf %slice3A, %div3A : vector<1000x128xf32>
    %get3A_14 = arith.constant 0 : index
    %get3A_15 = arith.constant 0 : index
    %get3A_16 = vector.load %arg2[%get3A_14, %get3A_15] : memref<1x128xf32, #tpu.memory_space<vmem>>, vector<1x128xf32>
    %add3A_17 = vector.broadcast %get3A_16 : vector<1x128xf32> to vector<1000x128xf32>
    %add3A_18 = arith.addf %div3A_13, %add3A_17 : vector<1000x128xf32>
    %swap3A = arith.constant 0 : index
    %swap3A_19 = arith.constant 0 : index
    %swap3A_20 = vector.load %arg3[%swap3A, %swap3A_19] : memref<1000x128xf32, #tpu.memory_space<vmem>>, vector<1000x128xf32>
    tpu.vector_store %arg3[%swap3A, %swap3A_19], %add3A_18 {strides = array<i32>} : memref<1000x128xf32, #tpu.memory_space<vmem>>, vector<1000x128xf32>,
    return
  }
  func.func @transform_0(%arg0: i32) -> (i32, i32, i32) {
    %c0_i32 = arith.constant 0 : i32
    %c0_i32_0 = arith.constant 0 : i32
    %c0_i32_1 = arith.constant 0 : i32
    return %c0_i32, %arg0, %c0_i32_0 : i32, i32, i32
  }
  func.func @transform_1(%arg0: i32) -> (i32, i32) {
    %c0_i32 = arith.constant 0 : i32
    %c0_i32_0 = arith.constant 0 : i32
    %c0_i32_1 = arith.constant 0 : i32
    return %c0_i32, %c0_i32_0 : i32, i32
  }
  func.func @transform_2(%arg0: i32) -> (i32, i32) {
    %c0_i32 = arith.constant 0 : i32
    %c0_i32_0 = arith.constant 0 : i32
    return %arg0, %c0_i32 : i32, i32
  }
}

</mosaic_0001>

<sc_bundles>
// kernel: kernel.12.cloned.1.call-start
scs
__scs_entry_jumppad:
0x0: {  	(pc) =	sbr.rel $0x88, $3  }
0x1: {  	(tag) =	ssettag $0x0;
	lr =	simm.s32 $0x1  }
0x2: {  	[smem:$0x3F94] =	sst lr;
	_ =	strace $0xD0000000  }
0x3: {  	_ = 	snop  }
0x4: {  	_ = 	snop  }
0x5: {  	_ = 	snop  }
0x6: {  	_ = 	snop  }
0x7: {  	_ = 	snop  }
__scs_overlays_trampoline_lowered:
0x8: {  	[smem:$0x3FA3] =	sst s0  }
0x9: {  	[smem:$0x3FA4] =	sst s1  }
0xa: {  	[smem:$0x3FA5] =	sst s2  }
0xb: {  	[smem:$0x3FA6] =	sst s3  }
0xc: {  	[smem:$0x3FA7] =	sst s4  }
0xd: {  	[smem:$0x3FA8] =	sst s5  }
0xe: {  	[smem:$0x3FA9] =	sst s6  }
0xf: {  	[smem:$0x3FAA] =	sst s7  }
0x10: {  	[smem:$0x3FAB] =	sst s8  }
0x11: {  	[smem:$0x3FAC] =	sst s9;
	s0 =	simm.s32 @!p0 $0x0  }
0x12: {  	s1 =	sld [smem:$0x3F92];
	s0 =	simm.s32 @p0 $0x1  }
0x13: {  	[smem:$0x3FAD] =	sst s0;
	s0 =	simm.s32 @!p1 $0x0  }
0x14: {  	s2 =	sld [smem:$0x3F91];
	s0 =	simm.s32 @p1 $0x1  }
0x15: {  	[smem:$0x3FAE] =	sst s0;
	s0 =	simm.s32 @!p2 $0x0  }
0x16: {  	s3 =	sld [smem:$0x3FDB];
	s0 =	simm.s32 @p2 $0x1  }
0x17: {  	s4 =	simm.s32 $0x1BF5;
	[smem:$0x3FB0] =	sst s0  }
0x18: {  	s0 =	sld [smem:$0x3F93];
	_ =	swait.ge [sflag:s4], $0x0  }
0x19: {  	s7 =	sld [smem:$0x3F94]  }
0x1a: {  	s8 =	sadd.s32 $0xFFFFE003, lr  }
0x1b: {  	s9 =	sadd.s32 $0xFFFFFEF7, lr;
	s5 =	simm.s32 $0xFFFFFFFF;
	p2 =	slt.u32 s8, $0xFFFFF086  }
0x1c: {  	p1 =	slt.u32 s9, $0xF7A;
	s5 =	simm.s32 @!p2 $0x0  }
0x1d: {  	s5 =	simm.s32 @p1 $0x1;
	p0 =	seq.s32 s7, s2  }
0x1e: {  	s7 =	smul.u32 @!p0 $0xF7A, s2;
	p2 =	seq.s32 @!p0 s5, $0x0  }
0x1f: {  	s9 =	smul.u32 $0xF7A, s1;
	s8 =	simm.s32 @!p0 $0x1BF5;
	p2 =	por !p2, p0  }
0x20: {  	[sflag:s8] =	ssyncset.s32 @!p0 $0xFFFFF086;
	s6 =	sadd.s32 @!p0 s3, s7;
	s7 =	simm.s32 @!p0 $0x108  }
0x21: {  	s3 =	sadd.s32 s3, s9;
	s6 =	sadd.s32 @!p0 $0x88, s6;
	s7 =	simm.s32 @p2 $0x1082  }
0x22: {  	[simem:s7], [sflag:s8] =	dma.local @!p0 [hbm:s6], $0xF7A  }
0x23: {  	s9 =	sor.u32 $0xD0000000, s2;
	s6 =	simm.s32 $0x108;
	_ =	swait.ge @!p0 [sflag:s8], $0x0  }
0x24: {  	s3 =	sadd.s32 $0x88, s3;
	s6 =	simm.s32 @!p1 $0x1082;
	[sflag:s4] =	ssyncset.s32 $0xFFFFF086  }
0x25: {  	[simem:s6], [sflag:s4] =	dma.local [hbm:s3], $0xF7A  }
0x26: {  	[smem:$0x3F94] =	sst s1;
	(tag) =	ssettag s2;
	_ =	strace s9  }
0x27: {  	s1 =	sld [smem:$0x3FA4]  }
0x28: {  	s2 =	sld [smem:$0x3FA5]  }
0x29: {  	s4 =	sld [smem:$0x3FA7]  }
0x2a: {  	p0 =	seq.s32 s5, $0x0;
	s5 =	sld [smem:$0x3FA8]  }
0x2b: {  	s6 =	sld [smem:$0x3FA9]  }
0x2c: {  	s7 =	sld [smem:$0x3FAA]  }
0x2d: {  	s3 =	simm.s32 $0x108;
	s8 =	sld [smem:$0x3FAB]  }
0x2e: {  	s3 =	simm.s32 @!p0 $0x1082;
	s9 =	sld [smem:$0x3FAC]  }
0x2f: {  	lr =	sadd.s32 s0, s3;
	s0 =	sld [smem:$0x3FA3]  }
0x30: {  	s3 =	sld [smem:$0x3FA6]  }
0x31: {  	[smem:$0x3FAF] =	sst s10  }
0x32: {  	s10 =	sld [smem:$0x3FAD];
	_ =	sdelay $0x3  }
0x33: {  	p0 =	seq.s32 s10, $0x1;
	s10 =	sld [smem:$0x3FAF];
	_ =	sdelay $0x3  }
0x34: {  	[smem:$0x3FAF] =	sst s10  }
0x35: {  	s10 =	sld [smem:$0x3FAE];
	_ =	sdelay $0x3  }
0x36: {  	p1 =	seq.s32 s10, $0x1;
	s10 =	sld [smem:$0x3FAF];
	_ =	sdelay $0x3  }
0x37: {  	[smem:$0x3FAF] =	sst s10  }
0x38: {  	s10 =	sld [smem:$0x3FB0]  }
0x39: {  	_ = 	snop;
	(pc) =	sbr.ind lr, $3  }
0x3a: {  	_ = 	snop  }
0x3b: {  	_ = 	snop  }
0x3c: {  	p2 =	seq.s32 s10, $0x1;
	s10 =	sld [smem:$0x3FAF]  }
0x3d: {  	_ =	shalt  }
0x3e: {  	_ =	shalt  }
0x3f: {  	_ =	shalt  }
0x40: {  	_ =	shalt  }
0x41: {  	_ =	shalt  }
0x42: {  	_ =	shalt  }
0x43: {  	_ =	shalt  }
0x44: {  	_ =	shalt  }
0x45: {  	_ =	shalt  }
0x46: {  	_ =	shalt  }
0x47: {  	_ =	shalt  }
0x48: {  	_ =	shalt  }
0x49: {  	_ =	shalt  }
0x4a: {  	_ =	shalt  }
0x4b: {  	_ =	shalt  }
0x4c: {  	_ =	shalt  }
0x4d: {  	_ =	shalt  }
0x4e: {  	_ =	shalt  }
0x4f: {  	_ =	shalt  }
0x50: {  	_ =	shalt  }
0x51: {  	_ =	shalt  }
0x52: {  	_ =	shalt  }
0x53: {  	_ =	shalt  }
0x54: {  	_ =	shalt  }
0x55: {  	_ =	shalt  }
0x56: {  	_ =	shalt  }
0x57: {  	_ =	shalt  }
0x58: {  	_ =	shalt  }
0x59: {  	_ =	shalt  }
0x5a: {  	_ =	shalt  }
0x5b: {  	_ =	shalt  }
0x5c: {  	_ =	shalt  }
0x5d: {  	_ =	shalt  }
0x5e: {  	_ =	shalt  }
0x5f: {  	_ =	shalt  }
0x60: {  	_ =	shalt  }
0x61: {  	_ =	shalt  }
0x62: {  	_ =	shalt  }
0x63: {  	_ =	shalt  }
0x64: {  	_ =	shalt  }
0x65: {  	_ =	shalt  }
0x66: {  	_ =	shalt  }
0x67: {  	_ =	shalt  }
0x68: {  	_ =	shalt  }
0x69: {  	_ =	shalt  }
0x6a: {  	_ =	shalt  }
0x6b: {  	_ =	shalt  }
0x6c: {  	_ =	shalt  }
0x6d: {  	_ =	shalt  }
0x6e: {  	_ =	shalt  }
0x6f: {  	_ =	shalt  }
0x70: {  	_ =	shalt  }
0x71: {  	_ =	shalt  }
0x72: {  	_ =	shalt  }
0x73: {  	_ =	shalt  }
0x74: {  	_ =	shalt  }
0x75: {  	_ =	shalt  }
0x76: {  	_ =	shalt  }
0x77: {  	_ =	shalt  }
0x78: {  	_ =	shalt  }
0x79: {  	_ =	shalt  }
0x7a: {  	_ =	shalt  }
0x7b: {  	_ =	shalt  }
0x7c: {  	_ =	shalt  }
0x7d: {  	_ =	shalt  }
0x7e: {  	_ =	shalt  }
0x7f: {  	_ =	shalt  }
0x80: {  	_ =	shalt  }
0x81: {  	_ =	shalt  }
0x82: {  	_ =	shalt  }
0x83: {  	_ =	shalt  }
0x84: {  	_ =	shalt  }
0x85: {  	_ =	shalt  }
0x86: {  	_ =	shalt  }
0x87: {  	_ =	shalt  }
.Lfunc_end0:
.L_simem_size_0:
called_computation.1_lowered:
.L_overlay_start_0:
0x88: {  	s2 =	sld [smem:$0x3FD9]  }
0x89: {  	s3 =	sld [smem:$0x3FFE];
	_ =	sdelay $0x1  }
0x8a: {  	s1 =	srdreg.scid  }
0x8b: {  	s0 =	sand.u32 $0x1, s1  }
0x8c: {  	s17 =	sshll.u32 s0, $0xA;
	s2 =	sadd.s32 s3, s2  }
0x8d: {  	s2 =	sadd.s32 s2, s17  }
0x8e: {  	[smem:$0x3FBB] =	sst s2  }
0x8f: {  	_ = 	snop  }
0x90: {  	s2 =	sld [smem:$0x3FBE]  }
0x91: {  	s18 =	sld [smem:$0x3FD0];
	(tm) =	ssettm $0x1  }
0x92: {  	s4 =	sld [smem:$0x3FFB];
	_ =	sdelay $0x3  }
0x93: {  	_ =	strace s4  }
0x94: {  	s4 =	sld [smem:$0x3FFC];
	_ =	sdelay $0x3  }
0x95: {  	_ =	strace s4  }
0x96: {  	s4 =	sld [smem:$0x3FFD];
	_ =	sdelay $0x3  }
0x97: {  	_ =	strace s4  }
0x98: {  	_ =	strace $0x8FFFFFFF  }
0x99: {  	s19 =	sld [smem:$0x3FDB];
	_ =	sdelay $0x1  }
0x9a: {  	s5 =	simm.s32 $_scs_section_size  }
0x9b: {  	s6 =	simm.s32 $_size__tile_overlayer_lowered;
	s7 =	simm.s32 $_tile_overlayer_lowered  }
0x9c: {  	s22 =	simm.s32 $0x1BFF;
	s21 =	sshll.u32 s7, $0x1;
	s4 =	sadd.s32 s5, s19  }
0x9d: {  	s8 =	simm.s32 $0x0;
	s20 =	sshll.u32 s6, $0x1;
	s6 =	sadd.s32 s21, s4  }
0x9e: {  	[timem:s8], [sflag:s22] =	dma.local [hbm:s6], s20  }
0x9f: {  	_ =	swait.ge [sflag:s22], s20  }
0xa0: {  	s5 =	ssub.s32 $0x0, s20;
	[sflag:s22] =	ssyncset.done $0x0  }
0xa1: {  	[sflag:s22] =	ssyncadd.s32 s5;
	_ =	sdelay $0x1  }
0xa2: {  	s23 =	simm.s32 $0x1B8B  }
0xa3: {  	_ =	swait.ge [sflag:s23], $0x1  }
0xa4: {  	[sflag:s23] =	ssyncset.done $0x0  }
0xa5: {  	s25 =	simm.s32 $0x1B8E;
	s24 =	sld [smem:$0x3FFE];
	[sflag:s23] =	ssyncadd.s32 $0xFFFFFFFF  }
0xa6: {  	s26 =	simm.s32 $execute0_lowered;
	[smem:$0x3FD2] =	sst s25  }
0xa7: {  	s6 =	sshll.u32 s26, $0x1;
	_ =	strace $0x80000049;
	[dreg:$0x1] =	wrdreg $0xFFFFFFFF  }
0xa8: {  	s28 =	simm.s32 $_size_execute0_lowered;
	s4 =	sadd.s32 s4, s6;
	[dreg:$0x0] =	wrdreg $0x0  }
0xa9: {  	s6 =	sshll.u32 s28, $0x1;
	[dreg:$0x2] =	wrdreg s4  }
0xaa: {  	[dreg:$0x3] =	wrdreg s6  }
0xab: {  	[dreg:$0x4] =	wrdreg $0xC0  }
0xac: {  	_ =	task [dreg:s8], $0x5FFFF  }
0xad: {  	[dreg:$0x1] =	wrdreg $0xFFFFFFFF  }
0xae: {  	[dreg:$0x0] =	wrdreg $0x60  }
0xaf: {  	[dreg:$0x2] =	wrdreg s24  }
0xb0: {  	[dreg:$0x3] =	wrdreg s18  }
0xb1: {  	[dreg:$0x4] =	wrdreg s2  }
0xb2: {  	[dreg:$0x5] =	wrdreg $0x95400  }
0xb3: {  	[dreg:$0x6] =	wrdreg $0x9  }
0xb4: {  	_ =	task.clear_ibuf [dreg:s8], $0x7FFFF;
	_ =	strace $0x90000049  }
0xb5: {  	s29 =	simm.s32 $0x9;
	_ =	strace $0x8000004B  }
0xb6: {  	_ =	swait.ge [sflag:s29], $0x1  }
0xb7: {  	[sflag:s29] =	ssyncadd.s32 $0xFFFFFFFF  }
0xb8: {  	_ =	strace $0x9000004B  }
0xb9: {  	_ =	sfence  }
0xba: {  	s30 =	sld [smem:$0x0];
	_ =	sdelay $0x2  }
0xbb: {  	s31 =	sshll.u32 s1, $0xD;
	s1 =	sshrl.u32 s1, $0x2  }
0xbc: {  	s3 =	sand.u32 $0x4000, s31;
	s1 =	sadd.s32 s1, s30  }
0xbd: {  	s0 =	sor.u32 s3, s0;
	s1 =	sshll.u32 s1, $0x11  }
0xbe: {  	s0 =	sor.u32 s1, s0  }
0xbf: {  	s0 =	sadd.s32 $0x8F2B, s0  }
0xc0: {  	[sflag:s0] =	ssyncadd.remote.s32 $0x1  }
0xc1: {  	_ =	sfence.sel $0xFFFF  }
0xc2: {  	[dreg:$0x0] =	wrdreg $0xFFFFFFFF;
	(pc) =	sbr.abs _section_cstart, $3  }
0xc3: {  	[dreg:$0x1] =	wrdreg $0xFFFFFFFF  }
0xc4: {  	_ =	task.clear_ibuf [dreg:s8], $0x2FFFF;
	_ =	strace $0x9FFFFFFF  }
0xc5: {  	(tm) =	ssettm $0x7FFFFFFF  }
tec
execute0_lowered:
.L_overlay_start_1:
0x0: {  	(tag) =	ssettag $0x1  }
0x1: {  	s0 =	rddreg [dreg:$0x0]  }
0x2: {  	s1 =	rddreg [dreg:$0x1]  }
0x3: {  	s3 =	rddreg [dreg:$0x3]  }
0x4: {  	s5 =	simm.s32 $0x0;
	s2 =	srdreg.scid;
	s4 =	stileid.u32  }
0x5: {  	s19 =	simm.s32 $0x6;
	s29 =	simm.s32 $0x4240;
	s30 =	simm.s32 $0x6040  }
0x6: {  	s31 =	simm.s32 $0x1;
	[smem:$0x7FF] =	sst s5;
	s2 =	sand.u32 $0x1, s2  }
0x7: {  	s6 =	sadd.s32 $0xC200, s0;
	s11 =	smul.u32 $0x1540, s4;
	s7 =	sadd.s32 $0x2400, s0  }
0x8: {  	s8 =	sadd.s32 $0x16000, s0;
	s9 =	sadd.s32 $0x7E3400, s0;
	s16 =	smul.u32 $0x5500, s4  }
0x9: {  	s10 =	smul.u32 $0x14C080, s2;
	s12 =	sshll.u32 s2, $0x4;
	s2 =	ssub.s32 $0x2, s2  }
0xa: {  	_ =	strace $0x8000004A;
	s20 =	sor.u32 s4, s12;
	s22 =	sshrl.u32 s2, $0x1  }
0xb: {  	s28 =	sshrl.u32 s16, $0x2;
	s10 =	sadd.s32 s11, s10;
	s13 =	smul.u32 $0x9C400, s20  }
0xc: {  	s2 =	ssub.s32 s2, s22;
	s14 =	smul.u32 $0x13880, s20;
	s17 =	sadd.s32 s28, s3  }
0xd: {  	s22 =	simm.s32 $0x28;
	s21 =	sshrl.u32 s10, $0x3;
	s10 =	smul.u32 $0x2710, s20  }
0xe: {  	s2 =	smax.u32 s2, $0x1;
	s0 =	sadd.s32 s21, s0;
	s24 =	sshrl.u32 s13, $0x3  }
0xf: {  	s13 =	smul.u32 $0x1388, s20;
	s26 =	sadd.s32 s9, s14;
	[dreg:$0x9] =	wrdreg s2  }
0x10: {  	s2 =	simm.s32 $0x2;
	s21 =	simm.s32 $0x7F80;
	s23 =	sshrl.u32 s10, $0x3  }
0x11: {  	s25 =	sadd.s32 s9, s24;
	[dreg:$0x7] =	wrdreg s26;
	s15 =	sadd.s32 s6, s23  }
0x12: {  	s18 =	sadd.s32 $0x3D200, s0;
	s12 =	sadd.s32 s7, s23;
	[dreg:$0x5] =	wrdreg s15  }
0x13: {  	s26 =	simm.s32 $0x1A40;
	s11 =	sadd.s32 $0x140, s25;
	[dreg:$0x6] =	wrdreg s12  }
0x14: {  	v0 =	vimm.f32 $0.0e+00;
	s0 =	simm.s32 $0x6A40;
	s25 =	simm.s32 $0x0;
	[dreg:$0x8] =	wrdreg s11  }
.LBB2_1:
0x15: {  	s11 =	simm.s32 $0x0  }
0x16: {  	s12 =	simm.s32 $0x220;
	[tilespmem:s11+$0x6AB8] =	vst v0  }
.LBB2_2:
0x17: {  	p0 =	sne.s32 s12, $0x52E0;
	[tilespmem:s11+$0x6AB0] =	vst v0  }
0x18: {  	[tilespmem:s11+$0x6A40] =	vst v0  }
0x19: {  	[tilespmem:s11+$0x6A50] =	vst v0  }
0x1a: {  	[tilespmem:s11+$0x6A60] =	vst v0  }
.Ltmp0:
0x1b: {  	[tilespmem:s11+$0x6A70] =	vst v0;
	(pc) =	sbr.rel @p0 .LBB2_2-.Ltmp0, $4  }
0x1c: {  	[tilespmem:s11+$0x6A80] =	vst v0  }
0x1d: {  	[tilespmem:s11+$0x6A90] =	vst v0  }
0x1e: {  	[tilespmem:s11+$0x6AA0] =	vst v0;
	s11 =	sshra.s32 s12, $0x2  }
0x1f: {  	s12 =	sadd.s32 $0x220, s12;
	[tilespmem:s11+$0x6AB8] =	vst v0  }
0x20: {  	[tilespmem:s11+$0x6AB0] =	vst v0  }
0x21: {  	[tilespmem:s11+$0x6A40] =	vst v0  }
0x22: {  	[tilespmem:s11+$0x6A50] =	vst v0  }
0x23: {  	[tilespmem:s11+$0x6A60] =	vst v0  }
0x24: {  	[tilespmem:s11+$0x6A70] =	vst v0  }
0x25: {  	[tilespmem:s11+$0x6A80] =	vst v0;
	s12 =	sadd.s32 $0x0, s4  }
0x26: {  	[tilespmem:s11+$0x6A90] =	vst v0;
	p0 =	sgt.u32 s12, $0xF9  }
0x27: {  	[tilespmem:s11+$0x6AA0] =	vst v0;
	s11 =	simm.s32 @!p0 $0x6A40;
	s15 =	simm.s32 @!p0 $0x6  }
0x28: {  	[spmem:s17] =	stream.linear.scatter @!p0 [tilespmem:s11], [sflag:$0x6], $0x1540, $0x38;
	[tilespmem:$0x1E148] =	vst v63  }
0x29: {  	s14 =	simm.s32 $0x20;
	_ =	swait.ge @!p0 [sflag:s15], $0x1540  }
0x2a: {  	s12 =	simm.s32 $0x10;
	s11 =	sadd.s32 $0x15400, s17;
	[sflag:s15] =	ssyncset.done @!p0 $0x0  }
.LBB2_4:
0x2b: {  	s16 =	sadd.s32 s12, s4;
	s12 =	smov.u32 s14;
	s14 =	sadd.s32 $0x10, s14  }
0x2c: {  	[sflag:s15] =	ssyncadd.s32 @!p0 $0xFFFFEAC0;
	p1 =	sne.s32 s14, $0x100  }
.Ltmp1:
0x2d: {  	p0 =	sgt.u32 s16, $0xF9;
	(pc) =	sbr.rel @p1 .LBB2_4-.Ltmp1, $4  }
0x2e: {  	s16 =	simm.s32 @!p0 $0x6A40;
	s15 =	simm.s32 @!p0 $0x6  }
0x2f: {  	[spmem:s11] =	stream.linear.scatter @!p0 [tilespmem:s16], [sflag:$0x6], $0x1540, $0x38;
	[tilespmem:$0x1E148] =	vst v63  }
0x30: {  	_ =	swait.ge @!p0 [sflag:s15], $0x1540  }
0x31: {  	s11 =	sadd.s32 $0x15400, s11;
	[sflag:s15] =	ssyncset.done @!p0 $0x0  }
0x32: {  	s12 =	sadd.s32 s12, s4  }
0x33: {  	p1 =	sgt.u32 s12, $0xF9  }
0x34: {  	[sflag:s15] =	ssyncadd.s32 @!p0 $0xFFFFEAC0;
	s12 =	simm.s32 @!p1 $0x6A40;
	s14 =	simm.s32 @!p1 $0x6  }
0x35: {  	[spmem:s11] =	stream.linear.scatter @!p1 [tilespmem:s12], [sflag:$0x6], $0x1540, $0x38;
	[tilespmem:$0x1E148] =	vst v63  }
0x36: {  	_ =	swait.ge @!p1 [sflag:s14], $0x1540  }
0x37: {  	[sflag:s14] =	ssyncset.done @!p1 $0x0  }
0x38: {  	s28 =	simm.s32 $0x0;
	s15 =	rddreg [dreg:$0x5];
	[sflag:s14] =	ssyncadd.s32 @!p1 $0xFFFFEAC0  }
0x39: {  	[tilespmem:s28], [sflag:$0x6] =	stream.linear.gather [hbm4b:s15+s28], $0x190, $0x38;
	[tilespmem:$0x1E148] =	vst v63  }
0x3a: {  	_ =	swait.ge [sflag:s19], $0x190  }
0x3b: {  	[sflag:s19] =	ssyncset.done $0x0  }
0x3c: {  	s20 =	simm.s32 $0x320;
	s16 =	rddreg [dreg:$0x6];
	[sflag:s19] =	ssyncadd.s32 $0xFFFFFE70  }
0x3d: {  	[tilespmem:s20], [sflag:$0x6] =	stream.linear.gather [hbm4b:s16+s28], $0x190, $0x38;
	[tilespmem:$0x1E148] =	vst v63  }
0x3e: {  	_ =	swait.ge [sflag:s19], $0x190  }
0x3f: {  	[sflag:s19] =	ssyncset.done $0x0  }
0x40: {  	[sflag:s19] =	ssyncadd.s32 $0xFFFFFE70  }
0x41: {  	s24 =	simm.s32 $0x94C0;
	s23 =	rddreg [dreg:$0x2]  }
0x42: {  	[tilespmem:s24], [sflag:$0x6] =	stream.linear.gather [hbm4b:s23+s28], $0x80, $0x38;
	[tilespmem:$0x1E148] =	vst v63  }
0x43: {  	_ =	swait.ge [sflag:s19], $0x80  }
0x44: {  	[sflag:s19] =	ssyncset.done $0x0  }
0x45: {  	[sflag:s19] =	ssyncadd.s32 $0xFFFFFF80  }
0x46: {  	[bflag:$0x0] =	sbarrier.arrive $0xFFFF  }
0x47: {  	v1 =	vld [tilespmem:$0x94C0]  }
0x48: {  	v2 =	vld [tilespmem:$0x94D0]  }
0x49: {  	v3 =	vld [tilespmem:$0x94E0]  }
0x4a: {  	v4 =	vld [tilespmem:$0x94F0]  }
0x4b: {  	v5 =	vld [tilespmem:$0x9500]  }
0x4c: {  	v6 =	vld [tilespmem:$0x9510]  }
0x4d: {  	s14 =	simm.s32 $0x640;
	v7 =	vld [tilespmem:$0x9520]  }
0x4e: {  	v8 =	vld [tilespmem:$0x9530];
	[tilespmem:s14], [sflag:$0x1] =	stream.indirect.gather [hbm4b:s1+s22], $0x80, s28, s22, $0xb8  }
0x4f: {  	s15 =	simm.s32 $0x2E40  }
0x50: {  	[tilespmem:s15], [sflag:$0x1] =	stream.indirect.gather [hbm4b:s8+s22], $0x80, s20, s22, $0xb8;
	[tilespmem:$0x1E148] =	vst v63  }
0x51: {  	s16 =	rddreg [dreg:$0x7];
	s20 =	simm.s32 $0x5640  }
0x52: {  	[tilespmem:s20], [sflag:$0x1] =	stream.linear.gather [hbm4b:s16+s28], $0xA00, $0x38;
	[tilespmem:$0x1E148] =	vst v63  }
0x53: {  	_ = 	snop  }
0x54: {  	[tilespmem:s26], [sflag:$0x2] =	stream.indirect.gather [hbm4b:s1+s22], $0x80, s22, s22, $0xb8;
	[tilespmem:$0x1E148] =	vst v63  }
0x55: {  	s23 =	simm.s32 $0x348  }
0x56: {  	[tilespmem:s29], [sflag:$0x2] =	stream.indirect.gather [hbm4b:s8+s22], $0x80, s23, s22, $0xb8;
	[tilespmem:$0x1E148] =	vst v63  }
0x57: {  	s24 =	rddreg [dreg:$0x8]  }
0x58: {  	[tilespmem:s30], [sflag:$0x2] =	stream.linear.gather [hbm4b:s24+s28], $0xA00, $0x38;
	[tilespmem:$0x1E148] =	vst v63  }
.LBB2_6:
0x59: {  	_ =	swait.ge [sflag:s31], $0x1400  }
0x5a: {  	[sflag:s31] =	ssyncset.done $0x0  }
0x5b: {  	[sflag:s31] =	ssyncadd.s32 $0xFFFFEC00  }
0x5c: {  	_ =	swait.ge [sflag:s31], $0x1400  }
0x5d: {  	[sflag:s31] =	ssyncset.done $0x0  }
0x5e: {  	[sflag:s31] =	ssyncadd.s32 $0xFFFFEC00  }
0x5f: {  	_ =	swait.ge [sflag:s31], $0xA00  }
0x60: {  	p0 =	seq.s32 s28, $0x0;
	[sflag:s31] =	ssyncset.done $0x0  }
0x61: {  	s12 =	simm.s32 @!p0 $0x3;
	[sflag:s31] =	ssyncadd.s32 $0xFFFFF600  }
0x62: {  	_ =	swait.ge @!p0 [sflag:s12], $0x1540  }
0x63: {  	s11 =	sshll.u32 s28, $0x1;
	s14 =	simm.s32 $0x6AC8;
	[sflag:s12] =	ssyncset.done @!p0 $0x0  }
0x64: {  	s15 =	simm.s32 $0x0;
	[sflag:s12] =	ssyncadd.s32 @!p0 $0xFFFFEAC0;
	s12 =	simm.s32 $0x5680  }
.LBB2_7:
0x65: {  	v9 =	vld [tilespmem:s12+$0xFFFFFFC0]  }
0x66: {  	v10 =	vld [tilespmem:s12+$0xFFFFFFD0]  }
0x67: {  	v11 =	vld [tilespmem:s12+$0xFFFFFFE0]  }
0x68: {  	v12 =	vld [tilespmem:s12+$0xFFFFFFF0]  }
0x69: {  	v15 =	vld [tilespmem:s12+$0x0]  }
0x6a: {  	v18 =	vld [tilespmem:s12+$0x10]  }
0x6b: {  	s16 =	sshra.s32 s15, $0x2;
	v26 =	vld [tilespmem:s12+$0x20]  }
0x6c: {  	v13 =	vld [tilespmem:s16+$0x640]  }
0x6d: {  	v14 =	vld [tilespmem:s16+$0x2E40]  }
0x6e: {  	v16 =	vld [tilespmem:s16+$0x650]  }
0x6f: {  	v17 =	vld [tilespmem:s16+$0x2E50]  }
0x70: {  	v19 =	vld [tilespmem:s16+$0x660]  }
0x71: {  	v21 =	vld [tilespmem:s16+$0x670]  }
0x72: {  	v41 =	vld [tilespmem:s16+$0x2E60]  }
0x73: {  	v22 =	vld [tilespmem:s16+$0x2E70];
	v14 =	vadd.f32 v14, v13  }
0x74: {  	v24 =	vld [tilespmem:s16+$0x680];
	v20 =	vshll.u32 v9, $0x10  }
0x75: {  	v42 =	vld [tilespmem:s16+$0x2E80];
	v17 =	vadd.f32 v17, v16;
	v14 =	vadd.f32 v20, v14  }
0x76: {  	v43 =	vld [tilespmem:s16+$0x690];
	v23 =	vshll.u32 v10, $0x10;
	v28 =	vshll.u32 v11, $0x10;
	v29 =	vshll.u32 v12, $0x10  }
0x77: {  	v30 =	vld [tilespmem:s16+$0x2E90];
	v17 =	vadd.f32 v23, v17;
	v20 =	vadd.f32 v41, v19;
	v25 =	vmul.f32 $2.000000030e-01, v14  }
0x78: {  	v31 =	vld [tilespmem:s16+$0x6A0];
	v45 =	vshll.u32 v15, $0x10;
	v49 =	vshll.u32 v18, $0x10;
	v22 =	vadd.f32 v22, v21  }
0x79: {  	v44 =	vld [tilespmem:s16+$0x2EA0];
	v27 =	vmul.f32 $2.000000030e-01, v17;
	v20 =	vadd.f32 v28, v20;
	v14 =	vmax.f32 v14, v25  }
0x7a: {  	v46 =	vld [tilespmem:s16+$0x6B0];
	v51 =	vshll.u32 v26, $0x10;
	v22 =	vadd.f32 v29, v22;
	v14 =	vmul.f32 v14, v1  }
0x7b: {  	v48 =	vld [tilespmem:s16+$0x2EB0];
	v23 =	vadd.f32 v42, v24;
	v17 =	vmax.f32 v17, v27;
	v32 =	vmul.f32 $2.000000030e-01, v20  }
0x7c: {  	v30 =	vadd.f32 v30, v43;
	v17 =	vmul.f32 v17, v2;
	v14 =	vadd.f32 $0.0e+00, v14  }
0x7d: {  	v33 =	vld [tilespmem:s12+$0x30];
	v47 =	vmul.f32 $2.000000030e-01, v22;
	v23 =	vadd.f32 v45, v23;
	v20 =	vmax.f32 v20, v32  }
0x7e: {  	v30 =	vadd.f32 v49, v30;
	v20 =	vmul.f32 v20, v3;
	v14 =	vadd.f32 v17, v14  }
0x7f: {  	v50 =	vmul.f32 $2.000000030e-01, v23;
	v27 =	vadd.f32 v44, v31;
	v17 =	vmax.f32 v22, v47  }
0x80: {  	v55 =	vadd.f32 v48, v46;
	v17 =	vmul.f32 v17, v4;
	v14 =	vadd.f32 v20, v14  }
0x81: {  	v53 =	vmul.f32 $2.000000030e-01, v30;
	v52 =	vmax.f32 v23, v50;
	v54 =	vadd.f32 v51, v27  }
0x82: {  	v56 =	vshll.u32 v33, $0x10;
	v57 =	vmul.f32 v52, v5;
	v14 =	vadd.f32 v17, v14  }
0x83: {  	v58 =	vmax.f32 v30, v53;
	v27 =	vadd.f32 v56, v55;
	v59 =	vmul.f32 $2.000000030e-01, v54  }
0x84: {  	v60 =	vmul.f32 v58, v6;
	v14 =	vadd.f32 v57, v14  }
0x85: {  	v62 =	vmul.f32 $2.000000030e-01, v27;
	v61 =	vmax.f32 v54, v59  }
0x86: {  	v63 =	vmul.f32 v61, v7;
	v14 =	vadd.f32 v60, v14  }
0x87: {  	v28 =	vmax.f32 v27, v62  }
0x88: {  	v30 =	vmul.f32 v28, v8;
	v14 =	vadd.f32 v63, v14;
	_ =	sdelay $0x1  }
0x89: {  	v14 =	vadd.f32 v30, v14;
	_ =	sdelay $0x1  }
0x8a: {  	(xrf2) =	vadd.scan.msk.f32 $0xffff, v14;
	_ =	sdelay $0x9  }
0x8b: {  	v14, _, _ =	vpop (xrf2)  }
0x8c: {  	v14 =	vmul.f32 $1.442695020e+00, v14;
	_ =	sdelay $0x1  }
0x8d: {  	v14 =	vbroadcast v14, $0xF;
	_ =	sdelay $0x1  }
0x8e: {  	(erf) = vpow2.f32 v14;
	_ =	sdelay $0x8  }
0x8f: {  	v14 =	vpop (erf)  }
0x90: {  	v13 =	vmul.f32 v14, v13  }
0x91: {  	[tilespmem:s14+$0xFFFFFFF0] =	vst v14;
	v16 =	vmul.f32 v14, v16  }
0x92: {  	v32 =	vmul.f32 v14, v19;
	[tilespmem:s14+$0xFFFFFF78] =	vst v13  }
0x93: {  	v34 =	vmul.f32 v14, v21;
	[tilespmem:s14+$0xFFFFFF88] =	vst v16  }
0x94: {  	v35 =	vmul.f32 v14, v24;
	[tilespmem:s14+$0xFFFFFF98] =	vst v32  }
0x95: {  	v36 =	vmul.f32 v14, v43;
	[tilespmem:s14+$0xFFFFFFA8] =	vst v34  }
0x96: {  	v37 =	vmul.f32 v14, v31;
	[tilespmem:s14+$0xFFFFFFB8] =	vst v35  }
0x97: {  	v14 =	vmul.f32 v14, v46;
	[tilespmem:s14+$0xFFFFFFC8] =	vst v36  }
0x98: {  	[tilespmem:s14+$0xFFFFFFD8] =	vst v37  }
0x99: {  	[tilespmem:s14+$0xFFFFFFE8] =	vst v14  }
0x9a: {  	v13 =	vld [tilespmem:s16+$0x6C0]  }
0x9b: {  	v14 =	vld [tilespmem:s16+$0x2EC0]  }
0x9c: {  	v16 =	vld [tilespmem:s16+$0x6D0]  }
0x9d: {  	v38 =	vld [tilespmem:s16+$0x6E0]  }
0x9e: {  	v39 =	vld [tilespmem:s16+$0x2ED0]  }
0x9f: {  	v41 =	vld [tilespmem:s16+$0x2EE0]  }
0xa0: {  	v40 =	vld [tilespmem:s16+$0x6F0]  }
0xa1: {  	v42 =	vld [tilespmem:s16+$0x700];
	v14 =	vadd.f32 v14, v13  }
0xa2: {  	v9 =	vand.u32 $0xFFFF0000, v9;
	v43 =	vld [tilespmem:s16+$0x2EF0]  }
0xa3: {  	v44 =	vld [tilespmem:s16+$0x2F00];
	v19 =	vadd.f32 v39, v16;
	v9 =	vadd.f32 v9, v14  }
0xa4: {  	v10 =	vand.u32 $0xFFFF0000, v10;
	v11 =	vand.u32 $0xFFFF0000, v11;
	v46 =	vld [tilespmem:s16+$0x710];
	v47 =	vadd.f32 v41, v38  }
0xa5: {  	v12 =	vand.u32 $0xFFFF0000, v12;
	v48 =	vld [tilespmem:s16+$0x2F10];
	v10 =	vadd.f32 v10, v19;
	v45 =	vmul.f32 $2.000000030e-01, v9  }
0xa6: {  	v15 =	vand.u32 $0xFFFF0000, v15;
	v18 =	vand.u32 $0xFFFF0000, v18;
	v49 =	vld [tilespmem:s16+$0x720];
	v11 =	vadd.f32 v11, v47  }
0xa7: {  	v52 =	vld [tilespmem:s16+$0x2F20];
	v14 =	vadd.f32 v43, v40;
	v50 =	vmul.f32 $2.000000030e-01, v10;
	v9 =	vmax.f32 v9, v45  }
0xa8: {  	v51 =	vand.u32 $0xFFFF0000, v26;
	v23 =	vadd.f32 v44, v42;
	v9 =	vmul.f32 v9, v1  }
0xa9: {  	v53 =	vld [tilespmem:s16+$0x730];
	v54 =	vmul.f32 $2.000000030e-01, v11;
	v12 =	vadd.f32 v12, v14;
	v10 =	vmax.f32 v10, v50  }
0xaa: {  	v56 =	vld [tilespmem:s16+$0x2F30];
	v21 =	vadd.f32 v48, v46;
	v10 =	vmul.f32 v10, v2;
	v9 =	vadd.f32 $0.0e+00, v9  }
0xab: {  	v55 =	vadd.f32 v15, v23;
	v11 =	vmax.f32 v11, v54;
	v57 =	vmul.f32 $2.000000030e-01, v12  }
0xac: {  	v58 =	vadd.f32 v52, v49;
	v9 =	vadd.f32 v10, v9;
	v10 =	vmul.f32 v11, v3  }
0xad: {  	v18 =	vadd.f32 v18, v21;
	v12 =	vmax.f32 v12, v57;
	v11 =	vmul.f32 $2.000000030e-01, v55  }
0xae: {  	v60 =	vadd.f32 v51, v58;
	v9 =	vadd.f32 v10, v9;
	v10 =	vmul.f32 v12, v4  }
0xaf: {  	v15 =	vadd.f32 v56, v53;
	v59 =	vmul.f32 $2.000000030e-01, v18;
	v11 =	vmax.f32 v55, v11  }
0xb0: {  	v61 =	vand.u32 $0xFFFF0000, v33;
	v9 =	vadd.f32 v10, v9;
	v10 =	vmul.f32 v11, v5  }
0xb1: {  	v62 =	vmul.f32 $2.000000030e-01, v60;
	v15 =	vadd.f32 v61, v15;
	v11 =	vmax.f32 v18, v59  }
0xb2: {  	v9 =	vadd.f32 v10, v9;
	v10 =	vmul.f32 v11, v6  }
0xb3: {  	v63 =	vmul.f32 $2.000000030e-01, v15;
	v11 =	vmax.f32 v60, v62  }
0xb4: {  	v9 =	vadd.f32 v10, v9;
	v10 =	vmul.f32 v11, v7  }
0xb5: {  	v11 =	vmax.f32 v15, v63  }
0xb6: {  	v9 =	vadd.f32 v10, v9;
	v10 =	vmul.f32 v11, v8;
	_ =	sdelay $0x1  }
0xb7: {  	v9 =	vadd.f32 v10, v9;
	_ =	sdelay $0x1  }
0xb8: {  	(xrf2) =	vadd.scan.msk.f32 $0xffff, v9;
	_ =	sdelay $0x9  }
0xb9: {  	v9, _, _ =	vpop (xrf2)  }
0xba: {  	v9 =	vmul.f32 $1.442695020e+00, v9;
	_ =	sdelay $0x1  }
0xbb: {  	v9 =	vbroadcast v9, $0xF;
	_ =	sdelay $0x1  }
0xbc: {  	(erf) = vpow2.f32 v9;
	_ =	sdelay $0x8  }
0xbd: {  	v9 =	vpop (erf)  }
0xbe: {  	v10 =	vmul.f32 v9, v13  }
0xbf: {  	[tilespmem:s14+$0x78] =	vst v9;
	v11 =	vmul.f32 v9, v16  }
0xc0: {  	[tilespmem:s14+$0x0] =	vst v10;
	v10 =	vmul.f32 v9, v38  }
0xc1: {  	[tilespmem:s14+$0x10] =	vst v11;
	v11 =	vmul.f32 v9, v40  }
0xc2: {  	p1 =	sne.s32 s15, $0x4C00;
	[tilespmem:s14+$0x20] =	vst v10;
	v10 =	vmul.f32 v9, v42  }
.Ltmp2:
0xc3: {  	[tilespmem:s14+$0x30] =	vst v11;
	v11 =	vmul.f32 v9, v46;
	(pc) =	sbr.rel @p1 .LBB2_7-.Ltmp2, $4  }
0xc4: {  	[tilespmem:s14+$0x40] =	vst v10;
	v10 =	vmul.f32 v9, v49  }
0xc5: {  	[tilespmem:s14+$0x50] =	vst v11;
	v9 =	vmul.f32 v9, v53  }
0xc6: {  	[tilespmem:s14+$0x60] =	vst v10  }
0xc7: {  	s12 =	sadd.s32 $0x80, s12;
	s15 =	sadd.s32 $0x400, s15;
	[tilespmem:s14+$0x70] =	vst v9;
	s14 =	sadd.s32 $0x110, s14  }
0xc8: {  	s12 =	smulhi.u32 $0x66666667, s11;
	_ =	sdelay $0x1  }
0xc9: {  	s14 =	smulhi.u32 $0xCCCCCCCD, s28;
	s12 =	sshrl.u32 s12, $0x2  }
0xca: {  	s12 =	smul.u32 $0xA, s12  }
0xcb: {  	s16 =	sadd.s32 $0x2, s11;
	p1 =	seq.s32 s28, $0x7C  }
0xcc: {  	s23 =	smulhi.u32 @!p1 $0x66666667, s16;
	s14 =	sshrl.u32 s14, $0x2;
	s12 =	ssub.s32 s11, s12  }
0xcd: {  	s20 =	sand.u32 $0x1, s14;
	s15 =	smul.u32 $0xA0, s12  }
0xce: {  	p2 =	seq.s32 s20, $0x1;
	s20 =	simm.s32 $0x4B0  }
0xcf: {  	s23 =	sshrl.u32 @!p1 s23, $0x2;
	s20 =	simm.s32 @!p2 $0x320;
	s15 =	sshrl.u32 s15, $0x2  }
0xd0: {  	s24 =	smul.u32 @!p1 $0xA, s23;
	s15 =	sadd.s32 s15, s20  }
0xd1: {  	[spmem:s3] =	stream.indirect.scatter.add.f32 [tilespmem:s0], [sflag:$0x3], $0x88, s15, s22, $0xb8;
	[tilespmem:$0x1E148] =	vst v63  }
0xd2: {  	s15 =	ssub.s32 @!p1 s16, s24  }
0xd3: {  	p2 =	sne.s32 @!p1 s15, $0x0  }
0xd4: {  	s23 =	sand.u32 @!p1 $0x1, s23;
	p2 =	por p2, p1  }
0xd5: {  	p3 =	seq.s32 @!p1 s23, $0x1;
	s24 =	simm.s32 @!p2 $0x5  }
0xd6: {  	s23 =	simm.s32 @!p1 $0x190;
	p3 =	por !p3, p1;
	_ =	swait.ge @!p2 [sflag:s24], $0x190  }
0xd7: {  	s23 =	simm.s32 @p3 $0x0;
	p3 =	sgt.u32 @!p1 s28, $0x77;
	[sflag:s24] =	ssyncset.done @!p2 $0x0  }
0xd8: {  	p4 =	por p3, p1;
	s15 =	smul.u32 @!p1 $0x28, s15;
	[sflag:s24] =	ssyncadd.s32 @!p2 $0xFFFFFE70  }
0xd9: {  	p5 =	sne.s32 @!p4 s12, $0x0;
	_ =	swait.ge @!p2 [sflag:s24], $0x190  }
0xda: {  	s15 =	sadd.s32 @!p1 s15, s23;
	s23 =	simm.s32 @!p1 $0x28;
	[sflag:s24] =	ssyncset.done @!p2 $0x0  }
0xdb: {  	[sflag:s24] =	ssyncadd.s32 @!p2 $0xFFFFFE70;
	s24 =	simm.s32 @!p1 $0x640;
	p2 =	por @!p1 p5, p3  }
0xdc: {  	[tilespmem:s24], [sflag:$0x1] =	stream.indirect.gather @!p1 [hbm4b:s1+s23], $0x80, s15, s23, $0xb8;
	[tilespmem:$0x1E148] =	vst v63  }
0xdd: {  	s16 =	smul.u32 @!p1 $0x14, s16;
	p2 =	por p2, p1  }
0xde: {  	s15 =	sadd.s32 @!p1 $0x320, s15;
	s24 =	simm.s32 @!p1 $0x2E40;
	s12 =	sadd.s32 @!p2 $0x1, s14  }
0xdf: {  	[tilespmem:s24], [sflag:$0x1] =	stream.indirect.gather @!p1 [hbm4b:s8+s23], $0x80, s15, s23, $0xb8;
	[tilespmem:$0x1E148] =	vst v63  }
0xe0: {  	s15 =	sadd.s32 @!p1 s13, s16;
	s16 =	simm.s32 @!p1 $0x0;
	s14 =	sand.u32 @!p2 $0x1, s12  }
0xe1: {  	s12 =	smul.u32 @!p2 $0x190, s12;
	s15 =	sshll.u32 @!p1 s15, $0x4;
	p6 =	seq.s32 @!p2 s14, $0x1  }
0xe2: {  	s23 =	simm.s32 @!p1 $0x5640;
	s15 =	sand.u32 @!p1 $0x1FFFFF80, s15;
	p4 =	por @!p4 !p6, p5  }
0xe3: {  	s12 =	sadd.s32 @!p2 s10, s12;
	s15 =	sadd.s32 @!p1 s9, s15;
	p3 =	por @!p1 !p4, p3  }
0xe4: {  	[tilespmem:s23], [sflag:$0x1] =	stream.linear.gather @!p1 [hbm4b:s15+s16], $0xA00, $0x38;
	[tilespmem:$0x1E148] =	vst v63  }
0xe5: {  	s14 =	simm.s32 @!p2 $0x190;
	s12 =	sshrl.u32 @!p2 s12, $0x3;
	p3 =	por !p3, p1  }
0xe6: {  	s15 =	sadd.s32 @!p2 s6, s12;
	s16 =	simm.s32 @!p2 $0x0;
	s14 =	simm.s32 @p3 $0x0  }
0xe7: {  	[tilespmem:s14], [sflag:$0x5] =	stream.linear.gather @!p2 [hbm4b:s15+s16], $0x190, $0x38;
	[tilespmem:$0x1E148] =	vst v63  }
0xe8: {  	s12 =	sadd.s32 @!p2 s7, s12;
	s14 =	sadd.s32 @!p2 $0x320, s14  }
0xe9: {  	[tilespmem:s14], [sflag:$0x5] =	stream.linear.gather @!p2 [hbm4b:s12+s16], $0x190, $0x38;
	[tilespmem:$0x1E148] =	vst v63  }
0xea: {  	_ =	swait.ge [sflag:s2], $0x1400  }
0xeb: {  	[sflag:s2] =	ssyncset.done $0x0  }
0xec: {  	[sflag:s2] =	ssyncadd.s32 $0xFFFFEC00  }
0xed: {  	_ =	swait.ge [sflag:s2], $0x1400  }
0xee: {  	[sflag:s2] =	ssyncset.done $0x0  }
0xef: {  	[sflag:s2] =	ssyncadd.s32 $0xFFFFEC00  }
0xf0: {  	_ =	swait.ge [sflag:s2], $0xA00  }
0xf1: {  	[sflag:s2] =	ssyncset.done $0x0  }
0xf2: {  	s14 =	simm.s32 @!p0 $0x4;
	[sflag:s2] =	ssyncadd.s32 $0xFFFFF600  }
0xf3: {  	_ =	swait.ge @!p0 [sflag:s14], $0x1540  }
0xf4: {  	s15 =	simm.s32 $0x6080;
	s12 =	sor.u32 $0x1, s11;
	[sflag:s14] =	ssyncset.done @!p0 $0x0  }
0xf5: {  	s16 =	simm.s32 $0x8008;
	[sflag:s14] =	ssyncadd.s32 @!p0 $0xFFFFEAC0;
	s14 =	simm.s32 $0x0  }
.LBB2_9:
0xf6: {  	v9 =	vld [tilespmem:s15+$0xFFFFFFC0]  }
0xf7: {  	v10 =	vld [tilespmem:s15+$0xFFFFFFD0]  }
0xf8: {  	v11 =	vld [tilespmem:s15+$0xFFFFFFE0]  }
0xf9: {  	v12 =	vld [tilespmem:s15+$0xFFFFFFF0]  }
0xfa: {  	v15 =	vld [tilespmem:s15+$0x0]  }
0xfb: {  	v18 =	vld [tilespmem:s15+$0x10]  }
0xfc: {  	s23 =	sshra.s32 s14, $0x2;
	v26 =	vld [tilespmem:s15+$0x20]  }
0xfd: {  	v13 =	vld [tilespmem:s23+$0x1A40]  }
0xfe: {  	v14 =	vld [tilespmem:s23+$0x4240]  }
0xff: {  	v16 =	vld [tilespmem:s23+$0x1A50]  }
0x100: {  	v17 =	vld [tilespmem:s23+$0x4250]  }
0x101: {  	v19 =	vld [tilespmem:s23+$0x1A60]  }
0x102: {  	v21 =	vld [tilespmem:s23+$0x1A70]  }
0x103: {  	v41 =	vld [tilespmem:s23+$0x4260]  }
0x104: {  	v22 =	vld [tilespmem:s23+$0x4270];
	v14 =	vadd.f32 v14, v13  }
0x105: {  	v24 =	vld [tilespmem:s23+$0x1A80];
	v20 =	vshll.u32 v9, $0x10  }
0x106: {  	v42 =	vld [tilespmem:s23+$0x4280];
	v17 =	vadd.f32 v17, v16;
	v14 =	vadd.f32 v20, v14  }
0x107: {  	v43 =	vld [tilespmem:s23+$0x1A90];
	v23 =	vshll.u32 v10, $0x10;
	v28 =	vshll.u32 v11, $0x10;
	v29 =	vshll.u32 v12, $0x10  }
0x108: {  	v30 =	vld [tilespmem:s23+$0x4290];
	v17 =	vadd.f32 v23, v17;
	v20 =	vadd.f32 v41, v19;
	v25 =	vmul.f32 $2.000000030e-01, v14  }
0x109: {  	v31 =	vld [tilespmem:s23+$0x1AA0];
	v45 =	vshll.u32 v15, $0x10;
	v49 =	vshll.u32 v18, $0x10;
	v22 =	vadd.f32 v22, v21  }
0x10a: {  	v44 =	vld [tilespmem:s23+$0x42A0];
	v27 =	vmul.f32 $2.000000030e-01, v17;
	v20 =	vadd.f32 v28, v20;
	v14 =	vmax.f32 v14, v25  }
0x10b: {  	v46 =	vld [tilespmem:s23+$0x1AB0];
	v51 =	vshll.u32 v26, $0x10;
	v22 =	vadd.f32 v29, v22;
	v14 =	vmul.f32 v14, v1  }
0x10c: {  	v48 =	vld [tilespmem:s23+$0x42B0];
	v23 =	vadd.f32 v42, v24;
	v17 =	vmax.f32 v17, v27;
	v32 =	vmul.f32 $2.000000030e-01, v20  }
0x10d: {  	v30 =	vadd.f32 v30, v43;
	v17 =	vmul.f32 v17, v2;
	v14 =	vadd.f32 $0.0e+00, v14  }
0x10e: {  	v33 =	vld [tilespmem:s15+$0x30];
	v47 =	vmul.f32 $2.000000030e-01, v22;
	v23 =	vadd.f32 v45, v23;
	v20 =	vmax.f32 v20, v32  }
0x10f: {  	v30 =	vadd.f32 v49, v30;
	v20 =	vmul.f32 v20, v3;
	v14 =	vadd.f32 v17, v14  }
0x110: {  	v50 =	vmul.f32 $2.000000030e-01, v23;
	v27 =	vadd.f32 v44, v31;
	v17 =	vmax.f32 v22, v47  }
0x111: {  	v55 =	vadd.f32 v48, v46;
	v17 =	vmul.f32 v17, v4;
	v14 =	vadd.f32 v20, v14  }
0x112: {  	v53 =	vmul.f32 $2.000000030e-01, v30;
	v52 =	vmax.f32 v23, v50;
	v54 =	vadd.f32 v51, v27  }
0x113: {  	v56 =	vshll.u32 v33, $0x10;
	v57 =	vmul.f32 v52, v5;
	v14 =	vadd.f32 v17, v14  }
0x114: {  	v58 =	vmax.f32 v30, v53;
	v27 =	vadd.f32 v56, v55;
	v59 =	vmul.f32 $2.000000030e-01, v54  }
0x115: {  	v60 =	vmul.f32 v58, v6;
	v14 =	vadd.f32 v57, v14  }
0x116: {  	v62 =	vmul.f32 $2.000000030e-01, v27;
	v61 =	vmax.f32 v54, v59  }
0x117: {  	v63 =	vmul.f32 v61, v7;
	v14 =	vadd.f32 v60, v14  }
0x118: {  	v28 =	vmax.f32 v27, v62  }
0x119: {  	v30 =	vmul.f32 v28, v8;
	v14 =	vadd.f32 v63, v14;
	_ =	sdelay $0x1  }
0x11a: {  	v14 =	vadd.f32 v30, v14;
	_ =	sdelay $0x1  }
0x11b: {  	(xrf2) =	vadd.scan.msk.f32 $0xffff, v14;
	_ =	sdelay $0x9  }
0x11c: {  	v14, _, _ =	vpop (xrf2)  }
0x11d: {  	v14 =	vmul.f32 $1.442695020e+00, v14;
	_ =	sdelay $0x1  }
0x11e: {  	v14 =	vbroadcast v14, $0xF;
	_ =	sdelay $0x1  }
0x11f: {  	(erf) = vpow2.f32 v14;
	_ =	sdelay $0x8  }
0x120: {  	v14 =	vpop (erf)  }
0x121: {  	v13 =	vmul.f32 v14, v13  }
0x122: {  	[tilespmem:s16+$0xFFFFFFF0] =	vst v14;
	v16 =	vmul.f32 v14, v16  }
0x123: {  	v32 =	vmul.f32 v14, v19;
	[tilespmem:s16+$0xFFFFFF78] =	vst v13  }
0x124: {  	v34 =	vmul.f32 v14, v21;
	[tilespmem:s16+$0xFFFFFF88] =	vst v16  }
0x125: {  	v35 =	vmul.f32 v14, v24;
	[tilespmem:s16+$0xFFFFFF98] =	vst v32  }
0x126: {  	v36 =	vmul.f32 v14, v43;
	[tilespmem:s16+$0xFFFFFFA8] =	vst v34  }
0x127: {  	v37 =	vmul.f32 v14, v31;
	[tilespmem:s16+$0xFFFFFFB8] =	vst v35  }
0x128: {  	v14 =	vmul.f32 v14, v46;
	[tilespmem:s16+$0xFFFFFFC8] =	vst v36  }
0x129: {  	[tilespmem:s16+$0xFFFFFFD8] =	vst v37  }
0x12a: {  	[tilespmem:s16+$0xFFFFFFE8] =	vst v14  }
0x12b: {  	v13 =	vld [tilespmem:s23+$0x1AC0]  }
0x12c: {  	v14 =	vld [tilespmem:s23+$0x42C0]  }
0x12d: {  	v16 =	vld [tilespmem:s23+$0x1AD0]  }
0x12e: {  	v38 =	vld [tilespmem:s23+$0x1AE0]  }
0x12f: {  	v39 =	vld [tilespmem:s23+$0x42D0]  }
0x130: {  	v41 =	vld [tilespmem:s23+$0x42E0]  }
0x131: {  	v40 =	vld [tilespmem:s23+$0x1AF0]  }
0x132: {  	v42 =	vld [tilespmem:s23+$0x1B00];
	v14 =	vadd.f32 v14, v13  }
0x133: {  	v9 =	vand.u32 $0xFFFF0000, v9;
	v43 =	vld [tilespmem:s23+$0x42F0]  }
0x134: {  	v44 =	vld [tilespmem:s23+$0x4300];
	v19 =	vadd.f32 v39, v16;
	v9 =	vadd.f32 v9, v14  }
0x135: {  	v10 =	vand.u32 $0xFFFF0000, v10;
	v11 =	vand.u32 $0xFFFF0000, v11;
	v46 =	vld [tilespmem:s23+$0x1B10];
	v47 =	vadd.f32 v41, v38  }
0x136: {  	v12 =	vand.u32 $0xFFFF0000, v12;
	v48 =	vld [tilespmem:s23+$0x4310];
	v10 =	vadd.f32 v10, v19;
	v45 =	vmul.f32 $2.000000030e-01, v9  }
0x137: {  	v15 =	vand.u32 $0xFFFF0000, v15;
	v18 =	vand.u32 $0xFFFF0000, v18;
	v49 =	vld [tilespmem:s23+$0x1B20];
	v11 =	vadd.f32 v11, v47  }
0x138: {  	v52 =	vld [tilespmem:s23+$0x4320];
	v14 =	vadd.f32 v43, v40;
	v50 =	vmul.f32 $2.000000030e-01, v10;
	v9 =	vmax.f32 v9, v45  }
0x139: {  	v51 =	vand.u32 $0xFFFF0000, v26;
	v23 =	vadd.f32 v44, v42;
	v9 =	vmul.f32 v9, v1  }
0x13a: {  	v53 =	vld [tilespmem:s23+$0x1B30];
	v54 =	vmul.f32 $2.000000030e-01, v11;
	v12 =	vadd.f32 v12, v14;
	v10 =	vmax.f32 v10, v50  }
0x13b: {  	v56 =	vld [tilespmem:s23+$0x4330];
	v21 =	vadd.f32 v48, v46;
	v10 =	vmul.f32 v10, v2;
	v9 =	vadd.f32 $0.0e+00, v9  }
0x13c: {  	v55 =	vadd.f32 v15, v23;
	v11 =	vmax.f32 v11, v54;
	v57 =	vmul.f32 $2.000000030e-01, v12  }
0x13d: {  	v58 =	vadd.f32 v52, v49;
	v9 =	vadd.f32 v10, v9;
	v10 =	vmul.f32 v11, v3  }
0x13e: {  	v18 =	vadd.f32 v18, v21;
	v12 =	vmax.f32 v12, v57;
	v11 =	vmul.f32 $2.000000030e-01, v55  }
0x13f: {  	v60 =	vadd.f32 v51, v58;
	v9 =	vadd.f32 v10, v9;
	v10 =	vmul.f32 v12, v4  }
0x140: {  	v15 =	vadd.f32 v56, v53;
	v59 =	vmul.f32 $2.000000030e-01, v18;
	v11 =	vmax.f32 v55, v11  }
0x141: {  	v61 =	vand.u32 $0xFFFF0000, v33;
	v9 =	vadd.f32 v10, v9;
	v10 =	vmul.f32 v11, v5  }
0x142: {  	v62 =	vmul.f32 $2.000000030e-01, v60;
	v15 =	vadd.f32 v61, v15;
	v11 =	vmax.f32 v18, v59  }
0x143: {  	v9 =	vadd.f32 v10, v9;
	v10 =	vmul.f32 v11, v6  }
0x144: {  	v63 =	vmul.f32 $2.000000030e-01, v15;
	v11 =	vmax.f32 v60, v62  }
0x145: {  	v9 =	vadd.f32 v10, v9;
	v10 =	vmul.f32 v11, v7  }
0x146: {  	v11 =	vmax.f32 v15, v63  }
0x147: {  	v9 =	vadd.f32 v10, v9;
	v10 =	vmul.f32 v11, v8;
	_ =	sdelay $0x1  }
0x148: {  	v9 =	vadd.f32 v10, v9;
	_ =	sdelay $0x1  }
0x149: {  	(xrf2) =	vadd.scan.msk.f32 $0xffff, v9;
	_ =	sdelay $0x9  }
0x14a: {  	v9, _, _ =	vpop (xrf2)  }
0x14b: {  	v9 =	vmul.f32 $1.442695020e+00, v9;
	_ =	sdelay $0x1  }
0x14c: {  	v9 =	vbroadcast v9, $0xF;
	_ =	sdelay $0x1  }
0x14d: {  	(erf) = vpow2.f32 v9;
	_ =	sdelay $0x8  }
0x14e: {  	v9 =	vpop (erf)  }
0x14f: {  	v10 =	vmul.f32 v9, v13  }
0x150: {  	[tilespmem:s16+$0x78] =	vst v9;
	v11 =	vmul.f32 v9, v16  }
0x151: {  	[tilespmem:s16+$0x0] =	vst v10;
	v10 =	vmul.f32 v9, v38  }
0x152: {  	[tilespmem:s16+$0x10] =	vst v11;
	v11 =	vmul.f32 v9, v40  }
0x153: {  	p0 =	sne.s32 s14, $0x4C00;
	[tilespmem:s16+$0x20] =	vst v10;
	v10 =	vmul.f32 v9, v42  }
.Ltmp3:
0x154: {  	[tilespmem:s16+$0x30] =	vst v11;
	v11 =	vmul.f32 v9, v46;
	(pc) =	sbr.rel @p0 .LBB2_9-.Ltmp3, $4  }
0x155: {  	[tilespmem:s16+$0x40] =	vst v10;
	v10 =	vmul.f32 v9, v49  }
0x156: {  	[tilespmem:s16+$0x50] =	vst v11;
	v9 =	vmul.f32 v9, v53  }
0x157: {  	[tilespmem:s16+$0x60] =	vst v10  }
0x158: {  	s15 =	sadd.s32 $0x80, s15;
	s14 =	sadd.s32 $0x400, s14;
	[tilespmem:s16+$0x70] =	vst v9;
	s16 =	sadd.s32 $0x110, s16  }
0x159: {  	s14 =	smulhi.u32 $0x66666667, s12;
	_ =	sdelay $0x1  }
0x15a: {  	s14 =	sshrl.u32 s14, $0x2  }
0x15b: {  	s14 =	smul.u32 $0xA, s14;
	_ =	sdelay $0x1  }
0x15c: {  	s24 =	ssub.s32 s12, s14  }
0x15d: {  	s12 =	smul.u32 $0xA0, s24  }
.Ltmp4:
0x15e: {  	_ = 	snop;
	(pc) =	sbr.rel @p1 .LBB2_12-.Ltmp4, $4  }
0x15f: {  	_ = 	snop  }
0x160: {  	s12 =	sshrl.u32 s12, $0x2  }
0x161: {  	s12 =	sadd.s32 s12, s20  }
0x162: {  	[spmem:s3] =	stream.indirect.scatter.add.f32 [tilespmem:s21], [sflag:$0x4], $0x88, s12, s22, $0xb8;
	[tilespmem:$0x1E148] =	vst v63  }
0x163: {  	s11 =	sadd.s32 $0x3, s11  }
0x164: {  	s12 =	smulhi.u32 $0x66666667, s11;
	_ =	sdelay $0x1  }
0x165: {  	s12 =	sshrl.u32 s12, $0x2  }
0x166: {  	s14 =	smul.u32 $0xA, s12;
	_ =	sdelay $0x1  }
0x167: {  	s12 =	sand.u32 $0x1, s12;
	s14 =	ssub.s32 s11, s14;
	s11 =	smul.u32 $0x14, s11  }
0x168: {  	p0 =	seq.s32 s12, $0x1;
	s12 =	simm.s32 $0x190;
	s14 =	smul.u32 $0x28, s14  }
0x169: {  	s12 =	simm.s32 @!p0 $0x0  }
0x16a: {  	s11 =	sadd.s32 s13, s11;
	s12 =	sadd.s32 s14, s12  }
0x16b: {  	[tilespmem:s26], [sflag:$0x2] =	stream.indirect.gather [hbm4b:s1+s22], $0x80, s12, s22, $0xb8;
	[tilespmem:$0x1E148] =	vst v63  }
.Ltmp5:
0x16c: {  	s11 =	sshll.u32 s11, $0x4;
	(pc) =	sbr.rel .LBB2_6-.Ltmp5, $4  }
0x16d: {  	s12 =	sadd.s32 $0x320, s12;
	s11 =	sand.u32 $0x1FFFFFC0, s11  }
0x16e: {  	[tilespmem:s29], [sflag:$0x2] =	stream.indirect.gather [hbm4b:s8+s22], $0x80, s12, s22, $0xb8;
	[tilespmem:$0x1E148] =	vst v63  }
0x16f: {  	s28 =	sadd.s32 $0x1, s28;
	s11 =	sadd.s32 s9, s11  }
0x170: {  	[tilespmem:s30], [sflag:$0x2] =	stream.linear.gather [hbm4b:s11+s5], $0xA00, $0x38;
	[tilespmem:$0x1E148] =	vst v63  }
.LBB2_12:
0x171: {  	s11 =	simm.s32 $0x3  }
0x172: {  	_ =	swait.ge [sflag:s11], $0x1540  }
0x173: {  	[sflag:s11] =	ssyncset.done $0x0  }
0x174: {  	s23 =	simm.s32 $0x4;
	[sflag:s11] =	ssyncadd.s32 $0xFFFFEAC0  }
0x175: {  	s24 =	sadd.s32 $0x0, s4;
	_ =	swait.ge [sflag:s23], $0x1540  }
0x176: {  	p0 =	sgt.u32 s24, $0xF9;
	[sflag:s23] =	ssyncset.done $0x0  }
0x177: {  	s14 =	simm.s32 @!p0 $0x7;
	[sflag:s23] =	ssyncadd.s32 $0xFFFFEAC0  }
0x178: {  	s11 =	simm.s32 @!p0 $0x6A40;
	p0 =	por p0, p0;
	[bflag:$0x0] =	sbarrier.arrive $0xFFFF  }
0x179: {  	[tilespmem:s11], [sflag:$0x7] =	stream.linear.gather @!p0 [spmem:s17], $0x1540, $0x38;
	[tilespmem:$0x1E148] =	vst v63  }
0x17a: {  	_ =	swait.ge @!p0 [sflag:s14], $0x1540  }
0x17b: {  	s28 =	sadd.s32 $0x10, s4;
	[sflag:s14] =	ssyncset.done @!p0 $0x0  }
0x17c: {  	s15 =	simm.s32 @!p0 $0x6;
	[sflag:s14] =	ssyncadd.s32 @!p0 $0xFFFFEAC0;
	s14 =	simm.s32 @!p0 $0x0  }
0x17d: {  	[hbm4b:s18+s14] =	stream.linear.scatter @!p0 [tilespmem:s11], [sflag:$0x6], $0x1540, $0x38;
	[tilespmem:$0x1E148] =	vst v63  }
0x17e: {  	s12 =	simm.s32 $0x20;
	p1 =	sgt.u32 s28, $0xF9;
	_ =	swait.ge @!p0 [sflag:s15], $0x1540  }
0x17f: {  	s14 =	sadd.s32 $0x15400, s17;
	s11 =	sadd.s32 $0x2A80, s18;
	[sflag:s15] =	ssyncset.done @!p0 $0x0  }
.LBB2_13:
0x180: {  	s16 =	simm.s32 @!p1 $0x6A40;
	s20 =	simm.s32 @!p1 $0x7;
	[sflag:s15] =	ssyncadd.s32 @!p0 $0xFFFFEAC0  }
0x181: {  	s23 =	smov.u32 s12;
	p0 =	por p1, p1;
	s12 =	sadd.s32 $0x10, s12  }
0x182: {  	[tilespmem:s16], [sflag:$0x7] =	stream.linear.gather @!p0 [spmem:s14], $0x1540, $0x38;
	[tilespmem:$0x1E148] =	vst v63  }
0x183: {  	p2 =	sne.s32 s12, $0x100;
	_ =	swait.ge @!p0 [sflag:s20], $0x1540  }
.Ltmp6:
0x184: {  	[sflag:s20] =	ssyncset.done @!p0 $0x0;
	(pc) =	sbr.rel @p2 .LBB2_13-.Ltmp6, $4  }
0x185: {  	s15 =	simm.s32 @!p0 $0x6;
	[sflag:s20] =	ssyncadd.s32 @!p0 $0xFFFFEAC0;
	s20 =	simm.s32 @!p0 $0x0  }
0x186: {  	[hbm4b:s11+s20] =	stream.linear.scatter @!p0 [tilespmem:s16], [sflag:$0x6], $0x1540, $0x38;
	[tilespmem:$0x1E148] =	vst v63  }
0x187: {  	s14 =	sadd.s32 $0x15400, s14;
	s16 =	sadd.s32 s23, s4;
	_ =	swait.ge @!p0 [sflag:s15], $0x1540  }
0x188: {  	s11 =	sadd.s32 $0x2A80, s11;
	p1 =	sgt.u32 s16, $0xF9;
	[sflag:s15] =	ssyncset.done @!p0 $0x0  }
0x189: {  	s12 =	simm.s32 @!p1 $0x6A40  }
0x18a: {  	s16 =	simm.s32 @!p1 $0x7;
	[sflag:s15] =	ssyncadd.s32 @!p0 $0xFFFFEAC0;
	p0 =	por p1, p1  }
0x18b: {  	[tilespmem:s12], [sflag:$0x7] =	stream.linear.gather @!p0 [spmem:s14], $0x1540, $0x38;
	[tilespmem:$0x1E148] =	vst v63  }
0x18c: {  	_ =	swait.ge @!p0 [sflag:s16], $0x1540  }
0x18d: {  	[sflag:s16] =	ssyncset.done @!p0 $0x0  }
0x18e: {  	s14 =	simm.s32 @!p0 $0x0;
	s15 =	simm.s32 @!p0 $0x6;
	[sflag:s16] =	ssyncadd.s32 @!p0 $0xFFFFEAC0  }
0x18f: {  	[hbm4b:s11+s14] =	stream.linear.scatter @!p0 [tilespmem:s12], [sflag:$0x6], $0x1540, $0x38;
	[tilespmem:$0x1E148] =	vst v63  }
0x190: {  	_ =	swait.ge @!p0 [sflag:s15], $0x1540  }
0x191: {  	s25 =	sadd.s32 $0x1, s25;
	s28 =	rddreg [dreg:$0x9]  }
0x192: {  	p1 =	sne.s32 s25, s28  }
.Ltmp7:
0x193: {  	_ = 	snop;
	(pc) =	sbr.rel @p1 .LBB2_1-.Ltmp7, $3  }
0x194: {  	_ =	sdelay $0x1  }
0x195: {  	[sflag:s15] =	ssyncset.done @!p0 $0x0  }
0x196: {  	[sflag:s15] =	ssyncadd.s32 @!p0 $0xFFFFEAC0  }
0x197: {  	_ =	sfence.sel $0x180000  }
0x198: {  	[bflag:$0x0] =	sbarrier.arrive $0xFFFF  }
0x199: {  	_ =	strace $0x9000004A  }
0x19a: {  	[bflag:$0x2] =	sbarrier.arrive $0xFFFF  }
0x19b: {  	p0 =	sne.s32 s4, $0x0;
	s0 =	rddreg [dreg:$0x4]  }
0x19c: {  	s0 =	sadd.s32 @!p0 $0x100000, s0  }
0x19d: {  	[sflag:s0] =	ssyncadd.tile.s32 @!p0 $0x1;
	_ =	shalt  }
.Lfunc_end2:
_tile_overlayer_lowered:
.L_overlay_start_2:
0x19e: {  	(tag) =	ssettag $0x2  }
0x19f: {  	s0 =	rddreg [dreg:$0x0];
	s2 =	stileid.u32  }
0x1a0: {  	s1 =	rddreg [dreg:$0x1];
	p0 =	sne.s32 s2, $0x0  }
0x1a1: {  	s3 =	rddreg [dreg:$0x2];
	[bflag:$0x3] =	sbarrier.arrive $0xFFFF;
	s2 =	simm.s32 @!p0 $0x1C06  }
0x1a2: {  	[timem:s3], [sflag:s2] =	dma.local @!p0 [hbm:s0], s1  }
0x1a3: {  	s0 =	simm.s32 @!p0 $0x6  }
0x1a4: {  	_ =	swait.ge @!p0 [sflag:s0], s1  }
0x1a5: {  	s1 =	ssub.s32 @!p0 $0x0, s1;
	[sflag:s0] =	ssyncset.done @!p0 $0x0  }
0x1a6: {  	[sflag:s0] =	ssyncadd.s32 @!p0 s1  }
0x1a7: {  	[bflag:$0x3] =	sbarrier.arrive $0xFFFF  }
0x1a8: {  	_ =	shalt  }

// kernel: kernel.9.cloned.1.call-start
scs
__scs_entry_jumppad:
0x0: {  	(pc) =	sbr.rel $0x88, $3  }
0x1: {  	(tag) =	ssettag $0x0;
	lr =	simm.s32 $0x1  }
0x2: {  	[smem:$0x3F94] =	sst lr;
	_ =	strace $0xD0000000  }
0x3: {  	_ = 	snop  }
0x4: {  	_ = 	snop  }
0x5: {  	_ = 	snop  }
0x6: {  	_ = 	snop  }
0x7: {  	_ = 	snop  }
__scs_overlays_trampoline_lowered:
0x8: {  	[smem:$0x3FA3] =	sst s0  }
0x9: {  	[smem:$0x3FA4] =	sst s1  }
0xa: {  	[smem:$0x3FA5] =	sst s2  }
0xb: {  	[smem:$0x3FA6] =	sst s3  }
0xc: {  	[smem:$0x3FA7] =	sst s4  }
0xd: {  	[smem:$0x3FA8] =	sst s5  }
0xe: {  	[smem:$0x3FA9] =	sst s6  }
0xf: {  	[smem:$0x3FAA] =	sst s7  }
0x10: {  	[smem:$0x3FAB] =	sst s8  }
0x11: {  	[smem:$0x3FAC] =	sst s9;
	s0 =	simm.s32 @!p0 $0x0  }
0x12: {  	s1 =	sld [smem:$0x3F92];
	s0 =	simm.s32 @p0 $0x1  }
0x13: {  	[smem:$0x3FAD] =	sst s0;
	s0 =	simm.s32 @!p1 $0x0  }
0x14: {  	s2 =	sld [smem:$0x3F91];
	s0 =	simm.s32 @p1 $0x1  }
0x15: {  	[smem:$0x3FAE] =	sst s0;
	s0 =	simm.s32 @!p2 $0x0  }
0x16: {  	s3 =	sld [smem:$0x3FDB];
	s0 =	simm.s32 @p2 $0x1  }
0x17: {  	s4 =	simm.s32 $0x1BF5;
	[smem:$0x3FB0] =	sst s0  }
0x18: {  	s0 =	sld [smem:$0x3F93];
	_ =	swait.ge [sflag:s4], $0x0  }
0x19: {  	s7 =	sld [smem:$0x3F94]  }
0x1a: {  	s8 =	sadd.s32 $0xFFFFE003, lr  }
0x1b: {  	s9 =	sadd.s32 $0xFFFFFEF7, lr;
	s5 =	simm.s32 $0xFFFFFFFF;
	p2 =	slt.u32 s8, $0xFFFFF086  }
0x1c: {  	p1 =	slt.u32 s9, $0xF7A;
	s5 =	simm.s32 @!p2 $0x0  }
0x1d: {  	s5 =	simm.s32 @p1 $0x1;
	p0 =	seq.s32 s7, s2  }
0x1e: {  	s7 =	smul.u32 @!p0 $0xF7A, s2;
	p2 =	seq.s32 @!p0 s5, $0x0  }
0x1f: {  	s9 =	smul.u32 $0xF7A, s1;
	s8 =	simm.s32 @!p0 $0x1BF5;
	p2 =	por !p2, p0  }
0x20: {  	[sflag:s8] =	ssyncset.s32 @!p0 $0xFFFFF086;
	s6 =	sadd.s32 @!p0 s3, s7;
	s7 =	simm.s32 @!p0 $0x108  }
0x21: {  	s3 =	sadd.s32 s3, s9;
	s6 =	sadd.s32 @!p0 $0x88, s6;
	s7 =	simm.s32 @p2 $0x1082  }
0x22: {  	[simem:s7], [sflag:s8] =	dma.local @!p0 [hbm:s6], $0xF7A  }
0x23: {  	s9 =	sor.u32 $0xD0000000, s2;
	s6 =	simm.s32 $0x108;
	_ =	swait.ge @!p0 [sflag:s8], $0x0  }
0x24: {  	s3 =	sadd.s32 $0x88, s3;
	s6 =	simm.s32 @!p1 $0x1082;
	[sflag:s4] =	ssyncset.s32 $0xFFFFF086  }
0x25: {  	[simem:s6], [sflag:s4] =	dma.local [hbm:s3], $0xF7A  }
0x26: {  	[smem:$0x3F94] =	sst s1;
	(tag) =	ssettag s2;
	_ =	strace s9  }
0x27: {  	s1 =	sld [smem:$0x3FA4]  }
0x28: {  	s2 =	sld [smem:$0x3FA5]  }
0x29: {  	s4 =	sld [smem:$0x3FA7]  }
0x2a: {  	p0 =	seq.s32 s5, $0x0;
	s5 =	sld [smem:$0x3FA8]  }
0x2b: {  	s6 =	sld [smem:$0x3FA9]  }
0x2c: {  	s7 =	sld [smem:$0x3FAA]  }
0x2d: {  	s3 =	simm.s32 $0x108;
	s8 =	sld [smem:$0x3FAB]  }
0x2e: {  	s3 =	simm.s32 @!p0 $0x1082;
	s9 =	sld [smem:$0x3FAC]  }
0x2f: {  	lr =	sadd.s32 s0, s3;
	s0 =	sld [smem:$0x3FA3]  }
0x30: {  	s3 =	sld [smem:$0x3FA6]  }
0x31: {  	[smem:$0x3FAF] =	sst s10  }
0x32: {  	s10 =	sld [smem:$0x3FAD];
	_ =	sdelay $0x3  }
0x33: {  	p0 =	seq.s32 s10, $0x1;
	s10 =	sld [smem:$0x3FAF];
	_ =	sdelay $0x3  }
0x34: {  	[smem:$0x3FAF] =	sst s10  }
0x35: {  	s10 =	sld [smem:$0x3FAE];
	_ =	sdelay $0x3  }
0x36: {  	p1 =	seq.s32 s10, $0x1;
	s10 =	sld [smem:$0x3FAF];
	_ =	sdelay $0x3  }
0x37: {  	[smem:$0x3FAF] =	sst s10  }
0x38: {  	s10 =	sld [smem:$0x3FB0]  }
0x39: {  	_ = 	snop;
	(pc) =	sbr.ind lr, $3  }
0x3a: {  	_ = 	snop  }
0x3b: {  	_ = 	snop  }
0x3c: {  	p2 =	seq.s32 s10, $0x1;
	s10 =	sld [smem:$0x3FAF]  }
0x3d: {  	_ =	shalt  }
0x3e: {  	_ =	shalt  }
0x3f: {  	_ =	shalt  }
0x40: {  	_ =	shalt  }
0x41: {  	_ =	shalt  }
0x42: {  	_ =	shalt  }
0x43: {  	_ =	shalt  }
0x44: {  	_ =	shalt  }
0x45: {  	_ =	shalt  }
0x46: {  	_ =	shalt  }
0x47: {  	_ =	shalt  }
0x48: {  	_ =	shalt  }
0x49: {  	_ =	shalt  }
0x4a: {  	_ =	shalt  }
0x4b: {  	_ =	shalt  }
0x4c: {  	_ =	shalt  }
0x4d: {  	_ =	shalt  }
0x4e: {  	_ =	shalt  }
0x4f: {  	_ =	shalt  }
0x50: {  	_ =	shalt  }
0x51: {  	_ =	shalt  }
0x52: {  	_ =	shalt  }
0x53: {  	_ =	shalt  }
0x54: {  	_ =	shalt  }
0x55: {  	_ =	shalt  }
0x56: {  	_ =	shalt  }
0x57: {  	_ =	shalt  }
0x58: {  	_ =	shalt  }
0x59: {  	_ =	shalt  }
0x5a: {  	_ =	shalt  }
0x5b: {  	_ =	shalt  }
0x5c: {  	_ =	shalt  }
0x5d: {  	_ =	shalt  }
0x5e: {  	_ =	shalt  }
0x5f: {  	_ =	shalt  }
0x60: {  	_ =	shalt  }
0x61: {  	_ =	shalt  }
0x62: {  	_ =	shalt  }
0x63: {  	_ =	shalt  }
0x64: {  	_ =	shalt  }
0x65: {  	_ =	shalt  }
0x66: {  	_ =	shalt  }
0x67: {  	_ =	shalt  }
0x68: {  	_ =	shalt  }
0x69: {  	_ =	shalt  }
0x6a: {  	_ =	shalt  }
0x6b: {  	_ =	shalt  }
0x6c: {  	_ =	shalt  }
0x6d: {  	_ =	shalt  }
0x6e: {  	_ =	shalt  }
0x6f: {  	_ =	shalt  }
0x70: {  	_ =	shalt  }
0x71: {  	_ =	shalt  }
0x72: {  	_ =	shalt  }
0x73: {  	_ =	shalt  }
0x74: {  	_ =	shalt  }
0x75: {  	_ =	shalt  }
0x76: {  	_ =	shalt  }
0x77: {  	_ =	shalt  }
0x78: {  	_ =	shalt  }
0x79: {  	_ =	shalt  }
0x7a: {  	_ =	shalt  }
0x7b: {  	_ =	shalt  }
0x7c: {  	_ =	shalt  }
0x7d: {  	_ =	shalt  }
0x7e: {  	_ =	shalt  }
0x7f: {  	_ =	shalt  }
0x80: {  	_ =	shalt  }
0x81: {  	_ =	shalt  }
0x82: {  	_ =	shalt  }
0x83: {  	_ =	shalt  }
0x84: {  	_ =	shalt  }
0x85: {  	_ =	shalt  }
0x86: {  	_ =	shalt  }
0x87: {  	_ =	shalt  }
.Lfunc_end0:
.L_simem_size_0:
called_computation_lowered:
.L_overlay_start_0:
0x88: {  	s2 =	sld [smem:$0x3FD9]  }
0x89: {  	s3 =	sld [smem:$0x3FFE];
	_ =	sdelay $0x1  }
0x8a: {  	s1 =	srdreg.scid  }
0x8b: {  	s0 =	sand.u32 $0x1, s1  }
0x8c: {  	s17 =	sshll.u32 s0, $0xA;
	s2 =	sadd.s32 s3, s2  }
0x8d: {  	s2 =	sadd.s32 s2, s17  }
0x8e: {  	[smem:$0x3FBB] =	sst s2  }
0x8f: {  	_ = 	snop  }
0x90: {  	s2 =	sld [smem:$0x3FC3]  }
0x91: {  	s18 =	sld [smem:$0x3FD0];
	(tm) =	ssettm $0x1  }
0x92: {  	s4 =	sld [smem:$0x3FFB];
	_ =	sdelay $0x3  }
0x93: {  	_ =	strace s4  }
0x94: {  	s4 =	sld [smem:$0x3FFC];
	_ =	sdelay $0x3  }
0x95: {  	_ =	strace s4  }
0x96: {  	s4 =	sld [smem:$0x3FFD];
	_ =	sdelay $0x3  }
0x97: {  	_ =	strace s4  }
0x98: {  	_ =	strace $0x8FFFFFFF  }
0x99: {  	s19 =	sld [smem:$0x3FDB];
	_ =	sdelay $0x1  }
0x9a: {  	s5 =	simm.s32 $_scs_section_size  }
0x9b: {  	s6 =	simm.s32 $_size__tile_overlayer_lowered;
	s7 =	simm.s32 $_tile_overlayer_lowered  }
0x9c: {  	s22 =	simm.s32 $0x1BFF;
	s21 =	sshll.u32 s7, $0x1;
	s4 =	sadd.s32 s5, s19  }
0x9d: {  	s8 =	simm.s32 $0x0;
	s20 =	sshll.u32 s6, $0x1;
	s6 =	sadd.s32 s21, s4  }
0x9e: {  	[timem:s8], [sflag:s22] =	dma.local [hbm:s6], s20  }
0x9f: {  	_ =	swait.ge [sflag:s22], s20  }
0xa0: {  	s5 =	ssub.s32 $0x0, s20;
	[sflag:s22] =	ssyncset.done $0x0  }
0xa1: {  	[sflag:s22] =	ssyncadd.s32 s5;
	_ =	sdelay $0x1  }
0xa2: {  	s23 =	simm.s32 $0x1B8B  }
0xa3: {  	_ =	swait.ge [sflag:s23], $0x1  }
0xa4: {  	[sflag:s23] =	ssyncset.done $0x0  }
0xa5: {  	s25 =	simm.s32 $0x1B8E;
	s24 =	sld [smem:$0x3FFE];
	[sflag:s23] =	ssyncadd.s32 $0xFFFFFFFF  }
0xa6: {  	s26 =	simm.s32 $execute0_lowered;
	[smem:$0x3FD2] =	sst s25  }
0xa7: {  	s6 =	sshll.u32 s26, $0x1;
	_ =	strace $0x80000046;
	[dreg:$0x1] =	wrdreg $0xFFFFFFFF  }
0xa8: {  	s28 =	simm.s32 $_size_execute0_lowered;
	s4 =	sadd.s32 s4, s6;
	[dreg:$0x0] =	wrdreg $0x0  }
0xa9: {  	s6 =	sshll.u32 s28, $0x1;
	[dreg:$0x2] =	wrdreg s4  }
0xaa: {  	[dreg:$0x3] =	wrdreg s6  }
0xab: {  	[dreg:$0x4] =	wrdreg $0xC0  }
0xac: {  	_ =	task [dreg:s8], $0x5FFFF  }
0xad: {  	[dreg:$0x1] =	wrdreg $0xFFFFFFFF  }
0xae: {  	[dreg:$0x0] =	wrdreg $0x60  }
0xaf: {  	[dreg:$0x2] =	wrdreg s24  }
0xb0: {  	[dreg:$0x3] =	wrdreg s18  }
0xb1: {  	[dreg:$0x4] =	wrdreg s2  }
0xb2: {  	[dreg:$0x5] =	wrdreg $0x95400  }
0xb3: {  	[dreg:$0x6] =	wrdreg $0x9  }
0xb4: {  	_ =	task.clear_ibuf [dreg:s8], $0x7FFFF;
	_ =	strace $0x90000046  }
0xb5: {  	s29 =	simm.s32 $0x9;
	_ =	strace $0x80000048  }
0xb6: {  	_ =	swait.ge [sflag:s29], $0x1  }
0xb7: {  	[sflag:s29] =	ssyncadd.s32 $0xFFFFFFFF  }
0xb8: {  	_ =	strace $0x90000048  }
0xb9: {  	_ =	sfence  }
0xba: {  	s30 =	sld [smem:$0x0];
	_ =	sdelay $0x2  }
0xbb: {  	s31 =	sshll.u32 s1, $0xD;
	s1 =	sshrl.u32 s1, $0x2  }
0xbc: {  	s3 =	sand.u32 $0x4000, s31;
	s1 =	sadd.s32 s1, s30  }
0xbd: {  	s0 =	sor.u32 s3, s0;
	s1 =	sshll.u32 s1, $0x11  }
0xbe: {  	s0 =	sor.u32 s1, s0  }
0xbf: {  	s0 =	sadd.s32 $0x8F2B, s0  }
0xc0: {  	[sflag:s0] =	ssyncadd.remote.s32 $0x1  }
0xc1: {  	_ =	sfence.sel $0xFFFF  }
0xc2: {  	[dreg:$0x0] =	wrdreg $0xFFFFFFFF;
	(pc) =	sbr.abs _section_cstart, $3  }
0xc3: {  	[dreg:$0x1] =	wrdreg $0xFFFFFFFF  }
0xc4: {  	_ =	task.clear_ibuf [dreg:s8], $0x2FFFF;
	_ =	strace $0x9FFFFFFF  }
0xc5: {  	(tm) =	ssettm $0x7FFFFFFF  }
tec
execute0_lowered:
.L_overlay_start_1:
0x0: {  	(tag) =	ssettag $0x1  }
0x1: {  	s0 =	rddreg [dreg:$0x0]  }
0x2: {  	s1 =	rddreg [dreg:$0x1]  }
0x3: {  	s3 =	rddreg [dreg:$0x3]  }
0x4: {  	s5 =	simm.s32 $0x0;
	s2 =	srdreg.scid;
	s4 =	stileid.u32  }
0x5: {  	s19 =	simm.s32 $0x6;
	s29 =	simm.s32 $0x4240;
	s30 =	simm.s32 $0x6040  }
0x6: {  	s31 =	simm.s32 $0x1;
	[smem:$0x7FF] =	sst s5;
	s2 =	sand.u32 $0x1, s2  }
0x7: {  	s6 =	sadd.s32 $0xC200, s0;
	s11 =	smul.u32 $0x1540, s4;
	s7 =	sadd.s32 $0x2400, s0  }
0x8: {  	s8 =	sadd.s32 $0x769000, s0;
	s9 =	sadd.s32 $0x4F8000, s0;
	s16 =	smul.u32 $0x5500, s4  }
0x9: {  	s10 =	smul.u32 $0x14C080, s2;
	s12 =	sshll.u32 s2, $0x4;
	s2 =	ssub.s32 $0x2, s2  }
0xa: {  	_ =	strace $0x80000047;
	s20 =	sor.u32 s4, s12;
	s22 =	sshrl.u32 s2, $0x1  }
0xb: {  	s28 =	sshrl.u32 s16, $0x2;
	s10 =	sadd.s32 s11, s10;
	s13 =	smul.u32 $0x9C400, s20  }
0xc: {  	s2 =	ssub.s32 s2, s22;
	s14 =	smul.u32 $0x13880, s20;
	s17 =	sadd.s32 s28, s3  }
0xd: {  	s22 =	simm.s32 $0x28;
	s21 =	sshrl.u32 s10, $0x3;
	s10 =	smul.u32 $0x2710, s20  }
0xe: {  	s2 =	smax.u32 s2, $0x1;
	s0 =	sadd.s32 s21, s0;
	s24 =	sshrl.u32 s13, $0x3  }
0xf: {  	s13 =	smul.u32 $0x1388, s20;
	s26 =	sadd.s32 s9, s14;
	[dreg:$0x9] =	wrdreg s2  }
0x10: {  	s2 =	simm.s32 $0x2;
	s21 =	simm.s32 $0x7F80;
	s23 =	sshrl.u32 s10, $0x3  }
0x11: {  	s25 =	sadd.s32 s9, s24;
	[dreg:$0x7] =	wrdreg s26;
	s15 =	sadd.s32 s6, s23  }
0x12: {  	s18 =	sadd.s32 $0x790200, s0;
	s12 =	sadd.s32 s7, s23;
	[dreg:$0x5] =	wrdreg s15  }
0x13: {  	s26 =	simm.s32 $0x1A40;
	s11 =	sadd.s32 $0x140, s25;
	[dreg:$0x6] =	wrdreg s12  }
0x14: {  	v0 =	vimm.f32 $0.0e+00;
	s0 =	simm.s32 $0x6A40;
	s25 =	simm.s32 $0x0;
	[dreg:$0x8] =	wrdreg s11  }
.LBB2_1:
0x15: {  	s11 =	simm.s32 $0x0  }
0x16: {  	s12 =	simm.s32 $0x220;
	[tilespmem:s11+$0x6AB8] =	vst v0  }
.LBB2_2:
0x17: {  	p0 =	sne.s32 s12, $0x52E0;
	[tilespmem:s11+$0x6AB0] =	vst v0  }
0x18: {  	[tilespmem:s11+$0x6A40] =	vst v0  }
0x19: {  	[tilespmem:s11+$0x6A50] =	vst v0  }
0x1a: {  	[tilespmem:s11+$0x6A60] =	vst v0  }
.Ltmp0:
0x1b: {  	[tilespmem:s11+$0x6A70] =	vst v0;
	(pc) =	sbr.rel @p0 .LBB2_2-.Ltmp0, $4  }
0x1c: {  	[tilespmem:s11+$0x6A80] =	vst v0  }
0x1d: {  	[tilespmem:s11+$0x6A90] =	vst v0  }
0x1e: {  	[tilespmem:s11+$0x6AA0] =	vst v0;
	s11 =	sshra.s32 s12, $0x2  }
0x1f: {  	s12 =	sadd.s32 $0x220, s12;
	[tilespmem:s11+$0x6AB8] =	vst v0  }
0x20: {  	[tilespmem:s11+$0x6AB0] =	vst v0  }
0x21: {  	[tilespmem:s11+$0x6A40] =	vst v0  }
0x22: {  	[tilespmem:s11+$0x6A50] =	vst v0  }
0x23: {  	[tilespmem:s11+$0x6A60] =	vst v0  }
0x24: {  	[tilespmem:s11+$0x6A70] =	vst v0  }
0x25: {  	[tilespmem:s11+$0x6A80] =	vst v0;
	s12 =	sadd.s32 $0x0, s4  }
0x26: {  	[tilespmem:s11+$0x6A90] =	vst v0;
	p0 =	sgt.u32 s12, $0xF9  }
0x27: {  	[tilespmem:s11+$0x6AA0] =	vst v0;
	s11 =	simm.s32 @!p0 $0x6A40;
	s15 =	simm.s32 @!p0 $0x6  }
0x28: {  	[spmem:s17] =	stream.linear.scatter @!p0 [tilespmem:s11], [sflag:$0x6], $0x1540, $0x38;
	[tilespmem:$0x1E148] =	vst v63  }
0x29: {  	s14 =	simm.s32 $0x20;
	_ =	swait.ge @!p0 [sflag:s15], $0x1540  }
0x2a: {  	s12 =	simm.s32 $0x10;
	s11 =	sadd.s32 $0x15400, s17;
	[sflag:s15] =	ssyncset.done @!p0 $0x0  }
.LBB2_4:
0x2b: {  	s16 =	sadd.s32 s12, s4;
	s12 =	smov.u32 s14;
	s14 =	sadd.s32 $0x10, s14  }
0x2c: {  	[sflag:s15] =	ssyncadd.s32 @!p0 $0xFFFFEAC0;
	p1 =	sne.s32 s14, $0x100  }
.Ltmp1:
0x2d: {  	p0 =	sgt.u32 s16, $0xF9;
	(pc) =	sbr.rel @p1 .LBB2_4-.Ltmp1, $4  }
0x2e: {  	s16 =	simm.s32 @!p0 $0x6A40;
	s15 =	simm.s32 @!p0 $0x6  }
0x2f: {  	[spmem:s11] =	stream.linear.scatter @!p0 [tilespmem:s16], [sflag:$0x6], $0x1540, $0x38;
	[tilespmem:$0x1E148] =	vst v63  }
0x30: {  	_ =	swait.ge @!p0 [sflag:s15], $0x1540  }
0x31: {  	s11 =	sadd.s32 $0x15400, s11;
	[sflag:s15] =	ssyncset.done @!p0 $0x0  }
0x32: {  	s12 =	sadd.s32 s12, s4  }
0x33: {  	p1 =	sgt.u32 s12, $0xF9  }
0x34: {  	[sflag:s15] =	ssyncadd.s32 @!p0 $0xFFFFEAC0;
	s12 =	simm.s32 @!p1 $0x6A40;
	s14 =	simm.s32 @!p1 $0x6  }
0x35: {  	[spmem:s11] =	stream.linear.scatter @!p1 [tilespmem:s12], [sflag:$0x6], $0x1540, $0x38;
	[tilespmem:$0x1E148] =	vst v63  }
0x36: {  	_ =	swait.ge @!p1 [sflag:s14], $0x1540  }
0x37: {  	[sflag:s14] =	ssyncset.done @!p1 $0x0  }
0x38: {  	s28 =	simm.s32 $0x0;
	s15 =	rddreg [dreg:$0x5];
	[sflag:s14] =	ssyncadd.s32 @!p1 $0xFFFFEAC0  }
0x39: {  	[tilespmem:s28], [sflag:$0x6] =	stream.linear.gather [hbm4b:s15+s28], $0x190, $0x38;
	[tilespmem:$0x1E148] =	vst v63  }
0x3a: {  	_ =	swait.ge [sflag:s19], $0x190  }
0x3b: {  	[sflag:s19] =	ssyncset.done $0x0  }
0x3c: {  	s20 =	simm.s32 $0x320;
	s16 =	rddreg [dreg:$0x6];
	[sflag:s19] =	ssyncadd.s32 $0xFFFFFE70  }
0x3d: {  	[tilespmem:s20], [sflag:$0x6] =	stream.linear.gather [hbm4b:s16+s28], $0x190, $0x38;
	[tilespmem:$0x1E148] =	vst v63  }
0x3e: {  	_ =	swait.ge [sflag:s19], $0x190  }
0x3f: {  	[sflag:s19] =	ssyncset.done $0x0  }
0x40: {  	[sflag:s19] =	ssyncadd.s32 $0xFFFFFE70  }
0x41: {  	s24 =	simm.s32 $0x94C0;
	s23 =	rddreg [dreg:$0x2]  }
0x42: {  	[tilespmem:s24], [sflag:$0x6] =	stream.linear.gather [hbm4b:s23+s28], $0x80, $0x38;
	[tilespmem:$0x1E148] =	vst v63  }
0x43: {  	_ =	swait.ge [sflag:s19], $0x80  }
0x44: {  	[sflag:s19] =	ssyncset.done $0x0  }
0x45: {  	[sflag:s19] =	ssyncadd.s32 $0xFFFFFF80  }
0x46: {  	[bflag:$0x0] =	sbarrier.arrive $0xFFFF  }
0x47: {  	v1 =	vld [tilespmem:$0x94C0]  }
0x48: {  	v2 =	vld [tilespmem:$0x94D0]  }
0x49: {  	v3 =	vld [tilespmem:$0x94E0]  }
0x4a: {  	v4 =	vld [tilespmem:$0x94F0]  }
0x4b: {  	v5 =	vld [tilespmem:$0x9500]  }
0x4c: {  	v6 =	vld [tilespmem:$0x9510]  }
0x4d: {  	s14 =	simm.s32 $0x640;
	v7 =	vld [tilespmem:$0x9520]  }
0x4e: {  	v8 =	vld [tilespmem:$0x9530];
	[tilespmem:s14], [sflag:$0x1] =	stream.indirect.gather [hbm4b:s1+s22], $0x80, s28, s22, $0xb8  }
0x4f: {  	s15 =	simm.s32 $0x2E40  }
0x50: {  	[tilespmem:s15], [sflag:$0x1] =	stream.indirect.gather [hbm4b:s8+s22], $0x80, s20, s22, $0xb8;
	[tilespmem:$0x1E148] =	vst v63  }
0x51: {  	s16 =	rddreg [dreg:$0x7];
	s20 =	simm.s32 $0x5640  }
0x52: {  	[tilespmem:s20], [sflag:$0x1] =	stream.linear.gather [hbm4b:s16+s28], $0xA00, $0x38;
	[tilespmem:$0x1E148] =	vst v63  }
0x53: {  	_ = 	snop  }
0x54: {  	[tilespmem:s26], [sflag:$0x2] =	stream.indirect.gather [hbm4b:s1+s22], $0x80, s22, s22, $0xb8;
	[tilespmem:$0x1E148] =	vst v63  }
0x55: {  	s23 =	simm.s32 $0x348  }
0x56: {  	[tilespmem:s29], [sflag:$0x2] =	stream.indirect.gather [hbm4b:s8+s22], $0x80, s23, s22, $0xb8;
	[tilespmem:$0x1E148] =	vst v63  }
0x57: {  	s24 =	rddreg [dreg:$0x8]  }
0x58: {  	[tilespmem:s30], [sflag:$0x2] =	stream.linear.gather [hbm4b:s24+s28], $0xA00, $0x38;
	[tilespmem:$0x1E148] =	vst v63  }
.LBB2_6:
0x59: {  	_ =	swait.ge [sflag:s31], $0x1400  }
0x5a: {  	[sflag:s31] =	ssyncset.done $0x0  }
0x5b: {  	[sflag:s31] =	ssyncadd.s32 $0xFFFFEC00  }
0x5c: {  	_ =	swait.ge [sflag:s31], $0x1400  }
0x5d: {  	[sflag:s31] =	ssyncset.done $0x0  }
0x5e: {  	[sflag:s31] =	ssyncadd.s32 $0xFFFFEC00  }
0x5f: {  	_ =	swait.ge [sflag:s31], $0xA00  }
0x60: {  	p0 =	seq.s32 s28, $0x0;
	[sflag:s31] =	ssyncset.done $0x0  }
0x61: {  	s12 =	simm.s32 @!p0 $0x3;
	[sflag:s31] =	ssyncadd.s32 $0xFFFFF600  }
0x62: {  	_ =	swait.ge @!p0 [sflag:s12], $0x1540  }
0x63: {  	s11 =	sshll.u32 s28, $0x1;
	s14 =	simm.s32 $0x6AC8;
	[sflag:s12] =	ssyncset.done @!p0 $0x0  }
0x64: {  	s15 =	simm.s32 $0x0;
	[sflag:s12] =	ssyncadd.s32 @!p0 $0xFFFFEAC0;
	s12 =	simm.s32 $0x5680  }
.LBB2_7:
0x65: {  	v9 =	vld [tilespmem:s12+$0xFFFFFFC0]  }
0x66: {  	v10 =	vld [tilespmem:s12+$0xFFFFFFD0]  }
0x67: {  	v11 =	vld [tilespmem:s12+$0xFFFFFFE0]  }
0x68: {  	v12 =	vld [tilespmem:s12+$0xFFFFFFF0]  }
0x69: {  	v15 =	vld [tilespmem:s12+$0x0]  }
0x6a: {  	v18 =	vld [tilespmem:s12+$0x10]  }
0x6b: {  	s16 =	sshra.s32 s15, $0x2;
	v26 =	vld [tilespmem:s12+$0x20]  }
0x6c: {  	v13 =	vld [tilespmem:s16+$0x640]  }
0x6d: {  	v14 =	vld [tilespmem:s16+$0x2E40]  }
0x6e: {  	v16 =	vld [tilespmem:s16+$0x650]  }
0x6f: {  	v17 =	vld [tilespmem:s16+$0x2E50]  }
0x70: {  	v19 =	vld [tilespmem:s16+$0x660]  }
0x71: {  	v21 =	vld [tilespmem:s16+$0x670]  }
0x72: {  	v41 =	vld [tilespmem:s16+$0x2E60]  }
0x73: {  	v22 =	vld [tilespmem:s16+$0x2E70];
	v14 =	vadd.f32 v14, v13  }
0x74: {  	v24 =	vld [tilespmem:s16+$0x680];
	v20 =	vshll.u32 v9, $0x10  }
0x75: {  	v42 =	vld [tilespmem:s16+$0x2E80];
	v17 =	vadd.f32 v17, v16;
	v14 =	vadd.f32 v20, v14  }
0x76: {  	v43 =	vld [tilespmem:s16+$0x690];
	v23 =	vshll.u32 v10, $0x10;
	v28 =	vshll.u32 v11, $0x10;
	v29 =	vshll.u32 v12, $0x10  }
0x77: {  	v30 =	vld [tilespmem:s16+$0x2E90];
	v17 =	vadd.f32 v23, v17;
	v20 =	vadd.f32 v41, v19;
	v25 =	vmul.f32 $2.000000030e-01, v14  }
0x78: {  	v31 =	vld [tilespmem:s16+$0x6A0];
	v45 =	vshll.u32 v15, $0x10;
	v49 =	vshll.u32 v18, $0x10;
	v22 =	vadd.f32 v22, v21  }
0x79: {  	v44 =	vld [tilespmem:s16+$0x2EA0];
	v27 =	vmul.f32 $2.000000030e-01, v17;
	v20 =	vadd.f32 v28, v20;
	v14 =	vmax.f32 v14, v25  }
0x7a: {  	v46 =	vld [tilespmem:s16+$0x6B0];
	v51 =	vshll.u32 v26, $0x10;
	v22 =	vadd.f32 v29, v22;
	v14 =	vmul.f32 v14, v1  }
0x7b: {  	v48 =	vld [tilespmem:s16+$0x2EB0];
	v23 =	vadd.f32 v42, v24;
	v17 =	vmax.f32 v17, v27;
	v32 =	vmul.f32 $2.000000030e-01, v20  }
0x7c: {  	v30 =	vadd.f32 v30, v43;
	v17 =	vmul.f32 v17, v2;
	v14 =	vadd.f32 $0.0e+00, v14  }
0x7d: {  	v33 =	vld [tilespmem:s12+$0x30];
	v47 =	vmul.f32 $2.000000030e-01, v22;
	v23 =	vadd.f32 v45, v23;
	v20 =	vmax.f32 v20, v32  }
0x7e: {  	v30 =	vadd.f32 v49, v30;
	v20 =	vmul.f32 v20, v3;
	v14 =	vadd.f32 v17, v14  }
0x7f: {  	v50 =	vmul.f32 $2.000000030e-01, v23;
	v27 =	vadd.f32 v44, v31;
	v17 =	vmax.f32 v22, v47  }
0x80: {  	v55 =	vadd.f32 v48, v46;
	v17 =	vmul.f32 v17, v4;
	v14 =	vadd.f32 v20, v14  }
0x81: {  	v53 =	vmul.f32 $2.000000030e-01, v30;
	v52 =	vmax.f32 v23, v50;
	v54 =	vadd.f32 v51, v27  }
0x82: {  	v56 =	vshll.u32 v33, $0x10;
	v57 =	vmul.f32 v52, v5;
	v14 =	vadd.f32 v17, v14  }
0x83: {  	v58 =	vmax.f32 v30, v53;
	v27 =	vadd.f32 v56, v55;
	v59 =	vmul.f32 $2.000000030e-01, v54  }
0x84: {  	v60 =	vmul.f32 v58, v6;
	v14 =	vadd.f32 v57, v14  }
0x85: {  	v62 =	vmul.f32 $2.000000030e-01, v27;
	v61 =	vmax.f32 v54, v59  }
0x86: {  	v63 =	vmul.f32 v61, v7;
	v14 =	vadd.f32 v60, v14  }
0x87: {  	v28 =	vmax.f32 v27, v62  }
0x88: {  	v30 =	vmul.f32 v28, v8;
	v14 =	vadd.f32 v63, v14;
	_ =	sdelay $0x1  }
0x89: {  	v14 =	vadd.f32 v30, v14;
	_ =	sdelay $0x1  }
0x8a: {  	(xrf2) =	vadd.scan.msk.f32 $0xffff, v14;
	_ =	sdelay $0x9  }
0x8b: {  	v14, _, _ =	vpop (xrf2)  }
0x8c: {  	v14 =	vmul.f32 $1.442695020e+00, v14;
	_ =	sdelay $0x1  }
0x8d: {  	v14 =	vbroadcast v14, $0xF;
	_ =	sdelay $0x1  }
0x8e: {  	(erf) = vpow2.f32 v14;
	_ =	sdelay $0x8  }
0x8f: {  	v14 =	vpop (erf)  }
0x90: {  	v13 =	vmul.f32 v14, v13  }
0x91: {  	[tilespmem:s14+$0xFFFFFFF0] =	vst v14;
	v16 =	vmul.f32 v14, v16  }
0x92: {  	v32 =	vmul.f32 v14, v19;
	[tilespmem:s14+$0xFFFFFF78] =	vst v13  }
0x93: {  	v34 =	vmul.f32 v14, v21;
	[tilespmem:s14+$0xFFFFFF88] =	vst v16  }
0x94: {  	v35 =	vmul.f32 v14, v24;
	[tilespmem:s14+$0xFFFFFF98] =	vst v32  }
0x95: {  	v36 =	vmul.f32 v14, v43;
	[tilespmem:s14+$0xFFFFFFA8] =	vst v34  }
0x96: {  	v37 =	vmul.f32 v14, v31;
	[tilespmem:s14+$0xFFFFFFB8] =	vst v35  }
0x97: {  	v14 =	vmul.f32 v14, v46;
	[tilespmem:s14+$0xFFFFFFC8] =	vst v36  }
0x98: {  	[tilespmem:s14+$0xFFFFFFD8] =	vst v37  }
0x99: {  	[tilespmem:s14+$0xFFFFFFE8] =	vst v14  }
0x9a: {  	v13 =	vld [tilespmem:s16+$0x6C0]  }
0x9b: {  	v14 =	vld [tilespmem:s16+$0x2EC0]  }
0x9c: {  	v16 =	vld [tilespmem:s16+$0x6D0]  }
0x9d: {  	v38 =	vld [tilespmem:s16+$0x6E0]  }
0x9e: {  	v39 =	vld [tilespmem:s16+$0x2ED0]  }
0x9f: {  	v41 =	vld [tilespmem:s16+$0x2EE0]  }
0xa0: {  	v40 =	vld [tilespmem:s16+$0x6F0]  }
0xa1: {  	v42 =	vld [tilespmem:s16+$0x700];
	v14 =	vadd.f32 v14, v13  }
0xa2: {  	v9 =	vand.u32 $0xFFFF0000, v9;
	v43 =	vld [tilespmem:s16+$0x2EF0]  }
0xa3: {  	v44 =	vld [tilespmem:s16+$0x2F00];
	v19 =	vadd.f32 v39, v16;
	v9 =	vadd.f32 v9, v14  }
0xa4: {  	v10 =	vand.u32 $0xFFFF0000, v10;
	v11 =	vand.u32 $0xFFFF0000, v11;
	v46 =	vld [tilespmem:s16+$0x710];
	v47 =	vadd.f32 v41, v38  }
0xa5: {  	v12 =	vand.u32 $0xFFFF0000, v12;
	v48 =	vld [tilespmem:s16+$0x2F10];
	v10 =	vadd.f32 v10, v19;
	v45 =	vmul.f32 $2.000000030e-01, v9  }
0xa6: {  	v15 =	vand.u32 $0xFFFF0000, v15;
	v18 =	vand.u32 $0xFFFF0000, v18;
	v49 =	vld [tilespmem:s16+$0x720];
	v11 =	vadd.f32 v11, v47  }
0xa7: {  	v52 =	vld [tilespmem:s16+$0x2F20];
	v14 =	vadd.f32 v43, v40;
	v50 =	vmul.f32 $2.000000030e-01, v10;
	v9 =	vmax.f32 v9, v45  }
0xa8: {  	v51 =	vand.u32 $0xFFFF0000, v26;
	v23 =	vadd.f32 v44, v42;
	v9 =	vmul.f32 v9, v1  }
0xa9: {  	v53 =	vld [tilespmem:s16+$0x730];
	v54 =	vmul.f32 $2.000000030e-01, v11;
	v12 =	vadd.f32 v12, v14;
	v10 =	vmax.f32 v10, v50  }
0xaa: {  	v56 =	vld [tilespmem:s16+$0x2F30];
	v21 =	vadd.f32 v48, v46;
	v10 =	vmul.f32 v10, v2;
	v9 =	vadd.f32 $0.0e+00, v9  }
0xab: {  	v55 =	vadd.f32 v15, v23;
	v11 =	vmax.f32 v11, v54;
	v57 =	vmul.f32 $2.000000030e-01, v12  }
0xac: {  	v58 =	vadd.f32 v52, v49;
	v9 =	vadd.f32 v10, v9;
	v10 =	vmul.f32 v11, v3  }
0xad: {  	v18 =	vadd.f32 v18, v21;
	v12 =	vmax.f32 v12, v57;
	v11 =	vmul.f32 $2.000000030e-01, v55  }
0xae: {  	v60 =	vadd.f32 v51, v58;
	v9 =	vadd.f32 v10, v9;
	v10 =	vmul.f32 v12, v4  }
0xaf: {  	v15 =	vadd.f32 v56, v53;
	v59 =	vmul.f32 $2.000000030e-01, v18;
	v11 =	vmax.f32 v55, v11  }
0xb0: {  	v61 =	vand.u32 $0xFFFF0000, v33;
	v9 =	vadd.f32 v10, v9;
	v10 =	vmul.f32 v11, v5  }
0xb1: {  	v62 =	vmul.f32 $2.000000030e-01, v60;
	v15 =	vadd.f32 v61, v15;
	v11 =	vmax.f32 v18, v59  }
0xb2: {  	v9 =	vadd.f32 v10, v9;
	v10 =	vmul.f32 v11, v6  }
0xb3: {  	v63 =	vmul.f32 $2.000000030e-01, v15;
	v11 =	vmax.f32 v60, v62  }
0xb4: {  	v9 =	vadd.f32 v10, v9;
	v10 =	vmul.f32 v11, v7  }
0xb5: {  	v11 =	vmax.f32 v15, v63  }
0xb6: {  	v9 =	vadd.f32 v10, v9;
	v10 =	vmul.f32 v11, v8;
	_ =	sdelay $0x1  }
0xb7: {  	v9 =	vadd.f32 v10, v9;
	_ =	sdelay $0x1  }
0xb8: {  	(xrf2) =	vadd.scan.msk.f32 $0xffff, v9;
	_ =	sdelay $0x9  }
0xb9: {  	v9, _, _ =	vpop (xrf2)  }
0xba: {  	v9 =	vmul.f32 $1.442695020e+00, v9;
	_ =	sdelay $0x1  }
0xbb: {  	v9 =	vbroadcast v9, $0xF;
	_ =	sdelay $0x1  }
0xbc: {  	(erf) = vpow2.f32 v9;
	_ =	sdelay $0x8  }
0xbd: {  	v9 =	vpop (erf)  }
0xbe: {  	v10 =	vmul.f32 v9, v13  }
0xbf: {  	[tilespmem:s14+$0x78] =	vst v9;
	v11 =	vmul.f32 v9, v16  }
0xc0: {  	[tilespmem:s14+$0x0] =	vst v10;
	v10 =	vmul.f32 v9, v38  }
0xc1: {  	[tilespmem:s14+$0x10] =	vst v11;
	v11 =	vmul.f32 v9, v40  }
0xc2: {  	p1 =	sne.s32 s15, $0x4C00;
	[tilespmem:s14+$0x20] =	vst v10;
	v10 =	vmul.f32 v9, v42  }
.Ltmp2:
0xc3: {  	[tilespmem:s14+$0x30] =	vst v11;
	v11 =	vmul.f32 v9, v46;
	(pc) =	sbr.rel @p1 .LBB2_7-.Ltmp2, $4  }
0xc4: {  	[tilespmem:s14+$0x40] =	vst v10;
	v10 =	vmul.f32 v9, v49  }
0xc5: {  	[tilespmem:s14+$0x50] =	vst v11;
	v9 =	vmul.f32 v9, v53  }
0xc6: {  	[tilespmem:s14+$0x60] =	vst v10  }
0xc7: {  	s12 =	sadd.s32 $0x80, s12;
	s15 =	sadd.s32 $0x400, s15;
	[tilespmem:s14+$0x70] =	vst v9;
	s14 =	sadd.s32 $0x110, s14  }
0xc8: {  	s12 =	smulhi.u32 $0x66666667, s11;
	_ =	sdelay $0x1  }
0xc9: {  	s14 =	smulhi.u32 $0xCCCCCCCD, s28;
	s12 =	sshrl.u32 s12, $0x2  }
0xca: {  	s12 =	smul.u32 $0xA, s12  }
0xcb: {  	s16 =	sadd.s32 $0x2, s11;
	p1 =	seq.s32 s28, $0x7C  }
0xcc: {  	s23 =	smulhi.u32 @!p1 $0x66666667, s16;
	s14 =	sshrl.u32 s14, $0x2;
	s12 =	ssub.s32 s11, s12  }
0xcd: {  	s20 =	sand.u32 $0x1, s14;
	s15 =	smul.u32 $0xA0, s12  }
0xce: {  	p2 =	seq.s32 s20, $0x1;
	s20 =	simm.s32 $0x4B0  }
0xcf: {  	s23 =	sshrl.u32 @!p1 s23, $0x2;
	s20 =	simm.s32 @!p2 $0x320;
	s15 =	sshrl.u32 s15, $0x2  }
0xd0: {  	s24 =	smul.u32 @!p1 $0xA, s23;
	s15 =	sadd.s32 s15, s20  }
0xd1: {  	[spmem:s3] =	stream.indirect.scatter.add.f32 [tilespmem:s0], [sflag:$0x3], $0x88, s15, s22, $0xb8;
	[tilespmem:$0x1E148] =	vst v63  }
0xd2: {  	s15 =	ssub.s32 @!p1 s16, s24  }
0xd3: {  	p2 =	sne.s32 @!p1 s15, $0x0  }
0xd4: {  	s23 =	sand.u32 @!p1 $0x1, s23;
	p2 =	por p2, p1  }
0xd5: {  	p3 =	seq.s32 @!p1 s23, $0x1;
	s24 =	simm.s32 @!p2 $0x5  }
0xd6: {  	s23 =	simm.s32 @!p1 $0x190;
	p3 =	por !p3, p1;
	_ =	swait.ge @!p2 [sflag:s24], $0x190  }
0xd7: {  	s23 =	simm.s32 @p3 $0x0;
	p3 =	sgt.u32 @!p1 s28, $0x77;
	[sflag:s24] =	ssyncset.done @!p2 $0x0  }
0xd8: {  	p4 =	por p3, p1;
	s15 =	smul.u32 @!p1 $0x28, s15;
	[sflag:s24] =	ssyncadd.s32 @!p2 $0xFFFFFE70  }
0xd9: {  	p5 =	sne.s32 @!p4 s12, $0x0;
	_ =	swait.ge @!p2 [sflag:s24], $0x190  }
0xda: {  	s15 =	sadd.s32 @!p1 s15, s23;
	s23 =	simm.s32 @!p1 $0x28;
	[sflag:s24] =	ssyncset.done @!p2 $0x0  }
0xdb: {  	[sflag:s24] =	ssyncadd.s32 @!p2 $0xFFFFFE70;
	s24 =	simm.s32 @!p1 $0x640;
	p2 =	por @!p1 p5, p3  }
0xdc: {  	[tilespmem:s24], [sflag:$0x1] =	stream.indirect.gather @!p1 [hbm4b:s1+s23], $0x80, s15, s23, $0xb8;
	[tilespmem:$0x1E148] =	vst v63  }
0xdd: {  	s16 =	smul.u32 @!p1 $0x14, s16;
	p2 =	por p2, p1  }
0xde: {  	s15 =	sadd.s32 @!p1 $0x320, s15;
	s24 =	simm.s32 @!p1 $0x2E40;
	s12 =	sadd.s32 @!p2 $0x1, s14  }
0xdf: {  	[tilespmem:s24], [sflag:$0x1] =	stream.indirect.gather @!p1 [hbm4b:s8+s23], $0x80, s15, s23, $0xb8;
	[tilespmem:$0x1E148] =	vst v63  }
0xe0: {  	s15 =	sadd.s32 @!p1 s13, s16;
	s16 =	simm.s32 @!p1 $0x0;
	s14 =	sand.u32 @!p2 $0x1, s12  }
0xe1: {  	s12 =	smul.u32 @!p2 $0x190, s12;
	s15 =	sshll.u32 @!p1 s15, $0x4;
	p6 =	seq.s32 @!p2 s14, $0x1  }
0xe2: {  	s23 =	simm.s32 @!p1 $0x5640;
	s15 =	sand.u32 @!p1 $0x1FFFFF80, s15;
	p4 =	por @!p4 !p6, p5  }
0xe3: {  	s12 =	sadd.s32 @!p2 s10, s12;
	s15 =	sadd.s32 @!p1 s9, s15;
	p3 =	por @!p1 !p4, p3  }
0xe4: {  	[tilespmem:s23], [sflag:$0x1] =	stream.linear.gather @!p1 [hbm4b:s15+s16], $0xA00, $0x38;
	[tilespmem:$0x1E148] =	vst v63  }
0xe5: {  	s14 =	simm.s32 @!p2 $0x190;
	s12 =	sshrl.u32 @!p2 s12, $0x3;
	p3 =	por !p3, p1  }
0xe6: {  	s15 =	sadd.s32 @!p2 s6, s12;
	s16 =	simm.s32 @!p2 $0x0;
	s14 =	simm.s32 @p3 $0x0  }
0xe7: {  	[tilespmem:s14], [sflag:$0x5] =	stream.linear.gather @!p2 [hbm4b:s15+s16], $0x190, $0x38;
	[tilespmem:$0x1E148] =	vst v63  }
0xe8: {  	s12 =	sadd.s32 @!p2 s7, s12;
	s14 =	sadd.s32 @!p2 $0x320, s14  }
0xe9: {  	[tilespmem:s14], [sflag:$0x5] =	stream.linear.gather @!p2 [hbm4b:s12+s16], $0x190, $0x38;
	[tilespmem:$0x1E148] =	vst v63  }
0xea: {  	_ =	swait.ge [sflag:s2], $0x1400  }
0xeb: {  	[sflag:s2] =	ssyncset.done $0x0  }
0xec: {  	[sflag:s2] =	ssyncadd.s32 $0xFFFFEC00  }
0xed: {  	_ =	swait.ge [sflag:s2], $0x1400  }
0xee: {  	[sflag:s2] =	ssyncset.done $0x0  }
0xef: {  	[sflag:s2] =	ssyncadd.s32 $0xFFFFEC00  }
0xf0: {  	_ =	swait.ge [sflag:s2], $0xA00  }
0xf1: {  	[sflag:s2] =	ssyncset.done $0x0  }
0xf2: {  	s14 =	simm.s32 @!p0 $0x4;
	[sflag:s2] =	ssyncadd.s32 $0xFFFFF600  }
0xf3: {  	_ =	swait.ge @!p0 [sflag:s14], $0x1540  }
0xf4: {  	s15 =	simm.s32 $0x6080;
	s12 =	sor.u32 $0x1, s11;
	[sflag:s14] =	ssyncset.done @!p0 $0x0  }
0xf5: {  	s16 =	simm.s32 $0x8008;
	[sflag:s14] =	ssyncadd.s32 @!p0 $0xFFFFEAC0;
	s14 =	simm.s32 $0x0  }
.LBB2_9:
0xf6: {  	v9 =	vld [tilespmem:s15+$0xFFFFFFC0]  }
0xf7: {  	v10 =	vld [tilespmem:s15+$0xFFFFFFD0]  }
0xf8: {  	v11 =	vld [tilespmem:s15+$0xFFFFFFE0]  }
0xf9: {  	v12 =	vld [tilespmem:s15+$0xFFFFFFF0]  }
0xfa: {  	v15 =	vld [tilespmem:s15+$0x0]  }
0xfb: {  	v18 =	vld [tilespmem:s15+$0x10]  }
0xfc: {  	s23 =	sshra.s32 s14, $0x2;
	v26 =	vld [tilespmem:s15+$0x20]  }
0xfd: {  	v13 =	vld [tilespmem:s23+$0x1A40]  }
0xfe: {  	v14 =	vld [tilespmem:s23+$0x4240]  }
0xff: {  	v16 =	vld [tilespmem:s23+$0x1A50]  }
0x100: {  	v17 =	vld [tilespmem:s23+$0x4250]  }
0x101: {  	v19 =	vld [tilespmem:s23+$0x1A60]  }
0x102: {  	v21 =	vld [tilespmem:s23+$0x1A70]  }
0x103: {  	v41 =	vld [tilespmem:s23+$0x4260]  }
0x104: {  	v22 =	vld [tilespmem:s23+$0x4270];
	v14 =	vadd.f32 v14, v13  }
0x105: {  	v24 =	vld [tilespmem:s23+$0x1A80];
	v20 =	vshll.u32 v9, $0x10  }
0x106: {  	v42 =	vld [tilespmem:s23+$0x4280];
	v17 =	vadd.f32 v17, v16;
	v14 =	vadd.f32 v20, v14  }
0x107: {  	v43 =	vld [tilespmem:s23+$0x1A90];
	v23 =	vshll.u32 v10, $0x10;
	v28 =	vshll.u32 v11, $0x10;
	v29 =	vshll.u32 v12, $0x10  }
0x108: {  	v30 =	vld [tilespmem:s23+$0x4290];
	v17 =	vadd.f32 v23, v17;
	v20 =	vadd.f32 v41, v19;
	v25 =	vmul.f32 $2.000000030e-01, v14  }
0x109: {  	v31 =	vld [tilespmem:s23+$0x1AA0];
	v45 =	vshll.u32 v15, $0x10;
	v49 =	vshll.u32 v18, $0x10;
	v22 =	vadd.f32 v22, v21  }
0x10a: {  	v44 =	vld [tilespmem:s23+$0x42A0];
	v27 =	vmul.f32 $2.000000030e-01, v17;
	v20 =	vadd.f32 v28, v20;
	v14 =	vmax.f32 v14, v25  }
0x10b: {  	v46 =	vld [tilespmem:s23+$0x1AB0];
	v51 =	vshll.u32 v26, $0x10;
	v22 =	vadd.f32 v29, v22;
	v14 =	vmul.f32 v14, v1  }
0x10c: {  	v48 =	vld [tilespmem:s23+$0x42B0];
	v23 =	vadd.f32 v42, v24;
	v17 =	vmax.f32 v17, v27;
	v32 =	vmul.f32 $2.000000030e-01, v20  }
0x10d: {  	v30 =	vadd.f32 v30, v43;
	v17 =	vmul.f32 v17, v2;
	v14 =	vadd.f32 $0.0e+00, v14  }
0x10e: {  	v33 =	vld [tilespmem:s15+$0x30];
	v47 =	vmul.f32 $2.000000030e-01, v22;
	v23 =	vadd.f32 v45, v23;
	v20 =	vmax.f32 v20, v32  }
0x10f: {  	v30 =	vadd.f32 v49, v30;
	v20 =	vmul.f32 v20, v3;
	v14 =	vadd.f32 v17, v14  }
0x110: {  	v50 =	vmul.f32 $2.000000030e-01, v23;
	v27 =	vadd.f32 v44, v31;
	v17 =	vmax.f32 v22, v47  }
0x111: {  	v55 =	vadd.f32 v48, v46;
	v17 =	vmul.f32 v17, v4;
	v14 =	vadd.f32 v20, v14  }
0x112: {  	v53 =	vmul.f32 $2.000000030e-01, v30;
	v52 =	vmax.f32 v23, v50;
	v54 =	vadd.f32 v51, v27  }
0x113: {  	v56 =	vshll.u32 v33, $0x10;
	v57 =	vmul.f32 v52, v5;
	v14 =	vadd.f32 v17, v14  }
0x114: {  	v58 =	vmax.f32 v30, v53;
	v27 =	vadd.f32 v56, v55;
	v59 =	vmul.f32 $2.000000030e-01, v54  }
0x115: {  	v60 =	vmul.f32 v58, v6;
	v14 =	vadd.f32 v57, v14  }
0x116: {  	v62 =	vmul.f32 $2.000000030e-01, v27;
	v61 =	vmax.f32 v54, v59  }
0x117: {  	v63 =	vmul.f32 v61, v7;
	v14 =	vadd.f32 v60, v14  }
0x118: {  	v28 =	vmax.f32 v27, v62  }
0x119: {  	v30 =	vmul.f32 v28, v8;
	v14 =	vadd.f32 v63, v14;
	_ =	sdelay $0x1  }
0x11a: {  	v14 =	vadd.f32 v30, v14;
	_ =	sdelay $0x1  }
0x11b: {  	(xrf2) =	vadd.scan.msk.f32 $0xffff, v14;
	_ =	sdelay $0x9  }
0x11c: {  	v14, _, _ =	vpop (xrf2)  }
0x11d: {  	v14 =	vmul.f32 $1.442695020e+00, v14;
	_ =	sdelay $0x1  }
0x11e: {  	v14 =	vbroadcast v14, $0xF;
	_ =	sdelay $0x1  }
0x11f: {  	(erf) = vpow2.f32 v14;
	_ =	sdelay $0x8  }
0x120: {  	v14 =	vpop (erf)  }
0x121: {  	v13 =	vmul.f32 v14, v13  }
0x122: {  	[tilespmem:s16+$0xFFFFFFF0] =	vst v14;
	v16 =	vmul.f32 v14, v16  }
0x123: {  	v32 =	vmul.f32 v14, v19;
	[tilespmem:s16+$0xFFFFFF78] =	vst v13  }
0x124: {  	v34 =	vmul.f32 v14, v21;
	[tilespmem:s16+$0xFFFFFF88] =	vst v16  }
0x125: {  	v35 =	vmul.f32 v14, v24;
	[tilespmem:s16+$0xFFFFFF98] =	vst v32  }
0x126: {  	v36 =	vmul.f32 v14, v43;
	[tilespmem:s16+$0xFFFFFFA8] =	vst v34  }
0x127: {  	v37 =	vmul.f32 v14, v31;
	[tilespmem:s16+$0xFFFFFFB8] =	vst v35  }
0x128: {  	v14 =	vmul.f32 v14, v46;
	[tilespmem:s16+$0xFFFFFFC8] =	vst v36  }
0x129: {  	[tilespmem:s16+$0xFFFFFFD8] =	vst v37  }
0x12a: {  	[tilespmem:s16+$0xFFFFFFE8] =	vst v14  }
0x12b: {  	v13 =	vld [tilespmem:s23+$0x1AC0]  }
0x12c: {  	v14 =	vld [tilespmem:s23+$0x42C0]  }
0x12d: {  	v16 =	vld [tilespmem:s23+$0x1AD0]  }
0x12e: {  	v38 =	vld [tilespmem:s23+$0x1AE0]  }
0x12f: {  	v39 =	vld [tilespmem:s23+$0x42D0]  }
0x130: {  	v41 =	vld [tilespmem:s23+$0x42E0]  }
0x131: {  	v40 =	vld [tilespmem:s23+$0x1AF0]  }
0x132: {  	v42 =	vld [tilespmem:s23+$0x1B00];
	v14 =	vadd.f32 v14, v13  }
0x133: {  	v9 =	vand.u32 $0xFFFF0000, v9;
	v43 =	vld [tilespmem:s23+$0x42F0]  }
0x134: {  	v44 =	vld [tilespmem:s23+$0x4300];
	v19 =	vadd.f32 v39, v16;
	v9 =	vadd.f32 v9, v14  }
0x135: {  	v10 =	vand.u32 $0xFFFF0000, v10;
	v11 =	vand.u32 $0xFFFF0000, v11;
	v46 =	vld [tilespmem:s23+$0x1B10];
	v47 =	vadd.f32 v41, v38  }
0x136: {  	v12 =	vand.u32 $0xFFFF0000, v12;
	v48 =	vld [tilespmem:s23+$0x4310];
	v10 =	vadd.f32 v10, v19;
	v45 =	vmul.f32 $2.000000030e-01, v9  }
0x137: {  	v15 =	vand.u32 $0xFFFF0000, v15;
	v18 =	vand.u32 $0xFFFF0000, v18;
	v49 =	vld [tilespmem:s23+$0x1B20];
	v11 =	vadd.f32 v11, v47  }
0x138: {  	v52 =	vld [tilespmem:s23+$0x4320];
	v14 =	vadd.f32 v43, v40;
	v50 =	vmul.f32 $2.000000030e-01, v10;
	v9 =	vmax.f32 v9, v45  }
0x139: {  	v51 =	vand.u32 $0xFFFF0000, v26;
	v23 =	vadd.f32 v44, v42;
	v9 =	vmul.f32 v9, v1  }
0x13a: {  	v53 =	vld [tilespmem:s23+$0x1B30];
	v54 =	vmul.f32 $2.000000030e-01, v11;
	v12 =	vadd.f32 v12, v14;
	v10 =	vmax.f32 v10, v50  }
0x13b: {  	v56 =	vld [tilespmem:s23+$0x4330];
	v21 =	vadd.f32 v48, v46;
	v10 =	vmul.f32 v10, v2;
	v9 =	vadd.f32 $0.0e+00, v9  }
0x13c: {  	v55 =	vadd.f32 v15, v23;
	v11 =	vmax.f32 v11, v54;
	v57 =	vmul.f32 $2.000000030e-01, v12  }
0x13d: {  	v58 =	vadd.f32 v52, v49;
	v9 =	vadd.f32 v10, v9;
	v10 =	vmul.f32 v11, v3  }
0x13e: {  	v18 =	vadd.f32 v18, v21;
	v12 =	vmax.f32 v12, v57;
	v11 =	vmul.f32 $2.000000030e-01, v55  }
0x13f: {  	v60 =	vadd.f32 v51, v58;
	v9 =	vadd.f32 v10, v9;
	v10 =	vmul.f32 v12, v4  }
0x140: {  	v15 =	vadd.f32 v56, v53;
	v59 =	vmul.f32 $2.000000030e-01, v18;
	v11 =	vmax.f32 v55, v11  }
0x141: {  	v61 =	vand.u32 $0xFFFF0000, v33;
	v9 =	vadd.f32 v10, v9;
	v10 =	vmul.f32 v11, v5  }
0x142: {  	v62 =	vmul.f32 $2.000000030e-01, v60;
	v15 =	vadd.f32 v61, v15;
	v11 =	vmax.f32 v18, v59  }
0x143: {  	v9 =	vadd.f32 v10, v9;
	v10 =	vmul.f32 v11, v6  }
0x144: {  	v63 =	vmul.f32 $2.000000030e-01, v15;
	v11 =	vmax.f32 v60, v62  }
0x145: {  	v9 =	vadd.f32 v10, v9;
	v10 =	vmul.f32 v11, v7  }
0x146: {  	v11 =	vmax.f32 v15, v63  }
0x147: {  	v9 =	vadd.f32 v10, v9;
	v10 =	vmul.f32 v11, v8;
	_ =	sdelay $0x1  }
0x148: {  	v9 =	vadd.f32 v10, v9;
	_ =	sdelay $0x1  }
0x149: {  	(xrf2) =	vadd.scan.msk.f32 $0xffff, v9;
	_ =	sdelay $0x9  }
0x14a: {  	v9, _, _ =	vpop (xrf2)  }
0x14b: {  	v9 =	vmul.f32 $1.442695020e+00, v9;
	_ =	sdelay $0x1  }
0x14c: {  	v9 =	vbroadcast v9, $0xF;
	_ =	sdelay $0x1  }
0x14d: {  	(erf) = vpow2.f32 v9;
	_ =	sdelay $0x8  }
0x14e: {  	v9 =	vpop (erf)  }
0x14f: {  	v10 =	vmul.f32 v9, v13  }
0x150: {  	[tilespmem:s16+$0x78] =	vst v9;
	v11 =	vmul.f32 v9, v16  }
0x151: {  	[tilespmem:s16+$0x0] =	vst v10;
	v10 =	vmul.f32 v9, v38  }
0x152: {  	[tilespmem:s16+$0x10] =	vst v11;
	v11 =	vmul.f32 v9, v40  }
0x153: {  	p0 =	sne.s32 s14, $0x4C00;
	[tilespmem:s16+$0x20] =	vst v10;
	v10 =	vmul.f32 v9, v42  }
.Ltmp3:
0x154: {  	[tilespmem:s16+$0x30] =	vst v11;
	v11 =	vmul.f32 v9, v46;
	(pc) =	sbr.rel @p0 .LBB2_9-.Ltmp3, $4  }
0x155: {  	[tilespmem:s16+$0x40] =	vst v10;
	v10 =	vmul.f32 v9, v49  }
0x156: {  	[tilespmem:s16+$0x50] =	vst v11;
	v9 =	vmul.f32 v9, v53  }
0x157: {  	[tilespmem:s16+$0x60] =	vst v10  }
0x158: {  	s15 =	sadd.s32 $0x80, s15;
	s14 =	sadd.s32 $0x400, s14;
	[tilespmem:s16+$0x70] =	vst v9;
	s16 =	sadd.s32 $0x110, s16  }
0x159: {  	s14 =	smulhi.u32 $0x66666667, s12;
	_ =	sdelay $0x1  }
0x15a: {  	s14 =	sshrl.u32 s14, $0x2  }
0x15b: {  	s14 =	smul.u32 $0xA, s14;
	_ =	sdelay $0x1  }
0x15c: {  	s24 =	ssub.s32 s12, s14  }
0x15d: {  	s12 =	smul.u32 $0xA0, s24  }
.Ltmp4:
0x15e: {  	_ = 	snop;
	(pc) =	sbr.rel @p1 .LBB2_12-.Ltmp4, $4  }
0x15f: {  	_ = 	snop  }
0x160: {  	s12 =	sshrl.u32 s12, $0x2  }
0x161: {  	s12 =	sadd.s32 s12, s20  }
0x162: {  	[spmem:s3] =	stream.indirect.scatter.add.f32 [tilespmem:s21], [sflag:$0x4], $0x88, s12, s22, $0xb8;
	[tilespmem:$0x1E148] =	vst v63  }
0x163: {  	s11 =	sadd.s32 $0x3, s11  }
0x164: {  	s12 =	smulhi.u32 $0x66666667, s11;
	_ =	sdelay $0x1  }
0x165: {  	s12 =	sshrl.u32 s12, $0x2  }
0x166: {  	s14 =	smul.u32 $0xA, s12;
	_ =	sdelay $0x1  }
0x167: {  	s12 =	sand.u32 $0x1, s12;
	s14 =	ssub.s32 s11, s14;
	s11 =	smul.u32 $0x14, s11  }
0x168: {  	p0 =	seq.s32 s12, $0x1;
	s12 =	simm.s32 $0x190;
	s14 =	smul.u32 $0x28, s14  }
0x169: {  	s12 =	simm.s32 @!p0 $0x0  }
0x16a: {  	s11 =	sadd.s32 s13, s11;
	s12 =	sadd.s32 s14, s12  }
0x16b: {  	[tilespmem:s26], [sflag:$0x2] =	stream.indirect.gather [hbm4b:s1+s22], $0x80, s12, s22, $0xb8;
	[tilespmem:$0x1E148] =	vst v63  }
.Ltmp5:
0x16c: {  	s11 =	sshll.u32 s11, $0x4;
	(pc) =	sbr.rel .LBB2_6-.Ltmp5, $4  }
0x16d: {  	s12 =	sadd.s32 $0x320, s12;
	s11 =	sand.u32 $0x1FFFFFC0, s11  }
0x16e: {  	[tilespmem:s29], [sflag:$0x2] =	stream.indirect.gather [hbm4b:s8+s22], $0x80, s12, s22, $0xb8;
	[tilespmem:$0x1E148] =	vst v63  }
0x16f: {  	s28 =	sadd.s32 $0x1, s28;
	s11 =	sadd.s32 s9, s11  }
0x170: {  	[tilespmem:s30], [sflag:$0x2] =	stream.linear.gather [hbm4b:s11+s5], $0xA00, $0x38;
	[tilespmem:$0x1E148] =	vst v63  }
.LBB2_12:
0x171: {  	s11 =	simm.s32 $0x3  }
0x172: {  	_ =	swait.ge [sflag:s11], $0x1540  }
0x173: {  	[sflag:s11] =	ssyncset.done $0x0  }
0x174: {  	s23 =	simm.s32 $0x4;
	[sflag:s11] =	ssyncadd.s32 $0xFFFFEAC0  }
0x175: {  	s24 =	sadd.s32 $0x0, s4;
	_ =	swait.ge [sflag:s23], $0x1540  }
0x176: {  	p0 =	sgt.u32 s24, $0xF9;
	[sflag:s23] =	ssyncset.done $0x0  }
0x177: {  	s14 =	simm.s32 @!p0 $0x7;
	[sflag:s23] =	ssyncadd.s32 $0xFFFFEAC0  }
0x178: {  	s11 =	simm.s32 @!p0 $0x6A40;
	p0 =	por p0, p0;
	[bflag:$0x0] =	sbarrier.arrive $0xFFFF  }
0x179: {  	[tilespmem:s11], [sflag:$0x7] =	stream.linear.gather @!p0 [spmem:s17], $0x1540, $0x38;
	[tilespmem:$0x1E148] =	vst v63  }
0x17a: {  	_ =	swait.ge @!p0 [sflag:s14], $0x1540  }
0x17b: {  	s28 =	sadd.s32 $0x10, s4;
	[sflag:s14] =	ssyncset.done @!p0 $0x0  }
0x17c: {  	s15 =	simm.s32 @!p0 $0x6;
	[sflag:s14] =	ssyncadd.s32 @!p0 $0xFFFFEAC0;
	s14 =	simm.s32 @!p0 $0x0  }
0x17d: {  	[hbm4b:s18+s14] =	stream.linear.scatter @!p0 [tilespmem:s11], [sflag:$0x6], $0x1540, $0x38;
	[tilespmem:$0x1E148] =	vst v63  }
0x17e: {  	s12 =	simm.s32 $0x20;
	p1 =	sgt.u32 s28, $0xF9;
	_ =	swait.ge @!p0 [sflag:s15], $0x1540  }
0x17f: {  	s14 =	sadd.s32 $0x15400, s17;
	s11 =	sadd.s32 $0x2A80, s18;
	[sflag:s15] =	ssyncset.done @!p0 $0x0  }
.LBB2_13:
0x180: {  	s16 =	simm.s32 @!p1 $0x6A40;
	s20 =	simm.s32 @!p1 $0x7;
	[sflag:s15] =	ssyncadd.s32 @!p0 $0xFFFFEAC0  }
0x181: {  	s23 =	smov.u32 s12;
	p0 =	por p1, p1;
	s12 =	sadd.s32 $0x10, s12  }
0x182: {  	[tilespmem:s16], [sflag:$0x7] =	stream.linear.gather @!p0 [spmem:s14], $0x1540, $0x38;
	[tilespmem:$0x1E148] =	vst v63  }
0x183: {  	p2 =	sne.s32 s12, $0x100;
	_ =	swait.ge @!p0 [sflag:s20], $0x1540  }
.Ltmp6:
0x184: {  	[sflag:s20] =	ssyncset.done @!p0 $0x0;
	(pc) =	sbr.rel @p2 .LBB2_13-.Ltmp6, $4  }
0x185: {  	s15 =	simm.s32 @!p0 $0x6;
	[sflag:s20] =	ssyncadd.s32 @!p0 $0xFFFFEAC0;
	s20 =	simm.s32 @!p0 $0x0  }
0x186: {  	[hbm4b:s11+s20] =	stream.linear.scatter @!p0 [tilespmem:s16], [sflag:$0x6], $0x1540, $0x38;
	[tilespmem:$0x1E148] =	vst v63  }
0x187: {  	s14 =	sadd.s32 $0x15400, s14;
	s16 =	sadd.s32 s23, s4;
	_ =	swait.ge @!p0 [sflag:s15], $0x1540  }
0x188: {  	s11 =	sadd.s32 $0x2A80, s11;
	p1 =	sgt.u32 s16, $0xF9;
	[sflag:s15] =	ssyncset.done @!p0 $0x0  }
0x189: {  	s12 =	simm.s32 @!p1 $0x6A40  }
0x18a: {  	s16 =	simm.s32 @!p1 $0x7;
	[sflag:s15] =	ssyncadd.s32 @!p0 $0xFFFFEAC0;
	p0 =	por p1, p1  }
0x18b: {  	[tilespmem:s12], [sflag:$0x7] =	stream.linear.gather @!p0 [spmem:s14], $0x1540, $0x38;
	[tilespmem:$0x1E148] =	vst v63  }
0x18c: {  	_ =	swait.ge @!p0 [sflag:s16], $0x1540  }
0x18d: {  	[sflag:s16] =	ssyncset.done @!p0 $0x0  }
0x18e: {  	s14 =	simm.s32 @!p0 $0x0;
	s15 =	simm.s32 @!p0 $0x6;
	[sflag:s16] =	ssyncadd.s32 @!p0 $0xFFFFEAC0  }
0x18f: {  	[hbm4b:s11+s14] =	stream.linear.scatter @!p0 [tilespmem:s12], [sflag:$0x6], $0x1540, $0x38;
	[tilespmem:$0x1E148] =	vst v63  }
0x190: {  	_ =	swait.ge @!p0 [sflag:s15], $0x1540  }
0x191: {  	s25 =	sadd.s32 $0x1, s25;
	s28 =	rddreg [dreg:$0x9]  }
0x192: {  	p1 =	sne.s32 s25, s28  }
.Ltmp7:
0x193: {  	_ = 	snop;
	(pc) =	sbr.rel @p1 .LBB2_1-.Ltmp7, $3  }
0x194: {  	_ =	sdelay $0x1  }
0x195: {  	[sflag:s15] =	ssyncset.done @!p0 $0x0  }
0x196: {  	[sflag:s15] =	ssyncadd.s32 @!p0 $0xFFFFEAC0  }
0x197: {  	_ =	sfence.sel $0x180000  }
0x198: {  	[bflag:$0x0] =	sbarrier.arrive $0xFFFF  }
0x199: {  	_ =	strace $0x90000047  }
0x19a: {  	[bflag:$0x2] =	sbarrier.arrive $0xFFFF  }
0x19b: {  	p0 =	sne.s32 s4, $0x0;
	s0 =	rddreg [dreg:$0x4]  }
0x19c: {  	s0 =	sadd.s32 @!p0 $0x100000, s0  }
0x19d: {  	[sflag:s0] =	ssyncadd.tile.s32 @!p0 $0x1;
	_ =	shalt  }
.Lfunc_end2:
_tile_overlayer_lowered:
.L_overlay_start_2:
0x19e: {  	(tag) =	ssettag $0x2  }
0x19f: {  	s0 =	rddreg [dreg:$0x0];
	s2 =	stileid.u32  }
0x1a0: {  	s1 =	rddreg [dreg:$0x1];
	p0 =	sne.s32 s2, $0x0  }
0x1a1: {  	s3 =	rddreg [dreg:$0x2];
	[bflag:$0x3] =	sbarrier.arrive $0xFFFF;
	s2 =	simm.s32 @!p0 $0x1C06  }
0x1a2: {  	[timem:s3], [sflag:s2] =	dma.local @!p0 [hbm:s0], s1  }
0x1a3: {  	s0 =	simm.s32 @!p0 $0x6  }
0x1a4: {  	_ =	swait.ge @!p0 [sflag:s0], s1  }
0x1a5: {  	s1 =	ssub.s32 @!p0 $0x0, s1;
	[sflag:s0] =	ssyncset.done @!p0 $0x0  }
0x1a6: {  	[sflag:s0] =	ssyncadd.s32 @!p0 s1  }
0x1a7: {  	[bflag:$0x3] =	sbarrier.arrive $0xFFFF  }
0x1a8: {  	_ =	shalt  }

</sc_bundles>
